<compile_context>
chip_gen: v7x
topology: tpu7x:2x2x1
jax: 0.10.2.dev20260603
libtpu: 0.0.44.dev20260713+nightly
codegen_flags: <defaults>
</compile_context>

<pallas_src>
import functools

import jax
import jax.numpy as jnp
from jax.experimental import pallas as pl
from jax.experimental.pallas import tpu as pltpu
from jax.experimental.pallas import tpu_sc as plsc

_SMOOTH = 0.1
_PAD = 0
_CONF = 1.0 - _SMOOTH

_NSTRIPE = 8
_RB = 32
_W = 12544

_SC_ROWS = 128
_CW = 3840
_NCH = 26


def _tc_kernel(*refs, C):
    xrefs = refs[:_NSTRIPE]
    y_ref = refs[_NSTRIPE]
    out_ref = refs[_NSTRIPE + 1]
    yb = y_ref[...]

    ms, ss, ts, gs = [], [], [], []
    x0 = None
    for q, xr in enumerate(xrefs):
        xq = xr[...]
        cols = jax.lax.broadcasted_iota(jnp.int32, xq.shape, 1)
        n_valid = C - q * _W
        if n_valid < _W:
            xv = jnp.where(cols < n_valid, xq, -jnp.inf)
            tq = jnp.sum(jnp.where(cols < n_valid, xq, 0.0), axis=1,
                         keepdims=True)
        else:
            xv = xq
            tq = jnp.sum(xq, axis=1, keepdims=True)
        mq = jnp.max(xv, axis=1, keepdims=True)
        ms.append(mq)
        ss.append(jnp.sum(jnp.exp(xv - mq), axis=1, keepdims=True))
        ts.append(tq)
        gs.append(jnp.sum(jnp.where(cols == yb - q * _W, xq, 0.0), axis=1,
                          keepdims=True))
        if q == 0:
            x0 = xq[:, 0:1]

    m = functools.reduce(jnp.maximum, ms)
    s = sum(sq * jnp.exp(mq - m) for sq, mq in zip(ss, ms))
    t = sum(ts)
    g = sum(gs)

    eps = _SMOOTH / (C - 2)
    K = _SMOOTH * jnp.log(eps) + _CONF * jnp.log(_CONF)
    lse = m + jnp.log(s)
    ssum = t - C * lse
    logp0 = x0 - lse
    logpy = g - lse
    row = K - eps * (ssum - logp0 - logpy) - _CONF * logpy
    out_ref[...] = jnp.where(yb != _PAD, row, 0.0)


def _corner_kernel(x_ref, y_ref, m_ref, s_ref, t_ref, g_ref, *, CW, col0):
    xq = x_ref[...]
    yb = y_ref[...]
    cols = jax.lax.broadcasted_iota(jnp.int32, xq.shape, 1)
    valid = cols < CW
    xv = jnp.where(valid, xq, -jnp.inf)
    mq = jnp.max(xv, axis=1, keepdims=True)
    m_ref[...] = mq
    s_ref[...] = jnp.sum(jnp.exp(xv - mq), axis=1, keepdims=True)
    t_ref[...] = jnp.sum(jnp.where(valid, xq, 0.0), axis=1, keepdims=True)
    g_ref[...] = jnp.sum(jnp.where(cols == yb - col0, xq, 0.0), axis=1,
                         keepdims=True)


def _sc_kernel(x_hbm, y_hbm, o_hbm, m_s, s_s, t_s, g_s, x0_s, *, row0):
    iota = jax.lax.iota(jnp.int32, 16)

    def chunk_body(x_vmem, y_vmem, o_vmem):
        c = pl.program_id(1)
        for r8 in range(8):
            ch = x_vmem.at[r8]
            y0v = y_vmem.at[r8][pl.ds(0, 16)]
            mrow = m_s.at[r8]
            srow = s_s.at[r8]
            trow = t_s.at[r8]
            grow = g_s.at[r8]
            x0row = x0_s.at[r8]

            @pl.when(c == 0)
            def _init():
                mrow[...] = jnp.full((16,), -jnp.inf, jnp.float32)
                srow[...] = jnp.zeros((16,), jnp.float32)
                trow[...] = jnp.zeros((16,), jnp.float32)
                grow[...] = jnp.zeros((16,), jnp.float32)
                x0row[...] = ch[pl.ds(0, 16)]

            def pass_a(i, carry):
                cm, t, g = carry
                v = ch[pl.ds(i * 16, 16)]
                cm = jnp.maximum(cm, v)
                t = t + v
                hit = iota == (y0v - (c * _CW + i * 16))
                g = g + jnp.where(hit, v, 0.0)
                return cm, t, g

            cm, t, g = jax.lax.fori_loop(
                0, _CW // 16, pass_a,
                (jnp.full((16,), -jnp.inf, jnp.float32),
                 trow[...], grow[...]))

            m_old = mrow[...]
            m_new = jnp.maximum(m_old, cm)
            s_base = srow[...] * jnp.exp(m_old - m_new)

            def pass_b(i, s):
                v = ch[pl.ds(i * 16, 16)]
                return s + jnp.exp(v - m_new)

            s = jax.lax.fori_loop(0, _CW // 16, pass_b, s_base)

            mrow[...] = m_new
            srow[...] = s
            trow[...] = t
            grow[...] = g

            orow = o_vmem.at[r8]
            orow[pl.ds(0, 16)] = m_new
            orow[pl.ds(16, 16)] = s
            orow[pl.ds(32, 16)] = t
            orow[pl.ds(48, 16)] = g
            orow[pl.ds(64, 16)] = x0row[...]

    pltpu.emit_pipeline(
        chunk_body,
        grid=(_SC_ROWS // 8, _NCH),
        in_specs=[
            pl.BlockSpec((8, _CW), lambda g, c: (row0 // 8 + g, c)),
            pl.BlockSpec((8, 16), lambda g, c: (g, 0)),
        ],
        out_specs=[pl.BlockSpec((8, 80), lambda g, c: (g, 0))],
        core_axis_name=("core", "subcore"),
        dimension_semantics=(pltpu.PARALLEL, pltpu.ARBITRARY),
    )(x_hbm, y_hbm, o_hbm)


@jax.jit
def kernel(x, y):
    B, C = x.shape
    tc_rows = B - _SC_ROWS
    sc_cols = _NCH * _CW
    cw_corner = C - sc_cols
    y2 = y.astype(jnp.int32).reshape(B, 1)

    ysc_b = jnp.tile(y2[tc_rows:], (1, 16))
    sc_mesh = plsc.VectorSubcoreMesh(core_axis_name="core",
                                     subcore_axis_name="subcore")
    sc_stats = pl.kernel(
        functools.partial(_sc_kernel, row0=tc_rows),
        out_type=jax.ShapeDtypeStruct((_SC_ROWS, 80), jnp.float32),
        mesh=sc_mesh,
        scratch_types=[pltpu.VMEM((8, 16), jnp.float32)] * 5,
    )(x, ysc_b)

    x_corner = jax.lax.slice(x, (tc_rows, sc_cols), (B, C))
    _yc = y2[tc_rows:]
    _cols = sc_cols + jnp.arange(cw_corner)[None, :]
    cm = jnp.max(x_corner, axis=1, keepdims=True)
    cs = jnp.sum(jnp.exp(x_corner - cm), axis=1, keepdims=True)
    ct = jnp.sum(x_corner, axis=1, keepdims=True)
    cg = jnp.sum(jnp.where(_cols == _yc, x_corner, 0.0), axis=1, keepdims=True)

    def stripe_spec(q):
        return pl.BlockSpec((_RB, _W), lambda i, q=q: (i, q))

    rows = pl.pallas_call(
        functools.partial(_tc_kernel, C=C),
        grid=(tc_rows // _RB,),
        in_specs=[stripe_spec(q) for q in range(_NSTRIPE)]
        + [pl.BlockSpec((_RB, 1), lambda i: (i, 0))],
        out_specs=pl.BlockSpec((_RB, 1), lambda i: (i, 0)),
        out_shape=jax.ShapeDtypeStruct((tc_rows, 1), x.dtype),
        compiler_params=pltpu.CompilerParams(
            dimension_semantics=("arbitrary",),
        ),
    )(*([x] * _NSTRIPE), y2)

    eps = _SMOOTH / (C - 2)
    K = _SMOOTH * jnp.log(eps) + _CONF * jnp.log(_CONF)
    m16 = sc_stats[:, 0:16]
    s16 = sc_stats[:, 16:32]
    t16 = sc_stats[:, 32:48]
    g16 = sc_stats[:, 48:64]
    x0 = sc_stats[:, 64]
    m = jnp.maximum(jnp.max(m16, axis=1), cm[:, 0])
    s = (jnp.sum(s16 * jnp.exp(m16 - m[:, None]), axis=1)
         + cs[:, 0] * jnp.exp(cm[:, 0] - m))
    t = jnp.sum(t16, axis=1) + ct[:, 0]
    g = jnp.sum(g16, axis=1) + cg[:, 0]
    lse = m + jnp.log(s)
    ssum = t - C * lse
    logp0 = x0 - lse
    logpy = g - lse
    sc_row = K - eps * (ssum - logp0 - logpy) - _CONF * logpy
    y_sc = y[tc_rows:].astype(jnp.int32)
    sc_loss = jnp.sum(jnp.where(y_sc != _PAD, sc_row, 0.0))
    return jnp.sum(rows) + sc_loss

# --- scband reference (transcript-rebuilt; emitter-appended) ---
"""Pipeline reference for scband-label-smoothing-13632226197939 (READ-ONLY COPY).

The authoritative reference and input builder live on the scoring server;
editing this copy changes nothing except your own understanding.
"""

import jax, jax.numpy as jnp
import numpy as np

SMOOTHNESS = 0.1
PAD_IDX = 0
CONFIDENCE = 1.0 - SMOOTHNESS


def setup_inputs(seed: int = 0) -> dict:
    key = jax.random.key(seed)
    k1, k2 = jax.random.split(key)
    b, c = 2048, 100000
    x = jax.random.normal(k1, (b, c), dtype=jnp.float32)
    y = jax.random.randint(k2, (b,), 0, c, dtype=jnp.int64 if jax.config.jax_enable_x64 else jnp.int32)
    return {"x": x, "y": y}


def reference(x, y):
    b, c = x.shape
    # build smoothed target distribution
    td = jnp.full((b, c), SMOOTHNESS / (c - 2), dtype=x.dtype)
    td = td.at[jnp.arange(b), y].set(CONFIDENCE)
    td = td.at[:, PAD_IDX].set(0.0)
    td = jnp.where((y == PAD_IDX)[:, None], 0.0, td)
    logp = jax.nn.log_softmax(x, axis=-1)
    # KLDivLoss(reduction='sum'): sum td * (log(td) - logp), with 0*log(0)=0
    safe_td = jnp.where(td > 0, td, 1.0)
    loss = jnp.sum(jnp.where(td > 0, td * (jnp.log(safe_td) - logp), 0.0))
    return loss

if __name__ == "__main__":
    import jax
    _d = setup_inputs()
    print(jax.jit(kernel)(*tuple(_d.values())))

</pallas_src>

<mosaic_0001>
#map = affine_map<(d0, d1) -> (0, 0)>
module attributes {stable_mosaic.version = 14 : i64} {
  func.func @_sc_kernel(%arg0: i32, %arg1: i32, %arg2: memref<2048x100000xf32, #tpu.memory_space<hbm>>, %arg3: memref<128x16xi32, #tpu.memory_space<hbm>>, %arg4: memref<128x80xf32, #tpu.memory_space<hbm>>, %arg5: memref<8x16xf32, #tpu.memory_space<vmem>>, %arg6: memref<8x16xf32, #tpu.memory_space<vmem>>, %arg7: memref<8x16xf32, #tpu.memory_space<vmem>>, %arg8: memref<8x16xf32, #tpu.memory_space<vmem>>, %arg9: memref<8x16xf32, #tpu.memory_space<vmem>>) attributes {dimension_semantics = [#tpu.dimension_semantics<core_parallel>, #tpu.dimension_semantics<subcore_parallel>], iteration_bounds = array<i64: 2, 16>, scalar_prefetch = 0 : i64, scratch_operands = 5 : i64, tpu.core_type = #tpu.core_type<sc_vector_subcore>, window_params = [{transform_indices = #map}, {transform_indices = #map}, {transform_indices = #map}]} {
    %iota3A = tpu.iota {dimensions = array<i32: 0>} : vector<16xi32>
    %mul3A = arith.constant 1 : i32
    %mul3A_0 = arith.muli %arg1, %mul3A : i32
    %add3A = arith.constant 0 : i32
    %add3A_1 = arith.addi %add3A, %mul3A_0 : i32
    %mul3A_2 = arith.constant 16 : i32
    %mul3A_3 = arith.muli %arg0, %mul3A_2 : i32
    %add3A_4 = arith.addi %add3A_1, %mul3A_3 : i32
    %lt3A = arith.constant 16 : i32
    %lt3A_5 = arith.cmpi slt, %add3A_4, %lt3A : i32
    %jit3A = arith.constant 1 : i32
    %jit3A_6 = arith.constant 0 : i32
    %select_n3A = arith.select %lt3A_5, %jit3A, %jit3A_6 : i32
    %lt3A_7 = arith.constant 16 : i32
    %lt3A_8 = arith.cmpi slt, %add3A_4, %lt3A_7 : i32
    %mul3A_9 = arith.muli %add3A_4, %select_n3A : i32
    %mul3A_10 = arith.constant 0 : i32
    %mul3A_11 = arith.muli %add3A_4, %mul3A_10 : i32
    %add3A_12 = arith.constant 16 : i32
    %add3A_13 = arith.addi %mul3A_11, %add3A_12 : i32
    %select_n3A_14 = arith.select %lt3A_8, %mul3A_9, %add3A_13 : i32
    %mul3A_15 = arith.constant 1 : i32
    %mul3A_16 = arith.muli %mul3A_15, %select_n3A : i32
    %mul3A_17 = arith.constant 26 : i32
    %mul3A_18 = arith.muli %mul3A_16, %mul3A_17 : i32
    "tpu.region"() ({
      %run_scoped3A = memref.alloca() : memref<2x8x3840xf32, #tpu.memory_space<vmem>>
      %run_scoped3A_19 = tpu.sem_alloc : memref<2x!tpu.dma_semaphore, #tpu.memory_space<semaphore_mem>>
      %run_scoped3A_20 = memref.alloca() : memref<2x8x16xi32, #tpu.memory_space<vmem>>
      %run_scoped3A_21 = tpu.sem_alloc : memref<2x!tpu.dma_semaphore, #tpu.memory_space<semaphore_mem>>
      %run_scoped3A_22 = memref.alloca() : memref<2x8x80xf32, #tpu.memory_space<vmem>>
      %run_scoped3A_23 = tpu.sem_alloc : memref<2x!tpu.dma_semaphore, #tpu.memory_space<semaphore_mem>>
      %gt3A = arith.constant 0 : i32
      %gt3A_24 = arith.cmpi sgt, %mul3A_18, %gt3A : i32
      %convert_element_type3A = arith.extui %gt3A_24 : i1 to i32
      %cond3A = arith.constant 0 : i32
      %cond3A_25 = arith.cmpi ne, %convert_element_type3A, %cond3A : i32
      scf.if %cond3A_25 {
        %mul3A_26 = arith.constant 1 : i32
        %mul3A_27 = arith.muli %mul3A_26, %select_n3A : i32
        %mul3A_28 = arith.constant 26 : i32
        %mul3A_29 = arith.muli %mul3A_27, %mul3A_28 : i32
        %sub3A = arith.constant 1 : i32
        %sub3A_30 = arith.subi %mul3A_29, %sub3A : i32
        %eq3A = arith.constant 0 : i32
        %eq3A_31 = arith.cmpi eq, %sub3A_30, %eq3A : i32
        %add3A_32 = arith.constant 0 : i32
        %add3A_33 = arith.addi %add3A_32, %select_n3A_14 : i32
        %select_n3A_34 = arith.constant true
        %select_n3A_35 = arith.constant 0 : i32
        %select_n3A_36 = arith.constant -1 : i32
        %select_n3A_37 = arith.select %select_n3A_34, %select_n3A_36, %select_n3A_35 : i32
        %eq3A_38 = arith.constant -1 : i32
        %eq3A_39 = arith.cmpi eq, %select_n3A_37, %eq3A_38 : i32
        %select_n3A_40 = arith.constant 25 : i32
        %select_n3A_41 = arith.select %eq3A_39, %select_n3A_40, %select_n3A_37 : i32
        %select_n3A_42 = arith.constant 0 : i32
        %select_n3A_43 = arith.constant -1 : i32
        %select_n3A_44 = arith.select %eq3A_39, %select_n3A_43, %select_n3A_42 : i32
        %eq3A_45 = arith.constant -1 : i32
        %eq3A_46 = arith.cmpi eq, %select_n3A_44, %eq3A_45 : i32
        %sub3A_47 = arith.constant 1 : i32
        %sub3A_48 = arith.subi %select_n3A, %sub3A_47 : i32
        %select_n3A_49 = arith.select %eq3A_46, %sub3A_48, %select_n3A_44 : i32
        %add3A_50 = arith.addi %select_n3A_49, %select_n3A_14 : i32
        %add3A_51 = arith.constant 0 : i32
        %add3A_52 = arith.addi %select_n3A_41, %add3A_51 : i32
        %select_n3A_53 = arith.constant true
        %select_n3A_54 = arith.constant 0 : i32
        %select_n3A_55 = arith.constant 1 : i32
        %select_n3A_56 = arith.select %select_n3A_53, %select_n3A_55, %select_n3A_54 : i32
        %eq3A_57 = arith.constant 26 : i32
        %eq3A_58 = arith.cmpi eq, %select_n3A_56, %eq3A_57 : i32
        %select_n3A_59 = arith.constant 0 : i32
        %select_n3A_60 = arith.select %eq3A_58, %select_n3A_59, %select_n3A_56 : i32
        %select_n3A_61 = arith.constant 0 : i32
        %select_n3A_62 = arith.constant 1 : i32
        %select_n3A_63 = arith.select %eq3A_58, %select_n3A_62, %select_n3A_61 : i32
        %eq3A_64 = arith.cmpi eq, %select_n3A_63, %select_n3A : i32
        %select_n3A_65 = arith.constant 0 : i32
        %select_n3A_66 = arith.select %eq3A_64, %select_n3A_65, %select_n3A_63 : i32
        %add3A_67 = arith.addi %select_n3A_66, %select_n3A_14 : i32
        %add3A_68 = arith.constant 0 : i32
        %add3A_69 = arith.addi %select_n3A_60, %add3A_68 : i32
        %add3A_70 = arith.constant 1 : i32
        %add3A_71 = arith.addi %select_n3A_60, %add3A_70 : i32
        %select_n3A_72 = arith.constant true
        %select_n3A_73 = arith.select %select_n3A_72, %add3A_71, %select_n3A_60 : i32
        %eq3A_74 = arith.constant 26 : i32
        %eq3A_75 = arith.cmpi eq, %select_n3A_73, %eq3A_74 : i32
        %select_n3A_76 = arith.constant 0 : i32
        %select_n3A_77 = arith.select %eq3A_75, %select_n3A_76, %select_n3A_73 : i32
        %add3A_78 = arith.constant 1 : i32
        %add3A_79 = arith.addi %select_n3A_66, %add3A_78 : i32
        %select_n3A_80 = arith.select %eq3A_75, %add3A_79, %select_n3A_66 : i32
        %eq3A_81 = arith.cmpi eq, %select_n3A_80, %select_n3A : i32
        %select_n3A_82 = arith.constant 0 : i32
        %select_n3A_83 = arith.select %eq3A_81, %select_n3A_82, %select_n3A_80 : i32
        %add3A_84 = arith.addi %select_n3A_83, %select_n3A_14 : i32
        %add3A_85 = arith.constant 0 : i32
        %add3A_86 = arith.addi %select_n3A_77, %add3A_85 : i32
        "tpu.trace_start"() <{level = 10 : i32, message = "ep_initialize_0"}> : () -> ()
        %rem3A = arith.constant 0 : i32
        %rem3A_87 = arith.constant 2 : i32
        %rem3A_88 = arith.remui %rem3A, %rem3A_87 : i32
        %add3A_89 = arith.constant 240 : i32
        %add3A_90 = arith.addi %add3A_89, %add3A_33 : i32
        %mul3A_91 = arith.constant 8 : i32
        %mul3A_92 = arith.muli %mul3A_91, %add3A_90 : i32
        %jit3A_93 = arith.constant false
        %jit3A_94 = arith.constant 256 : i32
        %jit3A_95 = arith.constant 3840 : i32
        %select_n3A_96 = arith.select %jit3A_93, %jit3A_94, %jit3A_95 : i32
        %multiple_of3A = tpu.assume_multiple %select_n3A_96, 128 : i32
        %dma_start3A = arith.constant 0 : i32
        %dma_start3A_97 = arith.constant 0 : i32
        %dma_start3A_98 = tpu.memref_slice %run_scoped3A[%rem3A_88, %dma_start3A, %dma_start3A_97] <%multiple_of3A> : memref<2x8x3840xf32, #tpu.memory_space<vmem>> -> memref<1x8x?xf32, #tpu.memory_space<vmem>>
        %dma_start3A_99 = tpu.memref_squeeze %dma_start3A_98 : memref<1x8x?xf32, #tpu.memory_space<vmem>> -> memref<8x?xf32, #tpu.memory_space<vmem>>
        %dma_start3A_100 = arith.constant 0 : i32
        %dma_start3A_101 = tpu.memref_slice %arg2[%mul3A_92, %dma_start3A_100] <%multiple_of3A> : memref<2048x100000xf32, #tpu.memory_space<hbm>> -> memref<8x?xf32, #tpu.memory_space<hbm>>
        %dma_start3A_102 = tpu.memref_slice %run_scoped3A_19[%rem3A_88] : memref<2x!tpu.dma_semaphore, #tpu.memory_space<semaphore_mem>> -> memref<1x!tpu.dma_semaphore, #tpu.memory_space<semaphore_mem>>
        %dma_start3A_103 = tpu.memref_squeeze %dma_start3A_102 : memref<1x!tpu.dma_semaphore, #tpu.memory_space<semaphore_mem>> -> memref<!tpu.dma_semaphore, #tpu.memory_space<semaphore_mem>>
        %dma_start3A_104 = arith.constant 0 : i32
        %dma_start3A_105 = arith.constant 0 : i32
        %dma_start3A_106 = tpu.memref_slice %run_scoped3A[%rem3A_88, %dma_start3A_104, %dma_start3A_105] <%multiple_of3A> : memref<2x8x3840xf32, #tpu.memory_space<vmem>> -> memref<1x8x?xf32, #tpu.memory_space<vmem>>
        %dma_start3A_107 = tpu.memref_squeeze %dma_start3A_106 : memref<1x8x?xf32, #tpu.memory_space<vmem>> -> memref<8x?xf32, #tpu.memory_space<vmem>>
        %dma_start3A_108 = arith.constant 0 : i32
        %dma_start3A_109 = tpu.memref_slice %arg2[%mul3A_92, %dma_start3A_108] <%multiple_of3A> : memref<2048x100000xf32, #tpu.memory_space<hbm>> -> memref<8x?xf32, #tpu.memory_space<hbm>>
        tpu.enqueue_dma source(%dma_start3A_109 : memref<8x?xf32, #tpu.memory_space<hbm>>) target(%dma_start3A_107 : memref<8x?xf32, #tpu.memory_space<vmem>>) target_semaphore(%dma_start3A_103 : memref<!tpu.dma_semaphore, #tpu.memory_space<semaphore_mem>>)
        %add3A_110 = arith.constant 0 : i32
        %add3A_111 = arith.constant 1 : i32
        %add3A_112 = arith.addi %add3A_110, %add3A_111 : i32
        %select_n3A_113 = arith.constant true
        %select_n3A_114 = arith.constant 0 : i32
        %select_n3A_115 = arith.select %select_n3A_113, %add3A_112, %select_n3A_114 : i32
        %rem3A_116 = arith.constant 0 : i32
        %rem3A_117 = arith.constant 2 : i32
        %rem3A_118 = arith.remui %rem3A_116, %rem3A_117 : i32
        %mul3A_119 = arith.constant 8 : i32
        %mul3A_120 = arith.muli %mul3A_119, %add3A_33 : i32
        %dma_start3A_121 = arith.constant 0 : i32
        %dma_start3A_122 = arith.constant 0 : i32
        %dma_start3A_123 = tpu.memref_slice %run_scoped3A_20[%rem3A_118, %dma_start3A_121, %dma_start3A_122] : memref<2x8x16xi32, #tpu.memory_space<vmem>> -> memref<1x8x16xi32, #tpu.memory_space<vmem>>
        %dma_start3A_124 = tpu.memref_squeeze %dma_start3A_123 : memref<1x8x16xi32, #tpu.memory_space<vmem>> -> memref<8x16xi32, #tpu.memory_space<vmem>>
        %dma_start3A_125 = arith.constant 0 : i32
        %dma_start3A_126 = tpu.memref_slice %arg3[%mul3A_120, %dma_start3A_125] : memref<128x16xi32, #tpu.memory_space<hbm>> -> memref<8x16xi32, #tpu.memory_space<hbm>>
        %dma_start3A_127 = tpu.memref_slice %run_scoped3A_21[%rem3A_118] : memref<2x!tpu.dma_semaphore, #tpu.memory_space<semaphore_mem>> -> memref<1x!tpu.dma_semaphore, #tpu.memory_space<semaphore_mem>>
        %dma_start3A_128 = tpu.memref_squeeze %dma_start3A_127 : memref<1x!tpu.dma_semaphore, #tpu.memory_space<semaphore_mem>> -> memref<!tpu.dma_semaphore, #tpu.memory_space<semaphore_mem>>
        %dma_start3A_129 = arith.constant 0 : i32
        %dma_start3A_130 = arith.constant 0 : i32
        %dma_start3A_131 = tpu.memref_slice %run_scoped3A_20[%rem3A_118, %dma_start3A_129, %dma_start3A_130] : memref<2x8x16xi32, #tpu.memory_space<vmem>> -> memref<1x8x16xi32, #tpu.memory_space<vmem>>
        %dma_start3A_132 = tpu.memref_squeeze %dma_start3A_131 : memref<1x8x16xi32, #tpu.memory_space<vmem>> -> memref<8x16xi32, #tpu.memory_space<vmem>>
        %dma_start3A_133 = arith.constant 0 : i32
        %dma_start3A_134 = tpu.memref_slice %arg3[%mul3A_120, %dma_start3A_133] : memref<128x16xi32, #tpu.memory_space<hbm>> -> memref<8x16xi32, #tpu.memory_space<hbm>>
        tpu.enqueue_dma source(%dma_start3A_134 : memref<8x16xi32, #tpu.memory_space<hbm>>) target(%dma_start3A_132 : memref<8x16xi32, #tpu.memory_space<vmem>>) target_semaphore(%dma_start3A_128 : memref<!tpu.dma_semaphore, #tpu.memory_space<semaphore_mem>>)
        %add3A_135 = arith.constant 0 : i32
        %add3A_136 = arith.constant 1 : i32
        %add3A_137 = arith.addi %add3A_135, %add3A_136 : i32
        %select_n3A_138 = arith.constant true
        %select_n3A_139 = arith.constant 0 : i32
        %select_n3A_140 = arith.select %select_n3A_138, %add3A_137, %select_n3A_139 : i32
        %while3A = arith.constant 0 : i32
        %while3A_141 = arith.constant 0 : i32
        %while3A_142 = arith.constant 0 : i32
        %while3A_143 = arith.constant 0 : i32
        %while3A_144 = arith.constant 0 : i32
        %while3A_145 = arith.constant 0 : i32
        %while3A_146 = arith.constant 0 : i32
        "tpu.trace_stop"() : () -> ()
        %while3A_147 = arith.subi %mul3A_18, %while3A : i32
        %while3A_148 = arith.addi %while3A, %while3A_147 : i32
        %while3A_149 = arith.constant 1 : i32
        %while3A_150 = arith.divsi %while3A_147, %while3A_149 : i32
        %while3A_151 = arith.muli %while3A_150, %while3A_149 : i32
        %while3A_152 = arith.addi %while3A, %while3A_151 : i32
        %while3A_153 = arith.constant 1 : i32
        %while3A_154:8 = scf.for %while3A_249 = %while3A to %while3A_152 step %while3A_153 iter_args(%while3A_250 = %select_n3A_115, %while3A_251 = %while3A_141, %while3A_252 = %select_n3A_140, %while3A_253 = %while3A_142, %while3A_254 = %while3A_143, %while3A_255 = %while3A_144, %while3A_256 = %while3A_145, %while3A_257 = %while3A_146) -> (i32, i32, i32, i32, i32, i32, i32, i32)  : i32 {
          %mul3A_258 = arith.constant 1 : i32
          %mul3A_259 = arith.muli %mul3A_258, %select_n3A : i32
          %mul3A_260 = arith.constant 26 : i32
          %mul3A_261 = arith.muli %mul3A_259, %mul3A_260 : i32
          %eq3A_262 = arith.constant 0 : i32
          %eq3A_263 = arith.cmpi eq, %while3A_249, %eq3A_262 : i32
          %sub3A_264 = arith.constant 1 : i32
          %sub3A_265 = arith.subi %mul3A_261, %sub3A_264 : i32
          %eq3A_266 = arith.cmpi eq, %while3A_249, %sub3A_265 : i32
          %add3A_267 = arith.addi %while3A_256, %select_n3A_14 : i32
          %add3A_268 = arith.constant 0 : i32
          %add3A_269 = arith.addi %while3A_257, %add3A_268 : i32
          %sub3A_270 = arith.constant 1 : i32
          %sub3A_271 = arith.subi %while3A_257, %sub3A_270 : i32
          %select_n3A_272 = arith.constant true
          %select_n3A_273 = arith.select %select_n3A_272, %sub3A_271, %while3A_257 : i32
          %eq3A_274 = arith.constant -1 : i32
          %eq3A_275 = arith.cmpi eq, %select_n3A_273, %eq3A_274 : i32
          %select_n3A_276 = arith.constant 25 : i32
          %select_n3A_277 = arith.select %eq3A_275, %select_n3A_276, %select_n3A_273 : i32
          %sub3A_278 = arith.constant 1 : i32
          %sub3A_279 = arith.subi %while3A_256, %sub3A_278 : i32
          %select_n3A_280 = arith.select %eq3A_275, %sub3A_279, %while3A_256 : i32
          %eq3A_281 = arith.constant -1 : i32
          %eq3A_282 = arith.cmpi eq, %select_n3A_280, %eq3A_281 : i32
          %sub3A_283 = arith.constant 1 : i32
          %sub3A_284 = arith.subi %select_n3A, %sub3A_283 : i32
          %select_n3A_285 = arith.select %eq3A_282, %sub3A_284, %select_n3A_280 : i32
          %add3A_286 = arith.addi %select_n3A_285, %select_n3A_14 : i32
          %add3A_287 = arith.constant 0 : i32
          %add3A_288 = arith.addi %select_n3A_277, %add3A_287 : i32
          %add3A_289 = arith.constant 1 : i32
          %add3A_290 = arith.addi %while3A_257, %add3A_289 : i32
          %select_n3A_291 = arith.constant true
          %select_n3A_292 = arith.select %select_n3A_291, %add3A_290, %while3A_257 : i32
          %eq3A_293 = arith.constant 26 : i32
          %eq3A_294 = arith.cmpi eq, %select_n3A_292, %eq3A_293 : i32
          %select_n3A_295 = arith.constant 0 : i32
          %select_n3A_296 = arith.select %eq3A_294, %select_n3A_295, %select_n3A_292 : i32
          %add3A_297 = arith.constant 1 : i32
          %add3A_298 = arith.addi %while3A_256, %add3A_297 : i32
          %select_n3A_299 = arith.select %eq3A_294, %add3A_298, %while3A_256 : i32
          %eq3A_300 = arith.cmpi eq, %select_n3A_299, %select_n3A : i32
          %select_n3A_301 = arith.constant 0 : i32
          %select_n3A_302 = arith.select %eq3A_300, %select_n3A_301, %select_n3A_299 : i32
          %add3A_303 = arith.addi %select_n3A_302, %select_n3A_14 : i32
          %add3A_304 = arith.constant 0 : i32
          %add3A_305 = arith.addi %select_n3A_296, %add3A_304 : i32
          %add3A_306 = arith.constant 1 : i32
          %add3A_307 = arith.addi %select_n3A_296, %add3A_306 : i32
          %select_n3A_308 = arith.constant true
          %select_n3A_309 = arith.select %select_n3A_308, %add3A_307, %select_n3A_296 : i32
          %eq3A_310 = arith.constant 26 : i32
          %eq3A_311 = arith.cmpi eq, %select_n3A_309, %eq3A_310 : i32
          %select_n3A_312 = arith.constant 0 : i32
          %select_n3A_313 = arith.select %eq3A_311, %select_n3A_312, %select_n3A_309 : i32
          %add3A_314 = arith.constant 1 : i32
          %add3A_315 = arith.addi %select_n3A_302, %add3A_314 : i32
          %select_n3A_316 = arith.select %eq3A_311, %add3A_315, %select_n3A_302 : i32
          %eq3A_317 = arith.cmpi eq, %select_n3A_316, %select_n3A : i32
          %select_n3A_318 = arith.constant 0 : i32
          %select_n3A_319 = arith.select %eq3A_317, %select_n3A_318, %select_n3A_316 : i32
          %add3A_320 = arith.addi %select_n3A_319, %select_n3A_14 : i32
          %add3A_321 = arith.constant 0 : i32
          %add3A_322 = arith.addi %select_n3A_313, %add3A_321 : i32
          %add3A_323 = arith.constant 240 : i32
          %add3A_324 = arith.addi %add3A_323, %add3A_267 : i32
          %add3A_325 = arith.constant 240 : i32
          %add3A_326 = arith.addi %add3A_325, %add3A_303 : i32
          %ne3A = arith.cmpi ne, %add3A_324, %add3A_326 : i32
          %ne3A_327 = arith.cmpi ne, %add3A_269, %add3A_305 : i32
          %or3A = arith.constant false
          %or3A_328 = arith.ori %or3A, %ne3A : i1
          %or3A_329 = arith.ori %or3A_328, %ne3A_327 : i1
          %sub3A_330 = arith.constant 2 : i32
          %sub3A_331 = arith.subi %mul3A_261, %sub3A_330 : i32
          %add3A_332 = arith.constant 1 : i32
          %add3A_333 = arith.addi %sub3A_331, %add3A_332 : i32
          %ge3A = arith.cmpi sge, %while3A_249, %add3A_333 : i32
          %not3A = arith.constant true
          %not3A_334 = arith.xori %ge3A, %not3A : i1
          %and3A = arith.andi %or3A_329, %not3A_334 : i1
          %convert_element_type3A_335 = arith.extui %and3A : i1 to i32
          %cond3A_336 = arith.constant 0 : i32
          %cond3A_337 = arith.cmpi ne, %convert_element_type3A_335, %cond3A_336 : i32
          scf.if %cond3A_337 {
            "tpu.trace_start"() <{level = 10 : i32, message = "ep_copy_in"}> : () -> ()
            %rem3A_1738 = arith.constant 2 : i32
            %rem3A_1739 = arith.remui %while3A_250, %rem3A_1738 : i32
            %add3A_1740 = arith.constant 240 : i32
            %add3A_1741 = arith.addi %add3A_1740, %add3A_303 : i32
            %mul3A_1742 = arith.constant 8 : i32
            %mul3A_1743 = arith.muli %mul3A_1742, %add3A_1741 : i32
            %mul3A_1744 = arith.constant 3840 : i32
            %mul3A_1745 = arith.muli %mul3A_1744, %add3A_305 : i32
            %eq3A_1746 = arith.constant 26 : i32
            %eq3A_1747 = arith.cmpi eq, %add3A_305, %eq3A_1746 : i32
            %jit3A_1748 = arith.constant 256 : i32
            %jit3A_1749 = arith.constant 3840 : i32
            %select_n3A_1750 = arith.select %eq3A_1747, %jit3A_1748, %jit3A_1749 : i32
            %multiple_of3A_1751 = tpu.assume_multiple %select_n3A_1750, 128 : i32
            %mul3A_1752 = arith.constant 3840 : i32
            %mul3A_1753 = arith.muli %add3A_305, %mul3A_1752 : i32
            %dma_start3A_1754 = arith.constant 0 : i32
            %dma_start3A_1755 = arith.constant 0 : i32
            %dma_start3A_1756 = tpu.memref_slice %run_scoped3A[%rem3A_1739, %dma_start3A_1754, %dma_start3A_1755] <%multiple_of3A_1751> : memref<2x8x3840xf32, #tpu.memory_space<vmem>> -> memref<1x8x?xf32, #tpu.memory_space<vmem>>
            %dma_start3A_1757 = tpu.memref_squeeze %dma_start3A_1756 : memref<1x8x?xf32, #tpu.memory_space<vmem>> -> memref<8x?xf32, #tpu.memory_space<vmem>>
            %dma_start3A_1758 = tpu.memref_slice %arg2[%mul3A_1743, %mul3A_1753] <%multiple_of3A_1751> : memref<2048x100000xf32, #tpu.memory_space<hbm>> -> memref<8x?xf32, #tpu.memory_space<hbm>>
            %dma_start3A_1759 = tpu.memref_slice %run_scoped3A_19[%rem3A_1739] : memref<2x!tpu.dma_semaphore, #tpu.memory_space<semaphore_mem>> -> memref<1x!tpu.dma_semaphore, #tpu.memory_space<semaphore_mem>>
            %dma_start3A_1760 = tpu.memref_squeeze %dma_start3A_1759 : memref<1x!tpu.dma_semaphore, #tpu.memory_space<semaphore_mem>> -> memref<!tpu.dma_semaphore, #tpu.memory_space<semaphore_mem>>
            %dma_start3A_1761 = arith.constant 0 : i32
            %dma_start3A_1762 = arith.constant 0 : i32
            %dma_start3A_1763 = tpu.memref_slice %run_scoped3A[%rem3A_1739, %dma_start3A_1761, %dma_start3A_1762] <%multiple_of3A_1751> : memref<2x8x3840xf32, #tpu.memory_space<vmem>> -> memref<1x8x?xf32, #tpu.memory_space<vmem>>
            %dma_start3A_1764 = tpu.memref_squeeze %dma_start3A_1763 : memref<1x8x?xf32, #tpu.memory_space<vmem>> -> memref<8x?xf32, #tpu.memory_space<vmem>>
            %dma_start3A_1765 = tpu.memref_slice %arg2[%mul3A_1743, %mul3A_1753] <%multiple_of3A_1751> : memref<2048x100000xf32, #tpu.memory_space<hbm>> -> memref<8x?xf32, #tpu.memory_space<hbm>>
            tpu.enqueue_dma source(%dma_start3A_1765 : memref<8x?xf32, #tpu.memory_space<hbm>>) target(%dma_start3A_1764 : memref<8x?xf32, #tpu.memory_space<vmem>>) target_semaphore(%dma_start3A_1760 : memref<!tpu.dma_semaphore, #tpu.memory_space<semaphore_mem>>)
            "tpu.trace_stop"() : () -> ()
          } else {
          }
          %and3A_338 = arith.constant true
          %and3A_339 = arith.andi %and3A, %and3A_338 : i1
          %add3A_340 = arith.constant 1 : i32
          %add3A_341 = arith.addi %while3A_250, %add3A_340 : i32
          %select_n3A_342 = arith.select %and3A_339, %add3A_341, %while3A_250 : i32
          %ne3A_343 = arith.cmpi ne, %add3A_267, %add3A_303 : i32
          %or3A_344 = arith.constant false
          %or3A_345 = arith.ori %or3A_344, %ne3A_343 : i1
          %or3A_346 = arith.constant false
          %or3A_347 = arith.ori %or3A_345, %or3A_346 : i1
          %sub3A_348 = arith.constant 2 : i32
          %sub3A_349 = arith.subi %mul3A_261, %sub3A_348 : i32
          %add3A_350 = arith.constant 1 : i32
          %add3A_351 = arith.addi %sub3A_349, %add3A_350 : i32
          %ge3A_352 = arith.cmpi sge, %while3A_249, %add3A_351 : i32
          %not3A_353 = arith.constant true
          %not3A_354 = arith.xori %ge3A_352, %not3A_353 : i1
          %and3A_355 = arith.andi %or3A_347, %not3A_354 : i1
          %convert_element_type3A_356 = arith.extui %and3A_355 : i1 to i32
          %cond3A_357 = arith.constant 0 : i32
          %cond3A_358 = arith.cmpi ne, %convert_element_type3A_356, %cond3A_357 : i32
          scf.if %cond3A_358 {
            "tpu.trace_start"() <{level = 10 : i32, message = "ep_copy_in"}> : () -> ()
            %rem3A_1738 = arith.constant 2 : i32
            %rem3A_1739 = arith.remui %while3A_252, %rem3A_1738 : i32
            %mul3A_1740 = arith.constant 8 : i32
            %mul3A_1741 = arith.muli %mul3A_1740, %add3A_303 : i32
            %dma_start3A_1742 = arith.constant 0 : i32
            %dma_start3A_1743 = arith.constant 0 : i32
            %dma_start3A_1744 = tpu.memref_slice %run_scoped3A_20[%rem3A_1739, %dma_start3A_1742, %dma_start3A_1743] : memref<2x8x16xi32, #tpu.memory_space<vmem>> -> memref<1x8x16xi32, #tpu.memory_space<vmem>>
            %dma_start3A_1745 = tpu.memref_squeeze %dma_start3A_1744 : memref<1x8x16xi32, #tpu.memory_space<vmem>> -> memref<8x16xi32, #tpu.memory_space<vmem>>
            %dma_start3A_1746 = arith.constant 0 : i32
            %dma_start3A_1747 = tpu.memref_slice %arg3[%mul3A_1741, %dma_start3A_1746] : memref<128x16xi32, #tpu.memory_space<hbm>> -> memref<8x16xi32, #tpu.memory_space<hbm>>
            %dma_start3A_1748 = tpu.memref_slice %run_scoped3A_21[%rem3A_1739] : memref<2x!tpu.dma_semaphore, #tpu.memory_space<semaphore_mem>> -> memref<1x!tpu.dma_semaphore, #tpu.memory_space<semaphore_mem>>
            %dma_start3A_1749 = tpu.memref_squeeze %dma_start3A_1748 : memref<1x!tpu.dma_semaphore, #tpu.memory_space<semaphore_mem>> -> memref<!tpu.dma_semaphore, #tpu.memory_space<semaphore_mem>>
            %dma_start3A_1750 = arith.constant 0 : i32
            %dma_start3A_1751 = arith.constant 0 : i32
            %dma_start3A_1752 = tpu.memref_slice %run_scoped3A_20[%rem3A_1739, %dma_start3A_1750, %dma_start3A_1751] : memref<2x8x16xi32, #tpu.memory_space<vmem>> -> memref<1x8x16xi32, #tpu.memory_space<vmem>>
            %dma_start3A_1753 = tpu.memref_squeeze %dma_start3A_1752 : memref<1x8x16xi32, #tpu.memory_space<vmem>> -> memref<8x16xi32, #tpu.memory_space<vmem>>
            %dma_start3A_1754 = arith.constant 0 : i32
            %dma_start3A_1755 = tpu.memref_slice %arg3[%mul3A_1741, %dma_start3A_1754] : memref<128x16xi32, #tpu.memory_space<hbm>> -> memref<8x16xi32, #tpu.memory_space<hbm>>
            tpu.enqueue_dma source(%dma_start3A_1755 : memref<8x16xi32, #tpu.memory_space<hbm>>) target(%dma_start3A_1753 : memref<8x16xi32, #tpu.memory_space<vmem>>) target_semaphore(%dma_start3A_1749 : memref<!tpu.dma_semaphore, #tpu.memory_space<semaphore_mem>>)
            "tpu.trace_stop"() : () -> ()
          } else {
          }
          %and3A_359 = arith.constant true
          %and3A_360 = arith.andi %and3A_355, %and3A_359 : i1
          %add3A_361 = arith.constant 1 : i32
          %add3A_362 = arith.addi %while3A_252, %add3A_361 : i32
          %select_n3A_363 = arith.select %and3A_360, %add3A_362, %while3A_252 : i32
          %ne3A_364 = arith.cmpi ne, %add3A_267, %add3A_303 : i32
          %or3A_365 = arith.constant false
          %or3A_366 = arith.ori %or3A_365, %ne3A_364 : i1
          %or3A_367 = arith.constant false
          %or3A_368 = arith.ori %or3A_366, %or3A_367 : i1
          %sub3A_369 = arith.constant 2 : i32
          %sub3A_370 = arith.subi %mul3A_261, %sub3A_369 : i32
          %add3A_371 = arith.constant 1 : i32
          %add3A_372 = arith.addi %sub3A_370, %add3A_371 : i32
          %ge3A_373 = arith.cmpi sge, %while3A_249, %add3A_372 : i32
          %not3A_374 = arith.constant true
          %not3A_375 = arith.xori %ge3A_373, %not3A_374 : i1
          %and3A_376 = arith.andi %or3A_368, %not3A_375 : i1
          %add3A_377 = arith.constant 240 : i32
          %add3A_378 = arith.addi %add3A_377, %add3A_267 : i32
          %add3A_379 = arith.constant 240 : i32
          %add3A_380 = arith.addi %add3A_379, %add3A_286 : i32
          %ne3A_381 = arith.cmpi ne, %add3A_378, %add3A_380 : i32
          %ne3A_382 = arith.cmpi ne, %add3A_269, %add3A_288 : i32
          %or3A_383 = arith.constant false
          %or3A_384 = arith.ori %or3A_383, %ne3A_381 : i1
          %or3A_385 = arith.ori %or3A_384, %ne3A_382 : i1
          %or3A_386 = arith.ori %or3A_385, %eq3A_263 : i1
          %convert_element_type3A_387 = arith.extui %or3A_386 : i1 to i32
          %cond3A_388 = arith.constant 0 : i32
          %cond3A_389 = arith.cmpi ne, %convert_element_type3A_387, %cond3A_388 : i32
          scf.if %cond3A_389 {
            "tpu.trace_start"() <{level = 10 : i32, message = "ep_wait_in"}> : () -> ()
            %add3A_1738 = arith.constant 240 : i32
            %add3A_1739 = arith.addi %add3A_1738, %add3A_267 : i32
            %mul3A_1740 = arith.constant 8 : i32
            %mul3A_1741 = arith.muli %mul3A_1740, %add3A_1739 : i32
            %mul3A_1742 = arith.constant 3840 : i32
            %mul3A_1743 = arith.muli %mul3A_1742, %add3A_269 : i32
            %eq3A_1744 = arith.constant 26 : i32
            %eq3A_1745 = arith.cmpi eq, %add3A_269, %eq3A_1744 : i32
            %jit3A_1746 = arith.constant 256 : i32
            %jit3A_1747 = arith.constant 3840 : i32
            %select_n3A_1748 = arith.select %eq3A_1745, %jit3A_1746, %jit3A_1747 : i32
            %multiple_of3A_1749 = tpu.assume_multiple %select_n3A_1748, 128 : i32
            %mul3A_1750 = arith.constant 3840 : i32
            %mul3A_1751 = arith.muli %add3A_269, %mul3A_1750 : i32
            %rem3A_1752 = arith.constant 2 : i32
            %rem3A_1753 = arith.remui %while3A_251, %rem3A_1752 : i32
            %dma_wait3A = arith.constant 0 : i32
            %dma_wait3A_1754 = arith.constant 0 : i32
            %dma_wait3A_1755 = tpu.memref_slice %run_scoped3A[%rem3A_1753, %dma_wait3A, %dma_wait3A_1754] <%multiple_of3A_1749> : memref<2x8x3840xf32, #tpu.memory_space<vmem>> -> memref<1x8x?xf32, #tpu.memory_space<vmem>>
            %dma_wait3A_1756 = tpu.memref_squeeze %dma_wait3A_1755 : memref<1x8x?xf32, #tpu.memory_space<vmem>> -> memref<8x?xf32, #tpu.memory_space<vmem>>
            %dma_wait3A_1757 = tpu.memref_slice %arg2[%mul3A_1741, %mul3A_1751] <%multiple_of3A_1749> : memref<2048x100000xf32, #tpu.memory_space<hbm>> -> memref<8x?xf32, #tpu.memory_space<hbm>>
            %dma_wait3A_1758 = tpu.memref_slice %run_scoped3A_19[%rem3A_1753] : memref<2x!tpu.dma_semaphore, #tpu.memory_space<semaphore_mem>> -> memref<1x!tpu.dma_semaphore, #tpu.memory_space<semaphore_mem>>
            %dma_wait3A_1759 = tpu.memref_squeeze %dma_wait3A_1758 : memref<1x!tpu.dma_semaphore, #tpu.memory_space<semaphore_mem>> -> memref<!tpu.dma_semaphore, #tpu.memory_space<semaphore_mem>>
            %dma_wait3A_1760 = arith.constant 0 : i32
            %dma_wait3A_1761 = arith.constant 0 : i32
            %dma_wait3A_1762 = tpu.memref_slice %run_scoped3A[%rem3A_1753, %dma_wait3A_1760, %dma_wait3A_1761] <%multiple_of3A_1749> : memref<2x8x3840xf32, #tpu.memory_space<vmem>> -> memref<1x8x?xf32, #tpu.memory_space<vmem>>
            %dma_wait3A_1763 = tpu.memref_squeeze %dma_wait3A_1762 : memref<1x8x?xf32, #tpu.memory_space<vmem>> -> memref<8x?xf32, #tpu.memory_space<vmem>>
            %dma_wait3A_1764 = tpu.memref_slice %arg2[%mul3A_1741, %mul3A_1751] <%multiple_of3A_1749> : memref<2048x100000xf32, #tpu.memory_space<hbm>> -> memref<8x?xf32, #tpu.memory_space<hbm>>
            tpu.wait_dma2 semaphore(%dma_wait3A_1759 : memref<!tpu.dma_semaphore, #tpu.memory_space<semaphore_mem>>) src(%dma_wait3A_1764 : memref<8x?xf32, #tpu.memory_space<hbm>>) dst(%dma_wait3A_1763 : memref<8x?xf32, #tpu.memory_space<vmem>>)
            "tpu.trace_stop"() : () -> ()
          } else {
          }
          %ne3A_390 = arith.cmpi ne, %add3A_267, %add3A_286 : i32
          %or3A_391 = arith.constant false
          %or3A_392 = arith.ori %or3A_391, %ne3A_390 : i1
          %or3A_393 = arith.constant false
          %or3A_394 = arith.ori %or3A_392, %or3A_393 : i1
          %or3A_395 = arith.ori %or3A_394, %eq3A_263 : i1
          %convert_element_type3A_396 = arith.extui %or3A_395 : i1 to i32
          %cond3A_397 = arith.constant 0 : i32
          %cond3A_398 = arith.cmpi ne, %convert_element_type3A_396, %cond3A_397 : i32
          scf.if %cond3A_398 {
            "tpu.trace_start"() <{level = 10 : i32, message = "ep_wait_in"}> : () -> ()
            %mul3A_1738 = arith.constant 8 : i32
            %mul3A_1739 = arith.muli %mul3A_1738, %add3A_267 : i32
            %rem3A_1740 = arith.constant 2 : i32
            %rem3A_1741 = arith.remui %while3A_253, %rem3A_1740 : i32
            %dma_wait3A = arith.constant 0 : i32
            %dma_wait3A_1742 = arith.constant 0 : i32
            %dma_wait3A_1743 = tpu.memref_slice %run_scoped3A_20[%rem3A_1741, %dma_wait3A, %dma_wait3A_1742] : memref<2x8x16xi32, #tpu.memory_space<vmem>> -> memref<1x8x16xi32, #tpu.memory_space<vmem>>
            %dma_wait3A_1744 = tpu.memref_squeeze %dma_wait3A_1743 : memref<1x8x16xi32, #tpu.memory_space<vmem>> -> memref<8x16xi32, #tpu.memory_space<vmem>>
            %dma_wait3A_1745 = arith.constant 0 : i32
            %dma_wait3A_1746 = tpu.memref_slice %arg3[%mul3A_1739, %dma_wait3A_1745] : memref<128x16xi32, #tpu.memory_space<hbm>> -> memref<8x16xi32, #tpu.memory_space<hbm>>
            %dma_wait3A_1747 = tpu.memref_slice %run_scoped3A_21[%rem3A_1741] : memref<2x!tpu.dma_semaphore, #tpu.memory_space<semaphore_mem>> -> memref<1x!tpu.dma_semaphore, #tpu.memory_space<semaphore_mem>>
            %dma_wait3A_1748 = tpu.memref_squeeze %dma_wait3A_1747 : memref<1x!tpu.dma_semaphore, #tpu.memory_space<semaphore_mem>> -> memref<!tpu.dma_semaphore, #tpu.memory_space<semaphore_mem>>
            %dma_wait3A_1749 = arith.constant 0 : i32
            %dma_wait3A_1750 = arith.constant 0 : i32
            %dma_wait3A_1751 = tpu.memref_slice %run_scoped3A_20[%rem3A_1741, %dma_wait3A_1749, %dma_wait3A_1750] : memref<2x8x16xi32, #tpu.memory_space<vmem>> -> memref<1x8x16xi32, #tpu.memory_space<vmem>>
            %dma_wait3A_1752 = tpu.memref_squeeze %dma_wait3A_1751 : memref<1x8x16xi32, #tpu.memory_space<vmem>> -> memref<8x16xi32, #tpu.memory_space<vmem>>
            %dma_wait3A_1753 = arith.constant 0 : i32
            %dma_wait3A_1754 = tpu.memref_slice %arg3[%mul3A_1739, %dma_wait3A_1753] : memref<128x16xi32, #tpu.memory_space<hbm>> -> memref<8x16xi32, #tpu.memory_space<hbm>>
            tpu.wait_dma2 semaphore(%dma_wait3A_1748 : memref<!tpu.dma_semaphore, #tpu.memory_space<semaphore_mem>>) src(%dma_wait3A_1754 : memref<8x16xi32, #tpu.memory_space<hbm>>) dst(%dma_wait3A_1752 : memref<8x16xi32, #tpu.memory_space<vmem>>)
            "tpu.trace_stop"() : () -> ()
          } else {
          }
          %ne3A_399 = arith.cmpi ne, %add3A_267, %add3A_286 : i32
          %or3A_400 = arith.constant false
          %or3A_401 = arith.ori %or3A_400, %ne3A_399 : i1
          %or3A_402 = arith.constant false
          %or3A_403 = arith.ori %or3A_401, %or3A_402 : i1
          %or3A_404 = arith.ori %or3A_403, %eq3A_263 : i1
          %convert_element_type3A_405 = arith.extui %or3A_404 : i1 to i32
          %cond3A_406 = arith.constant 0 : i32
          %cond3A_407 = arith.cmpi ne, %convert_element_type3A_405, %cond3A_406 : i32
          scf.if %cond3A_407 {
          } else {
          }
          %rem3A_408 = arith.constant 2 : i32
          %rem3A_409 = arith.remui %while3A_251, %rem3A_408 : i32
          %rem3A_410 = arith.constant 2 : i32
          %rem3A_411 = arith.remui %while3A_253, %rem3A_410 : i32
          %rem3A_412 = arith.constant 2 : i32
          %rem3A_413 = arith.remui %while3A_254, %rem3A_412 : i32
          %get3A = arith.constant 0 : i32
          "tpu.trace_start"() <{level = 10 : i32, message = "ep_run_kernel"}> : () -> ()
          %get3A_414 = arith.constant 0 : i32
          %get3A_415 = arith.constant 0 : i32
          %get3A_416 = tpu.memref_slice %run_scoped3A_20[%rem3A_411, %get3A_414, %get3A_415] : memref<2x8x16xi32, #tpu.memory_space<vmem>> -> memref<1x8x16xi32, #tpu.memory_space<vmem>>
          %get3A_417 = tpu.memref_squeeze %get3A_416 : memref<1x8x16xi32, #tpu.memory_space<vmem>> -> memref<8x16xi32, #tpu.memory_space<vmem>>
          %get3A_418 = arith.constant 0 : i32
          %get3A_419 = tpu.memref_slice %get3A_417[%get3A, %get3A_418] : memref<8x16xi32, #tpu.memory_space<vmem>> -> memref<1x16xi32, #tpu.memory_space<vmem>>
          %get3A_420 = tpu.memref_squeeze %get3A_419 : memref<1x16xi32, #tpu.memory_space<vmem>> -> memref<16xi32, #tpu.memory_space<vmem>>
          %get3A_421 = arith.constant 0 : index
          %get3A_422 = tpu.vector_load %get3A_420[%get3A_421] {strides = array<i32>} : memref<16xi32, #tpu.memory_space<vmem>>, vector<16xi32>,
          %get3A_423 = vector.shape_cast %get3A_422 : vector<16xi32> to vector<16xi32>
          %eq3A_424 = arith.constant 0 : i32
          %eq3A_425 = arith.cmpi eq, %add3A_269, %eq3A_424 : i32
          %convert_element_type3A_426 = arith.extui %eq3A_425 : i1 to i32
          %cond3A_427 = arith.constant 0 : i32
          %cond3A_428 = arith.constant 0 : i32
          %cond3A_429 = arith.constant 0 : i32
          %cond3A_430 = arith.constant 0 : i32
          %cond3A_431 = arith.constant 0 : i32
          %cond3A_432 = arith.constant 0 : i32
          %cond3A_433 = arith.constant 0 : i32
          %cond3A_434 = arith.cmpi ne, %convert_element_type3A_426, %cond3A_433 : i32
          scf.if %cond3A_434 {
            %broadcast_in_dim3A_1738 = arith.constant 0xFF800000 : f32
            %broadcast_in_dim3A_1739 = vector.broadcast %broadcast_in_dim3A_1738 : f32 to vector<16xf32>
            %swap3A_1740 = arith.index_cast %cond3A_427 : i32 to index
            %swap3A_1741 = arith.constant 0 : index
            %swap3A_1742 = tpu.vector_load %arg5[%swap3A_1740, %swap3A_1741] {strides = array<i32>} : memref<8x16xf32, #tpu.memory_space<vmem>>, vector<1x16xf32>,
            %swap3A_1743 = vector.shape_cast %swap3A_1742 : vector<1x16xf32> to vector<16xf32>
            %swap3A_1744 = vector.shape_cast %broadcast_in_dim3A_1739 : vector<16xf32> to vector<1x16xf32>
            tpu.vector_store %arg5[%swap3A_1740, %swap3A_1741], %swap3A_1744 {strides = array<i32>} : memref<8x16xf32, #tpu.memory_space<vmem>>, vector<1x16xf32>,
            %broadcast_in_dim3A_1745 = arith.constant 0.000000e+00 : f32
            %broadcast_in_dim3A_1746 = vector.broadcast %broadcast_in_dim3A_1745 : f32 to vector<16xf32>
            %swap3A_1747 = arith.index_cast %cond3A_428 : i32 to index
            %swap3A_1748 = arith.constant 0 : index
            %swap3A_1749 = tpu.vector_load %arg6[%swap3A_1747, %swap3A_1748] {strides = array<i32>} : memref<8x16xf32, #tpu.memory_space<vmem>>, vector<1x16xf32>,
            %swap3A_1750 = vector.shape_cast %swap3A_1749 : vector<1x16xf32> to vector<16xf32>
            %swap3A_1751 = vector.shape_cast %broadcast_in_dim3A_1746 : vector<16xf32> to vector<1x16xf32>
            tpu.vector_store %arg6[%swap3A_1747, %swap3A_1748], %swap3A_1751 {strides = array<i32>} : memref<8x16xf32, #tpu.memory_space<vmem>>, vector<1x16xf32>,
            %broadcast_in_dim3A_1752 = arith.constant 0.000000e+00 : f32
            %broadcast_in_dim3A_1753 = vector.broadcast %broadcast_in_dim3A_1752 : f32 to vector<16xf32>
            %swap3A_1754 = arith.index_cast %cond3A_429 : i32 to index
            %swap3A_1755 = arith.constant 0 : index
            %swap3A_1756 = tpu.vector_load %arg7[%swap3A_1754, %swap3A_1755] {strides = array<i32>} : memref<8x16xf32, #tpu.memory_space<vmem>>, vector<1x16xf32>,
            %swap3A_1757 = vector.shape_cast %swap3A_1756 : vector<1x16xf32> to vector<16xf32>
            %swap3A_1758 = vector.shape_cast %broadcast_in_dim3A_1753 : vector<16xf32> to vector<1x16xf32>
            tpu.vector_store %arg7[%swap3A_1754, %swap3A_1755], %swap3A_1758 {strides = array<i32>} : memref<8x16xf32, #tpu.memory_space<vmem>>, vector<1x16xf32>,
            %broadcast_in_dim3A_1759 = arith.constant 0.000000e+00 : f32
            %broadcast_in_dim3A_1760 = vector.broadcast %broadcast_in_dim3A_1759 : f32 to vector<16xf32>
            %swap3A_1761 = arith.index_cast %cond3A_430 : i32 to index
            %swap3A_1762 = arith.constant 0 : index
            %swap3A_1763 = tpu.vector_load %arg8[%swap3A_1761, %swap3A_1762] {strides = array<i32>} : memref<8x16xf32, #tpu.memory_space<vmem>>, vector<1x16xf32>,
            %swap3A_1764 = vector.shape_cast %swap3A_1763 : vector<1x16xf32> to vector<16xf32>
            %swap3A_1765 = vector.shape_cast %broadcast_in_dim3A_1760 : vector<16xf32> to vector<1x16xf32>
            tpu.vector_store %arg8[%swap3A_1761, %swap3A_1762], %swap3A_1765 {strides = array<i32>} : memref<8x16xf32, #tpu.memory_space<vmem>>, vector<1x16xf32>,
            %get3A_1766 = arith.constant 0 : i32
            %get3A_1767 = arith.constant 0 : i32
            %get3A_1768 = tpu.memref_slice %run_scoped3A[%rem3A_409, %get3A_1766, %get3A_1767] : memref<2x8x3840xf32, #tpu.memory_space<vmem>> -> memref<1x8x3840xf32, #tpu.memory_space<vmem>>
            %get3A_1769 = tpu.memref_squeeze %get3A_1768 : memref<1x8x3840xf32, #tpu.memory_space<vmem>> -> memref<8x3840xf32, #tpu.memory_space<vmem>>
            %get3A_1770 = arith.constant 0 : i32
            %get3A_1771 = tpu.memref_slice %get3A_1769[%cond3A_431, %get3A_1770] : memref<8x3840xf32, #tpu.memory_space<vmem>> -> memref<1x3840xf32, #tpu.memory_space<vmem>>
            %get3A_1772 = tpu.memref_squeeze %get3A_1771 : memref<1x3840xf32, #tpu.memory_space<vmem>> -> memref<3840xf32, #tpu.memory_space<vmem>>
            %get3A_1773 = arith.constant 0 : index
            %get3A_1774 = tpu.vector_load %get3A_1772[%get3A_1773] {strides = array<i32>} : memref<3840xf32, #tpu.memory_space<vmem>>, vector<16xf32>,
            %get3A_1775 = vector.shape_cast %get3A_1774 : vector<16xf32> to vector<16xf32>
            %swap3A_1776 = arith.index_cast %cond3A_432 : i32 to index
            %swap3A_1777 = arith.constant 0 : index
            %swap3A_1778 = tpu.vector_load %arg9[%swap3A_1776, %swap3A_1777] {strides = array<i32>} : memref<8x16xf32, #tpu.memory_space<vmem>>, vector<1x16xf32>,
            %swap3A_1779 = vector.shape_cast %swap3A_1778 : vector<1x16xf32> to vector<16xf32>
            %swap3A_1780 = vector.shape_cast %get3A_1775 : vector<16xf32> to vector<1x16xf32>
            tpu.vector_store %arg9[%swap3A_1776, %swap3A_1777], %swap3A_1780 {strides = array<i32>} : memref<8x16xf32, #tpu.memory_space<vmem>>, vector<1x16xf32>,
          } else {
          }
          %broadcast_in_dim3A = arith.constant 0xFF800000 : f32
          %broadcast_in_dim3A_435 = vector.broadcast %broadcast_in_dim3A : f32 to vector<16xf32>
          %get3A_436 = arith.constant 0 : i32
          %get3A_437 = arith.index_cast %get3A_436 : i32 to index
          %get3A_438 = arith.constant 0 : index
          %get3A_439 = tpu.vector_load %arg7[%get3A_437, %get3A_438] {strides = array<i32>} : memref<8x16xf32, #tpu.memory_space<vmem>>, vector<1x16xf32>,
          %get3A_440 = vector.shape_cast %get3A_439 : vector<1x16xf32> to vector<16xf32>
          %get3A_441 = arith.constant 0 : i32
          %get3A_442 = arith.index_cast %get3A_441 : i32 to index
          %get3A_443 = arith.constant 0 : index
          %get3A_444 = tpu.vector_load %arg8[%get3A_442, %get3A_443] {strides = array<i32>} : memref<8x16xf32, #tpu.memory_space<vmem>>, vector<1x16xf32>,
          %get3A_445 = vector.shape_cast %get3A_444 : vector<1x16xf32> to vector<16xf32>
          %scan3A = arith.constant 0 : i32
          %scan3A_446 = arith.constant 0 : i32
          %scan3A_447 = arith.constant 240 : i32
          %scan3A_448 = arith.addi %scan3A_446, %scan3A_447 : i32
          %scan3A_449 = arith.constant 1 : i32
          %scan3A_450:3 = scf.for %scan3A_1738 = %scan3A_446 to %scan3A_448 step %scan3A_449 iter_args(%scan3A_1739 = %broadcast_in_dim3A_435, %scan3A_1740 = %get3A_440, %scan3A_1741 = %get3A_445) -> (vector<16xf32>, vector<16xf32>, vector<16xf32>)  : i32 {
            %mul3A_1742 = arith.constant 16 : i32
            %mul3A_1743 = arith.muli %scan3A_1738, %mul3A_1742 : i32
            %get3A_1744 = arith.constant 0 : i32
            %get3A_1745 = arith.constant 0 : i32
            %get3A_1746 = tpu.memref_slice %run_scoped3A[%rem3A_409, %get3A_1744, %get3A_1745] : memref<2x8x3840xf32, #tpu.memory_space<vmem>> -> memref<1x8x3840xf32, #tpu.memory_space<vmem>>
            %get3A_1747 = tpu.memref_squeeze %get3A_1746 : memref<1x8x3840xf32, #tpu.memory_space<vmem>> -> memref<8x3840xf32, #tpu.memory_space<vmem>>
            %get3A_1748 = arith.constant 0 : i32
            %get3A_1749 = tpu.memref_slice %get3A_1747[%scan3A, %get3A_1748] : memref<8x3840xf32, #tpu.memory_space<vmem>> -> memref<1x3840xf32, #tpu.memory_space<vmem>>
            %get3A_1750 = tpu.memref_squeeze %get3A_1749 : memref<1x3840xf32, #tpu.memory_space<vmem>> -> memref<3840xf32, #tpu.memory_space<vmem>>
            %get3A_1751 = arith.index_cast %mul3A_1743 : i32 to index
            %get3A_1752 = tpu.vector_load %get3A_1750[%get3A_1751] {strides = array<i32>} : memref<3840xf32, #tpu.memory_space<vmem>>, vector<16xf32>,
            %get3A_1753 = vector.shape_cast %get3A_1752 : vector<16xf32> to vector<16xf32>
            %max3A_1754 = arith.maximumf %scan3A_1739, %get3A_1753 : vector<16xf32>
            %add3A_1755 = arith.addf %scan3A_1740, %get3A_1753 : vector<16xf32>
            %mul3A_1756 = arith.constant 3840 : i32
            %mul3A_1757 = arith.muli %add3A_269, %mul3A_1756 : i32
            %mul3A_1758 = arith.constant 16 : i32
            %mul3A_1759 = arith.muli %scan3A_1738, %mul3A_1758 : i32
            %add3A_1760 = arith.addi %mul3A_1757, %mul3A_1759 : i32
            %sub3A_1761 = vector.broadcast %add3A_1760 : i32 to vector<16xi32>
            %sub3A_1762 = arith.subi %get3A_423, %sub3A_1761 : vector<16xi32>
            %eq3A_1763 = arith.cmpi eq, %iota3A, %sub3A_1762 : vector<16xi32>
            %jit3A_1764 = arith.constant 0.000000e+00 : f32
            %broadcast_in_dim3A_1765 = vector.broadcast %jit3A_1764 : f32 to vector<16xf32>
            %select_n3A_1766 = arith.select %eq3A_1763, %get3A_1753, %broadcast_in_dim3A_1765 : vector<16xi1>, vector<16xf32>
            %add3A_1767 = arith.addf %scan3A_1741, %select_n3A_1766 : vector<16xf32>
            scf.yield %max3A_1754, %add3A_1755, %add3A_1767 : vector<16xf32>, vector<16xf32>, vector<16xf32>
          }
          %scan3A_451 = arith.constant 240 : i32
          %get3A_452 = arith.constant 0 : i32
          %get3A_453 = arith.index_cast %get3A_452 : i32 to index
          %get3A_454 = arith.constant 0 : index
          %get3A_455 = tpu.vector_load %arg5[%get3A_453, %get3A_454] {strides = array<i32>} : memref<8x16xf32, #tpu.memory_space<vmem>>, vector<1x16xf32>,
          %get3A_456 = vector.shape_cast %get3A_455 : vector<1x16xf32> to vector<16xf32>
          %max3A = arith.maximumf %get3A_456, %scan3A_450#0 : vector<16xf32>
          %get3A_457 = arith.constant 0 : i32
          %get3A_458 = arith.index_cast %get3A_457 : i32 to index
          %get3A_459 = arith.constant 0 : index
          %get3A_460 = tpu.vector_load %arg6[%get3A_458, %get3A_459] {strides = array<i32>} : memref<8x16xf32, #tpu.memory_space<vmem>>, vector<1x16xf32>,
          %get3A_461 = vector.shape_cast %get3A_460 : vector<1x16xf32> to vector<16xf32>
          %sub3A_462 = arith.subf %get3A_456, %max3A : vector<16xf32>
          %exp3A = math.exp %sub3A_462 : vector<16xf32>
          %mul3A_463 = arith.mulf %get3A_461, %exp3A : vector<16xf32>
          %scan3A_464 = arith.constant 0 : i32
          %scan3A_465 = arith.constant 0 : i32
          %scan3A_466 = arith.constant 240 : i32
          %scan3A_467 = arith.addi %scan3A_465, %scan3A_466 : i32
          %scan3A_468 = arith.constant 1 : i32
          %scan3A_469 = scf.for %scan3A_1738 = %scan3A_465 to %scan3A_467 step %scan3A_468 iter_args(%scan3A_1739 = %mul3A_463) -> (vector<16xf32>)  : i32 {
            %mul3A_1740 = arith.constant 16 : i32
            %mul3A_1741 = arith.muli %scan3A_1738, %mul3A_1740 : i32
            %get3A_1742 = arith.constant 0 : i32
            %get3A_1743 = arith.constant 0 : i32
            %get3A_1744 = tpu.memref_slice %run_scoped3A[%rem3A_409, %get3A_1742, %get3A_1743] : memref<2x8x3840xf32, #tpu.memory_space<vmem>> -> memref<1x8x3840xf32, #tpu.memory_space<vmem>>
            %get3A_1745 = tpu.memref_squeeze %get3A_1744 : memref<1x8x3840xf32, #tpu.memory_space<vmem>> -> memref<8x3840xf32, #tpu.memory_space<vmem>>
            %get3A_1746 = arith.constant 0 : i32
            %get3A_1747 = tpu.memref_slice %get3A_1745[%scan3A_464, %get3A_1746] : memref<8x3840xf32, #tpu.memory_space<vmem>> -> memref<1x3840xf32, #tpu.memory_space<vmem>>
            %get3A_1748 = tpu.memref_squeeze %get3A_1747 : memref<1x3840xf32, #tpu.memory_space<vmem>> -> memref<3840xf32, #tpu.memory_space<vmem>>
            %get3A_1749 = arith.index_cast %mul3A_1741 : i32 to index
            %get3A_1750 = tpu.vector_load %get3A_1748[%get3A_1749] {strides = array<i32>} : memref<3840xf32, #tpu.memory_space<vmem>>, vector<16xf32>,
            %get3A_1751 = vector.shape_cast %get3A_1750 : vector<16xf32> to vector<16xf32>
            %sub3A_1752 = arith.subf %get3A_1751, %max3A : vector<16xf32>
            %exp3A_1753 = math.exp %sub3A_1752 : vector<16xf32>
            %add3A_1754 = arith.addf %scan3A_1739, %exp3A_1753 : vector<16xf32>
            scf.yield %add3A_1754 : vector<16xf32>
          }
          %scan3A_470 = arith.constant 240 : i32
          %swap3A = arith.constant 0 : i32
          %swap3A_471 = arith.index_cast %swap3A : i32 to index
          %swap3A_472 = arith.constant 0 : index
          %swap3A_473 = tpu.vector_load %arg5[%swap3A_471, %swap3A_472] {strides = array<i32>} : memref<8x16xf32, #tpu.memory_space<vmem>>, vector<1x16xf32>,
          %swap3A_474 = vector.shape_cast %swap3A_473 : vector<1x16xf32> to vector<16xf32>
          %swap3A_475 = vector.shape_cast %max3A : vector<16xf32> to vector<1x16xf32>
          tpu.vector_store %arg5[%swap3A_471, %swap3A_472], %swap3A_475 {strides = array<i32>} : memref<8x16xf32, #tpu.memory_space<vmem>>, vector<1x16xf32>,
          %swap3A_476 = arith.constant 0 : i32
          %swap3A_477 = arith.index_cast %swap3A_476 : i32 to index
          %swap3A_478 = arith.constant 0 : index
          %swap3A_479 = tpu.vector_load %arg6[%swap3A_477, %swap3A_478] {strides = array<i32>} : memref<8x16xf32, #tpu.memory_space<vmem>>, vector<1x16xf32>,
          %swap3A_480 = vector.shape_cast %swap3A_479 : vector<1x16xf32> to vector<16xf32>
          %swap3A_481 = vector.shape_cast %scan3A_469 : vector<16xf32> to vector<1x16xf32>
          tpu.vector_store %arg6[%swap3A_477, %swap3A_478], %swap3A_481 {strides = array<i32>} : memref<8x16xf32, #tpu.memory_space<vmem>>, vector<1x16xf32>,
          %swap3A_482 = arith.constant 0 : i32
          %swap3A_483 = arith.index_cast %swap3A_482 : i32 to index
          %swap3A_484 = arith.constant 0 : index
          %swap3A_485 = tpu.vector_load %arg7[%swap3A_483, %swap3A_484] {strides = array<i32>} : memref<8x16xf32, #tpu.memory_space<vmem>>, vector<1x16xf32>,
          %swap3A_486 = vector.shape_cast %swap3A_485 : vector<1x16xf32> to vector<16xf32>
          %swap3A_487 = vector.shape_cast %scan3A_450#1 : vector<16xf32> to vector<1x16xf32>
          tpu.vector_store %arg7[%swap3A_483, %swap3A_484], %swap3A_487 {strides = array<i32>} : memref<8x16xf32, #tpu.memory_space<vmem>>, vector<1x16xf32>,
          %swap3A_488 = arith.constant 0 : i32
          %swap3A_489 = arith.index_cast %swap3A_488 : i32 to index
          %swap3A_490 = arith.constant 0 : index
          %swap3A_491 = tpu.vector_load %arg8[%swap3A_489, %swap3A_490] {strides = array<i32>} : memref<8x16xf32, #tpu.memory_space<vmem>>, vector<1x16xf32>,
          %swap3A_492 = vector.shape_cast %swap3A_491 : vector<1x16xf32> to vector<16xf32>
          %swap3A_493 = vector.shape_cast %scan3A_450#2 : vector<16xf32> to vector<1x16xf32>
          tpu.vector_store %arg8[%swap3A_489, %swap3A_490], %swap3A_493 {strides = array<i32>} : memref<8x16xf32, #tpu.memory_space<vmem>>, vector<1x16xf32>,
          %swap3A_494 = arith.constant 0 : i32
          %swap3A_495 = arith.constant 0 : i32
          %swap3A_496 = arith.constant 0 : i32
          %swap3A_497 = tpu.memref_slice %run_scoped3A_22[%rem3A_413, %swap3A_495, %swap3A_496] : memref<2x8x80xf32, #tpu.memory_space<vmem>> -> memref<1x8x80xf32, #tpu.memory_space<vmem>>
          %swap3A_498 = tpu.memref_squeeze %swap3A_497 : memref<1x8x80xf32, #tpu.memory_space<vmem>> -> memref<8x80xf32, #tpu.memory_space<vmem>>
          %swap3A_499 = arith.constant 0 : i32
          %swap3A_500 = tpu.memref_slice %swap3A_498[%swap3A_494, %swap3A_499] : memref<8x80xf32, #tpu.memory_space<vmem>> -> memref<1x80xf32, #tpu.memory_space<vmem>>
          %swap3A_501 = tpu.memref_squeeze %swap3A_500 : memref<1x80xf32, #tpu.memory_space<vmem>> -> memref<80xf32, #tpu.memory_space<vmem>>
          %swap3A_502 = arith.constant 0 : index
          %swap3A_503 = tpu.vector_load %swap3A_501[%swap3A_502] {strides = array<i32>} : memref<80xf32, #tpu.memory_space<vmem>>, vector<16xf32>,
          %swap3A_504 = vector.shape_cast %swap3A_503 : vector<16xf32> to vector<16xf32>
          %swap3A_505 = vector.shape_cast %max3A : vector<16xf32> to vector<16xf32>
          tpu.vector_store %swap3A_501[%swap3A_502], %swap3A_505 {strides = array<i32>} : memref<80xf32, #tpu.memory_space<vmem>>, vector<16xf32>,
          %swap3A_506 = arith.constant 0 : i32
          %swap3A_507 = arith.constant 0 : i32
          %swap3A_508 = arith.constant 0 : i32
          %swap3A_509 = tpu.memref_slice %run_scoped3A_22[%rem3A_413, %swap3A_507, %swap3A_508] : memref<2x8x80xf32, #tpu.memory_space<vmem>> -> memref<1x8x80xf32, #tpu.memory_space<vmem>>
          %swap3A_510 = tpu.memref_squeeze %swap3A_509 : memref<1x8x80xf32, #tpu.memory_space<vmem>> -> memref<8x80xf32, #tpu.memory_space<vmem>>
          %swap3A_511 = arith.constant 0 : i32
          %swap3A_512 = tpu.memref_slice %swap3A_510[%swap3A_506, %swap3A_511] : memref<8x80xf32, #tpu.memory_space<vmem>> -> memref<1x80xf32, #tpu.memory_space<vmem>>
          %swap3A_513 = tpu.memref_squeeze %swap3A_512 : memref<1x80xf32, #tpu.memory_space<vmem>> -> memref<80xf32, #tpu.memory_space<vmem>>
          %swap3A_514 = arith.constant 16 : index
          %swap3A_515 = tpu.vector_load %swap3A_513[%swap3A_514] {strides = array<i32>} : memref<80xf32, #tpu.memory_space<vmem>>, vector<16xf32>,
          %swap3A_516 = vector.shape_cast %swap3A_515 : vector<16xf32> to vector<16xf32>
          %swap3A_517 = vector.shape_cast %scan3A_469 : vector<16xf32> to vector<16xf32>
          tpu.vector_store %swap3A_513[%swap3A_514], %swap3A_517 {strides = array<i32>} : memref<80xf32, #tpu.memory_space<vmem>>, vector<16xf32>,
          %swap3A_518 = arith.constant 0 : i32
          %swap3A_519 = arith.constant 0 : i32
          %swap3A_520 = arith.constant 0 : i32
          %swap3A_521 = tpu.memref_slice %run_scoped3A_22[%rem3A_413, %swap3A_519, %swap3A_520] : memref<2x8x80xf32, #tpu.memory_space<vmem>> -> memref<1x8x80xf32, #tpu.memory_space<vmem>>
          %swap3A_522 = tpu.memref_squeeze %swap3A_521 : memref<1x8x80xf32, #tpu.memory_space<vmem>> -> memref<8x80xf32, #tpu.memory_space<vmem>>
          %swap3A_523 = arith.constant 0 : i32
          %swap3A_524 = tpu.memref_slice %swap3A_522[%swap3A_518, %swap3A_523] : memref<8x80xf32, #tpu.memory_space<vmem>> -> memref<1x80xf32, #tpu.memory_space<vmem>>
          %swap3A_525 = tpu.memref_squeeze %swap3A_524 : memref<1x80xf32, #tpu.memory_space<vmem>> -> memref<80xf32, #tpu.memory_space<vmem>>
          %swap3A_526 = arith.constant 32 : index
          %swap3A_527 = tpu.vector_load %swap3A_525[%swap3A_526] {strides = array<i32>} : memref<80xf32, #tpu.memory_space<vmem>>, vector<16xf32>,
          %swap3A_528 = vector.shape_cast %swap3A_527 : vector<16xf32> to vector<16xf32>
          %swap3A_529 = vector.shape_cast %scan3A_450#1 : vector<16xf32> to vector<16xf32>
          tpu.vector_store %swap3A_525[%swap3A_526], %swap3A_529 {strides = array<i32>} : memref<80xf32, #tpu.memory_space<vmem>>, vector<16xf32>,
          %swap3A_530 = arith.constant 0 : i32
          %swap3A_531 = arith.constant 0 : i32
          %swap3A_532 = arith.constant 0 : i32
          %swap3A_533 = tpu.memref_slice %run_scoped3A_22[%rem3A_413, %swap3A_531, %swap3A_532] : memref<2x8x80xf32, #tpu.memory_space<vmem>> -> memref<1x8x80xf32, #tpu.memory_space<vmem>>
          %swap3A_534 = tpu.memref_squeeze %swap3A_533 : memref<1x8x80xf32, #tpu.memory_space<vmem>> -> memref<8x80xf32, #tpu.memory_space<vmem>>
          %swap3A_535 = arith.constant 0 : i32
          %swap3A_536 = tpu.memref_slice %swap3A_534[%swap3A_530, %swap3A_535] : memref<8x80xf32, #tpu.memory_space<vmem>> -> memref<1x80xf32, #tpu.memory_space<vmem>>
          %swap3A_537 = tpu.memref_squeeze %swap3A_536 : memref<1x80xf32, #tpu.memory_space<vmem>> -> memref<80xf32, #tpu.memory_space<vmem>>
          %swap3A_538 = arith.constant 48 : index
          %swap3A_539 = tpu.vector_load %swap3A_537[%swap3A_538] {strides = array<i32>} : memref<80xf32, #tpu.memory_space<vmem>>, vector<16xf32>,
          %swap3A_540 = vector.shape_cast %swap3A_539 : vector<16xf32> to vector<16xf32>
          %swap3A_541 = vector.shape_cast %scan3A_450#2 : vector<16xf32> to vector<16xf32>
          tpu.vector_store %swap3A_537[%swap3A_538], %swap3A_541 {strides = array<i32>} : memref<80xf32, #tpu.memory_space<vmem>>, vector<16xf32>,
          %get3A_542 = arith.constant 0 : i32
          %get3A_543 = arith.index_cast %get3A_542 : i32 to index
          %get3A_544 = arith.constant 0 : index
          %get3A_545 = tpu.vector_load %arg9[%get3A_543, %get3A_544] {strides = array<i32>} : memref<8x16xf32, #tpu.memory_space<vmem>>, vector<1x16xf32>,
          %get3A_546 = vector.shape_cast %get3A_545 : vector<1x16xf32> to vector<16xf32>
          %swap3A_547 = arith.constant 0 : i32
          %swap3A_548 = arith.constant 0 : i32
          %swap3A_549 = arith.constant 0 : i32
          %swap3A_550 = tpu.memref_slice %run_scoped3A_22[%rem3A_413, %swap3A_548, %swap3A_549] : memref<2x8x80xf32, #tpu.memory_space<vmem>> -> memref<1x8x80xf32, #tpu.memory_space<vmem>>
          %swap3A_551 = tpu.memref_squeeze %swap3A_550 : memref<1x8x80xf32, #tpu.memory_space<vmem>> -> memref<8x80xf32, #tpu.memory_space<vmem>>
          %swap3A_552 = arith.constant 0 : i32
          %swap3A_553 = tpu.memref_slice %swap3A_551[%swap3A_547, %swap3A_552] : memref<8x80xf32, #tpu.memory_space<vmem>> -> memref<1x80xf32, #tpu.memory_space<vmem>>
          %swap3A_554 = tpu.memref_squeeze %swap3A_553 : memref<1x80xf32, #tpu.memory_space<vmem>> -> memref<80xf32, #tpu.memory_space<vmem>>
          %swap3A_555 = arith.constant 64 : index
          %swap3A_556 = tpu.vector_load %swap3A_554[%swap3A_555] {strides = array<i32>} : memref<80xf32, #tpu.memory_space<vmem>>, vector<16xf32>,
          %swap3A_557 = vector.shape_cast %swap3A_556 : vector<16xf32> to vector<16xf32>
          %swap3A_558 = vector.shape_cast %get3A_546 : vector<16xf32> to vector<16xf32>
          tpu.vector_store %swap3A_554[%swap3A_555], %swap3A_558 {strides = array<i32>} : memref<80xf32, #tpu.memory_space<vmem>>, vector<16xf32>,
          %get3A_559 = arith.constant 1 : i32
          %get3A_560 = arith.constant 0 : i32
          %get3A_561 = arith.constant 0 : i32
          %get3A_562 = tpu.memref_slice %run_scoped3A_20[%rem3A_411, %get3A_560, %get3A_561] : memref<2x8x16xi32, #tpu.memory_space<vmem>> -> memref<1x8x16xi32, #tpu.memory_space<vmem>>
          %get3A_563 = tpu.memref_squeeze %get3A_562 : memref<1x8x16xi32, #tpu.memory_space<vmem>> -> memref<8x16xi32, #tpu.memory_space<vmem>>
          %get3A_564 = arith.constant 0 : i32
          %get3A_565 = tpu.memref_slice %get3A_563[%get3A_559, %get3A_564] : memref<8x16xi32, #tpu.memory_space<vmem>> -> memref<1x16xi32, #tpu.memory_space<vmem>>
          %get3A_566 = tpu.memref_squeeze %get3A_565 : memref<1x16xi32, #tpu.memory_space<vmem>> -> memref<16xi32, #tpu.memory_space<vmem>>
          %get3A_567 = arith.constant 0 : index
          %get3A_568 = tpu.vector_load %get3A_566[%get3A_567] {strides = array<i32>} : memref<16xi32, #tpu.memory_space<vmem>>, vector<16xi32>,
          %get3A_569 = vector.shape_cast %get3A_568 : vector<16xi32> to vector<16xi32>
          %eq3A_570 = arith.constant 0 : i32
          %eq3A_571 = arith.cmpi eq, %add3A_269, %eq3A_570 : i32
          %convert_element_type3A_572 = arith.extui %eq3A_571 : i1 to i32
          %cond3A_573 = arith.constant 1 : i32
          %cond3A_574 = arith.constant 1 : i32
          %cond3A_575 = arith.constant 1 : i32
          %cond3A_576 = arith.constant 1 : i32
          %cond3A_577 = arith.constant 1 : i32
          %cond3A_578 = arith.constant 1 : i32
          %cond3A_579 = arith.constant 0 : i32
          %cond3A_580 = arith.cmpi ne, %convert_element_type3A_572, %cond3A_579 : i32
          scf.if %cond3A_580 {
            %broadcast_in_dim3A_1738 = arith.constant 0xFF800000 : f32
            %broadcast_in_dim3A_1739 = vector.broadcast %broadcast_in_dim3A_1738 : f32 to vector<16xf32>
            %swap3A_1740 = arith.index_cast %cond3A_573 : i32 to index
            %swap3A_1741 = arith.constant 0 : index
            %swap3A_1742 = tpu.vector_load %arg5[%swap3A_1740, %swap3A_1741] {strides = array<i32>} : memref<8x16xf32, #tpu.memory_space<vmem>>, vector<1x16xf32>,
            %swap3A_1743 = vector.shape_cast %swap3A_1742 : vector<1x16xf32> to vector<16xf32>
            %swap3A_1744 = vector.shape_cast %broadcast_in_dim3A_1739 : vector<16xf32> to vector<1x16xf32>
            tpu.vector_store %arg5[%swap3A_1740, %swap3A_1741], %swap3A_1744 {strides = array<i32>} : memref<8x16xf32, #tpu.memory_space<vmem>>, vector<1x16xf32>,
            %broadcast_in_dim3A_1745 = arith.constant 0.000000e+00 : f32
            %broadcast_in_dim3A_1746 = vector.broadcast %broadcast_in_dim3A_1745 : f32 to vector<16xf32>
            %swap3A_1747 = arith.index_cast %cond3A_574 : i32 to index
            %swap3A_1748 = arith.constant 0 : index
            %swap3A_1749 = tpu.vector_load %arg6[%swap3A_1747, %swap3A_1748] {strides = array<i32>} : memref<8x16xf32, #tpu.memory_space<vmem>>, vector<1x16xf32>,
            %swap3A_1750 = vector.shape_cast %swap3A_1749 : vector<1x16xf32> to vector<16xf32>
            %swap3A_1751 = vector.shape_cast %broadcast_in_dim3A_1746 : vector<16xf32> to vector<1x16xf32>
            tpu.vector_store %arg6[%swap3A_1747, %swap3A_1748], %swap3A_1751 {strides = array<i32>} : memref<8x16xf32, #tpu.memory_space<vmem>>, vector<1x16xf32>,
            %broadcast_in_dim3A_1752 = arith.constant 0.000000e+00 : f32
            %broadcast_in_dim3A_1753 = vector.broadcast %broadcast_in_dim3A_1752 : f32 to vector<16xf32>
            %swap3A_1754 = arith.index_cast %cond3A_575 : i32 to index
            %swap3A_1755 = arith.constant 0 : index
            %swap3A_1756 = tpu.vector_load %arg7[%swap3A_1754, %swap3A_1755] {strides = array<i32>} : memref<8x16xf32, #tpu.memory_space<vmem>>, vector<1x16xf32>,
            %swap3A_1757 = vector.shape_cast %swap3A_1756 : vector<1x16xf32> to vector<16xf32>
            %swap3A_1758 = vector.shape_cast %broadcast_in_dim3A_1753 : vector<16xf32> to vector<1x16xf32>
            tpu.vector_store %arg7[%swap3A_1754, %swap3A_1755], %swap3A_1758 {strides = array<i32>} : memref<8x16xf32, #tpu.memory_space<vmem>>, vector<1x16xf32>,
            %broadcast_in_dim3A_1759 = arith.constant 0.000000e+00 : f32
            %broadcast_in_dim3A_1760 = vector.broadcast %broadcast_in_dim3A_1759 : f32 to vector<16xf32>
            %swap3A_1761 = arith.index_cast %cond3A_576 : i32 to index
            %swap3A_1762 = arith.constant 0 : index
            %swap3A_1763 = tpu.vector_load %arg8[%swap3A_1761, %swap3A_1762] {strides = array<i32>} : memref<8x16xf32, #tpu.memory_space<vmem>>, vector<1x16xf32>,
            %swap3A_1764 = vector.shape_cast %swap3A_1763 : vector<1x16xf32> to vector<16xf32>
            %swap3A_1765 = vector.shape_cast %broadcast_in_dim3A_1760 : vector<16xf32> to vector<1x16xf32>
            tpu.vector_store %arg8[%swap3A_1761, %swap3A_1762], %swap3A_1765 {strides = array<i32>} : memref<8x16xf32, #tpu.memory_space<vmem>>, vector<1x16xf32>,
            %get3A_1766 = arith.constant 0 : i32
            %get3A_1767 = arith.constant 0 : i32
            %get3A_1768 = tpu.memref_slice %run_scoped3A[%rem3A_409, %get3A_1766, %get3A_1767] : memref<2x8x3840xf32, #tpu.memory_space<vmem>> -> memref<1x8x3840xf32, #tpu.memory_space<vmem>>
            %get3A_1769 = tpu.memref_squeeze %get3A_1768 : memref<1x8x3840xf32, #tpu.memory_space<vmem>> -> memref<8x3840xf32, #tpu.memory_space<vmem>>
            %get3A_1770 = arith.constant 0 : i32
            %get3A_1771 = tpu.memref_slice %get3A_1769[%cond3A_577, %get3A_1770] : memref<8x3840xf32, #tpu.memory_space<vmem>> -> memref<1x3840xf32, #tpu.memory_space<vmem>>
            %get3A_1772 = tpu.memref_squeeze %get3A_1771 : memref<1x3840xf32, #tpu.memory_space<vmem>> -> memref<3840xf32, #tpu.memory_space<vmem>>
            %get3A_1773 = arith.constant 0 : index
            %get3A_1774 = tpu.vector_load %get3A_1772[%get3A_1773] {strides = array<i32>} : memref<3840xf32, #tpu.memory_space<vmem>>, vector<16xf32>,
            %get3A_1775 = vector.shape_cast %get3A_1774 : vector<16xf32> to vector<16xf32>
            %swap3A_1776 = arith.index_cast %cond3A_578 : i32 to index
            %swap3A_1777 = arith.constant 0 : index
            %swap3A_1778 = tpu.vector_load %arg9[%swap3A_1776, %swap3A_1777] {strides = array<i32>} : memref<8x16xf32, #tpu.memory_space<vmem>>, vector<1x16xf32>,
            %swap3A_1779 = vector.shape_cast %swap3A_1778 : vector<1x16xf32> to vector<16xf32>
            %swap3A_1780 = vector.shape_cast %get3A_1775 : vector<16xf32> to vector<1x16xf32>
            tpu.vector_store %arg9[%swap3A_1776, %swap3A_1777], %swap3A_1780 {strides = array<i32>} : memref<8x16xf32, #tpu.memory_space<vmem>>, vector<1x16xf32>,
          } else {
          }
          %broadcast_in_dim3A_581 = arith.constant 0xFF800000 : f32
          %broadcast_in_dim3A_582 = vector.broadcast %broadcast_in_dim3A_581 : f32 to vector<16xf32>
          %get3A_583 = arith.constant 1 : i32
          %get3A_584 = arith.index_cast %get3A_583 : i32 to index
          %get3A_585 = arith.constant 0 : index
          %get3A_586 = tpu.vector_load %arg7[%get3A_584, %get3A_585] {strides = array<i32>} : memref<8x16xf32, #tpu.memory_space<vmem>>, vector<1x16xf32>,
          %get3A_587 = vector.shape_cast %get3A_586 : vector<1x16xf32> to vector<16xf32>
          %get3A_588 = arith.constant 1 : i32
          %get3A_589 = arith.index_cast %get3A_588 : i32 to index
          %get3A_590 = arith.constant 0 : index
          %get3A_591 = tpu.vector_load %arg8[%get3A_589, %get3A_590] {strides = array<i32>} : memref<8x16xf32, #tpu.memory_space<vmem>>, vector<1x16xf32>,
          %get3A_592 = vector.shape_cast %get3A_591 : vector<1x16xf32> to vector<16xf32>
          %scan3A_593 = arith.constant 1 : i32
          %scan3A_594 = arith.constant 0 : i32
          %scan3A_595 = arith.constant 240 : i32
          %scan3A_596 = arith.addi %scan3A_594, %scan3A_595 : i32
          %scan3A_597 = arith.constant 1 : i32
          %scan3A_598:3 = scf.for %scan3A_1738 = %scan3A_594 to %scan3A_596 step %scan3A_597 iter_args(%scan3A_1739 = %broadcast_in_dim3A_582, %scan3A_1740 = %get3A_587, %scan3A_1741 = %get3A_592) -> (vector<16xf32>, vector<16xf32>, vector<16xf32>)  : i32 {
            %mul3A_1742 = arith.constant 16 : i32
            %mul3A_1743 = arith.muli %scan3A_1738, %mul3A_1742 : i32
            %get3A_1744 = arith.constant 0 : i32
            %get3A_1745 = arith.constant 0 : i32
            %get3A_1746 = tpu.memref_slice %run_scoped3A[%rem3A_409, %get3A_1744, %get3A_1745] : memref<2x8x3840xf32, #tpu.memory_space<vmem>> -> memref<1x8x3840xf32, #tpu.memory_space<vmem>>
            %get3A_1747 = tpu.memref_squeeze %get3A_1746 : memref<1x8x3840xf32, #tpu.memory_space<vmem>> -> memref<8x3840xf32, #tpu.memory_space<vmem>>
            %get3A_1748 = arith.constant 0 : i32
            %get3A_1749 = tpu.memref_slice %get3A_1747[%scan3A_593, %get3A_1748] : memref<8x3840xf32, #tpu.memory_space<vmem>> -> memref<1x3840xf32, #tpu.memory_space<vmem>>
            %get3A_1750 = tpu.memref_squeeze %get3A_1749 : memref<1x3840xf32, #tpu.memory_space<vmem>> -> memref<3840xf32, #tpu.memory_space<vmem>>
            %get3A_1751 = arith.index_cast %mul3A_1743 : i32 to index
            %get3A_1752 = tpu.vector_load %get3A_1750[%get3A_1751] {strides = array<i32>} : memref<3840xf32, #tpu.memory_space<vmem>>, vector<16xf32>,
            %get3A_1753 = vector.shape_cast %get3A_1752 : vector<16xf32> to vector<16xf32>
            %max3A_1754 = arith.maximumf %scan3A_1739, %get3A_1753 : vector<16xf32>
            %add3A_1755 = arith.addf %scan3A_1740, %get3A_1753 : vector<16xf32>
            %mul3A_1756 = arith.constant 3840 : i32
            %mul3A_1757 = arith.muli %add3A_269, %mul3A_1756 : i32
            %mul3A_1758 = arith.constant 16 : i32
            %mul3A_1759 = arith.muli %scan3A_1738, %mul3A_1758 : i32
            %add3A_1760 = arith.addi %mul3A_1757, %mul3A_1759 : i32
            %sub3A_1761 = vector.broadcast %add3A_1760 : i32 to vector<16xi32>
            %sub3A_1762 = arith.subi %get3A_569, %sub3A_1761 : vector<16xi32>
            %eq3A_1763 = arith.cmpi eq, %iota3A, %sub3A_1762 : vector<16xi32>
            %jit3A_1764 = arith.constant 0.000000e+00 : f32
            %broadcast_in_dim3A_1765 = vector.broadcast %jit3A_1764 : f32 to vector<16xf32>
            %select_n3A_1766 = arith.select %eq3A_1763, %get3A_1753, %broadcast_in_dim3A_1765 : vector<16xi1>, vector<16xf32>
            %add3A_1767 = arith.addf %scan3A_1741, %select_n3A_1766 : vector<16xf32>
            scf.yield %max3A_1754, %add3A_1755, %add3A_1767 : vector<16xf32>, vector<16xf32>, vector<16xf32>
          }
          %scan3A_599 = arith.constant 240 : i32
          %get3A_600 = arith.constant 1 : i32
          %get3A_601 = arith.index_cast %get3A_600 : i32 to index
          %get3A_602 = arith.constant 0 : index
          %get3A_603 = tpu.vector_load %arg5[%get3A_601, %get3A_602] {strides = array<i32>} : memref<8x16xf32, #tpu.memory_space<vmem>>, vector<1x16xf32>,
          %get3A_604 = vector.shape_cast %get3A_603 : vector<1x16xf32> to vector<16xf32>
          %max3A_605 = arith.maximumf %get3A_604, %scan3A_598#0 : vector<16xf32>
          %get3A_606 = arith.constant 1 : i32
          %get3A_607 = arith.index_cast %get3A_606 : i32 to index
          %get3A_608 = arith.constant 0 : index
          %get3A_609 = tpu.vector_load %arg6[%get3A_607, %get3A_608] {strides = array<i32>} : memref<8x16xf32, #tpu.memory_space<vmem>>, vector<1x16xf32>,
          %get3A_610 = vector.shape_cast %get3A_609 : vector<1x16xf32> to vector<16xf32>
          %sub3A_611 = arith.subf %get3A_604, %max3A_605 : vector<16xf32>
          %exp3A_612 = math.exp %sub3A_611 : vector<16xf32>
          %mul3A_613 = arith.mulf %get3A_610, %exp3A_612 : vector<16xf32>
          %scan3A_614 = arith.constant 1 : i32
          %scan3A_615 = arith.constant 0 : i32
          %scan3A_616 = arith.constant 240 : i32
          %scan3A_617 = arith.addi %scan3A_615, %scan3A_616 : i32
          %scan3A_618 = arith.constant 1 : i32
          %scan3A_619 = scf.for %scan3A_1738 = %scan3A_615 to %scan3A_617 step %scan3A_618 iter_args(%scan3A_1739 = %mul3A_613) -> (vector<16xf32>)  : i32 {
            %mul3A_1740 = arith.constant 16 : i32
            %mul3A_1741 = arith.muli %scan3A_1738, %mul3A_1740 : i32
            %get3A_1742 = arith.constant 0 : i32
            %get3A_1743 = arith.constant 0 : i32
            %get3A_1744 = tpu.memref_slice %run_scoped3A[%rem3A_409, %get3A_1742, %get3A_1743] : memref<2x8x3840xf32, #tpu.memory_space<vmem>> -> memref<1x8x3840xf32, #tpu.memory_space<vmem>>
            %get3A_1745 = tpu.memref_squeeze %get3A_1744 : memref<1x8x3840xf32, #tpu.memory_space<vmem>> -> memref<8x3840xf32, #tpu.memory_space<vmem>>
            %get3A_1746 = arith.constant 0 : i32
            %get3A_1747 = tpu.memref_slice %get3A_1745[%scan3A_614, %get3A_1746] : memref<8x3840xf32, #tpu.memory_space<vmem>> -> memref<1x3840xf32, #tpu.memory_space<vmem>>
            %get3A_1748 = tpu.memref_squeeze %get3A_1747 : memref<1x3840xf32, #tpu.memory_space<vmem>> -> memref<3840xf32, #tpu.memory_space<vmem>>
            %get3A_1749 = arith.index_cast %mul3A_1741 : i32 to index
            %get3A_1750 = tpu.vector_load %get3A_1748[%get3A_1749] {strides = array<i32>} : memref<3840xf32, #tpu.memory_space<vmem>>, vector<16xf32>,
            %get3A_1751 = vector.shape_cast %get3A_1750 : vector<16xf32> to vector<16xf32>
            %sub3A_1752 = arith.subf %get3A_1751, %max3A_605 : vector<16xf32>
            %exp3A_1753 = math.exp %sub3A_1752 : vector<16xf32>
            %add3A_1754 = arith.addf %scan3A_1739, %exp3A_1753 : vector<16xf32>
            scf.yield %add3A_1754 : vector<16xf32>
          }
          %scan3A_620 = arith.constant 240 : i32
          %swap3A_621 = arith.constant 1 : i32
          %swap3A_622 = arith.index_cast %swap3A_621 : i32 to index
          %swap3A_623 = arith.constant 0 : index
          %swap3A_624 = tpu.vector_load %arg5[%swap3A_622, %swap3A_623] {strides = array<i32>} : memref<8x16xf32, #tpu.memory_space<vmem>>, vector<1x16xf32>,
          %swap3A_625 = vector.shape_cast %swap3A_624 : vector<1x16xf32> to vector<16xf32>
          %swap3A_626 = vector.shape_cast %max3A_605 : vector<16xf32> to vector<1x16xf32>
          tpu.vector_store %arg5[%swap3A_622, %swap3A_623], %swap3A_626 {strides = array<i32>} : memref<8x16xf32, #tpu.memory_space<vmem>>, vector<1x16xf32>,
          %swap3A_627 = arith.constant 1 : i32
          %swap3A_628 = arith.index_cast %swap3A_627 : i32 to index
          %swap3A_629 = arith.constant 0 : index
          %swap3A_630 = tpu.vector_load %arg6[%swap3A_628, %swap3A_629] {strides = array<i32>} : memref<8x16xf32, #tpu.memory_space<vmem>>, vector<1x16xf32>,
          %swap3A_631 = vector.shape_cast %swap3A_630 : vector<1x16xf32> to vector<16xf32>
          %swap3A_632 = vector.shape_cast %scan3A_619 : vector<16xf32> to vector<1x16xf32>
          tpu.vector_store %arg6[%swap3A_628, %swap3A_629], %swap3A_632 {strides = array<i32>} : memref<8x16xf32, #tpu.memory_space<vmem>>, vector<1x16xf32>,
          %swap3A_633 = arith.constant 1 : i32
          %swap3A_634 = arith.index_cast %swap3A_633 : i32 to index
          %swap3A_635 = arith.constant 0 : index
          %swap3A_636 = tpu.vector_load %arg7[%swap3A_634, %swap3A_635] {strides = array<i32>} : memref<8x16xf32, #tpu.memory_space<vmem>>, vector<1x16xf32>,
          %swap3A_637 = vector.shape_cast %swap3A_636 : vector<1x16xf32> to vector<16xf32>
          %swap3A_638 = vector.shape_cast %scan3A_598#1 : vector<16xf32> to vector<1x16xf32>
          tpu.vector_store %arg7[%swap3A_634, %swap3A_635], %swap3A_638 {strides = array<i32>} : memref<8x16xf32, #tpu.memory_space<vmem>>, vector<1x16xf32>,
          %swap3A_639 = arith.constant 1 : i32
          %swap3A_640 = arith.index_cast %swap3A_639 : i32 to index
          %swap3A_641 = arith.constant 0 : index
          %swap3A_642 = tpu.vector_load %arg8[%swap3A_640, %swap3A_641] {strides = array<i32>} : memref<8x16xf32, #tpu.memory_space<vmem>>, vector<1x16xf32>,
          %swap3A_643 = vector.shape_cast %swap3A_642 : vector<1x16xf32> to vector<16xf32>
          %swap3A_644 = vector.shape_cast %scan3A_598#2 : vector<16xf32> to vector<1x16xf32>
          tpu.vector_store %arg8[%swap3A_640, %swap3A_641], %swap3A_644 {strides = array<i32>} : memref<8x16xf32, #tpu.memory_space<vmem>>, vector<1x16xf32>,
          %swap3A_645 = arith.constant 1 : i32
          %swap3A_646 = arith.constant 0 : i32
          %swap3A_647 = arith.constant 0 : i32
          %swap3A_648 = tpu.memref_slice %run_scoped3A_22[%rem3A_413, %swap3A_646, %swap3A_647] : memref<2x8x80xf32, #tpu.memory_space<vmem>> -> memref<1x8x80xf32, #tpu.memory_space<vmem>>
          %swap3A_649 = tpu.memref_squeeze %swap3A_648 : memref<1x8x80xf32, #tpu.memory_space<vmem>> -> memref<8x80xf32, #tpu.memory_space<vmem>>
          %swap3A_650 = arith.constant 0 : i32
          %swap3A_651 = tpu.memref_slice %swap3A_649[%swap3A_645, %swap3A_650] : memref<8x80xf32, #tpu.memory_space<vmem>> -> memref<1x80xf32, #tpu.memory_space<vmem>>
          %swap3A_652 = tpu.memref_squeeze %swap3A_651 : memref<1x80xf32, #tpu.memory_space<vmem>> -> memref<80xf32, #tpu.memory_space<vmem>>
          %swap3A_653 = arith.constant 0 : index
          %swap3A_654 = tpu.vector_load %swap3A_652[%swap3A_653] {strides = array<i32>} : memref<80xf32, #tpu.memory_space<vmem>>, vector<16xf32>,
          %swap3A_655 = vector.shape_cast %swap3A_654 : vector<16xf32> to vector<16xf32>
          %swap3A_656 = vector.shape_cast %max3A_605 : vector<16xf32> to vector<16xf32>
          tpu.vector_store %swap3A_652[%swap3A_653], %swap3A_656 {strides = array<i32>} : memref<80xf32, #tpu.memory_space<vmem>>, vector<16xf32>,
          %swap3A_657 = arith.constant 1 : i32
          %swap3A_658 = arith.constant 0 : i32
          %swap3A_659 = arith.constant 0 : i32
          %swap3A_660 = tpu.memref_slice %run_scoped3A_22[%rem3A_413, %swap3A_658, %swap3A_659] : memref<2x8x80xf32, #tpu.memory_space<vmem>> -> memref<1x8x80xf32, #tpu.memory_space<vmem>>
          %swap3A_661 = tpu.memref_squeeze %swap3A_660 : memref<1x8x80xf32, #tpu.memory_space<vmem>> -> memref<8x80xf32, #tpu.memory_space<vmem>>
          %swap3A_662 = arith.constant 0 : i32
          %swap3A_663 = tpu.memref_slice %swap3A_661[%swap3A_657, %swap3A_662] : memref<8x80xf32, #tpu.memory_space<vmem>> -> memref<1x80xf32, #tpu.memory_space<vmem>>
          %swap3A_664 = tpu.memref_squeeze %swap3A_663 : memref<1x80xf32, #tpu.memory_space<vmem>> -> memref<80xf32, #tpu.memory_space<vmem>>
          %swap3A_665 = arith.constant 16 : index
          %swap3A_666 = tpu.vector_load %swap3A_664[%swap3A_665] {strides = array<i32>} : memref<80xf32, #tpu.memory_space<vmem>>, vector<16xf32>,
          %swap3A_667 = vector.shape_cast %swap3A_666 : vector<16xf32> to vector<16xf32>
          %swap3A_668 = vector.shape_cast %scan3A_619 : vector<16xf32> to vector<16xf32>
          tpu.vector_store %swap3A_664[%swap3A_665], %swap3A_668 {strides = array<i32>} : memref<80xf32, #tpu.memory_space<vmem>>, vector<16xf32>,
          %swap3A_669 = arith.constant 1 : i32
          %swap3A_670 = arith.constant 0 : i32
          %swap3A_671 = arith.constant 0 : i32
          %swap3A_672 = tpu.memref_slice %run_scoped3A_22[%rem3A_413, %swap3A_670, %swap3A_671] : memref<2x8x80xf32, #tpu.memory_space<vmem>> -> memref<1x8x80xf32, #tpu.memory_space<vmem>>
          %swap3A_673 = tpu.memref_squeeze %swap3A_672 : memref<1x8x80xf32, #tpu.memory_space<vmem>> -> memref<8x80xf32, #tpu.memory_space<vmem>>
          %swap3A_674 = arith.constant 0 : i32
          %swap3A_675 = tpu.memref_slice %swap3A_673[%swap3A_669, %swap3A_674] : memref<8x80xf32, #tpu.memory_space<vmem>> -> memref<1x80xf32, #tpu.memory_space<vmem>>
          %swap3A_676 = tpu.memref_squeeze %swap3A_675 : memref<1x80xf32, #tpu.memory_space<vmem>> -> memref<80xf32, #tpu.memory_space<vmem>>
          %swap3A_677 = arith.constant 32 : index
          %swap3A_678 = tpu.vector_load %swap3A_676[%swap3A_677] {strides = array<i32>} : memref<80xf32, #tpu.memory_space<vmem>>, vector<16xf32>,
          %swap3A_679 = vector.shape_cast %swap3A_678 : vector<16xf32> to vector<16xf32>
          %swap3A_680 = vector.shape_cast %scan3A_598#1 : vector<16xf32> to vector<16xf32>
          tpu.vector_store %swap3A_676[%swap3A_677], %swap3A_680 {strides = array<i32>} : memref<80xf32, #tpu.memory_space<vmem>>, vector<16xf32>,
          %swap3A_681 = arith.constant 1 : i32
          %swap3A_682 = arith.constant 0 : i32
          %swap3A_683 = arith.constant 0 : i32
          %swap3A_684 = tpu.memref_slice %run_scoped3A_22[%rem3A_413, %swap3A_682, %swap3A_683] : memref<2x8x80xf32, #tpu.memory_space<vmem>> -> memref<1x8x80xf32, #tpu.memory_space<vmem>>
          %swap3A_685 = tpu.memref_squeeze %swap3A_684 : memref<1x8x80xf32, #tpu.memory_space<vmem>> -> memref<8x80xf32, #tpu.memory_space<vmem>>
          %swap3A_686 = arith.constant 0 : i32
          %swap3A_687 = tpu.memref_slice %swap3A_685[%swap3A_681, %swap3A_686] : memref<8x80xf32, #tpu.memory_space<vmem>> -> memref<1x80xf32, #tpu.memory_space<vmem>>
          %swap3A_688 = tpu.memref_squeeze %swap3A_687 : memref<1x80xf32, #tpu.memory_space<vmem>> -> memref<80xf32, #tpu.memory_space<vmem>>
          %swap3A_689 = arith.constant 48 : index
          %swap3A_690 = tpu.vector_load %swap3A_688[%swap3A_689] {strides = array<i32>} : memref<80xf32, #tpu.memory_space<vmem>>, vector<16xf32>,
          %swap3A_691 = vector.shape_cast %swap3A_690 : vector<16xf32> to vector<16xf32>
          %swap3A_692 = vector.shape_cast %scan3A_598#2 : vector<16xf32> to vector<16xf32>
          tpu.vector_store %swap3A_688[%swap3A_689], %swap3A_692 {strides = array<i32>} : memref<80xf32, #tpu.memory_space<vmem>>, vector<16xf32>,
          %get3A_693 = arith.constant 1 : i32
          %get3A_694 = arith.index_cast %get3A_693 : i32 to index
          %get3A_695 = arith.constant 0 : index
          %get3A_696 = tpu.vector_load %arg9[%get3A_694, %get3A_695] {strides = array<i32>} : memref<8x16xf32, #tpu.memory_space<vmem>>, vector<1x16xf32>,
          %get3A_697 = vector.shape_cast %get3A_696 : vector<1x16xf32> to vector<16xf32>
          %swap3A_698 = arith.constant 1 : i32
          %swap3A_699 = arith.constant 0 : i32
          %swap3A_700 = arith.constant 0 : i32
          %swap3A_701 = tpu.memref_slice %run_scoped3A_22[%rem3A_413, %swap3A_699, %swap3A_700] : memref<2x8x80xf32, #tpu.memory_space<vmem>> -> memref<1x8x80xf32, #tpu.memory_space<vmem>>
          %swap3A_702 = tpu.memref_squeeze %swap3A_701 : memref<1x8x80xf32, #tpu.memory_space<vmem>> -> memref<8x80xf32, #tpu.memory_space<vmem>>
          %swap3A_703 = arith.constant 0 : i32
          %swap3A_704 = tpu.memref_slice %swap3A_702[%swap3A_698, %swap3A_703] : memref<8x80xf32, #tpu.memory_space<vmem>> -> memref<1x80xf32, #tpu.memory_space<vmem>>
          %swap3A_705 = tpu.memref_squeeze %swap3A_704 : memref<1x80xf32, #tpu.memory_space<vmem>> -> memref<80xf32, #tpu.memory_space<vmem>>
          %swap3A_706 = arith.constant 64 : index
          %swap3A_707 = tpu.vector_load %swap3A_705[%swap3A_706] {strides = array<i32>} : memref<80xf32, #tpu.memory_space<vmem>>, vector<16xf32>,
          %swap3A_708 = vector.shape_cast %swap3A_707 : vector<16xf32> to vector<16xf32>
          %swap3A_709 = vector.shape_cast %get3A_697 : vector<16xf32> to vector<16xf32>
          tpu.vector_store %swap3A_705[%swap3A_706], %swap3A_709 {strides = array<i32>} : memref<80xf32, #tpu.memory_space<vmem>>, vector<16xf32>,
          %get3A_710 = arith.constant 2 : i32
          %get3A_711 = arith.constant 0 : i32
          %get3A_712 = arith.constant 0 : i32
          %get3A_713 = tpu.memref_slice %run_scoped3A_20[%rem3A_411, %get3A_711, %get3A_712] : memref<2x8x16xi32, #tpu.memory_space<vmem>> -> memref<1x8x16xi32, #tpu.memory_space<vmem>>
          %get3A_714 = tpu.memref_squeeze %get3A_713 : memref<1x8x16xi32, #tpu.memory_space<vmem>> -> memref<8x16xi32, #tpu.memory_space<vmem>>
          %get3A_715 = arith.constant 0 : i32
          %get3A_716 = tpu.memref_slice %get3A_714[%get3A_710, %get3A_715] : memref<8x16xi32, #tpu.memory_space<vmem>> -> memref<1x16xi32, #tpu.memory_space<vmem>>
          %get3A_717 = tpu.memref_squeeze %get3A_716 : memref<1x16xi32, #tpu.memory_space<vmem>> -> memref<16xi32, #tpu.memory_space<vmem>>
          %get3A_718 = arith.constant 0 : index
          %get3A_719 = tpu.vector_load %get3A_717[%get3A_718] {strides = array<i32>} : memref<16xi32, #tpu.memory_space<vmem>>, vector<16xi32>,
          %get3A_720 = vector.shape_cast %get3A_719 : vector<16xi32> to vector<16xi32>
          %eq3A_721 = arith.constant 0 : i32
          %eq3A_722 = arith.cmpi eq, %add3A_269, %eq3A_721 : i32
          %convert_element_type3A_723 = arith.extui %eq3A_722 : i1 to i32
          %cond3A_724 = arith.constant 2 : i32
          %cond3A_725 = arith.constant 2 : i32
          %cond3A_726 = arith.constant 2 : i32
          %cond3A_727 = arith.constant 2 : i32
          %cond3A_728 = arith.constant 2 : i32
          %cond3A_729 = arith.constant 2 : i32
          %cond3A_730 = arith.constant 0 : i32
          %cond3A_731 = arith.cmpi ne, %convert_element_type3A_723, %cond3A_730 : i32
          scf.if %cond3A_731 {
            %broadcast_in_dim3A_1738 = arith.constant 0xFF800000 : f32
            %broadcast_in_dim3A_1739 = vector.broadcast %broadcast_in_dim3A_1738 : f32 to vector<16xf32>
            %swap3A_1740 = arith.index_cast %cond3A_724 : i32 to index
            %swap3A_1741 = arith.constant 0 : index
            %swap3A_1742 = tpu.vector_load %arg5[%swap3A_1740, %swap3A_1741] {strides = array<i32>} : memref<8x16xf32, #tpu.memory_space<vmem>>, vector<1x16xf32>,
            %swap3A_1743 = vector.shape_cast %swap3A_1742 : vector<1x16xf32> to vector<16xf32>
            %swap3A_1744 = vector.shape_cast %broadcast_in_dim3A_1739 : vector<16xf32> to vector<1x16xf32>
            tpu.vector_store %arg5[%swap3A_1740, %swap3A_1741], %swap3A_1744 {strides = array<i32>} : memref<8x16xf32, #tpu.memory_space<vmem>>, vector<1x16xf32>,
            %broadcast_in_dim3A_1745 = arith.constant 0.000000e+00 : f32
            %broadcast_in_dim3A_1746 = vector.broadcast %broadcast_in_dim3A_1745 : f32 to vector<16xf32>
            %swap3A_1747 = arith.index_cast %cond3A_725 : i32 to index
            %swap3A_1748 = arith.constant 0 : index
            %swap3A_1749 = tpu.vector_load %arg6[%swap3A_1747, %swap3A_1748] {strides = array<i32>} : memref<8x16xf32, #tpu.memory_space<vmem>>, vector<1x16xf32>,
            %swap3A_1750 = vector.shape_cast %swap3A_1749 : vector<1x16xf32> to vector<16xf32>
            %swap3A_1751 = vector.shape_cast %broadcast_in_dim3A_1746 : vector<16xf32> to vector<1x16xf32>
            tpu.vector_store %arg6[%swap3A_1747, %swap3A_1748], %swap3A_1751 {strides = array<i32>} : memref<8x16xf32, #tpu.memory_space<vmem>>, vector<1x16xf32>,
            %broadcast_in_dim3A_1752 = arith.constant 0.000000e+00 : f32
            %broadcast_in_dim3A_1753 = vector.broadcast %broadcast_in_dim3A_1752 : f32 to vector<16xf32>
            %swap3A_1754 = arith.index_cast %cond3A_726 : i32 to index
            %swap3A_1755 = arith.constant 0 : index
            %swap3A_1756 = tpu.vector_load %arg7[%swap3A_1754, %swap3A_1755] {strides = array<i32>} : memref<8x16xf32, #tpu.memory_space<vmem>>, vector<1x16xf32>,
            %swap3A_1757 = vector.shape_cast %swap3A_1756 : vector<1x16xf32> to vector<16xf32>
            %swap3A_1758 = vector.shape_cast %broadcast_in_dim3A_1753 : vector<16xf32> to vector<1x16xf32>
            tpu.vector_store %arg7[%swap3A_1754, %swap3A_1755], %swap3A_1758 {strides = array<i32>} : memref<8x16xf32, #tpu.memory_space<vmem>>, vector<1x16xf32>,
            %broadcast_in_dim3A_1759 = arith.constant 0.000000e+00 : f32
            %broadcast_in_dim3A_1760 = vector.broadcast %broadcast_in_dim3A_1759 : f32 to vector<16xf32>
            %swap3A_1761 = arith.index_cast %cond3A_727 : i32 to index
            %swap3A_1762 = arith.constant 0 : index
            %swap3A_1763 = tpu.vector_load %arg8[%swap3A_1761, %swap3A_1762] {strides = array<i32>} : memref<8x16xf32, #tpu.memory_space<vmem>>, vector<1x16xf32>,
            %swap3A_1764 = vector.shape_cast %swap3A_1763 : vector<1x16xf32> to vector<16xf32>
            %swap3A_1765 = vector.shape_cast %broadcast_in_dim3A_1760 : vector<16xf32> to vector<1x16xf32>
            tpu.vector_store %arg8[%swap3A_1761, %swap3A_1762], %swap3A_1765 {strides = array<i32>} : memref<8x16xf32, #tpu.memory_space<vmem>>, vector<1x16xf32>,
            %get3A_1766 = arith.constant 0 : i32
            %get3A_1767 = arith.constant 0 : i32
            %get3A_1768 = tpu.memref_slice %run_scoped3A[%rem3A_409, %get3A_1766, %get3A_1767] : memref<2x8x3840xf32, #tpu.memory_space<vmem>> -> memref<1x8x3840xf32, #tpu.memory_space<vmem>>
            %get3A_1769 = tpu.memref_squeeze %get3A_1768 : memref<1x8x3840xf32, #tpu.memory_space<vmem>> -> memref<8x3840xf32, #tpu.memory_space<vmem>>
            %get3A_1770 = arith.constant 0 : i32
            %get3A_1771 = tpu.memref_slice %get3A_1769[%cond3A_728, %get3A_1770] : memref<8x3840xf32, #tpu.memory_space<vmem>> -> memref<1x3840xf32, #tpu.memory_space<vmem>>
            %get3A_1772 = tpu.memref_squeeze %get3A_1771 : memref<1x3840xf32, #tpu.memory_space<vmem>> -> memref<3840xf32, #tpu.memory_space<vmem>>
            %get3A_1773 = arith.constant 0 : index
            %get3A_1774 = tpu.vector_load %get3A_1772[%get3A_1773] {strides = array<i32>} : memref<3840xf32, #tpu.memory_space<vmem>>, vector<16xf32>,
            %get3A_1775 = vector.shape_cast %get3A_1774 : vector<16xf32> to vector<16xf32>
            %swap3A_1776 = arith.index_cast %cond3A_729 : i32 to index
            %swap3A_1777 = arith.constant 0 : index
            %swap3A_1778 = tpu.vector_load %arg9[%swap3A_1776, %swap3A_1777] {strides = array<i32>} : memref<8x16xf32, #tpu.memory_space<vmem>>, vector<1x16xf32>,
            %swap3A_1779 = vector.shape_cast %swap3A_1778 : vector<1x16xf32> to vector<16xf32>
            %swap3A_1780 = vector.shape_cast %get3A_1775 : vector<16xf32> to vector<1x16xf32>
            tpu.vector_store %arg9[%swap3A_1776, %swap3A_1777], %swap3A_1780 {strides = array<i32>} : memref<8x16xf32, #tpu.memory_space<vmem>>, vector<1x16xf32>,
          } else {
          }
          %broadcast_in_dim3A_732 = arith.constant 0xFF800000 : f32
          %broadcast_in_dim3A_733 = vector.broadcast %broadcast_in_dim3A_732 : f32 to vector<16xf32>
          %get3A_734 = arith.constant 2 : i32
          %get3A_735 = arith.index_cast %get3A_734 : i32 to index
          %get3A_736 = arith.constant 0 : index
          %get3A_737 = tpu.vector_load %arg7[%get3A_735, %get3A_736] {strides = array<i32>} : memref<8x16xf32, #tpu.memory_space<vmem>>, vector<1x16xf32>,
          %get3A_738 = vector.shape_cast %get3A_737 : vector<1x16xf32> to vector<16xf32>
          %get3A_739 = arith.constant 2 : i32
          %get3A_740 = arith.index_cast %get3A_739 : i32 to index
          %get3A_741 = arith.constant 0 : index
          %get3A_742 = tpu.vector_load %arg8[%get3A_740, %get3A_741] {strides = array<i32>} : memref<8x16xf32, #tpu.memory_space<vmem>>, vector<1x16xf32>,
          %get3A_743 = vector.shape_cast %get3A_742 : vector<1x16xf32> to vector<16xf32>
          %scan3A_744 = arith.constant 2 : i32
          %scan3A_745 = arith.constant 0 : i32
          %scan3A_746 = arith.constant 240 : i32
          %scan3A_747 = arith.addi %scan3A_745, %scan3A_746 : i32
          %scan3A_748 = arith.constant 1 : i32
          %scan3A_749:3 = scf.for %scan3A_1738 = %scan3A_745 to %scan3A_747 step %scan3A_748 iter_args(%scan3A_1739 = %broadcast_in_dim3A_733, %scan3A_1740 = %get3A_738, %scan3A_1741 = %get3A_743) -> (vector<16xf32>, vector<16xf32>, vector<16xf32>)  : i32 {
            %mul3A_1742 = arith.constant 16 : i32
            %mul3A_1743 = arith.muli %scan3A_1738, %mul3A_1742 : i32
            %get3A_1744 = arith.constant 0 : i32
            %get3A_1745 = arith.constant 0 : i32
            %get3A_1746 = tpu.memref_slice %run_scoped3A[%rem3A_409, %get3A_1744, %get3A_1745] : memref<2x8x3840xf32, #tpu.memory_space<vmem>> -> memref<1x8x3840xf32, #tpu.memory_space<vmem>>
            %get3A_1747 = tpu.memref_squeeze %get3A_1746 : memref<1x8x3840xf32, #tpu.memory_space<vmem>> -> memref<8x3840xf32, #tpu.memory_space<vmem>>
            %get3A_1748 = arith.constant 0 : i32
            %get3A_1749 = tpu.memref_slice %get3A_1747[%scan3A_744, %get3A_1748] : memref<8x3840xf32, #tpu.memory_space<vmem>> -> memref<1x3840xf32, #tpu.memory_space<vmem>>
            %get3A_1750 = tpu.memref_squeeze %get3A_1749 : memref<1x3840xf32, #tpu.memory_space<vmem>> -> memref<3840xf32, #tpu.memory_space<vmem>>
            %get3A_1751 = arith.index_cast %mul3A_1743 : i32 to index
            %get3A_1752 = tpu.vector_load %get3A_1750[%get3A_1751] {strides = array<i32>} : memref<3840xf32, #tpu.memory_space<vmem>>, vector<16xf32>,
            %get3A_1753 = vector.shape_cast %get3A_1752 : vector<16xf32> to vector<16xf32>
            %max3A_1754 = arith.maximumf %scan3A_1739, %get3A_1753 : vector<16xf32>
            %add3A_1755 = arith.addf %scan3A_1740, %get3A_1753 : vector<16xf32>
            %mul3A_1756 = arith.constant 3840 : i32
            %mul3A_1757 = arith.muli %add3A_269, %mul3A_1756 : i32
            %mul3A_1758 = arith.constant 16 : i32
            %mul3A_1759 = arith.muli %scan3A_1738, %mul3A_1758 : i32
            %add3A_1760 = arith.addi %mul3A_1757, %mul3A_1759 : i32
            %sub3A_1761 = vector.broadcast %add3A_1760 : i32 to vector<16xi32>
            %sub3A_1762 = arith.subi %get3A_720, %sub3A_1761 : vector<16xi32>
            %eq3A_1763 = arith.cmpi eq, %iota3A, %sub3A_1762 : vector<16xi32>
            %jit3A_1764 = arith.constant 0.000000e+00 : f32
            %broadcast_in_dim3A_1765 = vector.broadcast %jit3A_1764 : f32 to vector<16xf32>
            %select_n3A_1766 = arith.select %eq3A_1763, %get3A_1753, %broadcast_in_dim3A_1765 : vector<16xi1>, vector<16xf32>
            %add3A_1767 = arith.addf %scan3A_1741, %select_n3A_1766 : vector<16xf32>
            scf.yield %max3A_1754, %add3A_1755, %add3A_1767 : vector<16xf32>, vector<16xf32>, vector<16xf32>
          }
          %scan3A_750 = arith.constant 240 : i32
          %get3A_751 = arith.constant 2 : i32
          %get3A_752 = arith.index_cast %get3A_751 : i32 to index
          %get3A_753 = arith.constant 0 : index
          %get3A_754 = tpu.vector_load %arg5[%get3A_752, %get3A_753] {strides = array<i32>} : memref<8x16xf32, #tpu.memory_space<vmem>>, vector<1x16xf32>,
          %get3A_755 = vector.shape_cast %get3A_754 : vector<1x16xf32> to vector<16xf32>
          %max3A_756 = arith.maximumf %get3A_755, %scan3A_749#0 : vector<16xf32>
          %get3A_757 = arith.constant 2 : i32
          %get3A_758 = arith.index_cast %get3A_757 : i32 to index
          %get3A_759 = arith.constant 0 : index
          %get3A_760 = tpu.vector_load %arg6[%get3A_758, %get3A_759] {strides = array<i32>} : memref<8x16xf32, #tpu.memory_space<vmem>>, vector<1x16xf32>,
          %get3A_761 = vector.shape_cast %get3A_760 : vector<1x16xf32> to vector<16xf32>
          %sub3A_762 = arith.subf %get3A_755, %max3A_756 : vector<16xf32>
          %exp3A_763 = math.exp %sub3A_762 : vector<16xf32>
          %mul3A_764 = arith.mulf %get3A_761, %exp3A_763 : vector<16xf32>
          %scan3A_765 = arith.constant 2 : i32
          %scan3A_766 = arith.constant 0 : i32
          %scan3A_767 = arith.constant 240 : i32
          %scan3A_768 = arith.addi %scan3A_766, %scan3A_767 : i32
          %scan3A_769 = arith.constant 1 : i32
          %scan3A_770 = scf.for %scan3A_1738 = %scan3A_766 to %scan3A_768 step %scan3A_769 iter_args(%scan3A_1739 = %mul3A_764) -> (vector<16xf32>)  : i32 {
            %mul3A_1740 = arith.constant 16 : i32
            %mul3A_1741 = arith.muli %scan3A_1738, %mul3A_1740 : i32
            %get3A_1742 = arith.constant 0 : i32
            %get3A_1743 = arith.constant 0 : i32
            %get3A_1744 = tpu.memref_slice %run_scoped3A[%rem3A_409, %get3A_1742, %get3A_1743] : memref<2x8x3840xf32, #tpu.memory_space<vmem>> -> memref<1x8x3840xf32, #tpu.memory_space<vmem>>
            %get3A_1745 = tpu.memref_squeeze %get3A_1744 : memref<1x8x3840xf32, #tpu.memory_space<vmem>> -> memref<8x3840xf32, #tpu.memory_space<vmem>>
            %get3A_1746 = arith.constant 0 : i32
            %get3A_1747 = tpu.memref_slice %get3A_1745[%scan3A_765, %get3A_1746] : memref<8x3840xf32, #tpu.memory_space<vmem>> -> memref<1x3840xf32, #tpu.memory_space<vmem>>
            %get3A_1748 = tpu.memref_squeeze %get3A_1747 : memref<1x3840xf32, #tpu.memory_space<vmem>> -> memref<3840xf32, #tpu.memory_space<vmem>>
            %get3A_1749 = arith.index_cast %mul3A_1741 : i32 to index
            %get3A_1750 = tpu.vector_load %get3A_1748[%get3A_1749] {strides = array<i32>} : memref<3840xf32, #tpu.memory_space<vmem>>, vector<16xf32>,
            %get3A_1751 = vector.shape_cast %get3A_1750 : vector<16xf32> to vector<16xf32>
            %sub3A_1752 = arith.subf %get3A_1751, %max3A_756 : vector<16xf32>
            %exp3A_1753 = math.exp %sub3A_1752 : vector<16xf32>
            %add3A_1754 = arith.addf %scan3A_1739, %exp3A_1753 : vector<16xf32>
            scf.yield %add3A_1754 : vector<16xf32>
          }
          %scan3A_771 = arith.constant 240 : i32
          %swap3A_772 = arith.constant 2 : i32
          %swap3A_773 = arith.index_cast %swap3A_772 : i32 to index
          %swap3A_774 = arith.constant 0 : index
          %swap3A_775 = tpu.vector_load %arg5[%swap3A_773, %swap3A_774] {strides = array<i32>} : memref<8x16xf32, #tpu.memory_space<vmem>>, vector<1x16xf32>,
          %swap3A_776 = vector.shape_cast %swap3A_775 : vector<1x16xf32> to vector<16xf32>
          %swap3A_777 = vector.shape_cast %max3A_756 : vector<16xf32> to vector<1x16xf32>
          tpu.vector_store %arg5[%swap3A_773, %swap3A_774], %swap3A_777 {strides = array<i32>} : memref<8x16xf32, #tpu.memory_space<vmem>>, vector<1x16xf32>,
          %swap3A_778 = arith.constant 2 : i32
          %swap3A_779 = arith.index_cast %swap3A_778 : i32 to index
          %swap3A_780 = arith.constant 0 : index
          %swap3A_781 = tpu.vector_load %arg6[%swap3A_779, %swap3A_780] {strides = array<i32>} : memref<8x16xf32, #tpu.memory_space<vmem>>, vector<1x16xf32>,
          %swap3A_782 = vector.shape_cast %swap3A_781 : vector<1x16xf32> to vector<16xf32>
          %swap3A_783 = vector.shape_cast %scan3A_770 : vector<16xf32> to vector<1x16xf32>
          tpu.vector_store %arg6[%swap3A_779, %swap3A_780], %swap3A_783 {strides = array<i32>} : memref<8x16xf32, #tpu.memory_space<vmem>>, vector<1x16xf32>,
          %swap3A_784 = arith.constant 2 : i32
          %swap3A_785 = arith.index_cast %swap3A_784 : i32 to index
          %swap3A_786 = arith.constant 0 : index
          %swap3A_787 = tpu.vector_load %arg7[%swap3A_785, %swap3A_786] {strides = array<i32>} : memref<8x16xf32, #tpu.memory_space<vmem>>, vector<1x16xf32>,
          %swap3A_788 = vector.shape_cast %swap3A_787 : vector<1x16xf32> to vector<16xf32>
          %swap3A_789 = vector.shape_cast %scan3A_749#1 : vector<16xf32> to vector<1x16xf32>
          tpu.vector_store %arg7[%swap3A_785, %swap3A_786], %swap3A_789 {strides = array<i32>} : memref<8x16xf32, #tpu.memory_space<vmem>>, vector<1x16xf32>,
          %swap3A_790 = arith.constant 2 : i32
          %swap3A_791 = arith.index_cast %swap3A_790 : i32 to index
          %swap3A_792 = arith.constant 0 : index
          %swap3A_793 = tpu.vector_load %arg8[%swap3A_791, %swap3A_792] {strides = array<i32>} : memref<8x16xf32, #tpu.memory_space<vmem>>, vector<1x16xf32>,
          %swap3A_794 = vector.shape_cast %swap3A_793 : vector<1x16xf32> to vector<16xf32>
          %swap3A_795 = vector.shape_cast %scan3A_749#2 : vector<16xf32> to vector<1x16xf32>
          tpu.vector_store %arg8[%swap3A_791, %swap3A_792], %swap3A_795 {strides = array<i32>} : memref<8x16xf32, #tpu.memory_space<vmem>>, vector<1x16xf32>,
          %swap3A_796 = arith.constant 2 : i32
          %swap3A_797 = arith.constant 0 : i32
          %swap3A_798 = arith.constant 0 : i32
          %swap3A_799 = tpu.memref_slice %run_scoped3A_22[%rem3A_413, %swap3A_797, %swap3A_798] : memref<2x8x80xf32, #tpu.memory_space<vmem>> -> memref<1x8x80xf32, #tpu.memory_space<vmem>>
          %swap3A_800 = tpu.memref_squeeze %swap3A_799 : memref<1x8x80xf32, #tpu.memory_space<vmem>> -> memref<8x80xf32, #tpu.memory_space<vmem>>
          %swap3A_801 = arith.constant 0 : i32
          %swap3A_802 = tpu.memref_slice %swap3A_800[%swap3A_796, %swap3A_801] : memref<8x80xf32, #tpu.memory_space<vmem>> -> memref<1x80xf32, #tpu.memory_space<vmem>>
          %swap3A_803 = tpu.memref_squeeze %swap3A_802 : memref<1x80xf32, #tpu.memory_space<vmem>> -> memref<80xf32, #tpu.memory_space<vmem>>
          %swap3A_804 = arith.constant 0 : index
          %swap3A_805 = tpu.vector_load %swap3A_803[%swap3A_804] {strides = array<i32>} : memref<80xf32, #tpu.memory_space<vmem>>, vector<16xf32>,
          %swap3A_806 = vector.shape_cast %swap3A_805 : vector<16xf32> to vector<16xf32>
          %swap3A_807 = vector.shape_cast %max3A_756 : vector<16xf32> to vector<16xf32>
          tpu.vector_store %swap3A_803[%swap3A_804], %swap3A_807 {strides = array<i32>} : memref<80xf32, #tpu.memory_space<vmem>>, vector<16xf32>,
          %swap3A_808 = arith.constant 2 : i32
          %swap3A_809 = arith.constant 0 : i32
          %swap3A_810 = arith.constant 0 : i32
          %swap3A_811 = tpu.memref_slice %run_scoped3A_22[%rem3A_413, %swap3A_809, %swap3A_810] : memref<2x8x80xf32, #tpu.memory_space<vmem>> -> memref<1x8x80xf32, #tpu.memory_space<vmem>>
          %swap3A_812 = tpu.memref_squeeze %swap3A_811 : memref<1x8x80xf32, #tpu.memory_space<vmem>> -> memref<8x80xf32, #tpu.memory_space<vmem>>
          %swap3A_813 = arith.constant 0 : i32
          %swap3A_814 = tpu.memref_slice %swap3A_812[%swap3A_808, %swap3A_813] : memref<8x80xf32, #tpu.memory_space<vmem>> -> memref<1x80xf32, #tpu.memory_space<vmem>>
          %swap3A_815 = tpu.memref_squeeze %swap3A_814 : memref<1x80xf32, #tpu.memory_space<vmem>> -> memref<80xf32, #tpu.memory_space<vmem>>
          %swap3A_816 = arith.constant 16 : index
          %swap3A_817 = tpu.vector_load %swap3A_815[%swap3A_816] {strides = array<i32>} : memref<80xf32, #tpu.memory_space<vmem>>, vector<16xf32>,
          %swap3A_818 = vector.shape_cast %swap3A_817 : vector<16xf32> to vector<16xf32>
          %swap3A_819 = vector.shape_cast %scan3A_770 : vector<16xf32> to vector<16xf32>
          tpu.vector_store %swap3A_815[%swap3A_816], %swap3A_819 {strides = array<i32>} : memref<80xf32, #tpu.memory_space<vmem>>, vector<16xf32>,
          %swap3A_820 = arith.constant 2 : i32
          %swap3A_821 = arith.constant 0 : i32
          %swap3A_822 = arith.constant 0 : i32
          %swap3A_823 = tpu.memref_slice %run_scoped3A_22[%rem3A_413, %swap3A_821, %swap3A_822] : memref<2x8x80xf32, #tpu.memory_space<vmem>> -> memref<1x8x80xf32, #tpu.memory_space<vmem>>
          %swap3A_824 = tpu.memref_squeeze %swap3A_823 : memref<1x8x80xf32, #tpu.memory_space<vmem>> -> memref<8x80xf32, #tpu.memory_space<vmem>>
          %swap3A_825 = arith.constant 0 : i32
          %swap3A_826 = tpu.memref_slice %swap3A_824[%swap3A_820, %swap3A_825] : memref<8x80xf32, #tpu.memory_space<vmem>> -> memref<1x80xf32, #tpu.memory_space<vmem>>
          %swap3A_827 = tpu.memref_squeeze %swap3A_826 : memref<1x80xf32, #tpu.memory_space<vmem>> -> memref<80xf32, #tpu.memory_space<vmem>>
          %swap3A_828 = arith.constant 32 : index
          %swap3A_829 = tpu.vector_load %swap3A_827[%swap3A_828] {strides = array<i32>} : memref<80xf32, #tpu.memory_space<vmem>>, vector<16xf32>,
          %swap3A_830 = vector.shape_cast %swap3A_829 : vector<16xf32> to vector<16xf32>
          %swap3A_831 = vector.shape_cast %scan3A_749#1 : vector<16xf32> to vector<16xf32>
          tpu.vector_store %swap3A_827[%swap3A_828], %swap3A_831 {strides = array<i32>} : memref<80xf32, #tpu.memory_space<vmem>>, vector<16xf32>,
          %swap3A_832 = arith.constant 2 : i32
          %swap3A_833 = arith.constant 0 : i32
          %swap3A_834 = arith.constant 0 : i32
          %swap3A_835 = tpu.memref_slice %run_scoped3A_22[%rem3A_413, %swap3A_833, %swap3A_834] : memref<2x8x80xf32, #tpu.memory_space<vmem>> -> memref<1x8x80xf32, #tpu.memory_space<vmem>>
          %swap3A_836 = tpu.memref_squeeze %swap3A_835 : memref<1x8x80xf32, #tpu.memory_space<vmem>> -> memref<8x80xf32, #tpu.memory_space<vmem>>
          %swap3A_837 = arith.constant 0 : i32
          %swap3A_838 = tpu.memref_slice %swap3A_836[%swap3A_832, %swap3A_837] : memref<8x80xf32, #tpu.memory_space<vmem>> -> memref<1x80xf32, #tpu.memory_space<vmem>>
          %swap3A_839 = tpu.memref_squeeze %swap3A_838 : memref<1x80xf32, #tpu.memory_space<vmem>> -> memref<80xf32, #tpu.memory_space<vmem>>
          %swap3A_840 = arith.constant 48 : index
          %swap3A_841 = tpu.vector_load %swap3A_839[%swap3A_840] {strides = array<i32>} : memref<80xf32, #tpu.memory_space<vmem>>, vector<16xf32>,
          %swap3A_842 = vector.shape_cast %swap3A_841 : vector<16xf32> to vector<16xf32>
          %swap3A_843 = vector.shape_cast %scan3A_749#2 : vector<16xf32> to vector<16xf32>
          tpu.vector_store %swap3A_839[%swap3A_840], %swap3A_843 {strides = array<i32>} : memref<80xf32, #tpu.memory_space<vmem>>, vector<16xf32>,
          %get3A_844 = arith.constant 2 : i32
          %get3A_845 = arith.index_cast %get3A_844 : i32 to index
          %get3A_846 = arith.constant 0 : index
          %get3A_847 = tpu.vector_load %arg9[%get3A_845, %get3A_846] {strides = array<i32>} : memref<8x16xf32, #tpu.memory_space<vmem>>, vector<1x16xf32>,
          %get3A_848 = vector.shape_cast %get3A_847 : vector<1x16xf32> to vector<16xf32>
          %swap3A_849 = arith.constant 2 : i32
          %swap3A_850 = arith.constant 0 : i32
          %swap3A_851 = arith.constant 0 : i32
          %swap3A_852 = tpu.memref_slice %run_scoped3A_22[%rem3A_413, %swap3A_850, %swap3A_851] : memref<2x8x80xf32, #tpu.memory_space<vmem>> -> memref<1x8x80xf32, #tpu.memory_space<vmem>>
          %swap3A_853 = tpu.memref_squeeze %swap3A_852 : memref<1x8x80xf32, #tpu.memory_space<vmem>> -> memref<8x80xf32, #tpu.memory_space<vmem>>
          %swap3A_854 = arith.constant 0 : i32
          %swap3A_855 = tpu.memref_slice %swap3A_853[%swap3A_849, %swap3A_854] : memref<8x80xf32, #tpu.memory_space<vmem>> -> memref<1x80xf32, #tpu.memory_space<vmem>>
          %swap3A_856 = tpu.memref_squeeze %swap3A_855 : memref<1x80xf32, #tpu.memory_space<vmem>> -> memref<80xf32, #tpu.memory_space<vmem>>
          %swap3A_857 = arith.constant 64 : index
          %swap3A_858 = tpu.vector_load %swap3A_856[%swap3A_857] {strides = array<i32>} : memref<80xf32, #tpu.memory_space<vmem>>, vector<16xf32>,
          %swap3A_859 = vector.shape_cast %swap3A_858 : vector<16xf32> to vector<16xf32>
          %swap3A_860 = vector.shape_cast %get3A_848 : vector<16xf32> to vector<16xf32>
          tpu.vector_store %swap3A_856[%swap3A_857], %swap3A_860 {strides = array<i32>} : memref<80xf32, #tpu.memory_space<vmem>>, vector<16xf32>,
          %get3A_861 = arith.constant 3 : i32
          %get3A_862 = arith.constant 0 : i32
          %get3A_863 = arith.constant 0 : i32
          %get3A_864 = tpu.memref_slice %run_scoped3A_20[%rem3A_411, %get3A_862, %get3A_863] : memref<2x8x16xi32, #tpu.memory_space<vmem>> -> memref<1x8x16xi32, #tpu.memory_space<vmem>>
          %get3A_865 = tpu.memref_squeeze %get3A_864 : memref<1x8x16xi32, #tpu.memory_space<vmem>> -> memref<8x16xi32, #tpu.memory_space<vmem>>
          %get3A_866 = arith.constant 0 : i32
          %get3A_867 = tpu.memref_slice %get3A_865[%get3A_861, %get3A_866] : memref<8x16xi32, #tpu.memory_space<vmem>> -> memref<1x16xi32, #tpu.memory_space<vmem>>
          %get3A_868 = tpu.memref_squeeze %get3A_867 : memref<1x16xi32, #tpu.memory_space<vmem>> -> memref<16xi32, #tpu.memory_space<vmem>>
          %get3A_869 = arith.constant 0 : index
          %get3A_870 = tpu.vector_load %get3A_868[%get3A_869] {strides = array<i32>} : memref<16xi32, #tpu.memory_space<vmem>>, vector<16xi32>,
          %get3A_871 = vector.shape_cast %get3A_870 : vector<16xi32> to vector<16xi32>
          %eq3A_872 = arith.constant 0 : i32
          %eq3A_873 = arith.cmpi eq, %add3A_269, %eq3A_872 : i32
          %convert_element_type3A_874 = arith.extui %eq3A_873 : i1 to i32
          %cond3A_875 = arith.constant 3 : i32
          %cond3A_876 = arith.constant 3 : i32
          %cond3A_877 = arith.constant 3 : i32
          %cond3A_878 = arith.constant 3 : i32
          %cond3A_879 = arith.constant 3 : i32
          %cond3A_880 = arith.constant 3 : i32
          %cond3A_881 = arith.constant 0 : i32
          %cond3A_882 = arith.cmpi ne, %convert_element_type3A_874, %cond3A_881 : i32
          scf.if %cond3A_882 {
            %broadcast_in_dim3A_1738 = arith.constant 0xFF800000 : f32
            %broadcast_in_dim3A_1739 = vector.broadcast %broadcast_in_dim3A_1738 : f32 to vector<16xf32>
            %swap3A_1740 = arith.index_cast %cond3A_875 : i32 to index
            %swap3A_1741 = arith.constant 0 : index
            %swap3A_1742 = tpu.vector_load %arg5[%swap3A_1740, %swap3A_1741] {strides = array<i32>} : memref<8x16xf32, #tpu.memory_space<vmem>>, vector<1x16xf32>,
            %swap3A_1743 = vector.shape_cast %swap3A_1742 : vector<1x16xf32> to vector<16xf32>
            %swap3A_1744 = vector.shape_cast %broadcast_in_dim3A_1739 : vector<16xf32> to vector<1x16xf32>
            tpu.vector_store %arg5[%swap3A_1740, %swap3A_1741], %swap3A_1744 {strides = array<i32>} : memref<8x16xf32, #tpu.memory_space<vmem>>, vector<1x16xf32>,
            %broadcast_in_dim3A_1745 = arith.constant 0.000000e+00 : f32
            %broadcast_in_dim3A_1746 = vector.broadcast %broadcast_in_dim3A_1745 : f32 to vector<16xf32>
            %swap3A_1747 = arith.index_cast %cond3A_876 : i32 to index
            %swap3A_1748 = arith.constant 0 : index
            %swap3A_1749 = tpu.vector_load %arg6[%swap3A_1747, %swap3A_1748] {strides = array<i32>} : memref<8x16xf32, #tpu.memory_space<vmem>>, vector<1x16xf32>,
            %swap3A_1750 = vector.shape_cast %swap3A_1749 : vector<1x16xf32> to vector<16xf32>
            %swap3A_1751 = vector.shape_cast %broadcast_in_dim3A_1746 : vector<16xf32> to vector<1x16xf32>
            tpu.vector_store %arg6[%swap3A_1747, %swap3A_1748], %swap3A_1751 {strides = array<i32>} : memref<8x16xf32, #tpu.memory_space<vmem>>, vector<1x16xf32>,
            %broadcast_in_dim3A_1752 = arith.constant 0.000000e+00 : f32
            %broadcast_in_dim3A_1753 = vector.broadcast %broadcast_in_dim3A_1752 : f32 to vector<16xf32>
            %swap3A_1754 = arith.index_cast %cond3A_877 : i32 to index
            %swap3A_1755 = arith.constant 0 : index
            %swap3A_1756 = tpu.vector_load %arg7[%swap3A_1754, %swap3A_1755] {strides = array<i32>} : memref<8x16xf32, #tpu.memory_space<vmem>>, vector<1x16xf32>,
            %swap3A_1757 = vector.shape_cast %swap3A_1756 : vector<1x16xf32> to vector<16xf32>
            %swap3A_1758 = vector.shape_cast %broadcast_in_dim3A_1753 : vector<16xf32> to vector<1x16xf32>
            tpu.vector_store %arg7[%swap3A_1754, %swap3A_1755], %swap3A_1758 {strides = array<i32>} : memref<8x16xf32, #tpu.memory_space<vmem>>, vector<1x16xf32>,
            %broadcast_in_dim3A_1759 = arith.constant 0.000000e+00 : f32
            %broadcast_in_dim3A_1760 = vector.broadcast %broadcast_in_dim3A_1759 : f32 to vector<16xf32>
            %swap3A_1761 = arith.index_cast %cond3A_878 : i32 to index
            %swap3A_1762 = arith.constant 0 : index
            %swap3A_1763 = tpu.vector_load %arg8[%swap3A_1761, %swap3A_1762] {strides = array<i32>} : memref<8x16xf32, #tpu.memory_space<vmem>>, vector<1x16xf32>,
            %swap3A_1764 = vector.shape_cast %swap3A_1763 : vector<1x16xf32> to vector<16xf32>
            %swap3A_1765 = vector.shape_cast %broadcast_in_dim3A_1760 : vector<16xf32> to vector<1x16xf32>
            tpu.vector_store %arg8[%swap3A_1761, %swap3A_1762], %swap3A_1765 {strides = array<i32>} : memref<8x16xf32, #tpu.memory_space<vmem>>, vector<1x16xf32>,
            %get3A_1766 = arith.constant 0 : i32
            %get3A_1767 = arith.constant 0 : i32
            %get3A_1768 = tpu.memref_slice %run_scoped3A[%rem3A_409, %get3A_1766, %get3A_1767] : memref<2x8x3840xf32, #tpu.memory_space<vmem>> -> memref<1x8x3840xf32, #tpu.memory_space<vmem>>
            %get3A_1769 = tpu.memref_squeeze %get3A_1768 : memref<1x8x3840xf32, #tpu.memory_space<vmem>> -> memref<8x3840xf32, #tpu.memory_space<vmem>>
            %get3A_1770 = arith.constant 0 : i32
            %get3A_1771 = tpu.memref_slice %get3A_1769[%cond3A_879, %get3A_1770] : memref<8x3840xf32, #tpu.memory_space<vmem>> -> memref<1x3840xf32, #tpu.memory_space<vmem>>
            %get3A_1772 = tpu.memref_squeeze %get3A_1771 : memref<1x3840xf32, #tpu.memory_space<vmem>> -> memref<3840xf32, #tpu.memory_space<vmem>>
            %get3A_1773 = arith.constant 0 : index
            %get3A_1774 = tpu.vector_load %get3A_1772[%get3A_1773] {strides = array<i32>} : memref<3840xf32, #tpu.memory_space<vmem>>, vector<16xf32>,
            %get3A_1775 = vector.shape_cast %get3A_1774 : vector<16xf32> to vector<16xf32>
            %swap3A_1776 = arith.index_cast %cond3A_880 : i32 to index
            %swap3A_1777 = arith.constant 0 : index
            %swap3A_1778 = tpu.vector_load %arg9[%swap3A_1776, %swap3A_1777] {strides = array<i32>} : memref<8x16xf32, #tpu.memory_space<vmem>>, vector<1x16xf32>,
            %swap3A_1779 = vector.shape_cast %swap3A_1778 : vector<1x16xf32> to vector<16xf32>
            %swap3A_1780 = vector.shape_cast %get3A_1775 : vector<16xf32> to vector<1x16xf32>
            tpu.vector_store %arg9[%swap3A_1776, %swap3A_1777], %swap3A_1780 {strides = array<i32>} : memref<8x16xf32, #tpu.memory_space<vmem>>, vector<1x16xf32>,
          } else {
          }
          %broadcast_in_dim3A_883 = arith.constant 0xFF800000 : f32
          %broadcast_in_dim3A_884 = vector.broadcast %broadcast_in_dim3A_883 : f32 to vector<16xf32>
          %get3A_885 = arith.constant 3 : i32
          %get3A_886 = arith.index_cast %get3A_885 : i32 to index
          %get3A_887 = arith.constant 0 : index
          %get3A_888 = tpu.vector_load %arg7[%get3A_886, %get3A_887] {strides = array<i32>} : memref<8x16xf32, #tpu.memory_space<vmem>>, vector<1x16xf32>,
          %get3A_889 = vector.shape_cast %get3A_888 : vector<1x16xf32> to vector<16xf32>
          %get3A_890 = arith.constant 3 : i32
          %get3A_891 = arith.index_cast %get3A_890 : i32 to index
          %get3A_892 = arith.constant 0 : index
          %get3A_893 = tpu.vector_load %arg8[%get3A_891, %get3A_892] {strides = array<i32>} : memref<8x16xf32, #tpu.memory_space<vmem>>, vector<1x16xf32>,
          %get3A_894 = vector.shape_cast %get3A_893 : vector<1x16xf32> to vector<16xf32>
          %scan3A_895 = arith.constant 3 : i32
          %scan3A_896 = arith.constant 0 : i32
          %scan3A_897 = arith.constant 240 : i32
          %scan3A_898 = arith.addi %scan3A_896, %scan3A_897 : i32
          %scan3A_899 = arith.constant 1 : i32
          %scan3A_900:3 = scf.for %scan3A_1738 = %scan3A_896 to %scan3A_898 step %scan3A_899 iter_args(%scan3A_1739 = %broadcast_in_dim3A_884, %scan3A_1740 = %get3A_889, %scan3A_1741 = %get3A_894) -> (vector<16xf32>, vector<16xf32>, vector<16xf32>)  : i32 {
            %mul3A_1742 = arith.constant 16 : i32
            %mul3A_1743 = arith.muli %scan3A_1738, %mul3A_1742 : i32
            %get3A_1744 = arith.constant 0 : i32
            %get3A_1745 = arith.constant 0 : i32
            %get3A_1746 = tpu.memref_slice %run_scoped3A[%rem3A_409, %get3A_1744, %get3A_1745] : memref<2x8x3840xf32, #tpu.memory_space<vmem>> -> memref<1x8x3840xf32, #tpu.memory_space<vmem>>
            %get3A_1747 = tpu.memref_squeeze %get3A_1746 : memref<1x8x3840xf32, #tpu.memory_space<vmem>> -> memref<8x3840xf32, #tpu.memory_space<vmem>>
            %get3A_1748 = arith.constant 0 : i32
            %get3A_1749 = tpu.memref_slice %get3A_1747[%scan3A_895, %get3A_1748] : memref<8x3840xf32, #tpu.memory_space<vmem>> -> memref<1x3840xf32, #tpu.memory_space<vmem>>
            %get3A_1750 = tpu.memref_squeeze %get3A_1749 : memref<1x3840xf32, #tpu.memory_space<vmem>> -> memref<3840xf32, #tpu.memory_space<vmem>>
            %get3A_1751 = arith.index_cast %mul3A_1743 : i32 to index
            %get3A_1752 = tpu.vector_load %get3A_1750[%get3A_1751] {strides = array<i32>} : memref<3840xf32, #tpu.memory_space<vmem>>, vector<16xf32>,
            %get3A_1753 = vector.shape_cast %get3A_1752 : vector<16xf32> to vector<16xf32>
            %max3A_1754 = arith.maximumf %scan3A_1739, %get3A_1753 : vector<16xf32>
            %add3A_1755 = arith.addf %scan3A_1740, %get3A_1753 : vector<16xf32>
            %mul3A_1756 = arith.constant 3840 : i32
            %mul3A_1757 = arith.muli %add3A_269, %mul3A_1756 : i32
            %mul3A_1758 = arith.constant 16 : i32
            %mul3A_1759 = arith.muli %scan3A_1738, %mul3A_1758 : i32
            %add3A_1760 = arith.addi %mul3A_1757, %mul3A_1759 : i32
            %sub3A_1761 = vector.broadcast %add3A_1760 : i32 to vector<16xi32>
            %sub3A_1762 = arith.subi %get3A_871, %sub3A_1761 : vector<16xi32>
            %eq3A_1763 = arith.cmpi eq, %iota3A, %sub3A_1762 : vector<16xi32>
            %jit3A_1764 = arith.constant 0.000000e+00 : f32
            %broadcast_in_dim3A_1765 = vector.broadcast %jit3A_1764 : f32 to vector<16xf32>
            %select_n3A_1766 = arith.select %eq3A_1763, %get3A_1753, %broadcast_in_dim3A_1765 : vector<16xi1>, vector<16xf32>
            %add3A_1767 = arith.addf %scan3A_1741, %select_n3A_1766 : vector<16xf32>
            scf.yield %max3A_1754, %add3A_1755, %add3A_1767 : vector<16xf32>, vector<16xf32>, vector<16xf32>
          }
          %scan3A_901 = arith.constant 240 : i32
          %get3A_902 = arith.constant 3 : i32
          %get3A_903 = arith.index_cast %get3A_902 : i32 to index
          %get3A_904 = arith.constant 0 : index
          %get3A_905 = tpu.vector_load %arg5[%get3A_903, %get3A_904] {strides = array<i32>} : memref<8x16xf32, #tpu.memory_space<vmem>>, vector<1x16xf32>,
          %get3A_906 = vector.shape_cast %get3A_905 : vector<1x16xf32> to vector<16xf32>
          %max3A_907 = arith.maximumf %get3A_906, %scan3A_900#0 : vector<16xf32>
          %get3A_908 = arith.constant 3 : i32
          %get3A_909 = arith.index_cast %get3A_908 : i32 to index
          %get3A_910 = arith.constant 0 : index
          %get3A_911 = tpu.vector_load %arg6[%get3A_909, %get3A_910] {strides = array<i32>} : memref<8x16xf32, #tpu.memory_space<vmem>>, vector<1x16xf32>,
          %get3A_912 = vector.shape_cast %get3A_911 : vector<1x16xf32> to vector<16xf32>
          %sub3A_913 = arith.subf %get3A_906, %max3A_907 : vector<16xf32>
          %exp3A_914 = math.exp %sub3A_913 : vector<16xf32>
          %mul3A_915 = arith.mulf %get3A_912, %exp3A_914 : vector<16xf32>
          %scan3A_916 = arith.constant 3 : i32
          %scan3A_917 = arith.constant 0 : i32
          %scan3A_918 = arith.constant 240 : i32
          %scan3A_919 = arith.addi %scan3A_917, %scan3A_918 : i32
          %scan3A_920 = arith.constant 1 : i32
          %scan3A_921 = scf.for %scan3A_1738 = %scan3A_917 to %scan3A_919 step %scan3A_920 iter_args(%scan3A_1739 = %mul3A_915) -> (vector<16xf32>)  : i32 {
            %mul3A_1740 = arith.constant 16 : i32
            %mul3A_1741 = arith.muli %scan3A_1738, %mul3A_1740 : i32
            %get3A_1742 = arith.constant 0 : i32
            %get3A_1743 = arith.constant 0 : i32
            %get3A_1744 = tpu.memref_slice %run_scoped3A[%rem3A_409, %get3A_1742, %get3A_1743] : memref<2x8x3840xf32, #tpu.memory_space<vmem>> -> memref<1x8x3840xf32, #tpu.memory_space<vmem>>
            %get3A_1745 = tpu.memref_squeeze %get3A_1744 : memref<1x8x3840xf32, #tpu.memory_space<vmem>> -> memref<8x3840xf32, #tpu.memory_space<vmem>>
            %get3A_1746 = arith.constant 0 : i32
            %get3A_1747 = tpu.memref_slice %get3A_1745[%scan3A_916, %get3A_1746] : memref<8x3840xf32, #tpu.memory_space<vmem>> -> memref<1x3840xf32, #tpu.memory_space<vmem>>
            %get3A_1748 = tpu.memref_squeeze %get3A_1747 : memref<1x3840xf32, #tpu.memory_space<vmem>> -> memref<3840xf32, #tpu.memory_space<vmem>>
            %get3A_1749 = arith.index_cast %mul3A_1741 : i32 to index
            %get3A_1750 = tpu.vector_load %get3A_1748[%get3A_1749] {strides = array<i32>} : memref<3840xf32, #tpu.memory_space<vmem>>, vector<16xf32>,
            %get3A_1751 = vector.shape_cast %get3A_1750 : vector<16xf32> to vector<16xf32>
            %sub3A_1752 = arith.subf %get3A_1751, %max3A_907 : vector<16xf32>
            %exp3A_1753 = math.exp %sub3A_1752 : vector<16xf32>
            %add3A_1754 = arith.addf %scan3A_1739, %exp3A_1753 : vector<16xf32>
            scf.yield %add3A_1754 : vector<16xf32>
          }
          %scan3A_922 = arith.constant 240 : i32
          %swap3A_923 = arith.constant 3 : i32
          %swap3A_924 = arith.index_cast %swap3A_923 : i32 to index
          %swap3A_925 = arith.constant 0 : index
          %swap3A_926 = tpu.vector_load %arg5[%swap3A_924, %swap3A_925] {strides = array<i32>} : memref<8x16xf32, #tpu.memory_space<vmem>>, vector<1x16xf32>,
          %swap3A_927 = vector.shape_cast %swap3A_926 : vector<1x16xf32> to vector<16xf32>
          %swap3A_928 = vector.shape_cast %max3A_907 : vector<16xf32> to vector<1x16xf32>
          tpu.vector_store %arg5[%swap3A_924, %swap3A_925], %swap3A_928 {strides = array<i32>} : memref<8x16xf32, #tpu.memory_space<vmem>>, vector<1x16xf32>,
          %swap3A_929 = arith.constant 3 : i32
          %swap3A_930 = arith.index_cast %swap3A_929 : i32 to index
          %swap3A_931 = arith.constant 0 : index
          %swap3A_932 = tpu.vector_load %arg6[%swap3A_930, %swap3A_931] {strides = array<i32>} : memref<8x16xf32, #tpu.memory_space<vmem>>, vector<1x16xf32>,
          %swap3A_933 = vector.shape_cast %swap3A_932 : vector<1x16xf32> to vector<16xf32>
          %swap3A_934 = vector.shape_cast %scan3A_921 : vector<16xf32> to vector<1x16xf32>
          tpu.vector_store %arg6[%swap3A_930, %swap3A_931], %swap3A_934 {strides = array<i32>} : memref<8x16xf32, #tpu.memory_space<vmem>>, vector<1x16xf32>,
          %swap3A_935 = arith.constant 3 : i32
          %swap3A_936 = arith.index_cast %swap3A_935 : i32 to index
          %swap3A_937 = arith.constant 0 : index
          %swap3A_938 = tpu.vector_load %arg7[%swap3A_936, %swap3A_937] {strides = array<i32>} : memref<8x16xf32, #tpu.memory_space<vmem>>, vector<1x16xf32>,
          %swap3A_939 = vector.shape_cast %swap3A_938 : vector<1x16xf32> to vector<16xf32>
          %swap3A_940 = vector.shape_cast %scan3A_900#1 : vector<16xf32> to vector<1x16xf32>
          tpu.vector_store %arg7[%swap3A_936, %swap3A_937], %swap3A_940 {strides = array<i32>} : memref<8x16xf32, #tpu.memory_space<vmem>>, vector<1x16xf32>,
          %swap3A_941 = arith.constant 3 : i32
          %swap3A_942 = arith.index_cast %swap3A_941 : i32 to index
          %swap3A_943 = arith.constant 0 : index
          %swap3A_944 = tpu.vector_load %arg8[%swap3A_942, %swap3A_943] {strides = array<i32>} : memref<8x16xf32, #tpu.memory_space<vmem>>, vector<1x16xf32>,
          %swap3A_945 = vector.shape_cast %swap3A_944 : vector<1x16xf32> to vector<16xf32>
          %swap3A_946 = vector.shape_cast %scan3A_900#2 : vector<16xf32> to vector<1x16xf32>
          tpu.vector_store %arg8[%swap3A_942, %swap3A_943], %swap3A_946 {strides = array<i32>} : memref<8x16xf32, #tpu.memory_space<vmem>>, vector<1x16xf32>,
          %swap3A_947 = arith.constant 3 : i32
          %swap3A_948 = arith.constant 0 : i32
          %swap3A_949 = arith.constant 0 : i32
          %swap3A_950 = tpu.memref_slice %run_scoped3A_22[%rem3A_413, %swap3A_948, %swap3A_949] : memref<2x8x80xf32, #tpu.memory_space<vmem>> -> memref<1x8x80xf32, #tpu.memory_space<vmem>>
          %swap3A_951 = tpu.memref_squeeze %swap3A_950 : memref<1x8x80xf32, #tpu.memory_space<vmem>> -> memref<8x80xf32, #tpu.memory_space<vmem>>
          %swap3A_952 = arith.constant 0 : i32
          %swap3A_953 = tpu.memref_slice %swap3A_951[%swap3A_947, %swap3A_952] : memref<8x80xf32, #tpu.memory_space<vmem>> -> memref<1x80xf32, #tpu.memory_space<vmem>>
          %swap3A_954 = tpu.memref_squeeze %swap3A_953 : memref<1x80xf32, #tpu.memory_space<vmem>> -> memref<80xf32, #tpu.memory_space<vmem>>
          %swap3A_955 = arith.constant 0 : index
          %swap3A_956 = tpu.vector_load %swap3A_954[%swap3A_955] {strides = array<i32>} : memref<80xf32, #tpu.memory_space<vmem>>, vector<16xf32>,
          %swap3A_957 = vector.shape_cast %swap3A_956 : vector<16xf32> to vector<16xf32>
          %swap3A_958 = vector.shape_cast %max3A_907 : vector<16xf32> to vector<16xf32>
          tpu.vector_store %swap3A_954[%swap3A_955], %swap3A_958 {strides = array<i32>} : memref<80xf32, #tpu.memory_space<vmem>>, vector<16xf32>,
          %swap3A_959 = arith.constant 3 : i32
          %swap3A_960 = arith.constant 0 : i32
          %swap3A_961 = arith.constant 0 : i32
          %swap3A_962 = tpu.memref_slice %run_scoped3A_22[%rem3A_413, %swap3A_960, %swap3A_961] : memref<2x8x80xf32, #tpu.memory_space<vmem>> -> memref<1x8x80xf32, #tpu.memory_space<vmem>>
          %swap3A_963 = tpu.memref_squeeze %swap3A_962 : memref<1x8x80xf32, #tpu.memory_space<vmem>> -> memref<8x80xf32, #tpu.memory_space<vmem>>
          %swap3A_964 = arith.constant 0 : i32
          %swap3A_965 = tpu.memref_slice %swap3A_963[%swap3A_959, %swap3A_964] : memref<8x80xf32, #tpu.memory_space<vmem>> -> memref<1x80xf32, #tpu.memory_space<vmem>>
          %swap3A_966 = tpu.memref_squeeze %swap3A_965 : memref<1x80xf32, #tpu.memory_space<vmem>> -> memref<80xf32, #tpu.memory_space<vmem>>
          %swap3A_967 = arith.constant 16 : index
          %swap3A_968 = tpu.vector_load %swap3A_966[%swap3A_967] {strides = array<i32>} : memref<80xf32, #tpu.memory_space<vmem>>, vector<16xf32>,
          %swap3A_969 = vector.shape_cast %swap3A_968 : vector<16xf32> to vector<16xf32>
          %swap3A_970 = vector.shape_cast %scan3A_921 : vector<16xf32> to vector<16xf32>
          tpu.vector_store %swap3A_966[%swap3A_967], %swap3A_970 {strides = array<i32>} : memref<80xf32, #tpu.memory_space<vmem>>, vector<16xf32>,
          %swap3A_971 = arith.constant 3 : i32
          %swap3A_972 = arith.constant 0 : i32
          %swap3A_973 = arith.constant 0 : i32
          %swap3A_974 = tpu.memref_slice %run_scoped3A_22[%rem3A_413, %swap3A_972, %swap3A_973] : memref<2x8x80xf32, #tpu.memory_space<vmem>> -> memref<1x8x80xf32, #tpu.memory_space<vmem>>
          %swap3A_975 = tpu.memref_squeeze %swap3A_974 : memref<1x8x80xf32, #tpu.memory_space<vmem>> -> memref<8x80xf32, #tpu.memory_space<vmem>>
          %swap3A_976 = arith.constant 0 : i32
          %swap3A_977 = tpu.memref_slice %swap3A_975[%swap3A_971, %swap3A_976] : memref<8x80xf32, #tpu.memory_space<vmem>> -> memref<1x80xf32, #tpu.memory_space<vmem>>
          %swap3A_978 = tpu.memref_squeeze %swap3A_977 : memref<1x80xf32, #tpu.memory_space<vmem>> -> memref<80xf32, #tpu.memory_space<vmem>>
          %swap3A_979 = arith.constant 32 : index
          %swap3A_980 = tpu.vector_load %swap3A_978[%swap3A_979] {strides = array<i32>} : memref<80xf32, #tpu.memory_space<vmem>>, vector<16xf32>,
          %swap3A_981 = vector.shape_cast %swap3A_980 : vector<16xf32> to vector<16xf32>
          %swap3A_982 = vector.shape_cast %scan3A_900#1 : vector<16xf32> to vector<16xf32>
          tpu.vector_store %swap3A_978[%swap3A_979], %swap3A_982 {strides = array<i32>} : memref<80xf32, #tpu.memory_space<vmem>>, vector<16xf32>,
          %swap3A_983 = arith.constant 3 : i32
          %swap3A_984 = arith.constant 0 : i32
          %swap3A_985 = arith.constant 0 : i32
          %swap3A_986 = tpu.memref_slice %run_scoped3A_22[%rem3A_413, %swap3A_984, %swap3A_985] : memref<2x8x80xf32, #tpu.memory_space<vmem>> -> memref<1x8x80xf32, #tpu.memory_space<vmem>>
          %swap3A_987 = tpu.memref_squeeze %swap3A_986 : memref<1x8x80xf32, #tpu.memory_space<vmem>> -> memref<8x80xf32, #tpu.memory_space<vmem>>
          %swap3A_988 = arith.constant 0 : i32
          %swap3A_989 = tpu.memref_slice %swap3A_987[%swap3A_983, %swap3A_988] : memref<8x80xf32, #tpu.memory_space<vmem>> -> memref<1x80xf32, #tpu.memory_space<vmem>>
          %swap3A_990 = tpu.memref_squeeze %swap3A_989 : memref<1x80xf32, #tpu.memory_space<vmem>> -> memref<80xf32, #tpu.memory_space<vmem>>
          %swap3A_991 = arith.constant 48 : index
          %swap3A_992 = tpu.vector_load %swap3A_990[%swap3A_991] {strides = array<i32>} : memref<80xf32, #tpu.memory_space<vmem>>, vector<16xf32>,
          %swap3A_993 = vector.shape_cast %swap3A_992 : vector<16xf32> to vector<16xf32>
          %swap3A_994 = vector.shape_cast %scan3A_900#2 : vector<16xf32> to vector<16xf32>
          tpu.vector_store %swap3A_990[%swap3A_991], %swap3A_994 {strides = array<i32>} : memref<80xf32, #tpu.memory_space<vmem>>, vector<16xf32>,
          %get3A_995 = arith.constant 3 : i32
          %get3A_996 = arith.index_cast %get3A_995 : i32 to index
          %get3A_997 = arith.constant 0 : index
          %get3A_998 = tpu.vector_load %arg9[%get3A_996, %get3A_997] {strides = array<i32>} : memref<8x16xf32, #tpu.memory_space<vmem>>, vector<1x16xf32>,
          %get3A_999 = vector.shape_cast %get3A_998 : vector<1x16xf32> to vector<16xf32>
          %swap3A_1000 = arith.constant 3 : i32
          %swap3A_1001 = arith.constant 0 : i32
          %swap3A_1002 = arith.constant 0 : i32
          %swap3A_1003 = tpu.memref_slice %run_scoped3A_22[%rem3A_413, %swap3A_1001, %swap3A_1002] : memref<2x8x80xf32, #tpu.memory_space<vmem>> -> memref<1x8x80xf32, #tpu.memory_space<vmem>>
          %swap3A_1004 = tpu.memref_squeeze %swap3A_1003 : memref<1x8x80xf32, #tpu.memory_space<vmem>> -> memref<8x80xf32, #tpu.memory_space<vmem>>
          %swap3A_1005 = arith.constant 0 : i32
          %swap3A_1006 = tpu.memref_slice %swap3A_1004[%swap3A_1000, %swap3A_1005] : memref<8x80xf32, #tpu.memory_space<vmem>> -> memref<1x80xf32, #tpu.memory_space<vmem>>
          %swap3A_1007 = tpu.memref_squeeze %swap3A_1006 : memref<1x80xf32, #tpu.memory_space<vmem>> -> memref<80xf32, #tpu.memory_space<vmem>>
          %swap3A_1008 = arith.constant 64 : index
          %swap3A_1009 = tpu.vector_load %swap3A_1007[%swap3A_1008] {strides = array<i32>} : memref<80xf32, #tpu.memory_space<vmem>>, vector<16xf32>,
          %swap3A_1010 = vector.shape_cast %swap3A_1009 : vector<16xf32> to vector<16xf32>
          %swap3A_1011 = vector.shape_cast %get3A_999 : vector<16xf32> to vector<16xf32>
          tpu.vector_store %swap3A_1007[%swap3A_1008], %swap3A_1011 {strides = array<i32>} : memref<80xf32, #tpu.memory_space<vmem>>, vector<16xf32>,
          %get3A_1012 = arith.constant 4 : i32
          %get3A_1013 = arith.constant 0 : i32
          %get3A_1014 = arith.constant 0 : i32
          %get3A_1015 = tpu.memref_slice %run_scoped3A_20[%rem3A_411, %get3A_1013, %get3A_1014] : memref<2x8x16xi32, #tpu.memory_space<vmem>> -> memref<1x8x16xi32, #tpu.memory_space<vmem>>
          %get3A_1016 = tpu.memref_squeeze %get3A_1015 : memref<1x8x16xi32, #tpu.memory_space<vmem>> -> memref<8x16xi32, #tpu.memory_space<vmem>>
          %get3A_1017 = arith.constant 0 : i32
          %get3A_1018 = tpu.memref_slice %get3A_1016[%get3A_1012, %get3A_1017] : memref<8x16xi32, #tpu.memory_space<vmem>> -> memref<1x16xi32, #tpu.memory_space<vmem>>
          %get3A_1019 = tpu.memref_squeeze %get3A_1018 : memref<1x16xi32, #tpu.memory_space<vmem>> -> memref<16xi32, #tpu.memory_space<vmem>>
          %get3A_1020 = arith.constant 0 : index
          %get3A_1021 = tpu.vector_load %get3A_1019[%get3A_1020] {strides = array<i32>} : memref<16xi32, #tpu.memory_space<vmem>>, vector<16xi32>,
          %get3A_1022 = vector.shape_cast %get3A_1021 : vector<16xi32> to vector<16xi32>
          %eq3A_1023 = arith.constant 0 : i32
          %eq3A_1024 = arith.cmpi eq, %add3A_269, %eq3A_1023 : i32
          %convert_element_type3A_1025 = arith.extui %eq3A_1024 : i1 to i32
          %cond3A_1026 = arith.constant 4 : i32
          %cond3A_1027 = arith.constant 4 : i32
          %cond3A_1028 = arith.constant 4 : i32
          %cond3A_1029 = arith.constant 4 : i32
          %cond3A_1030 = arith.constant 4 : i32
          %cond3A_1031 = arith.constant 4 : i32
          %cond3A_1032 = arith.constant 0 : i32
          %cond3A_1033 = arith.cmpi ne, %convert_element_type3A_1025, %cond3A_1032 : i32
          scf.if %cond3A_1033 {
            %broadcast_in_dim3A_1738 = arith.constant 0xFF800000 : f32
            %broadcast_in_dim3A_1739 = vector.broadcast %broadcast_in_dim3A_1738 : f32 to vector<16xf32>
            %swap3A_1740 = arith.index_cast %cond3A_1026 : i32 to index
            %swap3A_1741 = arith.constant 0 : index
            %swap3A_1742 = tpu.vector_load %arg5[%swap3A_1740, %swap3A_1741] {strides = array<i32>} : memref<8x16xf32, #tpu.memory_space<vmem>>, vector<1x16xf32>,
            %swap3A_1743 = vector.shape_cast %swap3A_1742 : vector<1x16xf32> to vector<16xf32>
            %swap3A_1744 = vector.shape_cast %broadcast_in_dim3A_1739 : vector<16xf32> to vector<1x16xf32>
            tpu.vector_store %arg5[%swap3A_1740, %swap3A_1741], %swap3A_1744 {strides = array<i32>} : memref<8x16xf32, #tpu.memory_space<vmem>>, vector<1x16xf32>,
            %broadcast_in_dim3A_1745 = arith.constant 0.000000e+00 : f32
            %broadcast_in_dim3A_1746 = vector.broadcast %broadcast_in_dim3A_1745 : f32 to vector<16xf32>
            %swap3A_1747 = arith.index_cast %cond3A_1027 : i32 to index
            %swap3A_1748 = arith.constant 0 : index
            %swap3A_1749 = tpu.vector_load %arg6[%swap3A_1747, %swap3A_1748] {strides = array<i32>} : memref<8x16xf32, #tpu.memory_space<vmem>>, vector<1x16xf32>,
            %swap3A_1750 = vector.shape_cast %swap3A_1749 : vector<1x16xf32> to vector<16xf32>
            %swap3A_1751 = vector.shape_cast %broadcast_in_dim3A_1746 : vector<16xf32> to vector<1x16xf32>
            tpu.vector_store %arg6[%swap3A_1747, %swap3A_1748], %swap3A_1751 {strides = array<i32>} : memref<8x16xf32, #tpu.memory_space<vmem>>, vector<1x16xf32>,
            %broadcast_in_dim3A_1752 = arith.constant 0.000000e+00 : f32
            %broadcast_in_dim3A_1753 = vector.broadcast %broadcast_in_dim3A_1752 : f32 to vector<16xf32>
            %swap3A_1754 = arith.index_cast %cond3A_1028 : i32 to index
            %swap3A_1755 = arith.constant 0 : index
            %swap3A_1756 = tpu.vector_load %arg7[%swap3A_1754, %swap3A_1755] {strides = array<i32>} : memref<8x16xf32, #tpu.memory_space<vmem>>, vector<1x16xf32>,
            %swap3A_1757 = vector.shape_cast %swap3A_1756 : vector<1x16xf32> to vector<16xf32>
            %swap3A_1758 = vector.shape_cast %broadcast_in_dim3A_1753 : vector<16xf32> to vector<1x16xf32>
            tpu.vector_store %arg7[%swap3A_1754, %swap3A_1755], %swap3A_1758 {strides = array<i32>} : memref<8x16xf32, #tpu.memory_space<vmem>>, vector<1x16xf32>,
            %broadcast_in_dim3A_1759 = arith.constant 0.000000e+00 : f32
            %broadcast_in_dim3A_1760 = vector.broadcast %broadcast_in_dim3A_1759 : f32 to vector<16xf32>
            %swap3A_1761 = arith.index_cast %cond3A_1029 : i32 to index
            %swap3A_1762 = arith.constant 0 : index
            %swap3A_1763 = tpu.vector_load %arg8[%swap3A_1761, %swap3A_1762] {strides = array<i32>} : memref<8x16xf32, #tpu.memory_space<vmem>>, vector<1x16xf32>,
            %swap3A_1764 = vector.shape_cast %swap3A_1763 : vector<1x16xf32> to vector<16xf32>
            %swap3A_1765 = vector.shape_cast %broadcast_in_dim3A_1760 : vector<16xf32> to vector<1x16xf32>
            tpu.vector_store %arg8[%swap3A_1761, %swap3A_1762], %swap3A_1765 {strides = array<i32>} : memref<8x16xf32, #tpu.memory_space<vmem>>, vector<1x16xf32>,
            %get3A_1766 = arith.constant 0 : i32
            %get3A_1767 = arith.constant 0 : i32
            %get3A_1768 = tpu.memref_slice %run_scoped3A[%rem3A_409, %get3A_1766, %get3A_1767] : memref<2x8x3840xf32, #tpu.memory_space<vmem>> -> memref<1x8x3840xf32, #tpu.memory_space<vmem>>
            %get3A_1769 = tpu.memref_squeeze %get3A_1768 : memref<1x8x3840xf32, #tpu.memory_space<vmem>> -> memref<8x3840xf32, #tpu.memory_space<vmem>>
            %get3A_1770 = arith.constant 0 : i32
            %get3A_1771 = tpu.memref_slice %get3A_1769[%cond3A_1030, %get3A_1770] : memref<8x3840xf32, #tpu.memory_space<vmem>> -> memref<1x3840xf32, #tpu.memory_space<vmem>>
            %get3A_1772 = tpu.memref_squeeze %get3A_1771 : memref<1x3840xf32, #tpu.memory_space<vmem>> -> memref<3840xf32, #tpu.memory_space<vmem>>
            %get3A_1773 = arith.constant 0 : index
            %get3A_1774 = tpu.vector_load %get3A_1772[%get3A_1773] {strides = array<i32>} : memref<3840xf32, #tpu.memory_space<vmem>>, vector<16xf32>,
            %get3A_1775 = vector.shape_cast %get3A_1774 : vector<16xf32> to vector<16xf32>
            %swap3A_1776 = arith.index_cast %cond3A_1031 : i32 to index
            %swap3A_1777 = arith.constant 0 : index
            %swap3A_1778 = tpu.vector_load %arg9[%swap3A_1776, %swap3A_1777] {strides = array<i32>} : memref<8x16xf32, #tpu.memory_space<vmem>>, vector<1x16xf32>,
            %swap3A_1779 = vector.shape_cast %swap3A_1778 : vector<1x16xf32> to vector<16xf32>
            %swap3A_1780 = vector.shape_cast %get3A_1775 : vector<16xf32> to vector<1x16xf32>
            tpu.vector_store %arg9[%swap3A_1776, %swap3A_1777], %swap3A_1780 {strides = array<i32>} : memref<8x16xf32, #tpu.memory_space<vmem>>, vector<1x16xf32>,
          } else {
          }
          %broadcast_in_dim3A_1034 = arith.constant 0xFF800000 : f32
          %broadcast_in_dim3A_1035 = vector.broadcast %broadcast_in_dim3A_1034 : f32 to vector<16xf32>
          %get3A_1036 = arith.constant 4 : i32
          %get3A_1037 = arith.index_cast %get3A_1036 : i32 to index
          %get3A_1038 = arith.constant 0 : index
          %get3A_1039 = tpu.vector_load %arg7[%get3A_1037, %get3A_1038] {strides = array<i32>} : memref<8x16xf32, #tpu.memory_space<vmem>>, vector<1x16xf32>,
          %get3A_1040 = vector.shape_cast %get3A_1039 : vector<1x16xf32> to vector<16xf32>
          %get3A_1041 = arith.constant 4 : i32
          %get3A_1042 = arith.index_cast %get3A_1041 : i32 to index
          %get3A_1043 = arith.constant 0 : index
          %get3A_1044 = tpu.vector_load %arg8[%get3A_1042, %get3A_1043] {strides = array<i32>} : memref<8x16xf32, #tpu.memory_space<vmem>>, vector<1x16xf32>,
          %get3A_1045 = vector.shape_cast %get3A_1044 : vector<1x16xf32> to vector<16xf32>
          %scan3A_1046 = arith.constant 4 : i32
          %scan3A_1047 = arith.constant 0 : i32
          %scan3A_1048 = arith.constant 240 : i32
          %scan3A_1049 = arith.addi %scan3A_1047, %scan3A_1048 : i32
          %scan3A_1050 = arith.constant 1 : i32
          %scan3A_1051:3 = scf.for %scan3A_1738 = %scan3A_1047 to %scan3A_1049 step %scan3A_1050 iter_args(%scan3A_1739 = %broadcast_in_dim3A_1035, %scan3A_1740 = %get3A_1040, %scan3A_1741 = %get3A_1045) -> (vector<16xf32>, vector<16xf32>, vector<16xf32>)  : i32 {
            %mul3A_1742 = arith.constant 16 : i32
            %mul3A_1743 = arith.muli %scan3A_1738, %mul3A_1742 : i32
            %get3A_1744 = arith.constant 0 : i32
            %get3A_1745 = arith.constant 0 : i32
            %get3A_1746 = tpu.memref_slice %run_scoped3A[%rem3A_409, %get3A_1744, %get3A_1745] : memref<2x8x3840xf32, #tpu.memory_space<vmem>> -> memref<1x8x3840xf32, #tpu.memory_space<vmem>>
            %get3A_1747 = tpu.memref_squeeze %get3A_1746 : memref<1x8x3840xf32, #tpu.memory_space<vmem>> -> memref<8x3840xf32, #tpu.memory_space<vmem>>
            %get3A_1748 = arith.constant 0 : i32
            %get3A_1749 = tpu.memref_slice %get3A_1747[%scan3A_1046, %get3A_1748] : memref<8x3840xf32, #tpu.memory_space<vmem>> -> memref<1x3840xf32, #tpu.memory_space<vmem>>
            %get3A_1750 = tpu.memref_squeeze %get3A_1749 : memref<1x3840xf32, #tpu.memory_space<vmem>> -> memref<3840xf32, #tpu.memory_space<vmem>>
            %get3A_1751 = arith.index_cast %mul3A_1743 : i32 to index
            %get3A_1752 = tpu.vector_load %get3A_1750[%get3A_1751] {strides = array<i32>} : memref<3840xf32, #tpu.memory_space<vmem>>, vector<16xf32>,
            %get3A_1753 = vector.shape_cast %get3A_1752 : vector<16xf32> to vector<16xf32>
            %max3A_1754 = arith.maximumf %scan3A_1739, %get3A_1753 : vector<16xf32>
            %add3A_1755 = arith.addf %scan3A_1740, %get3A_1753 : vector<16xf32>
            %mul3A_1756 = arith.constant 3840 : i32
            %mul3A_1757 = arith.muli %add3A_269, %mul3A_1756 : i32
            %mul3A_1758 = arith.constant 16 : i32
            %mul3A_1759 = arith.muli %scan3A_1738, %mul3A_1758 : i32
            %add3A_1760 = arith.addi %mul3A_1757, %mul3A_1759 : i32
            %sub3A_1761 = vector.broadcast %add3A_1760 : i32 to vector<16xi32>
            %sub3A_1762 = arith.subi %get3A_1022, %sub3A_1761 : vector<16xi32>
            %eq3A_1763 = arith.cmpi eq, %iota3A, %sub3A_1762 : vector<16xi32>
            %jit3A_1764 = arith.constant 0.000000e+00 : f32
            %broadcast_in_dim3A_1765 = vector.broadcast %jit3A_1764 : f32 to vector<16xf32>
            %select_n3A_1766 = arith.select %eq3A_1763, %get3A_1753, %broadcast_in_dim3A_1765 : vector<16xi1>, vector<16xf32>
            %add3A_1767 = arith.addf %scan3A_1741, %select_n3A_1766 : vector<16xf32>
            scf.yield %max3A_1754, %add3A_1755, %add3A_1767 : vector<16xf32>, vector<16xf32>, vector<16xf32>
          }
          %scan3A_1052 = arith.constant 240 : i32
          %get3A_1053 = arith.constant 4 : i32
          %get3A_1054 = arith.index_cast %get3A_1053 : i32 to index
          %get3A_1055 = arith.constant 0 : index
          %get3A_1056 = tpu.vector_load %arg5[%get3A_1054, %get3A_1055] {strides = array<i32>} : memref<8x16xf32, #tpu.memory_space<vmem>>, vector<1x16xf32>,
          %get3A_1057 = vector.shape_cast %get3A_1056 : vector<1x16xf32> to vector<16xf32>
          %max3A_1058 = arith.maximumf %get3A_1057, %scan3A_1051#0 : vector<16xf32>
          %get3A_1059 = arith.constant 4 : i32
          %get3A_1060 = arith.index_cast %get3A_1059 : i32 to index
          %get3A_1061 = arith.constant 0 : index
          %get3A_1062 = tpu.vector_load %arg6[%get3A_1060, %get3A_1061] {strides = array<i32>} : memref<8x16xf32, #tpu.memory_space<vmem>>, vector<1x16xf32>,
          %get3A_1063 = vector.shape_cast %get3A_1062 : vector<1x16xf32> to vector<16xf32>
          %sub3A_1064 = arith.subf %get3A_1057, %max3A_1058 : vector<16xf32>
          %exp3A_1065 = math.exp %sub3A_1064 : vector<16xf32>
          %mul3A_1066 = arith.mulf %get3A_1063, %exp3A_1065 : vector<16xf32>
          %scan3A_1067 = arith.constant 4 : i32
          %scan3A_1068 = arith.constant 0 : i32
          %scan3A_1069 = arith.constant 240 : i32
          %scan3A_1070 = arith.addi %scan3A_1068, %scan3A_1069 : i32
          %scan3A_1071 = arith.constant 1 : i32
          %scan3A_1072 = scf.for %scan3A_1738 = %scan3A_1068 to %scan3A_1070 step %scan3A_1071 iter_args(%scan3A_1739 = %mul3A_1066) -> (vector<16xf32>)  : i32 {
            %mul3A_1740 = arith.constant 16 : i32
            %mul3A_1741 = arith.muli %scan3A_1738, %mul3A_1740 : i32
            %get3A_1742 = arith.constant 0 : i32
            %get3A_1743 = arith.constant 0 : i32
            %get3A_1744 = tpu.memref_slice %run_scoped3A[%rem3A_409, %get3A_1742, %get3A_1743] : memref<2x8x3840xf32, #tpu.memory_space<vmem>> -> memref<1x8x3840xf32, #tpu.memory_space<vmem>>
            %get3A_1745 = tpu.memref_squeeze %get3A_1744 : memref<1x8x3840xf32, #tpu.memory_space<vmem>> -> memref<8x3840xf32, #tpu.memory_space<vmem>>
            %get3A_1746 = arith.constant 0 : i32
            %get3A_1747 = tpu.memref_slice %get3A_1745[%scan3A_1067, %get3A_1746] : memref<8x3840xf32, #tpu.memory_space<vmem>> -> memref<1x3840xf32, #tpu.memory_space<vmem>>
            %get3A_1748 = tpu.memref_squeeze %get3A_1747 : memref<1x3840xf32, #tpu.memory_space<vmem>> -> memref<3840xf32, #tpu.memory_space<vmem>>
            %get3A_1749 = arith.index_cast %mul3A_1741 : i32 to index
            %get3A_1750 = tpu.vector_load %get3A_1748[%get3A_1749] {strides = array<i32>} : memref<3840xf32, #tpu.memory_space<vmem>>, vector<16xf32>,
            %get3A_1751 = vector.shape_cast %get3A_1750 : vector<16xf32> to vector<16xf32>
            %sub3A_1752 = arith.subf %get3A_1751, %max3A_1058 : vector<16xf32>
            %exp3A_1753 = math.exp %sub3A_1752 : vector<16xf32>
            %add3A_1754 = arith.addf %scan3A_1739, %exp3A_1753 : vector<16xf32>
            scf.yield %add3A_1754 : vector<16xf32>
          }
          %scan3A_1073 = arith.constant 240 : i32
          %swap3A_1074 = arith.constant 4 : i32
          %swap3A_1075 = arith.index_cast %swap3A_1074 : i32 to index
          %swap3A_1076 = arith.constant 0 : index
          %swap3A_1077 = tpu.vector_load %arg5[%swap3A_1075, %swap3A_1076] {strides = array<i32>} : memref<8x16xf32, #tpu.memory_space<vmem>>, vector<1x16xf32>,
          %swap3A_1078 = vector.shape_cast %swap3A_1077 : vector<1x16xf32> to vector<16xf32>
          %swap3A_1079 = vector.shape_cast %max3A_1058 : vector<16xf32> to vector<1x16xf32>
          tpu.vector_store %arg5[%swap3A_1075, %swap3A_1076], %swap3A_1079 {strides = array<i32>} : memref<8x16xf32, #tpu.memory_space<vmem>>, vector<1x16xf32>,
          %swap3A_1080 = arith.constant 4 : i32
          %swap3A_1081 = arith.index_cast %swap3A_1080 : i32 to index
          %swap3A_1082 = arith.constant 0 : index
          %swap3A_1083 = tpu.vector_load %arg6[%swap3A_1081, %swap3A_1082] {strides = array<i32>} : memref<8x16xf32, #tpu.memory_space<vmem>>, vector<1x16xf32>,
          %swap3A_1084 = vector.shape_cast %swap3A_1083 : vector<1x16xf32> to vector<16xf32>
          %swap3A_1085 = vector.shape_cast %scan3A_1072 : vector<16xf32> to vector<1x16xf32>
          tpu.vector_store %arg6[%swap3A_1081, %swap3A_1082], %swap3A_1085 {strides = array<i32>} : memref<8x16xf32, #tpu.memory_space<vmem>>, vector<1x16xf32>,
          %swap3A_1086 = arith.constant 4 : i32
          %swap3A_1087 = arith.index_cast %swap3A_1086 : i32 to index
          %swap3A_1088 = arith.constant 0 : index
          %swap3A_1089 = tpu.vector_load %arg7[%swap3A_1087, %swap3A_1088] {strides = array<i32>} : memref<8x16xf32, #tpu.memory_space<vmem>>, vector<1x16xf32>,
          %swap3A_1090 = vector.shape_cast %swap3A_1089 : vector<1x16xf32> to vector<16xf32>
          %swap3A_1091 = vector.shape_cast %scan3A_1051#1 : vector<16xf32> to vector<1x16xf32>
          tpu.vector_store %arg7[%swap3A_1087, %swap3A_1088], %swap3A_1091 {strides = array<i32>} : memref<8x16xf32, #tpu.memory_space<vmem>>, vector<1x16xf32>,
          %swap3A_1092 = arith.constant 4 : i32
          %swap3A_1093 = arith.index_cast %swap3A_1092 : i32 to index
          %swap3A_1094 = arith.constant 0 : index
          %swap3A_1095 = tpu.vector_load %arg8[%swap3A_1093, %swap3A_1094] {strides = array<i32>} : memref<8x16xf32, #tpu.memory_space<vmem>>, vector<1x16xf32>,
          %swap3A_1096 = vector.shape_cast %swap3A_1095 : vector<1x16xf32> to vector<16xf32>
          %swap3A_1097 = vector.shape_cast %scan3A_1051#2 : vector<16xf32> to vector<1x16xf32>
          tpu.vector_store %arg8[%swap3A_1093, %swap3A_1094], %swap3A_1097 {strides = array<i32>} : memref<8x16xf32, #tpu.memory_space<vmem>>, vector<1x16xf32>,
          %swap3A_1098 = arith.constant 4 : i32
          %swap3A_1099 = arith.constant 0 : i32
          %swap3A_1100 = arith.constant 0 : i32
          %swap3A_1101 = tpu.memref_slice %run_scoped3A_22[%rem3A_413, %swap3A_1099, %swap3A_1100] : memref<2x8x80xf32, #tpu.memory_space<vmem>> -> memref<1x8x80xf32, #tpu.memory_space<vmem>>
          %swap3A_1102 = tpu.memref_squeeze %swap3A_1101 : memref<1x8x80xf32, #tpu.memory_space<vmem>> -> memref<8x80xf32, #tpu.memory_space<vmem>>
          %swap3A_1103 = arith.constant 0 : i32
          %swap3A_1104 = tpu.memref_slice %swap3A_1102[%swap3A_1098, %swap3A_1103] : memref<8x80xf32, #tpu.memory_space<vmem>> -> memref<1x80xf32, #tpu.memory_space<vmem>>
          %swap3A_1105 = tpu.memref_squeeze %swap3A_1104 : memref<1x80xf32, #tpu.memory_space<vmem>> -> memref<80xf32, #tpu.memory_space<vmem>>
          %swap3A_1106 = arith.constant 0 : index
          %swap3A_1107 = tpu.vector_load %swap3A_1105[%swap3A_1106] {strides = array<i32>} : memref<80xf32, #tpu.memory_space<vmem>>, vector<16xf32>,
          %swap3A_1108 = vector.shape_cast %swap3A_1107 : vector<16xf32> to vector<16xf32>
          %swap3A_1109 = vector.shape_cast %max3A_1058 : vector<16xf32> to vector<16xf32>
          tpu.vector_store %swap3A_1105[%swap3A_1106], %swap3A_1109 {strides = array<i32>} : memref<80xf32, #tpu.memory_space<vmem>>, vector<16xf32>,
          %swap3A_1110 = arith.constant 4 : i32
          %swap3A_1111 = arith.constant 0 : i32
          %swap3A_1112 = arith.constant 0 : i32
          %swap3A_1113 = tpu.memref_slice %run_scoped3A_22[%rem3A_413, %swap3A_1111, %swap3A_1112] : memref<2x8x80xf32, #tpu.memory_space<vmem>> -> memref<1x8x80xf32, #tpu.memory_space<vmem>>
          %swap3A_1114 = tpu.memref_squeeze %swap3A_1113 : memref<1x8x80xf32, #tpu.memory_space<vmem>> -> memref<8x80xf32, #tpu.memory_space<vmem>>
          %swap3A_1115 = arith.constant 0 : i32
          %swap3A_1116 = tpu.memref_slice %swap3A_1114[%swap3A_1110, %swap3A_1115] : memref<8x80xf32, #tpu.memory_space<vmem>> -> memref<1x80xf32, #tpu.memory_space<vmem>>
          %swap3A_1117 = tpu.memref_squeeze %swap3A_1116 : memref<1x80xf32, #tpu.memory_space<vmem>> -> memref<80xf32, #tpu.memory_space<vmem>>
          %swap3A_1118 = arith.constant 16 : index
          %swap3A_1119 = tpu.vector_load %swap3A_1117[%swap3A_1118] {strides = array<i32>} : memref<80xf32, #tpu.memory_space<vmem>>, vector<16xf32>,
          %swap3A_1120 = vector.shape_cast %swap3A_1119 : vector<16xf32> to vector<16xf32>
          %swap3A_1121 = vector.shape_cast %scan3A_1072 : vector<16xf32> to vector<16xf32>
          tpu.vector_store %swap3A_1117[%swap3A_1118], %swap3A_1121 {strides = array<i32>} : memref<80xf32, #tpu.memory_space<vmem>>, vector<16xf32>,
          %swap3A_1122 = arith.constant 4 : i32
          %swap3A_1123 = arith.constant 0 : i32
          %swap3A_1124 = arith.constant 0 : i32
          %swap3A_1125 = tpu.memref_slice %run_scoped3A_22[%rem3A_413, %swap3A_1123, %swap3A_1124] : memref<2x8x80xf32, #tpu.memory_space<vmem>> -> memref<1x8x80xf32, #tpu.memory_space<vmem>>
          %swap3A_1126 = tpu.memref_squeeze %swap3A_1125 : memref<1x8x80xf32, #tpu.memory_space<vmem>> -> memref<8x80xf32, #tpu.memory_space<vmem>>
          %swap3A_1127 = arith.constant 0 : i32
          %swap3A_1128 = tpu.memref_slice %swap3A_1126[%swap3A_1122, %swap3A_1127] : memref<8x80xf32, #tpu.memory_space<vmem>> -> memref<1x80xf32, #tpu.memory_space<vmem>>
          %swap3A_1129 = tpu.memref_squeeze %swap3A_1128 : memref<1x80xf32, #tpu.memory_space<vmem>> -> memref<80xf32, #tpu.memory_space<vmem>>
          %swap3A_1130 = arith.constant 32 : index
          %swap3A_1131 = tpu.vector_load %swap3A_1129[%swap3A_1130] {strides = array<i32>} : memref<80xf32, #tpu.memory_space<vmem>>, vector<16xf32>,
          %swap3A_1132 = vector.shape_cast %swap3A_1131 : vector<16xf32> to vector<16xf32>
          %swap3A_1133 = vector.shape_cast %scan3A_1051#1 : vector<16xf32> to vector<16xf32>
          tpu.vector_store %swap3A_1129[%swap3A_1130], %swap3A_1133 {strides = array<i32>} : memref<80xf32, #tpu.memory_space<vmem>>, vector<16xf32>,
          %swap3A_1134 = arith.constant 4 : i32
          %swap3A_1135 = arith.constant 0 : i32
          %swap3A_1136 = arith.constant 0 : i32
          %swap3A_1137 = tpu.memref_slice %run_scoped3A_22[%rem3A_413, %swap3A_1135, %swap3A_1136] : memref<2x8x80xf32, #tpu.memory_space<vmem>> -> memref<1x8x80xf32, #tpu.memory_space<vmem>>
          %swap3A_1138 = tpu.memref_squeeze %swap3A_1137 : memref<1x8x80xf32, #tpu.memory_space<vmem>> -> memref<8x80xf32, #tpu.memory_space<vmem>>
          %swap3A_1139 = arith.constant 0 : i32
          %swap3A_1140 = tpu.memref_slice %swap3A_1138[%swap3A_1134, %swap3A_1139] : memref<8x80xf32, #tpu.memory_space<vmem>> -> memref<1x80xf32, #tpu.memory_space<vmem>>
          %swap3A_1141 = tpu.memref_squeeze %swap3A_1140 : memref<1x80xf32, #tpu.memory_space<vmem>> -> memref<80xf32, #tpu.memory_space<vmem>>
          %swap3A_1142 = arith.constant 48 : index
          %swap3A_1143 = tpu.vector_load %swap3A_1141[%swap3A_1142] {strides = array<i32>} : memref<80xf32, #tpu.memory_space<vmem>>, vector<16xf32>,
          %swap3A_1144 = vector.shape_cast %swap3A_1143 : vector<16xf32> to vector<16xf32>
          %swap3A_1145 = vector.shape_cast %scan3A_1051#2 : vector<16xf32> to vector<16xf32>
          tpu.vector_store %swap3A_1141[%swap3A_1142], %swap3A_1145 {strides = array<i32>} : memref<80xf32, #tpu.memory_space<vmem>>, vector<16xf32>,
          %get3A_1146 = arith.constant 4 : i32
          %get3A_1147 = arith.index_cast %get3A_1146 : i32 to index
          %get3A_1148 = arith.constant 0 : index
          %get3A_1149 = tpu.vector_load %arg9[%get3A_1147, %get3A_1148] {strides = array<i32>} : memref<8x16xf32, #tpu.memory_space<vmem>>, vector<1x16xf32>,
          %get3A_1150 = vector.shape_cast %get3A_1149 : vector<1x16xf32> to vector<16xf32>
          %swap3A_1151 = arith.constant 4 : i32
          %swap3A_1152 = arith.constant 0 : i32
          %swap3A_1153 = arith.constant 0 : i32
          %swap3A_1154 = tpu.memref_slice %run_scoped3A_22[%rem3A_413, %swap3A_1152, %swap3A_1153] : memref<2x8x80xf32, #tpu.memory_space<vmem>> -> memref<1x8x80xf32, #tpu.memory_space<vmem>>
          %swap3A_1155 = tpu.memref_squeeze %swap3A_1154 : memref<1x8x80xf32, #tpu.memory_space<vmem>> -> memref<8x80xf32, #tpu.memory_space<vmem>>
          %swap3A_1156 = arith.constant 0 : i32
          %swap3A_1157 = tpu.memref_slice %swap3A_1155[%swap3A_1151, %swap3A_1156] : memref<8x80xf32, #tpu.memory_space<vmem>> -> memref<1x80xf32, #tpu.memory_space<vmem>>
          %swap3A_1158 = tpu.memref_squeeze %swap3A_1157 : memref<1x80xf32, #tpu.memory_space<vmem>> -> memref<80xf32, #tpu.memory_space<vmem>>
          %swap3A_1159 = arith.constant 64 : index
          %swap3A_1160 = tpu.vector_load %swap3A_1158[%swap3A_1159] {strides = array<i32>} : memref<80xf32, #tpu.memory_space<vmem>>, vector<16xf32>,
          %swap3A_1161 = vector.shape_cast %swap3A_1160 : vector<16xf32> to vector<16xf32>
          %swap3A_1162 = vector.shape_cast %get3A_1150 : vector<16xf32> to vector<16xf32>
          tpu.vector_store %swap3A_1158[%swap3A_1159], %swap3A_1162 {strides = array<i32>} : memref<80xf32, #tpu.memory_space<vmem>>, vector<16xf32>,
          %get3A_1163 = arith.constant 5 : i32
          %get3A_1164 = arith.constant 0 : i32
          %get3A_1165 = arith.constant 0 : i32
          %get3A_1166 = tpu.memref_slice %run_scoped3A_20[%rem3A_411, %get3A_1164, %get3A_1165] : memref<2x8x16xi32, #tpu.memory_space<vmem>> -> memref<1x8x16xi32, #tpu.memory_space<vmem>>
          %get3A_1167 = tpu.memref_squeeze %get3A_1166 : memref<1x8x16xi32, #tpu.memory_space<vmem>> -> memref<8x16xi32, #tpu.memory_space<vmem>>
          %get3A_1168 = arith.constant 0 : i32
          %get3A_1169 = tpu.memref_slice %get3A_1167[%get3A_1163, %get3A_1168] : memref<8x16xi32, #tpu.memory_space<vmem>> -> memref<1x16xi32, #tpu.memory_space<vmem>>
          %get3A_1170 = tpu.memref_squeeze %get3A_1169 : memref<1x16xi32, #tpu.memory_space<vmem>> -> memref<16xi32, #tpu.memory_space<vmem>>
          %get3A_1171 = arith.constant 0 : index
          %get3A_1172 = tpu.vector_load %get3A_1170[%get3A_1171] {strides = array<i32>} : memref<16xi32, #tpu.memory_space<vmem>>, vector<16xi32>,
          %get3A_1173 = vector.shape_cast %get3A_1172 : vector<16xi32> to vector<16xi32>
          %eq3A_1174 = arith.constant 0 : i32
          %eq3A_1175 = arith.cmpi eq, %add3A_269, %eq3A_1174 : i32
          %convert_element_type3A_1176 = arith.extui %eq3A_1175 : i1 to i32
          %cond3A_1177 = arith.constant 5 : i32
          %cond3A_1178 = arith.constant 5 : i32
          %cond3A_1179 = arith.constant 5 : i32
          %cond3A_1180 = arith.constant 5 : i32
          %cond3A_1181 = arith.constant 5 : i32
          %cond3A_1182 = arith.constant 5 : i32
          %cond3A_1183 = arith.constant 0 : i32
          %cond3A_1184 = arith.cmpi ne, %convert_element_type3A_1176, %cond3A_1183 : i32
          scf.if %cond3A_1184 {
            %broadcast_in_dim3A_1738 = arith.constant 0xFF800000 : f32
            %broadcast_in_dim3A_1739 = vector.broadcast %broadcast_in_dim3A_1738 : f32 to vector<16xf32>
            %swap3A_1740 = arith.index_cast %cond3A_1177 : i32 to index
            %swap3A_1741 = arith.constant 0 : index
            %swap3A_1742 = tpu.vector_load %arg5[%swap3A_1740, %swap3A_1741] {strides = array<i32>} : memref<8x16xf32, #tpu.memory_space<vmem>>, vector<1x16xf32>,
            %swap3A_1743 = vector.shape_cast %swap3A_1742 : vector<1x16xf32> to vector<16xf32>
            %swap3A_1744 = vector.shape_cast %broadcast_in_dim3A_1739 : vector<16xf32> to vector<1x16xf32>
            tpu.vector_store %arg5[%swap3A_1740, %swap3A_1741], %swap3A_1744 {strides = array<i32>} : memref<8x16xf32, #tpu.memory_space<vmem>>, vector<1x16xf32>,
            %broadcast_in_dim3A_1745 = arith.constant 0.000000e+00 : f32
            %broadcast_in_dim3A_1746 = vector.broadcast %broadcast_in_dim3A_1745 : f32 to vector<16xf32>
            %swap3A_1747 = arith.index_cast %cond3A_1178 : i32 to index
            %swap3A_1748 = arith.constant 0 : index
            %swap3A_1749 = tpu.vector_load %arg6[%swap3A_1747, %swap3A_1748] {strides = array<i32>} : memref<8x16xf32, #tpu.memory_space<vmem>>, vector<1x16xf32>,
            %swap3A_1750 = vector.shape_cast %swap3A_1749 : vector<1x16xf32> to vector<16xf32>
            %swap3A_1751 = vector.shape_cast %broadcast_in_dim3A_1746 : vector<16xf32> to vector<1x16xf32>
            tpu.vector_store %arg6[%swap3A_1747, %swap3A_1748], %swap3A_1751 {strides = array<i32>} : memref<8x16xf32, #tpu.memory_space<vmem>>, vector<1x16xf32>,
            %broadcast_in_dim3A_1752 = arith.constant 0.000000e+00 : f32
            %broadcast_in_dim3A_1753 = vector.broadcast %broadcast_in_dim3A_1752 : f32 to vector<16xf32>
            %swap3A_1754 = arith.index_cast %cond3A_1179 : i32 to index
            %swap3A_1755 = arith.constant 0 : index
            %swap3A_1756 = tpu.vector_load %arg7[%swap3A_1754, %swap3A_1755] {strides = array<i32>} : memref<8x16xf32, #tpu.memory_space<vmem>>, vector<1x16xf32>,
            %swap3A_1757 = vector.shape_cast %swap3A_1756 : vector<1x16xf32> to vector<16xf32>
            %swap3A_1758 = vector.shape_cast %broadcast_in_dim3A_1753 : vector<16xf32> to vector<1x16xf32>
            tpu.vector_store %arg7[%swap3A_1754, %swap3A_1755], %swap3A_1758 {strides = array<i32>} : memref<8x16xf32, #tpu.memory_space<vmem>>, vector<1x16xf32>,
            %broadcast_in_dim3A_1759 = arith.constant 0.000000e+00 : f32
            %broadcast_in_dim3A_1760 = vector.broadcast %broadcast_in_dim3A_1759 : f32 to vector<16xf32>
            %swap3A_1761 = arith.index_cast %cond3A_1180 : i32 to index
            %swap3A_1762 = arith.constant 0 : index
            %swap3A_1763 = tpu.vector_load %arg8[%swap3A_1761, %swap3A_1762] {strides = array<i32>} : memref<8x16xf32, #tpu.memory_space<vmem>>, vector<1x16xf32>,
            %swap3A_1764 = vector.shape_cast %swap3A_1763 : vector<1x16xf32> to vector<16xf32>
            %swap3A_1765 = vector.shape_cast %broadcast_in_dim3A_1760 : vector<16xf32> to vector<1x16xf32>
            tpu.vector_store %arg8[%swap3A_1761, %swap3A_1762], %swap3A_1765 {strides = array<i32>} : memref<8x16xf32, #tpu.memory_space<vmem>>, vector<1x16xf32>,
            %get3A_1766 = arith.constant 0 : i32
            %get3A_1767 = arith.constant 0 : i32
            %get3A_1768 = tpu.memref_slice %run_scoped3A[%rem3A_409, %get3A_1766, %get3A_1767] : memref<2x8x3840xf32, #tpu.memory_space<vmem>> -> memref<1x8x3840xf32, #tpu.memory_space<vmem>>
            %get3A_1769 = tpu.memref_squeeze %get3A_1768 : memref<1x8x3840xf32, #tpu.memory_space<vmem>> -> memref<8x3840xf32, #tpu.memory_space<vmem>>
            %get3A_1770 = arith.constant 0 : i32
            %get3A_1771 = tpu.memref_slice %get3A_1769[%cond3A_1181, %get3A_1770] : memref<8x3840xf32, #tpu.memory_space<vmem>> -> memref<1x3840xf32, #tpu.memory_space<vmem>>
            %get3A_1772 = tpu.memref_squeeze %get3A_1771 : memref<1x3840xf32, #tpu.memory_space<vmem>> -> memref<3840xf32, #tpu.memory_space<vmem>>
            %get3A_1773 = arith.constant 0 : index
            %get3A_1774 = tpu.vector_load %get3A_1772[%get3A_1773] {strides = array<i32>} : memref<3840xf32, #tpu.memory_space<vmem>>, vector<16xf32>,
            %get3A_1775 = vector.shape_cast %get3A_1774 : vector<16xf32> to vector<16xf32>
            %swap3A_1776 = arith.index_cast %cond3A_1182 : i32 to index
            %swap3A_1777 = arith.constant 0 : index
            %swap3A_1778 = tpu.vector_load %arg9[%swap3A_1776, %swap3A_1777] {strides = array<i32>} : memref<8x16xf32, #tpu.memory_space<vmem>>, vector<1x16xf32>,
            %swap3A_1779 = vector.shape_cast %swap3A_1778 : vector<1x16xf32> to vector<16xf32>
            %swap3A_1780 = vector.shape_cast %get3A_1775 : vector<16xf32> to vector<1x16xf32>
            tpu.vector_store %arg9[%swap3A_1776, %swap3A_1777], %swap3A_1780 {strides = array<i32>} : memref<8x16xf32, #tpu.memory_space<vmem>>, vector<1x16xf32>,
          } else {
          }
          %broadcast_in_dim3A_1185 = arith.constant 0xFF800000 : f32
          %broadcast_in_dim3A_1186 = vector.broadcast %broadcast_in_dim3A_1185 : f32 to vector<16xf32>
          %get3A_1187 = arith.constant 5 : i32
          %get3A_1188 = arith.index_cast %get3A_1187 : i32 to index
          %get3A_1189 = arith.constant 0 : index
          %get3A_1190 = tpu.vector_load %arg7[%get3A_1188, %get3A_1189] {strides = array<i32>} : memref<8x16xf32, #tpu.memory_space<vmem>>, vector<1x16xf32>,
          %get3A_1191 = vector.shape_cast %get3A_1190 : vector<1x16xf32> to vector<16xf32>
          %get3A_1192 = arith.constant 5 : i32
          %get3A_1193 = arith.index_cast %get3A_1192 : i32 to index
          %get3A_1194 = arith.constant 0 : index
          %get3A_1195 = tpu.vector_load %arg8[%get3A_1193, %get3A_1194] {strides = array<i32>} : memref<8x16xf32, #tpu.memory_space<vmem>>, vector<1x16xf32>,
          %get3A_1196 = vector.shape_cast %get3A_1195 : vector<1x16xf32> to vector<16xf32>
          %scan3A_1197 = arith.constant 5 : i32
          %scan3A_1198 = arith.constant 0 : i32
          %scan3A_1199 = arith.constant 240 : i32
          %scan3A_1200 = arith.addi %scan3A_1198, %scan3A_1199 : i32
          %scan3A_1201 = arith.constant 1 : i32
          %scan3A_1202:3 = scf.for %scan3A_1738 = %scan3A_1198 to %scan3A_1200 step %scan3A_1201 iter_args(%scan3A_1739 = %broadcast_in_dim3A_1186, %scan3A_1740 = %get3A_1191, %scan3A_1741 = %get3A_1196) -> (vector<16xf32>, vector<16xf32>, vector<16xf32>)  : i32 {
            %mul3A_1742 = arith.constant 16 : i32
            %mul3A_1743 = arith.muli %scan3A_1738, %mul3A_1742 : i32
            %get3A_1744 = arith.constant 0 : i32
            %get3A_1745 = arith.constant 0 : i32
            %get3A_1746 = tpu.memref_slice %run_scoped3A[%rem3A_409, %get3A_1744, %get3A_1745] : memref<2x8x3840xf32, #tpu.memory_space<vmem>> -> memref<1x8x3840xf32, #tpu.memory_space<vmem>>
            %get3A_1747 = tpu.memref_squeeze %get3A_1746 : memref<1x8x3840xf32, #tpu.memory_space<vmem>> -> memref<8x3840xf32, #tpu.memory_space<vmem>>
            %get3A_1748 = arith.constant 0 : i32
            %get3A_1749 = tpu.memref_slice %get3A_1747[%scan3A_1197, %get3A_1748] : memref<8x3840xf32, #tpu.memory_space<vmem>> -> memref<1x3840xf32, #tpu.memory_space<vmem>>
            %get3A_1750 = tpu.memref_squeeze %get3A_1749 : memref<1x3840xf32, #tpu.memory_space<vmem>> -> memref<3840xf32, #tpu.memory_space<vmem>>
            %get3A_1751 = arith.index_cast %mul3A_1743 : i32 to index
            %get3A_1752 = tpu.vector_load %get3A_1750[%get3A_1751] {strides = array<i32>} : memref<3840xf32, #tpu.memory_space<vmem>>, vector<16xf32>,
            %get3A_1753 = vector.shape_cast %get3A_1752 : vector<16xf32> to vector<16xf32>
            %max3A_1754 = arith.maximumf %scan3A_1739, %get3A_1753 : vector<16xf32>
            %add3A_1755 = arith.addf %scan3A_1740, %get3A_1753 : vector<16xf32>
            %mul3A_1756 = arith.constant 3840 : i32
            %mul3A_1757 = arith.muli %add3A_269, %mul3A_1756 : i32
            %mul3A_1758 = arith.constant 16 : i32
            %mul3A_1759 = arith.muli %scan3A_1738, %mul3A_1758 : i32
            %add3A_1760 = arith.addi %mul3A_1757, %mul3A_1759 : i32
            %sub3A_1761 = vector.broadcast %add3A_1760 : i32 to vector<16xi32>
            %sub3A_1762 = arith.subi %get3A_1173, %sub3A_1761 : vector<16xi32>
            %eq3A_1763 = arith.cmpi eq, %iota3A, %sub3A_1762 : vector<16xi32>
            %jit3A_1764 = arith.constant 0.000000e+00 : f32
            %broadcast_in_dim3A_1765 = vector.broadcast %jit3A_1764 : f32 to vector<16xf32>
            %select_n3A_1766 = arith.select %eq3A_1763, %get3A_1753, %broadcast_in_dim3A_1765 : vector<16xi1>, vector<16xf32>
            %add3A_1767 = arith.addf %scan3A_1741, %select_n3A_1766 : vector<16xf32>
            scf.yield %max3A_1754, %add3A_1755, %add3A_1767 : vector<16xf32>, vector<16xf32>, vector<16xf32>
          }
          %scan3A_1203 = arith.constant 240 : i32
          %get3A_1204 = arith.constant 5 : i32
          %get3A_1205 = arith.index_cast %get3A_1204 : i32 to index
          %get3A_1206 = arith.constant 0 : index
          %get3A_1207 = tpu.vector_load %arg5[%get3A_1205, %get3A_1206] {strides = array<i32>} : memref<8x16xf32, #tpu.memory_space<vmem>>, vector<1x16xf32>,
          %get3A_1208 = vector.shape_cast %get3A_1207 : vector<1x16xf32> to vector<16xf32>
          %max3A_1209 = arith.maximumf %get3A_1208, %scan3A_1202#0 : vector<16xf32>
          %get3A_1210 = arith.constant 5 : i32
          %get3A_1211 = arith.index_cast %get3A_1210 : i32 to index
          %get3A_1212 = arith.constant 0 : index
          %get3A_1213 = tpu.vector_load %arg6[%get3A_1211, %get3A_1212] {strides = array<i32>} : memref<8x16xf32, #tpu.memory_space<vmem>>, vector<1x16xf32>,
          %get3A_1214 = vector.shape_cast %get3A_1213 : vector<1x16xf32> to vector<16xf32>
          %sub3A_1215 = arith.subf %get3A_1208, %max3A_1209 : vector<16xf32>
          %exp3A_1216 = math.exp %sub3A_1215 : vector<16xf32>
          %mul3A_1217 = arith.mulf %get3A_1214, %exp3A_1216 : vector<16xf32>
          %scan3A_1218 = arith.constant 5 : i32
          %scan3A_1219 = arith.constant 0 : i32
          %scan3A_1220 = arith.constant 240 : i32
          %scan3A_1221 = arith.addi %scan3A_1219, %scan3A_1220 : i32
          %scan3A_1222 = arith.constant 1 : i32
          %scan3A_1223 = scf.for %scan3A_1738 = %scan3A_1219 to %scan3A_1221 step %scan3A_1222 iter_args(%scan3A_1739 = %mul3A_1217) -> (vector<16xf32>)  : i32 {
            %mul3A_1740 = arith.constant 16 : i32
            %mul3A_1741 = arith.muli %scan3A_1738, %mul3A_1740 : i32
            %get3A_1742 = arith.constant 0 : i32
            %get3A_1743 = arith.constant 0 : i32
            %get3A_1744 = tpu.memref_slice %run_scoped3A[%rem3A_409, %get3A_1742, %get3A_1743] : memref<2x8x3840xf32, #tpu.memory_space<vmem>> -> memref<1x8x3840xf32, #tpu.memory_space<vmem>>
            %get3A_1745 = tpu.memref_squeeze %get3A_1744 : memref<1x8x3840xf32, #tpu.memory_space<vmem>> -> memref<8x3840xf32, #tpu.memory_space<vmem>>
            %get3A_1746 = arith.constant 0 : i32
            %get3A_1747 = tpu.memref_slice %get3A_1745[%scan3A_1218, %get3A_1746] : memref<8x3840xf32, #tpu.memory_space<vmem>> -> memref<1x3840xf32, #tpu.memory_space<vmem>>
            %get3A_1748 = tpu.memref_squeeze %get3A_1747 : memref<1x3840xf32, #tpu.memory_space<vmem>> -> memref<3840xf32, #tpu.memory_space<vmem>>
            %get3A_1749 = arith.index_cast %mul3A_1741 : i32 to index
            %get3A_1750 = tpu.vector_load %get3A_1748[%get3A_1749] {strides = array<i32>} : memref<3840xf32, #tpu.memory_space<vmem>>, vector<16xf32>,
            %get3A_1751 = vector.shape_cast %get3A_1750 : vector<16xf32> to vector<16xf32>
            %sub3A_1752 = arith.subf %get3A_1751, %max3A_1209 : vector<16xf32>
            %exp3A_1753 = math.exp %sub3A_1752 : vector<16xf32>
            %add3A_1754 = arith.addf %scan3A_1739, %exp3A_1753 : vector<16xf32>
            scf.yield %add3A_1754 : vector<16xf32>
          }
          %scan3A_1224 = arith.constant 240 : i32
          %swap3A_1225 = arith.constant 5 : i32
          %swap3A_1226 = arith.index_cast %swap3A_1225 : i32 to index
          %swap3A_1227 = arith.constant 0 : index
          %swap3A_1228 = tpu.vector_load %arg5[%swap3A_1226, %swap3A_1227] {strides = array<i32>} : memref<8x16xf32, #tpu.memory_space<vmem>>, vector<1x16xf32>,
          %swap3A_1229 = vector.shape_cast %swap3A_1228 : vector<1x16xf32> to vector<16xf32>
          %swap3A_1230 = vector.shape_cast %max3A_1209 : vector<16xf32> to vector<1x16xf32>
          tpu.vector_store %arg5[%swap3A_1226, %swap3A_1227], %swap3A_1230 {strides = array<i32>} : memref<8x16xf32, #tpu.memory_space<vmem>>, vector<1x16xf32>,
          %swap3A_1231 = arith.constant 5 : i32
          %swap3A_1232 = arith.index_cast %swap3A_1231 : i32 to index
          %swap3A_1233 = arith.constant 0 : index
          %swap3A_1234 = tpu.vector_load %arg6[%swap3A_1232, %swap3A_1233] {strides = array<i32>} : memref<8x16xf32, #tpu.memory_space<vmem>>, vector<1x16xf32>,
          %swap3A_1235 = vector.shape_cast %swap3A_1234 : vector<1x16xf32> to vector<16xf32>
          %swap3A_1236 = vector.shape_cast %scan3A_1223 : vector<16xf32> to vector<1x16xf32>
          tpu.vector_store %arg6[%swap3A_1232, %swap3A_1233], %swap3A_1236 {strides = array<i32>} : memref<8x16xf32, #tpu.memory_space<vmem>>, vector<1x16xf32>,
          %swap3A_1237 = arith.constant 5 : i32
          %swap3A_1238 = arith.index_cast %swap3A_1237 : i32 to index
          %swap3A_1239 = arith.constant 0 : index
          %swap3A_1240 = tpu.vector_load %arg7[%swap3A_1238, %swap3A_1239] {strides = array<i32>} : memref<8x16xf32, #tpu.memory_space<vmem>>, vector<1x16xf32>,
          %swap3A_1241 = vector.shape_cast %swap3A_1240 : vector<1x16xf32> to vector<16xf32>
          %swap3A_1242 = vector.shape_cast %scan3A_1202#1 : vector<16xf32> to vector<1x16xf32>
          tpu.vector_store %arg7[%swap3A_1238, %swap3A_1239], %swap3A_1242 {strides = array<i32>} : memref<8x16xf32, #tpu.memory_space<vmem>>, vector<1x16xf32>,
          %swap3A_1243 = arith.constant 5 : i32
          %swap3A_1244 = arith.index_cast %swap3A_1243 : i32 to index
          %swap3A_1245 = arith.constant 0 : index
          %swap3A_1246 = tpu.vector_load %arg8[%swap3A_1244, %swap3A_1245] {strides = array<i32>} : memref<8x16xf32, #tpu.memory_space<vmem>>, vector<1x16xf32>,
          %swap3A_1247 = vector.shape_cast %swap3A_1246 : vector<1x16xf32> to vector<16xf32>
          %swap3A_1248 = vector.shape_cast %scan3A_1202#2 : vector<16xf32> to vector<1x16xf32>
          tpu.vector_store %arg8[%swap3A_1244, %swap3A_1245], %swap3A_1248 {strides = array<i32>} : memref<8x16xf32, #tpu.memory_space<vmem>>, vector<1x16xf32>,
          %swap3A_1249 = arith.constant 5 : i32
          %swap3A_1250 = arith.constant 0 : i32
          %swap3A_1251 = arith.constant 0 : i32
          %swap3A_1252 = tpu.memref_slice %run_scoped3A_22[%rem3A_413, %swap3A_1250, %swap3A_1251] : memref<2x8x80xf32, #tpu.memory_space<vmem>> -> memref<1x8x80xf32, #tpu.memory_space<vmem>>
          %swap3A_1253 = tpu.memref_squeeze %swap3A_1252 : memref<1x8x80xf32, #tpu.memory_space<vmem>> -> memref<8x80xf32, #tpu.memory_space<vmem>>
          %swap3A_1254 = arith.constant 0 : i32
          %swap3A_1255 = tpu.memref_slice %swap3A_1253[%swap3A_1249, %swap3A_1254] : memref<8x80xf32, #tpu.memory_space<vmem>> -> memref<1x80xf32, #tpu.memory_space<vmem>>
          %swap3A_1256 = tpu.memref_squeeze %swap3A_1255 : memref<1x80xf32, #tpu.memory_space<vmem>> -> memref<80xf32, #tpu.memory_space<vmem>>
          %swap3A_1257 = arith.constant 0 : index
          %swap3A_1258 = tpu.vector_load %swap3A_1256[%swap3A_1257] {strides = array<i32>} : memref<80xf32, #tpu.memory_space<vmem>>, vector<16xf32>,
          %swap3A_1259 = vector.shape_cast %swap3A_1258 : vector<16xf32> to vector<16xf32>
          %swap3A_1260 = vector.shape_cast %max3A_1209 : vector<16xf32> to vector<16xf32>
          tpu.vector_store %swap3A_1256[%swap3A_1257], %swap3A_1260 {strides = array<i32>} : memref<80xf32, #tpu.memory_space<vmem>>, vector<16xf32>,
          %swap3A_1261 = arith.constant 5 : i32
          %swap3A_1262 = arith.constant 0 : i32
          %swap3A_1263 = arith.constant 0 : i32
          %swap3A_1264 = tpu.memref_slice %run_scoped3A_22[%rem3A_413, %swap3A_1262, %swap3A_1263] : memref<2x8x80xf32, #tpu.memory_space<vmem>> -> memref<1x8x80xf32, #tpu.memory_space<vmem>>
          %swap3A_1265 = tpu.memref_squeeze %swap3A_1264 : memref<1x8x80xf32, #tpu.memory_space<vmem>> -> memref<8x80xf32, #tpu.memory_space<vmem>>
          %swap3A_1266 = arith.constant 0 : i32
          %swap3A_1267 = tpu.memref_slice %swap3A_1265[%swap3A_1261, %swap3A_1266] : memref<8x80xf32, #tpu.memory_space<vmem>> -> memref<1x80xf32, #tpu.memory_space<vmem>>
          %swap3A_1268 = tpu.memref_squeeze %swap3A_1267 : memref<1x80xf32, #tpu.memory_space<vmem>> -> memref<80xf32, #tpu.memory_space<vmem>>
          %swap3A_1269 = arith.constant 16 : index
          %swap3A_1270 = tpu.vector_load %swap3A_1268[%swap3A_1269] {strides = array<i32>} : memref<80xf32, #tpu.memory_space<vmem>>, vector<16xf32>,
          %swap3A_1271 = vector.shape_cast %swap3A_1270 : vector<16xf32> to vector<16xf32>
          %swap3A_1272 = vector.shape_cast %scan3A_1223 : vector<16xf32> to vector<16xf32>
          tpu.vector_store %swap3A_1268[%swap3A_1269], %swap3A_1272 {strides = array<i32>} : memref<80xf32, #tpu.memory_space<vmem>>, vector<16xf32>,
          %swap3A_1273 = arith.constant 5 : i32
          %swap3A_1274 = arith.constant 0 : i32
          %swap3A_1275 = arith.constant 0 : i32
          %swap3A_1276 = tpu.memref_slice %run_scoped3A_22[%rem3A_413, %swap3A_1274, %swap3A_1275] : memref<2x8x80xf32, #tpu.memory_space<vmem>> -> memref<1x8x80xf32, #tpu.memory_space<vmem>>
          %swap3A_1277 = tpu.memref_squeeze %swap3A_1276 : memref<1x8x80xf32, #tpu.memory_space<vmem>> -> memref<8x80xf32, #tpu.memory_space<vmem>>
          %swap3A_1278 = arith.constant 0 : i32
          %swap3A_1279 = tpu.memref_slice %swap3A_1277[%swap3A_1273, %swap3A_1278] : memref<8x80xf32, #tpu.memory_space<vmem>> -> memref<1x80xf32, #tpu.memory_space<vmem>>
          %swap3A_1280 = tpu.memref_squeeze %swap3A_1279 : memref<1x80xf32, #tpu.memory_space<vmem>> -> memref<80xf32, #tpu.memory_space<vmem>>
          %swap3A_1281 = arith.constant 32 : index
          %swap3A_1282 = tpu.vector_load %swap3A_1280[%swap3A_1281] {strides = array<i32>} : memref<80xf32, #tpu.memory_space<vmem>>, vector<16xf32>,
          %swap3A_1283 = vector.shape_cast %swap3A_1282 : vector<16xf32> to vector<16xf32>
          %swap3A_1284 = vector.shape_cast %scan3A_1202#1 : vector<16xf32> to vector<16xf32>
          tpu.vector_store %swap3A_1280[%swap3A_1281], %swap3A_1284 {strides = array<i32>} : memref<80xf32, #tpu.memory_space<vmem>>, vector<16xf32>,
          %swap3A_1285 = arith.constant 5 : i32
          %swap3A_1286 = arith.constant 0 : i32
          %swap3A_1287 = arith.constant 0 : i32
          %swap3A_1288 = tpu.memref_slice %run_scoped3A_22[%rem3A_413, %swap3A_1286, %swap3A_1287] : memref<2x8x80xf32, #tpu.memory_space<vmem>> -> memref<1x8x80xf32, #tpu.memory_space<vmem>>
          %swap3A_1289 = tpu.memref_squeeze %swap3A_1288 : memref<1x8x80xf32, #tpu.memory_space<vmem>> -> memref<8x80xf32, #tpu.memory_space<vmem>>
          %swap3A_1290 = arith.constant 0 : i32
          %swap3A_1291 = tpu.memref_slice %swap3A_1289[%swap3A_1285, %swap3A_1290] : memref<8x80xf32, #tpu.memory_space<vmem>> -> memref<1x80xf32, #tpu.memory_space<vmem>>
          %swap3A_1292 = tpu.memref_squeeze %swap3A_1291 : memref<1x80xf32, #tpu.memory_space<vmem>> -> memref<80xf32, #tpu.memory_space<vmem>>
          %swap3A_1293 = arith.constant 48 : index
          %swap3A_1294 = tpu.vector_load %swap3A_1292[%swap3A_1293] {strides = array<i32>} : memref<80xf32, #tpu.memory_space<vmem>>, vector<16xf32>,
          %swap3A_1295 = vector.shape_cast %swap3A_1294 : vector<16xf32> to vector<16xf32>
          %swap3A_1296 = vector.shape_cast %scan3A_1202#2 : vector<16xf32> to vector<16xf32>
          tpu.vector_store %swap3A_1292[%swap3A_1293], %swap3A_1296 {strides = array<i32>} : memref<80xf32, #tpu.memory_space<vmem>>, vector<16xf32>,
          %get3A_1297 = arith.constant 5 : i32
          %get3A_1298 = arith.index_cast %get3A_1297 : i32 to index
          %get3A_1299 = arith.constant 0 : index
          %get3A_1300 = tpu.vector_load %arg9[%get3A_1298, %get3A_1299] {strides = array<i32>} : memref<8x16xf32, #tpu.memory_space<vmem>>, vector<1x16xf32>,
          %get3A_1301 = vector.shape_cast %get3A_1300 : vector<1x16xf32> to vector<16xf32>
          %swap3A_1302 = arith.constant 5 : i32
          %swap3A_1303 = arith.constant 0 : i32
          %swap3A_1304 = arith.constant 0 : i32
          %swap3A_1305 = tpu.memref_slice %run_scoped3A_22[%rem3A_413, %swap3A_1303, %swap3A_1304] : memref<2x8x80xf32, #tpu.memory_space<vmem>> -> memref<1x8x80xf32, #tpu.memory_space<vmem>>
          %swap3A_1306 = tpu.memref_squeeze %swap3A_1305 : memref<1x8x80xf32, #tpu.memory_space<vmem>> -> memref<8x80xf32, #tpu.memory_space<vmem>>
          %swap3A_1307 = arith.constant 0 : i32
          %swap3A_1308 = tpu.memref_slice %swap3A_1306[%swap3A_1302, %swap3A_1307] : memref<8x80xf32, #tpu.memory_space<vmem>> -> memref<1x80xf32, #tpu.memory_space<vmem>>
          %swap3A_1309 = tpu.memref_squeeze %swap3A_1308 : memref<1x80xf32, #tpu.memory_space<vmem>> -> memref<80xf32, #tpu.memory_space<vmem>>
          %swap3A_1310 = arith.constant 64 : index
          %swap3A_1311 = tpu.vector_load %swap3A_1309[%swap3A_1310] {strides = array<i32>} : memref<80xf32, #tpu.memory_space<vmem>>, vector<16xf32>,
          %swap3A_1312 = vector.shape_cast %swap3A_1311 : vector<16xf32> to vector<16xf32>
          %swap3A_1313 = vector.shape_cast %get3A_1301 : vector<16xf32> to vector<16xf32>
          tpu.vector_store %swap3A_1309[%swap3A_1310], %swap3A_1313 {strides = array<i32>} : memref<80xf32, #tpu.memory_space<vmem>>, vector<16xf32>,
          %get3A_1314 = arith.constant 6 : i32
          %get3A_1315 = arith.constant 0 : i32
          %get3A_1316 = arith.constant 0 : i32
          %get3A_1317 = tpu.memref_slice %run_scoped3A_20[%rem3A_411, %get3A_1315, %get3A_1316] : memref<2x8x16xi32, #tpu.memory_space<vmem>> -> memref<1x8x16xi32, #tpu.memory_space<vmem>>
          %get3A_1318 = tpu.memref_squeeze %get3A_1317 : memref<1x8x16xi32, #tpu.memory_space<vmem>> -> memref<8x16xi32, #tpu.memory_space<vmem>>
          %get3A_1319 = arith.constant 0 : i32
          %get3A_1320 = tpu.memref_slice %get3A_1318[%get3A_1314, %get3A_1319] : memref<8x16xi32, #tpu.memory_space<vmem>> -> memref<1x16xi32, #tpu.memory_space<vmem>>
          %get3A_1321 = tpu.memref_squeeze %get3A_1320 : memref<1x16xi32, #tpu.memory_space<vmem>> -> memref<16xi32, #tpu.memory_space<vmem>>
          %get3A_1322 = arith.constant 0 : index
          %get3A_1323 = tpu.vector_load %get3A_1321[%get3A_1322] {strides = array<i32>} : memref<16xi32, #tpu.memory_space<vmem>>, vector<16xi32>,
          %get3A_1324 = vector.shape_cast %get3A_1323 : vector<16xi32> to vector<16xi32>
          %eq3A_1325 = arith.constant 0 : i32
          %eq3A_1326 = arith.cmpi eq, %add3A_269, %eq3A_1325 : i32
          %convert_element_type3A_1327 = arith.extui %eq3A_1326 : i1 to i32
          %cond3A_1328 = arith.constant 6 : i32
          %cond3A_1329 = arith.constant 6 : i32
          %cond3A_1330 = arith.constant 6 : i32
          %cond3A_1331 = arith.constant 6 : i32
          %cond3A_1332 = arith.constant 6 : i32
          %cond3A_1333 = arith.constant 6 : i32
          %cond3A_1334 = arith.constant 0 : i32
          %cond3A_1335 = arith.cmpi ne, %convert_element_type3A_1327, %cond3A_1334 : i32
          scf.if %cond3A_1335 {
            %broadcast_in_dim3A_1738 = arith.constant 0xFF800000 : f32
            %broadcast_in_dim3A_1739 = vector.broadcast %broadcast_in_dim3A_1738 : f32 to vector<16xf32>
            %swap3A_1740 = arith.index_cast %cond3A_1328 : i32 to index
            %swap3A_1741 = arith.constant 0 : index
            %swap3A_1742 = tpu.vector_load %arg5[%swap3A_1740, %swap3A_1741] {strides = array<i32>} : memref<8x16xf32, #tpu.memory_space<vmem>>, vector<1x16xf32>,
            %swap3A_1743 = vector.shape_cast %swap3A_1742 : vector<1x16xf32> to vector<16xf32>
            %swap3A_1744 = vector.shape_cast %broadcast_in_dim3A_1739 : vector<16xf32> to vector<1x16xf32>
            tpu.vector_store %arg5[%swap3A_1740, %swap3A_1741], %swap3A_1744 {strides = array<i32>} : memref<8x16xf32, #tpu.memory_space<vmem>>, vector<1x16xf32>,
            %broadcast_in_dim3A_1745 = arith.constant 0.000000e+00 : f32
            %broadcast_in_dim3A_1746 = vector.broadcast %broadcast_in_dim3A_1745 : f32 to vector<16xf32>
            %swap3A_1747 = arith.index_cast %cond3A_1329 : i32 to index
            %swap3A_1748 = arith.constant 0 : index
            %swap3A_1749 = tpu.vector_load %arg6[%swap3A_1747, %swap3A_1748] {strides = array<i32>} : memref<8x16xf32, #tpu.memory_space<vmem>>, vector<1x16xf32>,
            %swap3A_1750 = vector.shape_cast %swap3A_1749 : vector<1x16xf32> to vector<16xf32>
            %swap3A_1751 = vector.shape_cast %broadcast_in_dim3A_1746 : vector<16xf32> to vector<1x16xf32>
            tpu.vector_store %arg6[%swap3A_1747, %swap3A_1748], %swap3A_1751 {strides = array<i32>} : memref<8x16xf32, #tpu.memory_space<vmem>>, vector<1x16xf32>,
            %broadcast_in_dim3A_1752 = arith.constant 0.000000e+00 : f32
            %broadcast_in_dim3A_1753 = vector.broadcast %broadcast_in_dim3A_1752 : f32 to vector<16xf32>
            %swap3A_1754 = arith.index_cast %cond3A_1330 : i32 to index
            %swap3A_1755 = arith.constant 0 : index
            %swap3A_1756 = tpu.vector_load %arg7[%swap3A_1754, %swap3A_1755] {strides = array<i32>} : memref<8x16xf32, #tpu.memory_space<vmem>>, vector<1x16xf32>,
            %swap3A_1757 = vector.shape_cast %swap3A_1756 : vector<1x16xf32> to vector<16xf32>
            %swap3A_1758 = vector.shape_cast %broadcast_in_dim3A_1753 : vector<16xf32> to vector<1x16xf32>
            tpu.vector_store %arg7[%swap3A_1754, %swap3A_1755], %swap3A_1758 {strides = array<i32>} : memref<8x16xf32, #tpu.memory_space<vmem>>, vector<1x16xf32>,
            %broadcast_in_dim3A_1759 = arith.constant 0.000000e+00 : f32
            %broadcast_in_dim3A_1760 = vector.broadcast %broadcast_in_dim3A_1759 : f32 to vector<16xf32>
            %swap3A_1761 = arith.index_cast %cond3A_1331 : i32 to index
            %swap3A_1762 = arith.constant 0 : index
            %swap3A_1763 = tpu.vector_load %arg8[%swap3A_1761, %swap3A_1762] {strides = array<i32>} : memref<8x16xf32, #tpu.memory_space<vmem>>, vector<1x16xf32>,
            %swap3A_1764 = vector.shape_cast %swap3A_1763 : vector<1x16xf32> to vector<16xf32>
            %swap3A_1765 = vector.shape_cast %broadcast_in_dim3A_1760 : vector<16xf32> to vector<1x16xf32>
            tpu.vector_store %arg8[%swap3A_1761, %swap3A_1762], %swap3A_1765 {strides = array<i32>} : memref<8x16xf32, #tpu.memory_space<vmem>>, vector<1x16xf32>,
            %get3A_1766 = arith.constant 0 : i32
            %get3A_1767 = arith.constant 0 : i32
            %get3A_1768 = tpu.memref_slice %run_scoped3A[%rem3A_409, %get3A_1766, %get3A_1767] : memref<2x8x3840xf32, #tpu.memory_space<vmem>> -> memref<1x8x3840xf32, #tpu.memory_space<vmem>>
            %get3A_1769 = tpu.memref_squeeze %get3A_1768 : memref<1x8x3840xf32, #tpu.memory_space<vmem>> -> memref<8x3840xf32, #tpu.memory_space<vmem>>
            %get3A_1770 = arith.constant 0 : i32
            %get3A_1771 = tpu.memref_slice %get3A_1769[%cond3A_1332, %get3A_1770] : memref<8x3840xf32, #tpu.memory_space<vmem>> -> memref<1x3840xf32, #tpu.memory_space<vmem>>
            %get3A_1772 = tpu.memref_squeeze %get3A_1771 : memref<1x3840xf32, #tpu.memory_space<vmem>> -> memref<3840xf32, #tpu.memory_space<vmem>>
            %get3A_1773 = arith.constant 0 : index
            %get3A_1774 = tpu.vector_load %get3A_1772[%get3A_1773] {strides = array<i32>} : memref<3840xf32, #tpu.memory_space<vmem>>, vector<16xf32>,
            %get3A_1775 = vector.shape_cast %get3A_1774 : vector<16xf32> to vector<16xf32>
            %swap3A_1776 = arith.index_cast %cond3A_1333 : i32 to index
            %swap3A_1777 = arith.constant 0 : index
            %swap3A_1778 = tpu.vector_load %arg9[%swap3A_1776, %swap3A_1777] {strides = array<i32>} : memref<8x16xf32, #tpu.memory_space<vmem>>, vector<1x16xf32>,
            %swap3A_1779 = vector.shape_cast %swap3A_1778 : vector<1x16xf32> to vector<16xf32>
            %swap3A_1780 = vector.shape_cast %get3A_1775 : vector<16xf32> to vector<1x16xf32>
            tpu.vector_store %arg9[%swap3A_1776, %swap3A_1777], %swap3A_1780 {strides = array<i32>} : memref<8x16xf32, #tpu.memory_space<vmem>>, vector<1x16xf32>,
          } else {
          }
          %broadcast_in_dim3A_1336 = arith.constant 0xFF800000 : f32
          %broadcast_in_dim3A_1337 = vector.broadcast %broadcast_in_dim3A_1336 : f32 to vector<16xf32>
          %get3A_1338 = arith.constant 6 : i32
          %get3A_1339 = arith.index_cast %get3A_1338 : i32 to index
          %get3A_1340 = arith.constant 0 : index
          %get3A_1341 = tpu.vector_load %arg7[%get3A_1339, %get3A_1340] {strides = array<i32>} : memref<8x16xf32, #tpu.memory_space<vmem>>, vector<1x16xf32>,
          %get3A_1342 = vector.shape_cast %get3A_1341 : vector<1x16xf32> to vector<16xf32>
          %get3A_1343 = arith.constant 6 : i32
          %get3A_1344 = arith.index_cast %get3A_1343 : i32 to index
          %get3A_1345 = arith.constant 0 : index
          %get3A_1346 = tpu.vector_load %arg8[%get3A_1344, %get3A_1345] {strides = array<i32>} : memref<8x16xf32, #tpu.memory_space<vmem>>, vector<1x16xf32>,
          %get3A_1347 = vector.shape_cast %get3A_1346 : vector<1x16xf32> to vector<16xf32>
          %scan3A_1348 = arith.constant 6 : i32
          %scan3A_1349 = arith.constant 0 : i32
          %scan3A_1350 = arith.constant 240 : i32
          %scan3A_1351 = arith.addi %scan3A_1349, %scan3A_1350 : i32
          %scan3A_1352 = arith.constant 1 : i32
          %scan3A_1353:3 = scf.for %scan3A_1738 = %scan3A_1349 to %scan3A_1351 step %scan3A_1352 iter_args(%scan3A_1739 = %broadcast_in_dim3A_1337, %scan3A_1740 = %get3A_1342, %scan3A_1741 = %get3A_1347) -> (vector<16xf32>, vector<16xf32>, vector<16xf32>)  : i32 {
            %mul3A_1742 = arith.constant 16 : i32
            %mul3A_1743 = arith.muli %scan3A_1738, %mul3A_1742 : i32
            %get3A_1744 = arith.constant 0 : i32
            %get3A_1745 = arith.constant 0 : i32
            %get3A_1746 = tpu.memref_slice %run_scoped3A[%rem3A_409, %get3A_1744, %get3A_1745] : memref<2x8x3840xf32, #tpu.memory_space<vmem>> -> memref<1x8x3840xf32, #tpu.memory_space<vmem>>
            %get3A_1747 = tpu.memref_squeeze %get3A_1746 : memref<1x8x3840xf32, #tpu.memory_space<vmem>> -> memref<8x3840xf32, #tpu.memory_space<vmem>>
            %get3A_1748 = arith.constant 0 : i32
            %get3A_1749 = tpu.memref_slice %get3A_1747[%scan3A_1348, %get3A_1748] : memref<8x3840xf32, #tpu.memory_space<vmem>> -> memref<1x3840xf32, #tpu.memory_space<vmem>>
            %get3A_1750 = tpu.memref_squeeze %get3A_1749 : memref<1x3840xf32, #tpu.memory_space<vmem>> -> memref<3840xf32, #tpu.memory_space<vmem>>
            %get3A_1751 = arith.index_cast %mul3A_1743 : i32 to index
            %get3A_1752 = tpu.vector_load %get3A_1750[%get3A_1751] {strides = array<i32>} : memref<3840xf32, #tpu.memory_space<vmem>>, vector<16xf32>,
            %get3A_1753 = vector.shape_cast %get3A_1752 : vector<16xf32> to vector<16xf32>
            %max3A_1754 = arith.maximumf %scan3A_1739, %get3A_1753 : vector<16xf32>
            %add3A_1755 = arith.addf %scan3A_1740, %get3A_1753 : vector<16xf32>
            %mul3A_1756 = arith.constant 3840 : i32
            %mul3A_1757 = arith.muli %add3A_269, %mul3A_1756 : i32
            %mul3A_1758 = arith.constant 16 : i32
            %mul3A_1759 = arith.muli %scan3A_1738, %mul3A_1758 : i32
            %add3A_1760 = arith.addi %mul3A_1757, %mul3A_1759 : i32
            %sub3A_1761 = vector.broadcast %add3A_1760 : i32 to vector<16xi32>
            %sub3A_1762 = arith.subi %get3A_1324, %sub3A_1761 : vector<16xi32>
            %eq3A_1763 = arith.cmpi eq, %iota3A, %sub3A_1762 : vector<16xi32>
            %jit3A_1764 = arith.constant 0.000000e+00 : f32
            %broadcast_in_dim3A_1765 = vector.broadcast %jit3A_1764 : f32 to vector<16xf32>
            %select_n3A_1766 = arith.select %eq3A_1763, %get3A_1753, %broadcast_in_dim3A_1765 : vector<16xi1>, vector<16xf32>
            %add3A_1767 = arith.addf %scan3A_1741, %select_n3A_1766 : vector<16xf32>
            scf.yield %max3A_1754, %add3A_1755, %add3A_1767 : vector<16xf32>, vector<16xf32>, vector<16xf32>
          }
          %scan3A_1354 = arith.constant 240 : i32
          %get3A_1355 = arith.constant 6 : i32
          %get3A_1356 = arith.index_cast %get3A_1355 : i32 to index
          %get3A_1357 = arith.constant 0 : index
          %get3A_1358 = tpu.vector_load %arg5[%get3A_1356, %get3A_1357] {strides = array<i32>} : memref<8x16xf32, #tpu.memory_space<vmem>>, vector<1x16xf32>,
          %get3A_1359 = vector.shape_cast %get3A_1358 : vector<1x16xf32> to vector<16xf32>
          %max3A_1360 = arith.maximumf %get3A_1359, %scan3A_1353#0 : vector<16xf32>
          %get3A_1361 = arith.constant 6 : i32
          %get3A_1362 = arith.index_cast %get3A_1361 : i32 to index
          %get3A_1363 = arith.constant 0 : index
          %get3A_1364 = tpu.vector_load %arg6[%get3A_1362, %get3A_1363] {strides = array<i32>} : memref<8x16xf32, #tpu.memory_space<vmem>>, vector<1x16xf32>,
          %get3A_1365 = vector.shape_cast %get3A_1364 : vector<1x16xf32> to vector<16xf32>
          %sub3A_1366 = arith.subf %get3A_1359, %max3A_1360 : vector<16xf32>
          %exp3A_1367 = math.exp %sub3A_1366 : vector<16xf32>
          %mul3A_1368 = arith.mulf %get3A_1365, %exp3A_1367 : vector<16xf32>
          %scan3A_1369 = arith.constant 6 : i32
          %scan3A_1370 = arith.constant 0 : i32
          %scan3A_1371 = arith.constant 240 : i32
          %scan3A_1372 = arith.addi %scan3A_1370, %scan3A_1371 : i32
          %scan3A_1373 = arith.constant 1 : i32
          %scan3A_1374 = scf.for %scan3A_1738 = %scan3A_1370 to %scan3A_1372 step %scan3A_1373 iter_args(%scan3A_1739 = %mul3A_1368) -> (vector<16xf32>)  : i32 {
            %mul3A_1740 = arith.constant 16 : i32
            %mul3A_1741 = arith.muli %scan3A_1738, %mul3A_1740 : i32
            %get3A_1742 = arith.constant 0 : i32
            %get3A_1743 = arith.constant 0 : i32
            %get3A_1744 = tpu.memref_slice %run_scoped3A[%rem3A_409, %get3A_1742, %get3A_1743] : memref<2x8x3840xf32, #tpu.memory_space<vmem>> -> memref<1x8x3840xf32, #tpu.memory_space<vmem>>
            %get3A_1745 = tpu.memref_squeeze %get3A_1744 : memref<1x8x3840xf32, #tpu.memory_space<vmem>> -> memref<8x3840xf32, #tpu.memory_space<vmem>>
            %get3A_1746 = arith.constant 0 : i32
            %get3A_1747 = tpu.memref_slice %get3A_1745[%scan3A_1369, %get3A_1746] : memref<8x3840xf32, #tpu.memory_space<vmem>> -> memref<1x3840xf32, #tpu.memory_space<vmem>>
            %get3A_1748 = tpu.memref_squeeze %get3A_1747 : memref<1x3840xf32, #tpu.memory_space<vmem>> -> memref<3840xf32, #tpu.memory_space<vmem>>
            %get3A_1749 = arith.index_cast %mul3A_1741 : i32 to index
            %get3A_1750 = tpu.vector_load %get3A_1748[%get3A_1749] {strides = array<i32>} : memref<3840xf32, #tpu.memory_space<vmem>>, vector<16xf32>,
            %get3A_1751 = vector.shape_cast %get3A_1750 : vector<16xf32> to vector<16xf32>
            %sub3A_1752 = arith.subf %get3A_1751, %max3A_1360 : vector<16xf32>
            %exp3A_1753 = math.exp %sub3A_1752 : vector<16xf32>
            %add3A_1754 = arith.addf %scan3A_1739, %exp3A_1753 : vector<16xf32>
            scf.yield %add3A_1754 : vector<16xf32>
          }
          %scan3A_1375 = arith.constant 240 : i32
          %swap3A_1376 = arith.constant 6 : i32
          %swap3A_1377 = arith.index_cast %swap3A_1376 : i32 to index
          %swap3A_1378 = arith.constant 0 : index
          %swap3A_1379 = tpu.vector_load %arg5[%swap3A_1377, %swap3A_1378] {strides = array<i32>} : memref<8x16xf32, #tpu.memory_space<vmem>>, vector<1x16xf32>,
          %swap3A_1380 = vector.shape_cast %swap3A_1379 : vector<1x16xf32> to vector<16xf32>
          %swap3A_1381 = vector.shape_cast %max3A_1360 : vector<16xf32> to vector<1x16xf32>
          tpu.vector_store %arg5[%swap3A_1377, %swap3A_1378], %swap3A_1381 {strides = array<i32>} : memref<8x16xf32, #tpu.memory_space<vmem>>, vector<1x16xf32>,
          %swap3A_1382 = arith.constant 6 : i32
          %swap3A_1383 = arith.index_cast %swap3A_1382 : i32 to index
          %swap3A_1384 = arith.constant 0 : index
          %swap3A_1385 = tpu.vector_load %arg6[%swap3A_1383, %swap3A_1384] {strides = array<i32>} : memref<8x16xf32, #tpu.memory_space<vmem>>, vector<1x16xf32>,
          %swap3A_1386 = vector.shape_cast %swap3A_1385 : vector<1x16xf32> to vector<16xf32>
          %swap3A_1387 = vector.shape_cast %scan3A_1374 : vector<16xf32> to vector<1x16xf32>
          tpu.vector_store %arg6[%swap3A_1383, %swap3A_1384], %swap3A_1387 {strides = array<i32>} : memref<8x16xf32, #tpu.memory_space<vmem>>, vector<1x16xf32>,
          %swap3A_1388 = arith.constant 6 : i32
          %swap3A_1389 = arith.index_cast %swap3A_1388 : i32 to index
          %swap3A_1390 = arith.constant 0 : index
          %swap3A_1391 = tpu.vector_load %arg7[%swap3A_1389, %swap3A_1390] {strides = array<i32>} : memref<8x16xf32, #tpu.memory_space<vmem>>, vector<1x16xf32>,
          %swap3A_1392 = vector.shape_cast %swap3A_1391 : vector<1x16xf32> to vector<16xf32>
          %swap3A_1393 = vector.shape_cast %scan3A_1353#1 : vector<16xf32> to vector<1x16xf32>
          tpu.vector_store %arg7[%swap3A_1389, %swap3A_1390], %swap3A_1393 {strides = array<i32>} : memref<8x16xf32, #tpu.memory_space<vmem>>, vector<1x16xf32>,
          %swap3A_1394 = arith.constant 6 : i32
          %swap3A_1395 = arith.index_cast %swap3A_1394 : i32 to index
          %swap3A_1396 = arith.constant 0 : index
          %swap3A_1397 = tpu.vector_load %arg8[%swap3A_1395, %swap3A_1396] {strides = array<i32>} : memref<8x16xf32, #tpu.memory_space<vmem>>, vector<1x16xf32>,
          %swap3A_1398 = vector.shape_cast %swap3A_1397 : vector<1x16xf32> to vector<16xf32>
          %swap3A_1399 = vector.shape_cast %scan3A_1353#2 : vector<16xf32> to vector<1x16xf32>
          tpu.vector_store %arg8[%swap3A_1395, %swap3A_1396], %swap3A_1399 {strides = array<i32>} : memref<8x16xf32, #tpu.memory_space<vmem>>, vector<1x16xf32>,
          %swap3A_1400 = arith.constant 6 : i32
          %swap3A_1401 = arith.constant 0 : i32
          %swap3A_1402 = arith.constant 0 : i32
          %swap3A_1403 = tpu.memref_slice %run_scoped3A_22[%rem3A_413, %swap3A_1401, %swap3A_1402] : memref<2x8x80xf32, #tpu.memory_space<vmem>> -> memref<1x8x80xf32, #tpu.memory_space<vmem>>
          %swap3A_1404 = tpu.memref_squeeze %swap3A_1403 : memref<1x8x80xf32, #tpu.memory_space<vmem>> -> memref<8x80xf32, #tpu.memory_space<vmem>>
          %swap3A_1405 = arith.constant 0 : i32
          %swap3A_1406 = tpu.memref_slice %swap3A_1404[%swap3A_1400, %swap3A_1405] : memref<8x80xf32, #tpu.memory_space<vmem>> -> memref<1x80xf32, #tpu.memory_space<vmem>>
          %swap3A_1407 = tpu.memref_squeeze %swap3A_1406 : memref<1x80xf32, #tpu.memory_space<vmem>> -> memref<80xf32, #tpu.memory_space<vmem>>
          %swap3A_1408 = arith.constant 0 : index
          %swap3A_1409 = tpu.vector_load %swap3A_1407[%swap3A_1408] {strides = array<i32>} : memref<80xf32, #tpu.memory_space<vmem>>, vector<16xf32>,
          %swap3A_1410 = vector.shape_cast %swap3A_1409 : vector<16xf32> to vector<16xf32>
          %swap3A_1411 = vector.shape_cast %max3A_1360 : vector<16xf32> to vector<16xf32>
          tpu.vector_store %swap3A_1407[%swap3A_1408], %swap3A_1411 {strides = array<i32>} : memref<80xf32, #tpu.memory_space<vmem>>, vector<16xf32>,
          %swap3A_1412 = arith.constant 6 : i32
          %swap3A_1413 = arith.constant 0 : i32
          %swap3A_1414 = arith.constant 0 : i32
          %swap3A_1415 = tpu.memref_slice %run_scoped3A_22[%rem3A_413, %swap3A_1413, %swap3A_1414] : memref<2x8x80xf32, #tpu.memory_space<vmem>> -> memref<1x8x80xf32, #tpu.memory_space<vmem>>
          %swap3A_1416 = tpu.memref_squeeze %swap3A_1415 : memref<1x8x80xf32, #tpu.memory_space<vmem>> -> memref<8x80xf32, #tpu.memory_space<vmem>>
          %swap3A_1417 = arith.constant 0 : i32
          %swap3A_1418 = tpu.memref_slice %swap3A_1416[%swap3A_1412, %swap3A_1417] : memref<8x80xf32, #tpu.memory_space<vmem>> -> memref<1x80xf32, #tpu.memory_space<vmem>>
          %swap3A_1419 = tpu.memref_squeeze %swap3A_1418 : memref<1x80xf32, #tpu.memory_space<vmem>> -> memref<80xf32, #tpu.memory_space<vmem>>
          %swap3A_1420 = arith.constant 16 : index
          %swap3A_1421 = tpu.vector_load %swap3A_1419[%swap3A_1420] {strides = array<i32>} : memref<80xf32, #tpu.memory_space<vmem>>, vector<16xf32>,
          %swap3A_1422 = vector.shape_cast %swap3A_1421 : vector<16xf32> to vector<16xf32>
          %swap3A_1423 = vector.shape_cast %scan3A_1374 : vector<16xf32> to vector<16xf32>
          tpu.vector_store %swap3A_1419[%swap3A_1420], %swap3A_1423 {strides = array<i32>} : memref<80xf32, #tpu.memory_space<vmem>>, vector<16xf32>,
          %swap3A_1424 = arith.constant 6 : i32
          %swap3A_1425 = arith.constant 0 : i32
          %swap3A_1426 = arith.constant 0 : i32
          %swap3A_1427 = tpu.memref_slice %run_scoped3A_22[%rem3A_413, %swap3A_1425, %swap3A_1426] : memref<2x8x80xf32, #tpu.memory_space<vmem>> -> memref<1x8x80xf32, #tpu.memory_space<vmem>>
          %swap3A_1428 = tpu.memref_squeeze %swap3A_1427 : memref<1x8x80xf32, #tpu.memory_space<vmem>> -> memref<8x80xf32, #tpu.memory_space<vmem>>
          %swap3A_1429 = arith.constant 0 : i32
          %swap3A_1430 = tpu.memref_slice %swap3A_1428[%swap3A_1424, %swap3A_1429] : memref<8x80xf32, #tpu.memory_space<vmem>> -> memref<1x80xf32, #tpu.memory_space<vmem>>
          %swap3A_1431 = tpu.memref_squeeze %swap3A_1430 : memref<1x80xf32, #tpu.memory_space<vmem>> -> memref<80xf32, #tpu.memory_space<vmem>>
          %swap3A_1432 = arith.constant 32 : index
          %swap3A_1433 = tpu.vector_load %swap3A_1431[%swap3A_1432] {strides = array<i32>} : memref<80xf32, #tpu.memory_space<vmem>>, vector<16xf32>,
          %swap3A_1434 = vector.shape_cast %swap3A_1433 : vector<16xf32> to vector<16xf32>
          %swap3A_1435 = vector.shape_cast %scan3A_1353#1 : vector<16xf32> to vector<16xf32>
          tpu.vector_store %swap3A_1431[%swap3A_1432], %swap3A_1435 {strides = array<i32>} : memref<80xf32, #tpu.memory_space<vmem>>, vector<16xf32>,
          %swap3A_1436 = arith.constant 6 : i32
          %swap3A_1437 = arith.constant 0 : i32
          %swap3A_1438 = arith.constant 0 : i32
          %swap3A_1439 = tpu.memref_slice %run_scoped3A_22[%rem3A_413, %swap3A_1437, %swap3A_1438] : memref<2x8x80xf32, #tpu.memory_space<vmem>> -> memref<1x8x80xf32, #tpu.memory_space<vmem>>
          %swap3A_1440 = tpu.memref_squeeze %swap3A_1439 : memref<1x8x80xf32, #tpu.memory_space<vmem>> -> memref<8x80xf32, #tpu.memory_space<vmem>>
          %swap3A_1441 = arith.constant 0 : i32
          %swap3A_1442 = tpu.memref_slice %swap3A_1440[%swap3A_1436, %swap3A_1441] : memref<8x80xf32, #tpu.memory_space<vmem>> -> memref<1x80xf32, #tpu.memory_space<vmem>>
          %swap3A_1443 = tpu.memref_squeeze %swap3A_1442 : memref<1x80xf32, #tpu.memory_space<vmem>> -> memref<80xf32, #tpu.memory_space<vmem>>
          %swap3A_1444 = arith.constant 48 : index
          %swap3A_1445 = tpu.vector_load %swap3A_1443[%swap3A_1444] {strides = array<i32>} : memref<80xf32, #tpu.memory_space<vmem>>, vector<16xf32>,
          %swap3A_1446 = vector.shape_cast %swap3A_1445 : vector<16xf32> to vector<16xf32>
          %swap3A_1447 = vector.shape_cast %scan3A_1353#2 : vector<16xf32> to vector<16xf32>
          tpu.vector_store %swap3A_1443[%swap3A_1444], %swap3A_1447 {strides = array<i32>} : memref<80xf32, #tpu.memory_space<vmem>>, vector<16xf32>,
          %get3A_1448 = arith.constant 6 : i32
          %get3A_1449 = arith.index_cast %get3A_1448 : i32 to index
          %get3A_1450 = arith.constant 0 : index
          %get3A_1451 = tpu.vector_load %arg9[%get3A_1449, %get3A_1450] {strides = array<i32>} : memref<8x16xf32, #tpu.memory_space<vmem>>, vector<1x16xf32>,
          %get3A_1452 = vector.shape_cast %get3A_1451 : vector<1x16xf32> to vector<16xf32>
          %swap3A_1453 = arith.constant 6 : i32
          %swap3A_1454 = arith.constant 0 : i32
          %swap3A_1455 = arith.constant 0 : i32
          %swap3A_1456 = tpu.memref_slice %run_scoped3A_22[%rem3A_413, %swap3A_1454, %swap3A_1455] : memref<2x8x80xf32, #tpu.memory_space<vmem>> -> memref<1x8x80xf32, #tpu.memory_space<vmem>>
          %swap3A_1457 = tpu.memref_squeeze %swap3A_1456 : memref<1x8x80xf32, #tpu.memory_space<vmem>> -> memref<8x80xf32, #tpu.memory_space<vmem>>
          %swap3A_1458 = arith.constant 0 : i32
          %swap3A_1459 = tpu.memref_slice %swap3A_1457[%swap3A_1453, %swap3A_1458] : memref<8x80xf32, #tpu.memory_space<vmem>> -> memref<1x80xf32, #tpu.memory_space<vmem>>
          %swap3A_1460 = tpu.memref_squeeze %swap3A_1459 : memref<1x80xf32, #tpu.memory_space<vmem>> -> memref<80xf32, #tpu.memory_space<vmem>>
          %swap3A_1461 = arith.constant 64 : index
          %swap3A_1462 = tpu.vector_load %swap3A_1460[%swap3A_1461] {strides = array<i32>} : memref<80xf32, #tpu.memory_space<vmem>>, vector<16xf32>,
          %swap3A_1463 = vector.shape_cast %swap3A_1462 : vector<16xf32> to vector<16xf32>
          %swap3A_1464 = vector.shape_cast %get3A_1452 : vector<16xf32> to vector<16xf32>
          tpu.vector_store %swap3A_1460[%swap3A_1461], %swap3A_1464 {strides = array<i32>} : memref<80xf32, #tpu.memory_space<vmem>>, vector<16xf32>,
          %get3A_1465 = arith.constant 7 : i32
          %get3A_1466 = arith.constant 0 : i32
          %get3A_1467 = arith.constant 0 : i32
          %get3A_1468 = tpu.memref_slice %run_scoped3A_20[%rem3A_411, %get3A_1466, %get3A_1467] : memref<2x8x16xi32, #tpu.memory_space<vmem>> -> memref<1x8x16xi32, #tpu.memory_space<vmem>>
          %get3A_1469 = tpu.memref_squeeze %get3A_1468 : memref<1x8x16xi32, #tpu.memory_space<vmem>> -> memref<8x16xi32, #tpu.memory_space<vmem>>
          %get3A_1470 = arith.constant 0 : i32
          %get3A_1471 = tpu.memref_slice %get3A_1469[%get3A_1465, %get3A_1470] : memref<8x16xi32, #tpu.memory_space<vmem>> -> memref<1x16xi32, #tpu.memory_space<vmem>>
          %get3A_1472 = tpu.memref_squeeze %get3A_1471 : memref<1x16xi32, #tpu.memory_space<vmem>> -> memref<16xi32, #tpu.memory_space<vmem>>
          %get3A_1473 = arith.constant 0 : index
          %get3A_1474 = tpu.vector_load %get3A_1472[%get3A_1473] {strides = array<i32>} : memref<16xi32, #tpu.memory_space<vmem>>, vector<16xi32>,
          %get3A_1475 = vector.shape_cast %get3A_1474 : vector<16xi32> to vector<16xi32>
          %eq3A_1476 = arith.constant 0 : i32
          %eq3A_1477 = arith.cmpi eq, %add3A_269, %eq3A_1476 : i32
          %convert_element_type3A_1478 = arith.extui %eq3A_1477 : i1 to i32
          %cond3A_1479 = arith.constant 7 : i32
          %cond3A_1480 = arith.constant 7 : i32
          %cond3A_1481 = arith.constant 7 : i32
          %cond3A_1482 = arith.constant 7 : i32
          %cond3A_1483 = arith.constant 7 : i32
          %cond3A_1484 = arith.constant 7 : i32
          %cond3A_1485 = arith.constant 0 : i32
          %cond3A_1486 = arith.cmpi ne, %convert_element_type3A_1478, %cond3A_1485 : i32
          scf.if %cond3A_1486 {
            %broadcast_in_dim3A_1738 = arith.constant 0xFF800000 : f32
            %broadcast_in_dim3A_1739 = vector.broadcast %broadcast_in_dim3A_1738 : f32 to vector<16xf32>
            %swap3A_1740 = arith.index_cast %cond3A_1479 : i32 to index
            %swap3A_1741 = arith.constant 0 : index
            %swap3A_1742 = tpu.vector_load %arg5[%swap3A_1740, %swap3A_1741] {strides = array<i32>} : memref<8x16xf32, #tpu.memory_space<vmem>>, vector<1x16xf32>,
            %swap3A_1743 = vector.shape_cast %swap3A_1742 : vector<1x16xf32> to vector<16xf32>
            %swap3A_1744 = vector.shape_cast %broadcast_in_dim3A_1739 : vector<16xf32> to vector<1x16xf32>
            tpu.vector_store %arg5[%swap3A_1740, %swap3A_1741], %swap3A_1744 {strides = array<i32>} : memref<8x16xf32, #tpu.memory_space<vmem>>, vector<1x16xf32>,
            %broadcast_in_dim3A_1745 = arith.constant 0.000000e+00 : f32
            %broadcast_in_dim3A_1746 = vector.broadcast %broadcast_in_dim3A_1745 : f32 to vector<16xf32>
            %swap3A_1747 = arith.index_cast %cond3A_1480 : i32 to index
            %swap3A_1748 = arith.constant 0 : index
            %swap3A_1749 = tpu.vector_load %arg6[%swap3A_1747, %swap3A_1748] {strides = array<i32>} : memref<8x16xf32, #tpu.memory_space<vmem>>, vector<1x16xf32>,
            %swap3A_1750 = vector.shape_cast %swap3A_1749 : vector<1x16xf32> to vector<16xf32>
            %swap3A_1751 = vector.shape_cast %broadcast_in_dim3A_1746 : vector<16xf32> to vector<1x16xf32>
            tpu.vector_store %arg6[%swap3A_1747, %swap3A_1748], %swap3A_1751 {strides = array<i32>} : memref<8x16xf32, #tpu.memory_space<vmem>>, vector<1x16xf32>,
            %broadcast_in_dim3A_1752 = arith.constant 0.000000e+00 : f32
            %broadcast_in_dim3A_1753 = vector.broadcast %broadcast_in_dim3A_1752 : f32 to vector<16xf32>
            %swap3A_1754 = arith.index_cast %cond3A_1481 : i32 to index
            %swap3A_1755 = arith.constant 0 : index
            %swap3A_1756 = tpu.vector_load %arg7[%swap3A_1754, %swap3A_1755] {strides = array<i32>} : memref<8x16xf32, #tpu.memory_space<vmem>>, vector<1x16xf32>,
            %swap3A_1757 = vector.shape_cast %swap3A_1756 : vector<1x16xf32> to vector<16xf32>
            %swap3A_1758 = vector.shape_cast %broadcast_in_dim3A_1753 : vector<16xf32> to vector<1x16xf32>
            tpu.vector_store %arg7[%swap3A_1754, %swap3A_1755], %swap3A_1758 {strides = array<i32>} : memref<8x16xf32, #tpu.memory_space<vmem>>, vector<1x16xf32>,
            %broadcast_in_dim3A_1759 = arith.constant 0.000000e+00 : f32
            %broadcast_in_dim3A_1760 = vector.broadcast %broadcast_in_dim3A_1759 : f32 to vector<16xf32>
            %swap3A_1761 = arith.index_cast %cond3A_1482 : i32 to index
            %swap3A_1762 = arith.constant 0 : index
            %swap3A_1763 = tpu.vector_load %arg8[%swap3A_1761, %swap3A_1762] {strides = array<i32>} : memref<8x16xf32, #tpu.memory_space<vmem>>, vector<1x16xf32>,
            %swap3A_1764 = vector.shape_cast %swap3A_1763 : vector<1x16xf32> to vector<16xf32>
            %swap3A_1765 = vector.shape_cast %broadcast_in_dim3A_1760 : vector<16xf32> to vector<1x16xf32>
            tpu.vector_store %arg8[%swap3A_1761, %swap3A_1762], %swap3A_1765 {strides = array<i32>} : memref<8x16xf32, #tpu.memory_space<vmem>>, vector<1x16xf32>,
            %get3A_1766 = arith.constant 0 : i32
            %get3A_1767 = arith.constant 0 : i32
            %get3A_1768 = tpu.memref_slice %run_scoped3A[%rem3A_409, %get3A_1766, %get3A_1767] : memref<2x8x3840xf32, #tpu.memory_space<vmem>> -> memref<1x8x3840xf32, #tpu.memory_space<vmem>>
            %get3A_1769 = tpu.memref_squeeze %get3A_1768 : memref<1x8x3840xf32, #tpu.memory_space<vmem>> -> memref<8x3840xf32, #tpu.memory_space<vmem>>
            %get3A_1770 = arith.constant 0 : i32
            %get3A_1771 = tpu.memref_slice %get3A_1769[%cond3A_1483, %get3A_1770] : memref<8x3840xf32, #tpu.memory_space<vmem>> -> memref<1x3840xf32, #tpu.memory_space<vmem>>
            %get3A_1772 = tpu.memref_squeeze %get3A_1771 : memref<1x3840xf32, #tpu.memory_space<vmem>> -> memref<3840xf32, #tpu.memory_space<vmem>>
            %get3A_1773 = arith.constant 0 : index
            %get3A_1774 = tpu.vector_load %get3A_1772[%get3A_1773] {strides = array<i32>} : memref<3840xf32, #tpu.memory_space<vmem>>, vector<16xf32>,
            %get3A_1775 = vector.shape_cast %get3A_1774 : vector<16xf32> to vector<16xf32>
            %swap3A_1776 = arith.index_cast %cond3A_1484 : i32 to index
            %swap3A_1777 = arith.constant 0 : index
            %swap3A_1778 = tpu.vector_load %arg9[%swap3A_1776, %swap3A_1777] {strides = array<i32>} : memref<8x16xf32, #tpu.memory_space<vmem>>, vector<1x16xf32>,
            %swap3A_1779 = vector.shape_cast %swap3A_1778 : vector<1x16xf32> to vector<16xf32>
            %swap3A_1780 = vector.shape_cast %get3A_1775 : vector<16xf32> to vector<1x16xf32>
            tpu.vector_store %arg9[%swap3A_1776, %swap3A_1777], %swap3A_1780 {strides = array<i32>} : memref<8x16xf32, #tpu.memory_space<vmem>>, vector<1x16xf32>,
          } else {
          }
          %broadcast_in_dim3A_1487 = arith.constant 0xFF800000 : f32
          %broadcast_in_dim3A_1488 = vector.broadcast %broadcast_in_dim3A_1487 : f32 to vector<16xf32>
          %get3A_1489 = arith.constant 7 : i32
          %get3A_1490 = arith.index_cast %get3A_1489 : i32 to index
          %get3A_1491 = arith.constant 0 : index
          %get3A_1492 = tpu.vector_load %arg7[%get3A_1490, %get3A_1491] {strides = array<i32>} : memref<8x16xf32, #tpu.memory_space<vmem>>, vector<1x16xf32>,
          %get3A_1493 = vector.shape_cast %get3A_1492 : vector<1x16xf32> to vector<16xf32>
          %get3A_1494 = arith.constant 7 : i32
          %get3A_1495 = arith.index_cast %get3A_1494 : i32 to index
          %get3A_1496 = arith.constant 0 : index
          %get3A_1497 = tpu.vector_load %arg8[%get3A_1495, %get3A_1496] {strides = array<i32>} : memref<8x16xf32, #tpu.memory_space<vmem>>, vector<1x16xf32>,
          %get3A_1498 = vector.shape_cast %get3A_1497 : vector<1x16xf32> to vector<16xf32>
          %scan3A_1499 = arith.constant 7 : i32
          %scan3A_1500 = arith.constant 0 : i32
          %scan3A_1501 = arith.constant 240 : i32
          %scan3A_1502 = arith.addi %scan3A_1500, %scan3A_1501 : i32
          %scan3A_1503 = arith.constant 1 : i32
          %scan3A_1504:3 = scf.for %scan3A_1738 = %scan3A_1500 to %scan3A_1502 step %scan3A_1503 iter_args(%scan3A_1739 = %broadcast_in_dim3A_1488, %scan3A_1740 = %get3A_1493, %scan3A_1741 = %get3A_1498) -> (vector<16xf32>, vector<16xf32>, vector<16xf32>)  : i32 {
            %mul3A_1742 = arith.constant 16 : i32
            %mul3A_1743 = arith.muli %scan3A_1738, %mul3A_1742 : i32
            %get3A_1744 = arith.constant 0 : i32
            %get3A_1745 = arith.constant 0 : i32
            %get3A_1746 = tpu.memref_slice %run_scoped3A[%rem3A_409, %get3A_1744, %get3A_1745] : memref<2x8x3840xf32, #tpu.memory_space<vmem>> -> memref<1x8x3840xf32, #tpu.memory_space<vmem>>
            %get3A_1747 = tpu.memref_squeeze %get3A_1746 : memref<1x8x3840xf32, #tpu.memory_space<vmem>> -> memref<8x3840xf32, #tpu.memory_space<vmem>>
            %get3A_1748 = arith.constant 0 : i32
            %get3A_1749 = tpu.memref_slice %get3A_1747[%scan3A_1499, %get3A_1748] : memref<8x3840xf32, #tpu.memory_space<vmem>> -> memref<1x3840xf32, #tpu.memory_space<vmem>>
            %get3A_1750 = tpu.memref_squeeze %get3A_1749 : memref<1x3840xf32, #tpu.memory_space<vmem>> -> memref<3840xf32, #tpu.memory_space<vmem>>
            %get3A_1751 = arith.index_cast %mul3A_1743 : i32 to index
            %get3A_1752 = tpu.vector_load %get3A_1750[%get3A_1751] {strides = array<i32>} : memref<3840xf32, #tpu.memory_space<vmem>>, vector<16xf32>,
            %get3A_1753 = vector.shape_cast %get3A_1752 : vector<16xf32> to vector<16xf32>
            %max3A_1754 = arith.maximumf %scan3A_1739, %get3A_1753 : vector<16xf32>
            %add3A_1755 = arith.addf %scan3A_1740, %get3A_1753 : vector<16xf32>
            %mul3A_1756 = arith.constant 3840 : i32
            %mul3A_1757 = arith.muli %add3A_269, %mul3A_1756 : i32
            %mul3A_1758 = arith.constant 16 : i32
            %mul3A_1759 = arith.muli %scan3A_1738, %mul3A_1758 : i32
            %add3A_1760 = arith.addi %mul3A_1757, %mul3A_1759 : i32
            %sub3A_1761 = vector.broadcast %add3A_1760 : i32 to vector<16xi32>
            %sub3A_1762 = arith.subi %get3A_1475, %sub3A_1761 : vector<16xi32>
            %eq3A_1763 = arith.cmpi eq, %iota3A, %sub3A_1762 : vector<16xi32>
            %jit3A_1764 = arith.constant 0.000000e+00 : f32
            %broadcast_in_dim3A_1765 = vector.broadcast %jit3A_1764 : f32 to vector<16xf32>
            %select_n3A_1766 = arith.select %eq3A_1763, %get3A_1753, %broadcast_in_dim3A_1765 : vector<16xi1>, vector<16xf32>
            %add3A_1767 = arith.addf %scan3A_1741, %select_n3A_1766 : vector<16xf32>
            scf.yield %max3A_1754, %add3A_1755, %add3A_1767 : vector<16xf32>, vector<16xf32>, vector<16xf32>
          }
          %scan3A_1505 = arith.constant 240 : i32
          %get3A_1506 = arith.constant 7 : i32
          %get3A_1507 = arith.index_cast %get3A_1506 : i32 to index
          %get3A_1508 = arith.constant 0 : index
          %get3A_1509 = tpu.vector_load %arg5[%get3A_1507, %get3A_1508] {strides = array<i32>} : memref<8x16xf32, #tpu.memory_space<vmem>>, vector<1x16xf32>,
          %get3A_1510 = vector.shape_cast %get3A_1509 : vector<1x16xf32> to vector<16xf32>
          %max3A_1511 = arith.maximumf %get3A_1510, %scan3A_1504#0 : vector<16xf32>
          %get3A_1512 = arith.constant 7 : i32
          %get3A_1513 = arith.index_cast %get3A_1512 : i32 to index
          %get3A_1514 = arith.constant 0 : index
          %get3A_1515 = tpu.vector_load %arg6[%get3A_1513, %get3A_1514] {strides = array<i32>} : memref<8x16xf32, #tpu.memory_space<vmem>>, vector<1x16xf32>,
          %get3A_1516 = vector.shape_cast %get3A_1515 : vector<1x16xf32> to vector<16xf32>
          %sub3A_1517 = arith.subf %get3A_1510, %max3A_1511 : vector<16xf32>
          %exp3A_1518 = math.exp %sub3A_1517 : vector<16xf32>
          %mul3A_1519 = arith.mulf %get3A_1516, %exp3A_1518 : vector<16xf32>
          %scan3A_1520 = arith.constant 7 : i32
          %scan3A_1521 = arith.constant 0 : i32
          %scan3A_1522 = arith.constant 240 : i32
          %scan3A_1523 = arith.addi %scan3A_1521, %scan3A_1522 : i32
          %scan3A_1524 = arith.constant 1 : i32
          %scan3A_1525 = scf.for %scan3A_1738 = %scan3A_1521 to %scan3A_1523 step %scan3A_1524 iter_args(%scan3A_1739 = %mul3A_1519) -> (vector<16xf32>)  : i32 {
            %mul3A_1740 = arith.constant 16 : i32
            %mul3A_1741 = arith.muli %scan3A_1738, %mul3A_1740 : i32
            %get3A_1742 = arith.constant 0 : i32
            %get3A_1743 = arith.constant 0 : i32
            %get3A_1744 = tpu.memref_slice %run_scoped3A[%rem3A_409, %get3A_1742, %get3A_1743] : memref<2x8x3840xf32, #tpu.memory_space<vmem>> -> memref<1x8x3840xf32, #tpu.memory_space<vmem>>
            %get3A_1745 = tpu.memref_squeeze %get3A_1744 : memref<1x8x3840xf32, #tpu.memory_space<vmem>> -> memref<8x3840xf32, #tpu.memory_space<vmem>>
            %get3A_1746 = arith.constant 0 : i32
            %get3A_1747 = tpu.memref_slice %get3A_1745[%scan3A_1520, %get3A_1746] : memref<8x3840xf32, #tpu.memory_space<vmem>> -> memref<1x3840xf32, #tpu.memory_space<vmem>>
            %get3A_1748 = tpu.memref_squeeze %get3A_1747 : memref<1x3840xf32, #tpu.memory_space<vmem>> -> memref<3840xf32, #tpu.memory_space<vmem>>
            %get3A_1749 = arith.index_cast %mul3A_1741 : i32 to index
            %get3A_1750 = tpu.vector_load %get3A_1748[%get3A_1749] {strides = array<i32>} : memref<3840xf32, #tpu.memory_space<vmem>>, vector<16xf32>,
            %get3A_1751 = vector.shape_cast %get3A_1750 : vector<16xf32> to vector<16xf32>
            %sub3A_1752 = arith.subf %get3A_1751, %max3A_1511 : vector<16xf32>
            %exp3A_1753 = math.exp %sub3A_1752 : vector<16xf32>
            %add3A_1754 = arith.addf %scan3A_1739, %exp3A_1753 : vector<16xf32>
            scf.yield %add3A_1754 : vector<16xf32>
          }
          %scan3A_1526 = arith.constant 240 : i32
          %swap3A_1527 = arith.constant 7 : i32
          %swap3A_1528 = arith.index_cast %swap3A_1527 : i32 to index
          %swap3A_1529 = arith.constant 0 : index
          %swap3A_1530 = tpu.vector_load %arg5[%swap3A_1528, %swap3A_1529] {strides = array<i32>} : memref<8x16xf32, #tpu.memory_space<vmem>>, vector<1x16xf32>,
          %swap3A_1531 = vector.shape_cast %swap3A_1530 : vector<1x16xf32> to vector<16xf32>
          %swap3A_1532 = vector.shape_cast %max3A_1511 : vector<16xf32> to vector<1x16xf32>
          tpu.vector_store %arg5[%swap3A_1528, %swap3A_1529], %swap3A_1532 {strides = array<i32>} : memref<8x16xf32, #tpu.memory_space<vmem>>, vector<1x16xf32>,
          %swap3A_1533 = arith.constant 7 : i32
          %swap3A_1534 = arith.index_cast %swap3A_1533 : i32 to index
          %swap3A_1535 = arith.constant 0 : index
          %swap3A_1536 = tpu.vector_load %arg6[%swap3A_1534, %swap3A_1535] {strides = array<i32>} : memref<8x16xf32, #tpu.memory_space<vmem>>, vector<1x16xf32>,
          %swap3A_1537 = vector.shape_cast %swap3A_1536 : vector<1x16xf32> to vector<16xf32>
          %swap3A_1538 = vector.shape_cast %scan3A_1525 : vector<16xf32> to vector<1x16xf32>
          tpu.vector_store %arg6[%swap3A_1534, %swap3A_1535], %swap3A_1538 {strides = array<i32>} : memref<8x16xf32, #tpu.memory_space<vmem>>, vector<1x16xf32>,
          %swap3A_1539 = arith.constant 7 : i32
          %swap3A_1540 = arith.index_cast %swap3A_1539 : i32 to index
          %swap3A_1541 = arith.constant 0 : index
          %swap3A_1542 = tpu.vector_load %arg7[%swap3A_1540, %swap3A_1541] {strides = array<i32>} : memref<8x16xf32, #tpu.memory_space<vmem>>, vector<1x16xf32>,
          %swap3A_1543 = vector.shape_cast %swap3A_1542 : vector<1x16xf32> to vector<16xf32>
          %swap3A_1544 = vector.shape_cast %scan3A_1504#1 : vector<16xf32> to vector<1x16xf32>
          tpu.vector_store %arg7[%swap3A_1540, %swap3A_1541], %swap3A_1544 {strides = array<i32>} : memref<8x16xf32, #tpu.memory_space<vmem>>, vector<1x16xf32>,
          %swap3A_1545 = arith.constant 7 : i32
          %swap3A_1546 = arith.index_cast %swap3A_1545 : i32 to index
          %swap3A_1547 = arith.constant 0 : index
          %swap3A_1548 = tpu.vector_load %arg8[%swap3A_1546, %swap3A_1547] {strides = array<i32>} : memref<8x16xf32, #tpu.memory_space<vmem>>, vector<1x16xf32>,
          %swap3A_1549 = vector.shape_cast %swap3A_1548 : vector<1x16xf32> to vector<16xf32>
          %swap3A_1550 = vector.shape_cast %scan3A_1504#2 : vector<16xf32> to vector<1x16xf32>
          tpu.vector_store %arg8[%swap3A_1546, %swap3A_1547], %swap3A_1550 {strides = array<i32>} : memref<8x16xf32, #tpu.memory_space<vmem>>, vector<1x16xf32>,
          %swap3A_1551 = arith.constant 7 : i32
          %swap3A_1552 = arith.constant 0 : i32
          %swap3A_1553 = arith.constant 0 : i32
          %swap3A_1554 = tpu.memref_slice %run_scoped3A_22[%rem3A_413, %swap3A_1552, %swap3A_1553] : memref<2x8x80xf32, #tpu.memory_space<vmem>> -> memref<1x8x80xf32, #tpu.memory_space<vmem>>
          %swap3A_1555 = tpu.memref_squeeze %swap3A_1554 : memref<1x8x80xf32, #tpu.memory_space<vmem>> -> memref<8x80xf32, #tpu.memory_space<vmem>>
          %swap3A_1556 = arith.constant 0 : i32
          %swap3A_1557 = tpu.memref_slice %swap3A_1555[%swap3A_1551, %swap3A_1556] : memref<8x80xf32, #tpu.memory_space<vmem>> -> memref<1x80xf32, #tpu.memory_space<vmem>>
          %swap3A_1558 = tpu.memref_squeeze %swap3A_1557 : memref<1x80xf32, #tpu.memory_space<vmem>> -> memref<80xf32, #tpu.memory_space<vmem>>
          %swap3A_1559 = arith.constant 0 : index
          %swap3A_1560 = tpu.vector_load %swap3A_1558[%swap3A_1559] {strides = array<i32>} : memref<80xf32, #tpu.memory_space<vmem>>, vector<16xf32>,
          %swap3A_1561 = vector.shape_cast %swap3A_1560 : vector<16xf32> to vector<16xf32>
          %swap3A_1562 = vector.shape_cast %max3A_1511 : vector<16xf32> to vector<16xf32>
          tpu.vector_store %swap3A_1558[%swap3A_1559], %swap3A_1562 {strides = array<i32>} : memref<80xf32, #tpu.memory_space<vmem>>, vector<16xf32>,
          %swap3A_1563 = arith.constant 7 : i32
          %swap3A_1564 = arith.constant 0 : i32
          %swap3A_1565 = arith.constant 0 : i32
          %swap3A_1566 = tpu.memref_slice %run_scoped3A_22[%rem3A_413, %swap3A_1564, %swap3A_1565] : memref<2x8x80xf32, #tpu.memory_space<vmem>> -> memref<1x8x80xf32, #tpu.memory_space<vmem>>
          %swap3A_1567 = tpu.memref_squeeze %swap3A_1566 : memref<1x8x80xf32, #tpu.memory_space<vmem>> -> memref<8x80xf32, #tpu.memory_space<vmem>>
          %swap3A_1568 = arith.constant 0 : i32
          %swap3A_1569 = tpu.memref_slice %swap3A_1567[%swap3A_1563, %swap3A_1568] : memref<8x80xf32, #tpu.memory_space<vmem>> -> memref<1x80xf32, #tpu.memory_space<vmem>>
          %swap3A_1570 = tpu.memref_squeeze %swap3A_1569 : memref<1x80xf32, #tpu.memory_space<vmem>> -> memref<80xf32, #tpu.memory_space<vmem>>
          %swap3A_1571 = arith.constant 16 : index
          %swap3A_1572 = tpu.vector_load %swap3A_1570[%swap3A_1571] {strides = array<i32>} : memref<80xf32, #tpu.memory_space<vmem>>, vector<16xf32>,
          %swap3A_1573 = vector.shape_cast %swap3A_1572 : vector<16xf32> to vector<16xf32>
          %swap3A_1574 = vector.shape_cast %scan3A_1525 : vector<16xf32> to vector<16xf32>
          tpu.vector_store %swap3A_1570[%swap3A_1571], %swap3A_1574 {strides = array<i32>} : memref<80xf32, #tpu.memory_space<vmem>>, vector<16xf32>,
          %swap3A_1575 = arith.constant 7 : i32
          %swap3A_1576 = arith.constant 0 : i32
          %swap3A_1577 = arith.constant 0 : i32
          %swap3A_1578 = tpu.memref_slice %run_scoped3A_22[%rem3A_413, %swap3A_1576, %swap3A_1577] : memref<2x8x80xf32, #tpu.memory_space<vmem>> -> memref<1x8x80xf32, #tpu.memory_space<vmem>>
          %swap3A_1579 = tpu.memref_squeeze %swap3A_1578 : memref<1x8x80xf32, #tpu.memory_space<vmem>> -> memref<8x80xf32, #tpu.memory_space<vmem>>
          %swap3A_1580 = arith.constant 0 : i32
          %swap3A_1581 = tpu.memref_slice %swap3A_1579[%swap3A_1575, %swap3A_1580] : memref<8x80xf32, #tpu.memory_space<vmem>> -> memref<1x80xf32, #tpu.memory_space<vmem>>
          %swap3A_1582 = tpu.memref_squeeze %swap3A_1581 : memref<1x80xf32, #tpu.memory_space<vmem>> -> memref<80xf32, #tpu.memory_space<vmem>>
          %swap3A_1583 = arith.constant 32 : index
          %swap3A_1584 = tpu.vector_load %swap3A_1582[%swap3A_1583] {strides = array<i32>} : memref<80xf32, #tpu.memory_space<vmem>>, vector<16xf32>,
          %swap3A_1585 = vector.shape_cast %swap3A_1584 : vector<16xf32> to vector<16xf32>
          %swap3A_1586 = vector.shape_cast %scan3A_1504#1 : vector<16xf32> to vector<16xf32>
          tpu.vector_store %swap3A_1582[%swap3A_1583], %swap3A_1586 {strides = array<i32>} : memref<80xf32, #tpu.memory_space<vmem>>, vector<16xf32>,
          %swap3A_1587 = arith.constant 7 : i32
          %swap3A_1588 = arith.constant 0 : i32
          %swap3A_1589 = arith.constant 0 : i32
          %swap3A_1590 = tpu.memref_slice %run_scoped3A_22[%rem3A_413, %swap3A_1588, %swap3A_1589] : memref<2x8x80xf32, #tpu.memory_space<vmem>> -> memref<1x8x80xf32, #tpu.memory_space<vmem>>
          %swap3A_1591 = tpu.memref_squeeze %swap3A_1590 : memref<1x8x80xf32, #tpu.memory_space<vmem>> -> memref<8x80xf32, #tpu.memory_space<vmem>>
          %swap3A_1592 = arith.constant 0 : i32
          %swap3A_1593 = tpu.memref_slice %swap3A_1591[%swap3A_1587, %swap3A_1592] : memref<8x80xf32, #tpu.memory_space<vmem>> -> memref<1x80xf32, #tpu.memory_space<vmem>>
          %swap3A_1594 = tpu.memref_squeeze %swap3A_1593 : memref<1x80xf32, #tpu.memory_space<vmem>> -> memref<80xf32, #tpu.memory_space<vmem>>
          %swap3A_1595 = arith.constant 48 : index
          %swap3A_1596 = tpu.vector_load %swap3A_1594[%swap3A_1595] {strides = array<i32>} : memref<80xf32, #tpu.memory_space<vmem>>, vector<16xf32>,
          %swap3A_1597 = vector.shape_cast %swap3A_1596 : vector<16xf32> to vector<16xf32>
          %swap3A_1598 = vector.shape_cast %scan3A_1504#2 : vector<16xf32> to vector<16xf32>
          tpu.vector_store %swap3A_1594[%swap3A_1595], %swap3A_1598 {strides = array<i32>} : memref<80xf32, #tpu.memory_space<vmem>>, vector<16xf32>,
          %get3A_1599 = arith.constant 7 : i32
          %get3A_1600 = arith.index_cast %get3A_1599 : i32 to index
          %get3A_1601 = arith.constant 0 : index
          %get3A_1602 = tpu.vector_load %arg9[%get3A_1600, %get3A_1601] {strides = array<i32>} : memref<8x16xf32, #tpu.memory_space<vmem>>, vector<1x16xf32>,
          %get3A_1603 = vector.shape_cast %get3A_1602 : vector<1x16xf32> to vector<16xf32>
          %swap3A_1604 = arith.constant 7 : i32
          %swap3A_1605 = arith.constant 0 : i32
          %swap3A_1606 = arith.constant 0 : i32
          %swap3A_1607 = tpu.memref_slice %run_scoped3A_22[%rem3A_413, %swap3A_1605, %swap3A_1606] : memref<2x8x80xf32, #tpu.memory_space<vmem>> -> memref<1x8x80xf32, #tpu.memory_space<vmem>>
          %swap3A_1608 = tpu.memref_squeeze %swap3A_1607 : memref<1x8x80xf32, #tpu.memory_space<vmem>> -> memref<8x80xf32, #tpu.memory_space<vmem>>
          %swap3A_1609 = arith.constant 0 : i32
          %swap3A_1610 = tpu.memref_slice %swap3A_1608[%swap3A_1604, %swap3A_1609] : memref<8x80xf32, #tpu.memory_space<vmem>> -> memref<1x80xf32, #tpu.memory_space<vmem>>
          %swap3A_1611 = tpu.memref_squeeze %swap3A_1610 : memref<1x80xf32, #tpu.memory_space<vmem>> -> memref<80xf32, #tpu.memory_space<vmem>>
          %swap3A_1612 = arith.constant 64 : index
          %swap3A_1613 = tpu.vector_load %swap3A_1611[%swap3A_1612] {strides = array<i32>} : memref<80xf32, #tpu.memory_space<vmem>>, vector<16xf32>,
          %swap3A_1614 = vector.shape_cast %swap3A_1613 : vector<16xf32> to vector<16xf32>
          %swap3A_1615 = vector.shape_cast %get3A_1603 : vector<16xf32> to vector<16xf32>
          tpu.vector_store %swap3A_1611[%swap3A_1612], %swap3A_1615 {strides = array<i32>} : memref<80xf32, #tpu.memory_space<vmem>>, vector<16xf32>,
          "tpu.trace_stop"() : () -> ()
          %add3A_1616 = arith.constant 240 : i32
          %add3A_1617 = arith.addi %add3A_1616, %add3A_267 : i32
          %add3A_1618 = arith.constant 240 : i32
          %add3A_1619 = arith.addi %add3A_1618, %add3A_303 : i32
          %ne3A_1620 = arith.cmpi ne, %add3A_1617, %add3A_1619 : i32
          %ne3A_1621 = arith.cmpi ne, %add3A_269, %add3A_305 : i32
          %or3A_1622 = arith.constant false
          %or3A_1623 = arith.ori %or3A_1622, %ne3A_1620 : i1
          %or3A_1624 = arith.ori %or3A_1623, %ne3A_1621 : i1
          %or3A_1625 = arith.ori %or3A_1624, %eq3A_266 : i1
          %convert_element_type3A_1626 = arith.extui %or3A_1625 : i1 to i32
          %cond3A_1627 = arith.constant 0 : i32
          %cond3A_1628 = arith.cmpi ne, %convert_element_type3A_1626, %cond3A_1627 : i32
          scf.if %cond3A_1628 {
          } else {
          }
          %and3A_1629 = arith.constant false
          %and3A_1630 = arith.andi %or3A_1625, %and3A_1629 : i1
          %ne3A_1631 = arith.cmpi ne, %add3A_267, %add3A_303 : i32
          %or3A_1632 = arith.constant false
          %or3A_1633 = arith.ori %or3A_1632, %ne3A_1631 : i1
          %or3A_1634 = arith.constant false
          %or3A_1635 = arith.ori %or3A_1633, %or3A_1634 : i1
          %or3A_1636 = arith.ori %or3A_1635, %eq3A_266 : i1
          %convert_element_type3A_1637 = arith.extui %or3A_1636 : i1 to i32
          %cond3A_1638 = arith.constant 0 : i32
          %cond3A_1639 = arith.cmpi ne, %convert_element_type3A_1637, %cond3A_1638 : i32
          scf.if %cond3A_1639 {
          } else {
          }
          %and3A_1640 = arith.constant false
          %and3A_1641 = arith.andi %or3A_1636, %and3A_1640 : i1
          %ne3A_1642 = arith.cmpi ne, %add3A_267, %add3A_303 : i32
          %or3A_1643 = arith.constant false
          %or3A_1644 = arith.ori %or3A_1643, %ne3A_1642 : i1
          %or3A_1645 = arith.constant false
          %or3A_1646 = arith.ori %or3A_1644, %or3A_1645 : i1
          %or3A_1647 = arith.ori %or3A_1646, %eq3A_266 : i1
          %convert_element_type3A_1648 = arith.extui %or3A_1647 : i1 to i32
          %cond3A_1649 = arith.constant 0 : i32
          %cond3A_1650 = arith.cmpi ne, %convert_element_type3A_1648, %cond3A_1649 : i32
          scf.if %cond3A_1650 {
            "tpu.trace_start"() <{level = 10 : i32, message = "ep_copy_out"}> : () -> ()
            %rem3A_1738 = arith.constant 2 : i32
            %rem3A_1739 = arith.remui %while3A_254, %rem3A_1738 : i32
            %mul3A_1740 = arith.constant 8 : i32
            %mul3A_1741 = arith.muli %mul3A_1740, %add3A_267 : i32
            %dma_start3A_1742 = arith.constant 0 : i32
            %dma_start3A_1743 = arith.constant 0 : i32
            %dma_start3A_1744 = tpu.memref_slice %run_scoped3A_22[%rem3A_1739, %dma_start3A_1742, %dma_start3A_1743] : memref<2x8x80xf32, #tpu.memory_space<vmem>> -> memref<1x8x80xf32, #tpu.memory_space<vmem>>
            %dma_start3A_1745 = tpu.memref_squeeze %dma_start3A_1744 : memref<1x8x80xf32, #tpu.memory_space<vmem>> -> memref<8x80xf32, #tpu.memory_space<vmem>>
            %dma_start3A_1746 = arith.constant 0 : i32
            %dma_start3A_1747 = tpu.memref_slice %arg4[%mul3A_1741, %dma_start3A_1746] : memref<128x80xf32, #tpu.memory_space<hbm>> -> memref<8x80xf32, #tpu.memory_space<hbm>>
            %dma_start3A_1748 = tpu.memref_slice %run_scoped3A_23[%rem3A_1739] : memref<2x!tpu.dma_semaphore, #tpu.memory_space<semaphore_mem>> -> memref<1x!tpu.dma_semaphore, #tpu.memory_space<semaphore_mem>>
            %dma_start3A_1749 = tpu.memref_squeeze %dma_start3A_1748 : memref<1x!tpu.dma_semaphore, #tpu.memory_space<semaphore_mem>> -> memref<!tpu.dma_semaphore, #tpu.memory_space<semaphore_mem>>
            %dma_start3A_1750 = arith.constant 0 : i32
            %dma_start3A_1751 = tpu.memref_slice %arg4[%mul3A_1741, %dma_start3A_1750] : memref<128x80xf32, #tpu.memory_space<hbm>> -> memref<8x80xf32, #tpu.memory_space<hbm>>
            %dma_start3A_1752 = arith.constant 0 : i32
            %dma_start3A_1753 = arith.constant 0 : i32
            %dma_start3A_1754 = tpu.memref_slice %run_scoped3A_22[%rem3A_1739, %dma_start3A_1752, %dma_start3A_1753] : memref<2x8x80xf32, #tpu.memory_space<vmem>> -> memref<1x8x80xf32, #tpu.memory_space<vmem>>
            %dma_start3A_1755 = tpu.memref_squeeze %dma_start3A_1754 : memref<1x8x80xf32, #tpu.memory_space<vmem>> -> memref<8x80xf32, #tpu.memory_space<vmem>>
            tpu.enqueue_dma source(%dma_start3A_1755 : memref<8x80xf32, #tpu.memory_space<vmem>>) target(%dma_start3A_1751 : memref<8x80xf32, #tpu.memory_space<hbm>>) target_semaphore(%dma_start3A_1749 : memref<!tpu.dma_semaphore, #tpu.memory_space<semaphore_mem>>)
            "tpu.trace_stop"() : () -> ()
          } else {
          }
          %and3A_1651 = arith.constant true
          %and3A_1652 = arith.andi %or3A_1647, %and3A_1651 : i1
          %add3A_1653 = arith.constant 1 : i32
          %add3A_1654 = arith.addi %while3A_254, %add3A_1653 : i32
          %select_n3A_1655 = arith.select %and3A_1652, %add3A_1654, %while3A_254 : i32
          %add3A_1656 = arith.constant 240 : i32
          %add3A_1657 = arith.addi %add3A_1656, %add3A_267 : i32
          %add3A_1658 = arith.constant 240 : i32
          %add3A_1659 = arith.addi %add3A_1658, %add3A_286 : i32
          %ne3A_1660 = arith.cmpi ne, %add3A_1657, %add3A_1659 : i32
          %ne3A_1661 = arith.cmpi ne, %add3A_269, %add3A_288 : i32
          %or3A_1662 = arith.constant false
          %or3A_1663 = arith.ori %or3A_1662, %ne3A_1660 : i1
          %or3A_1664 = arith.ori %or3A_1663, %ne3A_1661 : i1
          %not3A_1665 = arith.constant true
          %not3A_1666 = arith.xori %eq3A_263, %not3A_1665 : i1
          %and3A_1667 = arith.andi %or3A_1664, %not3A_1666 : i1
          %convert_element_type3A_1668 = arith.extui %and3A_1667 : i1 to i32
          %cond3A_1669 = arith.constant 0 : i32
          %cond3A_1670 = arith.cmpi ne, %convert_element_type3A_1668, %cond3A_1669 : i32
          scf.if %cond3A_1670 {
          } else {
          }
          %and3A_1671 = arith.constant false
          %and3A_1672 = arith.andi %and3A_1667, %and3A_1671 : i1
          %ne3A_1673 = arith.cmpi ne, %add3A_267, %add3A_286 : i32
          %or3A_1674 = arith.constant false
          %or3A_1675 = arith.ori %or3A_1674, %ne3A_1673 : i1
          %or3A_1676 = arith.constant false
          %or3A_1677 = arith.ori %or3A_1675, %or3A_1676 : i1
          %not3A_1678 = arith.constant true
          %not3A_1679 = arith.xori %eq3A_263, %not3A_1678 : i1
          %and3A_1680 = arith.andi %or3A_1677, %not3A_1679 : i1
          %convert_element_type3A_1681 = arith.extui %and3A_1680 : i1 to i32
          %cond3A_1682 = arith.constant 0 : i32
          %cond3A_1683 = arith.cmpi ne, %convert_element_type3A_1681, %cond3A_1682 : i32
          scf.if %cond3A_1683 {
          } else {
          }
          %and3A_1684 = arith.constant false
          %and3A_1685 = arith.andi %and3A_1680, %and3A_1684 : i1
          %ne3A_1686 = arith.cmpi ne, %add3A_267, %add3A_286 : i32
          %or3A_1687 = arith.constant false
          %or3A_1688 = arith.ori %or3A_1687, %ne3A_1686 : i1
          %or3A_1689 = arith.constant false
          %or3A_1690 = arith.ori %or3A_1688, %or3A_1689 : i1
          %not3A_1691 = arith.constant true
          %not3A_1692 = arith.xori %eq3A_263, %not3A_1691 : i1
          %and3A_1693 = arith.andi %or3A_1690, %not3A_1692 : i1
          %convert_element_type3A_1694 = arith.extui %and3A_1693 : i1 to i32
          %cond3A_1695 = arith.constant 0 : i32
          %cond3A_1696 = arith.cmpi ne, %convert_element_type3A_1694, %cond3A_1695 : i32
          scf.if %cond3A_1696 {
            "tpu.trace_start"() <{level = 10 : i32, message = "ep_wait_out"}> : () -> ()
            %rem3A_1738 = arith.constant 2 : i32
            %rem3A_1739 = arith.remui %while3A_255, %rem3A_1738 : i32
            %mul3A_1740 = arith.constant 8 : i32
            %mul3A_1741 = arith.muli %mul3A_1740, %add3A_286 : i32
            %dma_wait3A = arith.constant 0 : i32
            %dma_wait3A_1742 = arith.constant 0 : i32
            %dma_wait3A_1743 = tpu.memref_slice %run_scoped3A_22[%rem3A_1739, %dma_wait3A, %dma_wait3A_1742] : memref<2x8x80xf32, #tpu.memory_space<vmem>> -> memref<1x8x80xf32, #tpu.memory_space<vmem>>
            %dma_wait3A_1744 = tpu.memref_squeeze %dma_wait3A_1743 : memref<1x8x80xf32, #tpu.memory_space<vmem>> -> memref<8x80xf32, #tpu.memory_space<vmem>>
            %dma_wait3A_1745 = arith.constant 0 : i32
            %dma_wait3A_1746 = tpu.memref_slice %arg4[%mul3A_1741, %dma_wait3A_1745] : memref<128x80xf32, #tpu.memory_space<hbm>> -> memref<8x80xf32, #tpu.memory_space<hbm>>
            %dma_wait3A_1747 = tpu.memref_slice %run_scoped3A_23[%rem3A_1739] : memref<2x!tpu.dma_semaphore, #tpu.memory_space<semaphore_mem>> -> memref<1x!tpu.dma_semaphore, #tpu.memory_space<semaphore_mem>>
            %dma_wait3A_1748 = tpu.memref_squeeze %dma_wait3A_1747 : memref<1x!tpu.dma_semaphore, #tpu.memory_space<semaphore_mem>> -> memref<!tpu.dma_semaphore, #tpu.memory_space<semaphore_mem>>
            %dma_wait3A_1749 = arith.constant 0 : i32
            %dma_wait3A_1750 = tpu.memref_slice %arg4[%mul3A_1741, %dma_wait3A_1749] : memref<128x80xf32, #tpu.memory_space<hbm>> -> memref<8x80xf32, #tpu.memory_space<hbm>>
            %dma_wait3A_1751 = arith.constant 0 : i32
            %dma_wait3A_1752 = arith.constant 0 : i32
            %dma_wait3A_1753 = tpu.memref_slice %run_scoped3A_22[%rem3A_1739, %dma_wait3A_1751, %dma_wait3A_1752] : memref<2x8x80xf32, #tpu.memory_space<vmem>> -> memref<1x8x80xf32, #tpu.memory_space<vmem>>
            %dma_wait3A_1754 = tpu.memref_squeeze %dma_wait3A_1753 : memref<1x8x80xf32, #tpu.memory_space<vmem>> -> memref<8x80xf32, #tpu.memory_space<vmem>>
            tpu.wait_dma2 semaphore(%dma_wait3A_1748 : memref<!tpu.dma_semaphore, #tpu.memory_space<semaphore_mem>>) src(%dma_wait3A_1754 : memref<8x80xf32, #tpu.memory_space<vmem>>) dst(%dma_wait3A_1750 : memref<8x80xf32, #tpu.memory_space<hbm>>)
            "tpu.trace_stop"() : () -> ()
          } else {
          }
          %and3A_1697 = arith.constant true
          %and3A_1698 = arith.andi %and3A_1693, %and3A_1697 : i1
          %add3A_1699 = arith.constant 1 : i32
          %add3A_1700 = arith.addi %while3A_255, %add3A_1699 : i32
          %select_n3A_1701 = arith.select %and3A_1698, %add3A_1700, %while3A_255 : i32
          %add3A_1702 = arith.constant 240 : i32
          %add3A_1703 = arith.addi %add3A_1702, %add3A_267 : i32
          %add3A_1704 = arith.constant 240 : i32
          %add3A_1705 = arith.addi %add3A_1704, %add3A_303 : i32
          %ne3A_1706 = arith.cmpi ne, %add3A_1703, %add3A_1705 : i32
          %ne3A_1707 = arith.cmpi ne, %add3A_269, %add3A_305 : i32
          %or3A_1708 = arith.constant false
          %or3A_1709 = arith.ori %or3A_1708, %ne3A_1706 : i1
          %or3A_1710 = arith.ori %or3A_1709, %ne3A_1707 : i1
          %or3A_1711 = arith.ori %or3A_1710, %eq3A_266 : i1
          %add3A_1712 = arith.constant 1 : i32
          %add3A_1713 = arith.addi %while3A_251, %add3A_1712 : i32
          %select_n3A_1714 = arith.select %or3A_1711, %add3A_1713, %while3A_251 : i32
          %ne3A_1715 = arith.cmpi ne, %add3A_267, %add3A_303 : i32
          %or3A_1716 = arith.constant false
          %or3A_1717 = arith.ori %or3A_1716, %ne3A_1715 : i1
          %or3A_1718 = arith.constant false
          %or3A_1719 = arith.ori %or3A_1717, %or3A_1718 : i1
          %or3A_1720 = arith.ori %or3A_1719, %eq3A_266 : i1
          %add3A_1721 = arith.constant 1 : i32
          %add3A_1722 = arith.addi %while3A_253, %add3A_1721 : i32
          %select_n3A_1723 = arith.select %or3A_1720, %add3A_1722, %while3A_253 : i32
          %add3A_1724 = arith.constant 1 : i32
          %add3A_1725 = arith.addi %while3A_257, %add3A_1724 : i32
          %select_n3A_1726 = arith.constant true
          %select_n3A_1727 = arith.select %select_n3A_1726, %add3A_1725, %while3A_257 : i32
          %eq3A_1728 = arith.constant 26 : i32
          %eq3A_1729 = arith.cmpi eq, %select_n3A_1727, %eq3A_1728 : i32
          %select_n3A_1730 = arith.constant 0 : i32
          %select_n3A_1731 = arith.select %eq3A_1729, %select_n3A_1730, %select_n3A_1727 : i32
          %add3A_1732 = arith.constant 1 : i32
          %add3A_1733 = arith.addi %while3A_256, %add3A_1732 : i32
          %select_n3A_1734 = arith.select %eq3A_1729, %add3A_1733, %while3A_256 : i32
          %eq3A_1735 = arith.cmpi eq, %select_n3A_1734, %select_n3A : i32
          %select_n3A_1736 = arith.constant 0 : i32
          %select_n3A_1737 = arith.select %eq3A_1735, %select_n3A_1736, %select_n3A_1734 : i32
          scf.yield %select_n3A_342, %select_n3A_1714, %select_n3A_363, %select_n3A_1723, %select_n3A_1655, %select_n3A_1701, %select_n3A_1737, %select_n3A_1731 : i32, i32, i32, i32, i32, i32, i32, i32
        }
        %while3A_155 = arith.constant 1 : i32
        %while3A_156:8 = scf.for %while3A_249 = %while3A_152 to %while3A_148 step %while3A_155 iter_args(%while3A_250 = %while3A_154#0, %while3A_251 = %while3A_154#1, %while3A_252 = %while3A_154#2, %while3A_253 = %while3A_154#3, %while3A_254 = %while3A_154#4, %while3A_255 = %while3A_154#5, %while3A_256 = %while3A_154#6, %while3A_257 = %while3A_154#7) -> (i32, i32, i32, i32, i32, i32, i32, i32)  : i32 {
          %mul3A_258 = arith.constant 1 : i32
          %mul3A_259 = arith.muli %mul3A_258, %select_n3A : i32
          %mul3A_260 = arith.constant 26 : i32
          %mul3A_261 = arith.muli %mul3A_259, %mul3A_260 : i32
          %eq3A_262 = arith.constant 0 : i32
          %eq3A_263 = arith.cmpi eq, %while3A_249, %eq3A_262 : i32
          %sub3A_264 = arith.constant 1 : i32
          %sub3A_265 = arith.subi %mul3A_261, %sub3A_264 : i32
          %eq3A_266 = arith.cmpi eq, %while3A_249, %sub3A_265 : i32
          %add3A_267 = arith.addi %while3A_256, %select_n3A_14 : i32
          %add3A_268 = arith.constant 0 : i32
          %add3A_269 = arith.addi %while3A_257, %add3A_268 : i32
          %sub3A_270 = arith.constant 1 : i32
          %sub3A_271 = arith.subi %while3A_257, %sub3A_270 : i32
          %select_n3A_272 = arith.constant true
          %select_n3A_273 = arith.select %select_n3A_272, %sub3A_271, %while3A_257 : i32
          %eq3A_274 = arith.constant -1 : i32
          %eq3A_275 = arith.cmpi eq, %select_n3A_273, %eq3A_274 : i32
          %select_n3A_276 = arith.constant 25 : i32
          %select_n3A_277 = arith.select %eq3A_275, %select_n3A_276, %select_n3A_273 : i32
          %sub3A_278 = arith.constant 1 : i32
          %sub3A_279 = arith.subi %while3A_256, %sub3A_278 : i32
          %select_n3A_280 = arith.select %eq3A_275, %sub3A_279, %while3A_256 : i32
          %eq3A_281 = arith.constant -1 : i32
          %eq3A_282 = arith.cmpi eq, %select_n3A_280, %eq3A_281 : i32
          %sub3A_283 = arith.constant 1 : i32
          %sub3A_284 = arith.subi %select_n3A, %sub3A_283 : i32
          %select_n3A_285 = arith.select %eq3A_282, %sub3A_284, %select_n3A_280 : i32
          %add3A_286 = arith.addi %select_n3A_285, %select_n3A_14 : i32
          %add3A_287 = arith.constant 0 : i32
          %add3A_288 = arith.addi %select_n3A_277, %add3A_287 : i32
          %add3A_289 = arith.constant 1 : i32
          %add3A_290 = arith.addi %while3A_257, %add3A_289 : i32
          %select_n3A_291 = arith.constant true
          %select_n3A_292 = arith.select %select_n3A_291, %add3A_290, %while3A_257 : i32
          %eq3A_293 = arith.constant 26 : i32
          %eq3A_294 = arith.cmpi eq, %select_n3A_292, %eq3A_293 : i32
          %select_n3A_295 = arith.constant 0 : i32
          %select_n3A_296 = arith.select %eq3A_294, %select_n3A_295, %select_n3A_292 : i32
          %add3A_297 = arith.constant 1 : i32
          %add3A_298 = arith.addi %while3A_256, %add3A_297 : i32
          %select_n3A_299 = arith.select %eq3A_294, %add3A_298, %while3A_256 : i32
          %eq3A_300 = arith.cmpi eq, %select_n3A_299, %select_n3A : i32
          %select_n3A_301 = arith.constant 0 : i32
          %select_n3A_302 = arith.select %eq3A_300, %select_n3A_301, %select_n3A_299 : i32
          %add3A_303 = arith.addi %select_n3A_302, %select_n3A_14 : i32
          %add3A_304 = arith.constant 0 : i32
          %add3A_305 = arith.addi %select_n3A_296, %add3A_304 : i32
          %add3A_306 = arith.constant 1 : i32
          %add3A_307 = arith.addi %select_n3A_296, %add3A_306 : i32
          %select_n3A_308 = arith.constant true
          %select_n3A_309 = arith.select %select_n3A_308, %add3A_307, %select_n3A_296 : i32
          %eq3A_310 = arith.constant 26 : i32
          %eq3A_311 = arith.cmpi eq, %select_n3A_309, %eq3A_310 : i32
          %select_n3A_312 = arith.constant 0 : i32
          %select_n3A_313 = arith.select %eq3A_311, %select_n3A_312, %select_n3A_309 : i32
          %add3A_314 = arith.constant 1 : i32
          %add3A_315 = arith.addi %select_n3A_302, %add3A_314 : i32
          %select_n3A_316 = arith.select %eq3A_311, %add3A_315, %select_n3A_302 : i32
          %eq3A_317 = arith.cmpi eq, %select_n3A_316, %select_n3A : i32
          %select_n3A_318 = arith.constant 0 : i32
          %select_n3A_319 = arith.select %eq3A_317, %select_n3A_318, %select_n3A_316 : i32
          %add3A_320 = arith.addi %select_n3A_319, %select_n3A_14 : i32
          %add3A_321 = arith.constant 0 : i32
          %add3A_322 = arith.addi %select_n3A_313, %add3A_321 : i32
          %add3A_323 = arith.constant 240 : i32
          %add3A_324 = arith.addi %add3A_323, %add3A_267 : i32
          %add3A_325 = arith.constant 240 : i32
          %add3A_326 = arith.addi %add3A_325, %add3A_303 : i32
          %ne3A = arith.cmpi ne, %add3A_324, %add3A_326 : i32
          %ne3A_327 = arith.cmpi ne, %add3A_269, %add3A_305 : i32
          %or3A = arith.constant false
          %or3A_328 = arith.ori %or3A, %ne3A : i1
          %or3A_329 = arith.ori %or3A_328, %ne3A_327 : i1
          %sub3A_330 = arith.constant 2 : i32
          %sub3A_331 = arith.subi %mul3A_261, %sub3A_330 : i32
          %add3A_332 = arith.constant 1 : i32
          %add3A_333 = arith.addi %sub3A_331, %add3A_332 : i32
          %ge3A = arith.cmpi sge, %while3A_249, %add3A_333 : i32
          %not3A = arith.constant true
          %not3A_334 = arith.xori %ge3A, %not3A : i1
          %and3A = arith.andi %or3A_329, %not3A_334 : i1
          %convert_element_type3A_335 = arith.extui %and3A : i1 to i32
          %cond3A_336 = arith.constant 0 : i32
          %cond3A_337 = arith.cmpi ne, %convert_element_type3A_335, %cond3A_336 : i32
          scf.if %cond3A_337 {
            "tpu.trace_start"() <{level = 10 : i32, message = "ep_copy_in"}> : () -> ()
            %rem3A_1738 = arith.constant 2 : i32
            %rem3A_1739 = arith.remui %while3A_250, %rem3A_1738 : i32
            %add3A_1740 = arith.constant 240 : i32
            %add3A_1741 = arith.addi %add3A_1740, %add3A_303 : i32
            %mul3A_1742 = arith.constant 8 : i32
            %mul3A_1743 = arith.muli %mul3A_1742, %add3A_1741 : i32
            %mul3A_1744 = arith.constant 3840 : i32
            %mul3A_1745 = arith.muli %mul3A_1744, %add3A_305 : i32
            %eq3A_1746 = arith.constant 26 : i32
            %eq3A_1747 = arith.cmpi eq, %add3A_305, %eq3A_1746 : i32
            %jit3A_1748 = arith.constant 256 : i32
            %jit3A_1749 = arith.constant 3840 : i32
            %select_n3A_1750 = arith.select %eq3A_1747, %jit3A_1748, %jit3A_1749 : i32
            %multiple_of3A_1751 = tpu.assume_multiple %select_n3A_1750, 128 : i32
            %mul3A_1752 = arith.constant 3840 : i32
            %mul3A_1753 = arith.muli %add3A_305, %mul3A_1752 : i32
            %dma_start3A_1754 = arith.constant 0 : i32
            %dma_start3A_1755 = arith.constant 0 : i32
            %dma_start3A_1756 = tpu.memref_slice %run_scoped3A[%rem3A_1739, %dma_start3A_1754, %dma_start3A_1755] <%multiple_of3A_1751> : memref<2x8x3840xf32, #tpu.memory_space<vmem>> -> memref<1x8x?xf32, #tpu.memory_space<vmem>>
            %dma_start3A_1757 = tpu.memref_squeeze %dma_start3A_1756 : memref<1x8x?xf32, #tpu.memory_space<vmem>> -> memref<8x?xf32, #tpu.memory_space<vmem>>
            %dma_start3A_1758 = tpu.memref_slice %arg2[%mul3A_1743, %mul3A_1753] <%multiple_of3A_1751> : memref<2048x100000xf32, #tpu.memory_space<hbm>> -> memref<8x?xf32, #tpu.memory_space<hbm>>
            %dma_start3A_1759 = tpu.memref_slice %run_scoped3A_19[%rem3A_1739] : memref<2x!tpu.dma_semaphore, #tpu.memory_space<semaphore_mem>> -> memref<1x!tpu.dma_semaphore, #tpu.memory_space<semaphore_mem>>
            %dma_start3A_1760 = tpu.memref_squeeze %dma_start3A_1759 : memref<1x!tpu.dma_semaphore, #tpu.memory_space<semaphore_mem>> -> memref<!tpu.dma_semaphore, #tpu.memory_space<semaphore_mem>>
            %dma_start3A_1761 = arith.constant 0 : i32
            %dma_start3A_1762 = arith.constant 0 : i32
            %dma_start3A_1763 = tpu.memref_slice %run_scoped3A[%rem3A_1739, %dma_start3A_1761, %dma_start3A_1762] <%multiple_of3A_1751> : memref<2x8x3840xf32, #tpu.memory_space<vmem>> -> memref<1x8x?xf32, #tpu.memory_space<vmem>>
            %dma_start3A_1764 = tpu.memref_squeeze %dma_start3A_1763 : memref<1x8x?xf32, #tpu.memory_space<vmem>> -> memref<8x?xf32, #tpu.memory_space<vmem>>
            %dma_start3A_1765 = tpu.memref_slice %arg2[%mul3A_1743, %mul3A_1753] <%multiple_of3A_1751> : memref<2048x100000xf32, #tpu.memory_space<hbm>> -> memref<8x?xf32, #tpu.memory_space<hbm>>
            tpu.enqueue_dma source(%dma_start3A_1765 : memref<8x?xf32, #tpu.memory_space<hbm>>) target(%dma_start3A_1764 : memref<8x?xf32, #tpu.memory_space<vmem>>) target_semaphore(%dma_start3A_1760 : memref<!tpu.dma_semaphore, #tpu.memory_space<semaphore_mem>>)
            "tpu.trace_stop"() : () -> ()
          } else {
          }
          %and3A_338 = arith.constant true
          %and3A_339 = arith.andi %and3A, %and3A_338 : i1
          %add3A_340 = arith.constant 1 : i32
          %add3A_341 = arith.addi %while3A_250, %add3A_340 : i32
          %select_n3A_342 = arith.select %and3A_339, %add3A_341, %while3A_250 : i32
          %ne3A_343 = arith.cmpi ne, %add3A_267, %add3A_303 : i32
          %or3A_344 = arith.constant false
          %or3A_345 = arith.ori %or3A_344, %ne3A_343 : i1
          %or3A_346 = arith.constant false
          %or3A_347 = arith.ori %or3A_345, %or3A_346 : i1
          %sub3A_348 = arith.constant 2 : i32
          %sub3A_349 = arith.subi %mul3A_261, %sub3A_348 : i32
          %add3A_350 = arith.constant 1 : i32
          %add3A_351 = arith.addi %sub3A_349, %add3A_350 : i32
          %ge3A_352 = arith.cmpi sge, %while3A_249, %add3A_351 : i32
          %not3A_353 = arith.constant true
          %not3A_354 = arith.xori %ge3A_352, %not3A_353 : i1
          %and3A_355 = arith.andi %or3A_347, %not3A_354 : i1
          %convert_element_type3A_356 = arith.extui %and3A_355 : i1 to i32
          %cond3A_357 = arith.constant 0 : i32
          %cond3A_358 = arith.cmpi ne, %convert_element_type3A_356, %cond3A_357 : i32
          scf.if %cond3A_358 {
            "tpu.trace_start"() <{level = 10 : i32, message = "ep_copy_in"}> : () -> ()
            %rem3A_1738 = arith.constant 2 : i32
            %rem3A_1739 = arith.remui %while3A_252, %rem3A_1738 : i32
            %mul3A_1740 = arith.constant 8 : i32
            %mul3A_1741 = arith.muli %mul3A_1740, %add3A_303 : i32
            %dma_start3A_1742 = arith.constant 0 : i32
            %dma_start3A_1743 = arith.constant 0 : i32
            %dma_start3A_1744 = tpu.memref_slice %run_scoped3A_20[%rem3A_1739, %dma_start3A_1742, %dma_start3A_1743] : memref<2x8x16xi32, #tpu.memory_space<vmem>> -> memref<1x8x16xi32, #tpu.memory_space<vmem>>
            %dma_start3A_1745 = tpu.memref_squeeze %dma_start3A_1744 : memref<1x8x16xi32, #tpu.memory_space<vmem>> -> memref<8x16xi32, #tpu.memory_space<vmem>>
            %dma_start3A_1746 = arith.constant 0 : i32
            %dma_start3A_1747 = tpu.memref_slice %arg3[%mul3A_1741, %dma_start3A_1746] : memref<128x16xi32, #tpu.memory_space<hbm>> -> memref<8x16xi32, #tpu.memory_space<hbm>>
            %dma_start3A_1748 = tpu.memref_slice %run_scoped3A_21[%rem3A_1739] : memref<2x!tpu.dma_semaphore, #tpu.memory_space<semaphore_mem>> -> memref<1x!tpu.dma_semaphore, #tpu.memory_space<semaphore_mem>>
            %dma_start3A_1749 = tpu.memref_squeeze %dma_start3A_1748 : memref<1x!tpu.dma_semaphore, #tpu.memory_space<semaphore_mem>> -> memref<!tpu.dma_semaphore, #tpu.memory_space<semaphore_mem>>
            %dma_start3A_1750 = arith.constant 0 : i32
            %dma_start3A_1751 = arith.constant 0 : i32
            %dma_start3A_1752 = tpu.memref_slice %run_scoped3A_20[%rem3A_1739, %dma_start3A_1750, %dma_start3A_1751] : memref<2x8x16xi32, #tpu.memory_space<vmem>> -> memref<1x8x16xi32, #tpu.memory_space<vmem>>
            %dma_start3A_1753 = tpu.memref_squeeze %dma_start3A_1752 : memref<1x8x16xi32, #tpu.memory_space<vmem>> -> memref<8x16xi32, #tpu.memory_space<vmem>>
            %dma_start3A_1754 = arith.constant 0 : i32
            %dma_start3A_1755 = tpu.memref_slice %arg3[%mul3A_1741, %dma_start3A_1754] : memref<128x16xi32, #tpu.memory_space<hbm>> -> memref<8x16xi32, #tpu.memory_space<hbm>>
            tpu.enqueue_dma source(%dma_start3A_1755 : memref<8x16xi32, #tpu.memory_space<hbm>>) target(%dma_start3A_1753 : memref<8x16xi32, #tpu.memory_space<vmem>>) target_semaphore(%dma_start3A_1749 : memref<!tpu.dma_semaphore, #tpu.memory_space<semaphore_mem>>)
            "tpu.trace_stop"() : () -> ()
          } else {
          }
          %and3A_359 = arith.constant true
          %and3A_360 = arith.andi %and3A_355, %and3A_359 : i1
          %add3A_361 = arith.constant 1 : i32
          %add3A_362 = arith.addi %while3A_252, %add3A_361 : i32
          %select_n3A_363 = arith.select %and3A_360, %add3A_362, %while3A_252 : i32
          %ne3A_364 = arith.cmpi ne, %add3A_267, %add3A_303 : i32
          %or3A_365 = arith.constant false
          %or3A_366 = arith.ori %or3A_365, %ne3A_364 : i1
          %or3A_367 = arith.constant false
          %or3A_368 = arith.ori %or3A_366, %or3A_367 : i1
          %sub3A_369 = arith.constant 2 : i32
          %sub3A_370 = arith.subi %mul3A_261, %sub3A_369 : i32
          %add3A_371 = arith.constant 1 : i32
          %add3A_372 = arith.addi %sub3A_370, %add3A_371 : i32
          %ge3A_373 = arith.cmpi sge, %while3A_249, %add3A_372 : i32
          %not3A_374 = arith.constant true
          %not3A_375 = arith.xori %ge3A_373, %not3A_374 : i1
          %and3A_376 = arith.andi %or3A_368, %not3A_375 : i1
          %add3A_377 = arith.constant 240 : i32
          %add3A_378 = arith.addi %add3A_377, %add3A_267 : i32
          %add3A_379 = arith.constant 240 : i32
          %add3A_380 = arith.addi %add3A_379, %add3A_286 : i32
          %ne3A_381 = arith.cmpi ne, %add3A_378, %add3A_380 : i32
          %ne3A_382 = arith.cmpi ne, %add3A_269, %add3A_288 : i32
          %or3A_383 = arith.constant false
          %or3A_384 = arith.ori %or3A_383, %ne3A_381 : i1
          %or3A_385 = arith.ori %or3A_384, %ne3A_382 : i1
          %or3A_386 = arith.ori %or3A_385, %eq3A_263 : i1
          %convert_element_type3A_387 = arith.extui %or3A_386 : i1 to i32
          %cond3A_388 = arith.constant 0 : i32
          %cond3A_389 = arith.cmpi ne, %convert_element_type3A_387, %cond3A_388 : i32
          scf.if %cond3A_389 {
            "tpu.trace_start"() <{level = 10 : i32, message = "ep_wait_in"}> : () -> ()
            %add3A_1738 = arith.constant 240 : i32
            %add3A_1739 = arith.addi %add3A_1738, %add3A_267 : i32
            %mul3A_1740 = arith.constant 8 : i32
            %mul3A_1741 = arith.muli %mul3A_1740, %add3A_1739 : i32
            %mul3A_1742 = arith.constant 3840 : i32
            %mul3A_1743 = arith.muli %mul3A_1742, %add3A_269 : i32
            %eq3A_1744 = arith.constant 26 : i32
            %eq3A_1745 = arith.cmpi eq, %add3A_269, %eq3A_1744 : i32
            %jit3A_1746 = arith.constant 256 : i32
            %jit3A_1747 = arith.constant 3840 : i32
            %select_n3A_1748 = arith.select %eq3A_1745, %jit3A_1746, %jit3A_1747 : i32
            %multiple_of3A_1749 = tpu.assume_multiple %select_n3A_1748, 128 : i32
            %mul3A_1750 = arith.constant 3840 : i32
            %mul3A_1751 = arith.muli %add3A_269, %mul3A_1750 : i32
            %rem3A_1752 = arith.constant 2 : i32
            %rem3A_1753 = arith.remui %while3A_251, %rem3A_1752 : i32
            %dma_wait3A = arith.constant 0 : i32
            %dma_wait3A_1754 = arith.constant 0 : i32
            %dma_wait3A_1755 = tpu.memref_slice %run_scoped3A[%rem3A_1753, %dma_wait3A, %dma_wait3A_1754] <%multiple_of3A_1749> : memref<2x8x3840xf32, #tpu.memory_space<vmem>> -> memref<1x8x?xf32, #tpu.memory_space<vmem>>
            %dma_wait3A_1756 = tpu.memref_squeeze %dma_wait3A_1755 : memref<1x8x?xf32, #tpu.memory_space<vmem>> -> memref<8x?xf32, #tpu.memory_space<vmem>>
            %dma_wait3A_1757 = tpu.memref_slice %arg2[%mul3A_1741, %mul3A_1751] <%multiple_of3A_1749> : memref<2048x100000xf32, #tpu.memory_space<hbm>> -> memref<8x?xf32, #tpu.memory_space<hbm>>
            %dma_wait3A_1758 = tpu.memref_slice %run_scoped3A_19[%rem3A_1753] : memref<2x!tpu.dma_semaphore, #tpu.memory_space<semaphore_mem>> -> memref<1x!tpu.dma_semaphore, #tpu.memory_space<semaphore_mem>>
            %dma_wait3A_1759 = tpu.memref_squeeze %dma_wait3A_1758 : memref<1x!tpu.dma_semaphore, #tpu.memory_space<semaphore_mem>> -> memref<!tpu.dma_semaphore, #tpu.memory_space<semaphore_mem>>
            %dma_wait3A_1760 = arith.constant 0 : i32
            %dma_wait3A_1761 = arith.constant 0 : i32
            %dma_wait3A_1762 = tpu.memref_slice %run_scoped3A[%rem3A_1753, %dma_wait3A_1760, %dma_wait3A_1761] <%multiple_of3A_1749> : memref<2x8x3840xf32, #tpu.memory_space<vmem>> -> memref<1x8x?xf32, #tpu.memory_space<vmem>>
            %dma_wait3A_1763 = tpu.memref_squeeze %dma_wait3A_1762 : memref<1x8x?xf32, #tpu.memory_space<vmem>> -> memref<8x?xf32, #tpu.memory_space<vmem>>
            %dma_wait3A_1764 = tpu.memref_slice %arg2[%mul3A_1741, %mul3A_1751] <%multiple_of3A_1749> : memref<2048x100000xf32, #tpu.memory_space<hbm>> -> memref<8x?xf32, #tpu.memory_space<hbm>>
            tpu.wait_dma2 semaphore(%dma_wait3A_1759 : memref<!tpu.dma_semaphore, #tpu.memory_space<semaphore_mem>>) src(%dma_wait3A_1764 : memref<8x?xf32, #tpu.memory_space<hbm>>) dst(%dma_wait3A_1763 : memref<8x?xf32, #tpu.memory_space<vmem>>)
            "tpu.trace_stop"() : () -> ()
          } else {
          }
          %ne3A_390 = arith.cmpi ne, %add3A_267, %add3A_286 : i32
          %or3A_391 = arith.constant false
          %or3A_392 = arith.ori %or3A_391, %ne3A_390 : i1
          %or3A_393 = arith.constant false
          %or3A_394 = arith.ori %or3A_392, %or3A_393 : i1
          %or3A_395 = arith.ori %or3A_394, %eq3A_263 : i1
          %convert_element_type3A_396 = arith.extui %or3A_395 : i1 to i32
          %cond3A_397 = arith.constant 0 : i32
          %cond3A_398 = arith.cmpi ne, %convert_element_type3A_396, %cond3A_397 : i32
          scf.if %cond3A_398 {
            "tpu.trace_start"() <{level = 10 : i32, message = "ep_wait_in"}> : () -> ()
            %mul3A_1738 = arith.constant 8 : i32
            %mul3A_1739 = arith.muli %mul3A_1738, %add3A_267 : i32
            %rem3A_1740 = arith.constant 2 : i32
            %rem3A_1741 = arith.remui %while3A_253, %rem3A_1740 : i32
            %dma_wait3A = arith.constant 0 : i32
            %dma_wait3A_1742 = arith.constant 0 : i32
            %dma_wait3A_1743 = tpu.memref_slice %run_scoped3A_20[%rem3A_1741, %dma_wait3A, %dma_wait3A_1742] : memref<2x8x16xi32, #tpu.memory_space<vmem>> -> memref<1x8x16xi32, #tpu.memory_space<vmem>>
            %dma_wait3A_1744 = tpu.memref_squeeze %dma_wait3A_1743 : memref<1x8x16xi32, #tpu.memory_space<vmem>> -> memref<8x16xi32, #tpu.memory_space<vmem>>
            %dma_wait3A_1745 = arith.constant 0 : i32
            %dma_wait3A_1746 = tpu.memref_slice %arg3[%mul3A_1739, %dma_wait3A_1745] : memref<128x16xi32, #tpu.memory_space<hbm>> -> memref<8x16xi32, #tpu.memory_space<hbm>>
            %dma_wait3A_1747 = tpu.memref_slice %run_scoped3A_21[%rem3A_1741] : memref<2x!tpu.dma_semaphore, #tpu.memory_space<semaphore_mem>> -> memref<1x!tpu.dma_semaphore, #tpu.memory_space<semaphore_mem>>
            %dma_wait3A_1748 = tpu.memref_squeeze %dma_wait3A_1747 : memref<1x!tpu.dma_semaphore, #tpu.memory_space<semaphore_mem>> -> memref<!tpu.dma_semaphore, #tpu.memory_space<semaphore_mem>>
            %dma_wait3A_1749 = arith.constant 0 : i32
            %dma_wait3A_1750 = arith.constant 0 : i32
            %dma_wait3A_1751 = tpu.memref_slice %run_scoped3A_20[%rem3A_1741, %dma_wait3A_1749, %dma_wait3A_1750] : memref<2x8x16xi32, #tpu.memory_space<vmem>> -> memref<1x8x16xi32, #tpu.memory_space<vmem>>
            %dma_wait3A_1752 = tpu.memref_squeeze %dma_wait3A_1751 : memref<1x8x16xi32, #tpu.memory_space<vmem>> -> memref<8x16xi32, #tpu.memory_space<vmem>>
            %dma_wait3A_1753 = arith.constant 0 : i32
            %dma_wait3A_1754 = tpu.memref_slice %arg3[%mul3A_1739, %dma_wait3A_1753] : memref<128x16xi32, #tpu.memory_space<hbm>> -> memref<8x16xi32, #tpu.memory_space<hbm>>
            tpu.wait_dma2 semaphore(%dma_wait3A_1748 : memref<!tpu.dma_semaphore, #tpu.memory_space<semaphore_mem>>) src(%dma_wait3A_1754 : memref<8x16xi32, #tpu.memory_space<hbm>>) dst(%dma_wait3A_1752 : memref<8x16xi32, #tpu.memory_space<vmem>>)
            "tpu.trace_stop"() : () -> ()
          } else {
          }
          %ne3A_399 = arith.cmpi ne, %add3A_267, %add3A_286 : i32
          %or3A_400 = arith.constant false
          %or3A_401 = arith.ori %or3A_400, %ne3A_399 : i1
          %or3A_402 = arith.constant false
          %or3A_403 = arith.ori %or3A_401, %or3A_402 : i1
          %or3A_404 = arith.ori %or3A_403, %eq3A_263 : i1
          %convert_element_type3A_405 = arith.extui %or3A_404 : i1 to i32
          %cond3A_406 = arith.constant 0 : i32
          %cond3A_407 = arith.cmpi ne, %convert_element_type3A_405, %cond3A_406 : i32
          scf.if %cond3A_407 {
          } else {
          }
          %rem3A_408 = arith.constant 2 : i32
          %rem3A_409 = arith.remui %while3A_251, %rem3A_408 : i32
          %rem3A_410 = arith.constant 2 : i32
          %rem3A_411 = arith.remui %while3A_253, %rem3A_410 : i32
          %rem3A_412 = arith.constant 2 : i32
          %rem3A_413 = arith.remui %while3A_254, %rem3A_412 : i32
          %get3A = arith.constant 0 : i32
          "tpu.trace_start"() <{level = 10 : i32, message = "ep_run_kernel"}> : () -> ()
          %get3A_414 = arith.constant 0 : i32
          %get3A_415 = arith.constant 0 : i32
          %get3A_416 = tpu.memref_slice %run_scoped3A_20[%rem3A_411, %get3A_414, %get3A_415] : memref<2x8x16xi32, #tpu.memory_space<vmem>> -> memref<1x8x16xi32, #tpu.memory_space<vmem>>
          %get3A_417 = tpu.memref_squeeze %get3A_416 : memref<1x8x16xi32, #tpu.memory_space<vmem>> -> memref<8x16xi32, #tpu.memory_space<vmem>>
          %get3A_418 = arith.constant 0 : i32
          %get3A_419 = tpu.memref_slice %get3A_417[%get3A, %get3A_418] : memref<8x16xi32, #tpu.memory_space<vmem>> -> memref<1x16xi32, #tpu.memory_space<vmem>>
          %get3A_420 = tpu.memref_squeeze %get3A_419 : memref<1x16xi32, #tpu.memory_space<vmem>> -> memref<16xi32, #tpu.memory_space<vmem>>
          %get3A_421 = arith.constant 0 : index
          %get3A_422 = tpu.vector_load %get3A_420[%get3A_421] {strides = array<i32>} : memref<16xi32, #tpu.memory_space<vmem>>, vector<16xi32>,
          %get3A_423 = vector.shape_cast %get3A_422 : vector<16xi32> to vector<16xi32>
          %eq3A_424 = arith.constant 0 : i32
          %eq3A_425 = arith.cmpi eq, %add3A_269, %eq3A_424 : i32
          %convert_element_type3A_426 = arith.extui %eq3A_425 : i1 to i32
          %cond3A_427 = arith.constant 0 : i32
          %cond3A_428 = arith.constant 0 : i32
          %cond3A_429 = arith.constant 0 : i32
          %cond3A_430 = arith.constant 0 : i32
          %cond3A_431 = arith.constant 0 : i32
          %cond3A_432 = arith.constant 0 : i32
          %cond3A_433 = arith.constant 0 : i32
          %cond3A_434 = arith.cmpi ne, %convert_element_type3A_426, %cond3A_433 : i32
          scf.if %cond3A_434 {
            %broadcast_in_dim3A_1738 = arith.constant 0xFF800000 : f32
            %broadcast_in_dim3A_1739 = vector.broadcast %broadcast_in_dim3A_1738 : f32 to vector<16xf32>
            %swap3A_1740 = arith.index_cast %cond3A_427 : i32 to index
            %swap3A_1741 = arith.constant 0 : index
            %swap3A_1742 = tpu.vector_load %arg5[%swap3A_1740, %swap3A_1741] {strides = array<i32>} : memref<8x16xf32, #tpu.memory_space<vmem>>, vector<1x16xf32>,
            %swap3A_1743 = vector.shape_cast %swap3A_1742 : vector<1x16xf32> to vector<16xf32>
            %swap3A_1744 = vector.shape_cast %broadcast_in_dim3A_1739 : vector<16xf32> to vector<1x16xf32>
            tpu.vector_store %arg5[%swap3A_1740, %swap3A_1741], %swap3A_1744 {strides = array<i32>} : memref<8x16xf32, #tpu.memory_space<vmem>>, vector<1x16xf32>,
            %broadcast_in_dim3A_1745 = arith.constant 0.000000e+00 : f32
            %broadcast_in_dim3A_1746 = vector.broadcast %broadcast_in_dim3A_1745 : f32 to vector<16xf32>
            %swap3A_1747 = arith.index_cast %cond3A_428 : i32 to index
            %swap3A_1748 = arith.constant 0 : index
            %swap3A_1749 = tpu.vector_load %arg6[%swap3A_1747, %swap3A_1748] {strides = array<i32>} : memref<8x16xf32, #tpu.memory_space<vmem>>, vector<1x16xf32>,
            %swap3A_1750 = vector.shape_cast %swap3A_1749 : vector<1x16xf32> to vector<16xf32>
            %swap3A_1751 = vector.shape_cast %broadcast_in_dim3A_1746 : vector<16xf32> to vector<1x16xf32>
            tpu.vector_store %arg6[%swap3A_1747, %swap3A_1748], %swap3A_1751 {strides = array<i32>} : memref<8x16xf32, #tpu.memory_space<vmem>>, vector<1x16xf32>,
            %broadcast_in_dim3A_1752 = arith.constant 0.000000e+00 : f32
            %broadcast_in_dim3A_1753 = vector.broadcast %broadcast_in_dim3A_1752 : f32 to vector<16xf32>
            %swap3A_1754 = arith.index_cast %cond3A_429 : i32 to index
            %swap3A_1755 = arith.constant 0 : index
            %swap3A_1756 = tpu.vector_load %arg7[%swap3A_1754, %swap3A_1755] {strides = array<i32>} : memref<8x16xf32, #tpu.memory_space<vmem>>, vector<1x16xf32>,
            %swap3A_1757 = vector.shape_cast %swap3A_1756 : vector<1x16xf32> to vector<16xf32>
            %swap3A_1758 = vector.shape_cast %broadcast_in_dim3A_1753 : vector<16xf32> to vector<1x16xf32>
            tpu.vector_store %arg7[%swap3A_1754, %swap3A_1755], %swap3A_1758 {strides = array<i32>} : memref<8x16xf32, #tpu.memory_space<vmem>>, vector<1x16xf32>,
            %broadcast_in_dim3A_1759 = arith.constant 0.000000e+00 : f32
            %broadcast_in_dim3A_1760 = vector.broadcast %broadcast_in_dim3A_1759 : f32 to vector<16xf32>
            %swap3A_1761 = arith.index_cast %cond3A_430 : i32 to index
            %swap3A_1762 = arith.constant 0 : index
            %swap3A_1763 = tpu.vector_load %arg8[%swap3A_1761, %swap3A_1762] {strides = array<i32>} : memref<8x16xf32, #tpu.memory_space<vmem>>, vector<1x16xf32>,
            %swap3A_1764 = vector.shape_cast %swap3A_1763 : vector<1x16xf32> to vector<16xf32>
            %swap3A_1765 = vector.shape_cast %broadcast_in_dim3A_1760 : vector<16xf32> to vector<1x16xf32>
            tpu.vector_store %arg8[%swap3A_1761, %swap3A_1762], %swap3A_1765 {strides = array<i32>} : memref<8x16xf32, #tpu.memory_space<vmem>>, vector<1x16xf32>,
            %get3A_1766 = arith.constant 0 : i32
            %get3A_1767 = arith.constant 0 : i32
            %get3A_1768 = tpu.memref_slice %run_scoped3A[%rem3A_409, %get3A_1766, %get3A_1767] : memref<2x8x3840xf32, #tpu.memory_space<vmem>> -> memref<1x8x3840xf32, #tpu.memory_space<vmem>>
            %get3A_1769 = tpu.memref_squeeze %get3A_1768 : memref<1x8x3840xf32, #tpu.memory_space<vmem>> -> memref<8x3840xf32, #tpu.memory_space<vmem>>
            %get3A_1770 = arith.constant 0 : i32
            %get3A_1771 = tpu.memref_slice %get3A_1769[%cond3A_431, %get3A_1770] : memref<8x3840xf32, #tpu.memory_space<vmem>> -> memref<1x3840xf32, #tpu.memory_space<vmem>>
            %get3A_1772 = tpu.memref_squeeze %get3A_1771 : memref<1x3840xf32, #tpu.memory_space<vmem>> -> memref<3840xf32, #tpu.memory_space<vmem>>
            %get3A_1773 = arith.constant 0 : index
            %get3A_1774 = tpu.vector_load %get3A_1772[%get3A_1773] {strides = array<i32>} : memref<3840xf32, #tpu.memory_space<vmem>>, vector<16xf32>,
            %get3A_1775 = vector.shape_cast %get3A_1774 : vector<16xf32> to vector<16xf32>
            %swap3A_1776 = arith.index_cast %cond3A_432 : i32 to index
            %swap3A_1777 = arith.constant 0 : index
            %swap3A_1778 = tpu.vector_load %arg9[%swap3A_1776, %swap3A_1777] {strides = array<i32>} : memref<8x16xf32, #tpu.memory_space<vmem>>, vector<1x16xf32>,
            %swap3A_1779 = vector.shape_cast %swap3A_1778 : vector<1x16xf32> to vector<16xf32>
            %swap3A_1780 = vector.shape_cast %get3A_1775 : vector<16xf32> to vector<1x16xf32>
            tpu.vector_store %arg9[%swap3A_1776, %swap3A_1777], %swap3A_1780 {strides = array<i32>} : memref<8x16xf32, #tpu.memory_space<vmem>>, vector<1x16xf32>,
          } else {
          }
          %broadcast_in_dim3A = arith.constant 0xFF800000 : f32
          %broadcast_in_dim3A_435 = vector.broadcast %broadcast_in_dim3A : f32 to vector<16xf32>
          %get3A_436 = arith.constant 0 : i32
          %get3A_437 = arith.index_cast %get3A_436 : i32 to index
          %get3A_438 = arith.constant 0 : index
          %get3A_439 = tpu.vector_load %arg7[%get3A_437, %get3A_438] {strides = array<i32>} : memref<8x16xf32, #tpu.memory_space<vmem>>, vector<1x16xf32>,
          %get3A_440 = vector.shape_cast %get3A_439 : vector<1x16xf32> to vector<16xf32>
          %get3A_441 = arith.constant 0 : i32
          %get3A_442 = arith.index_cast %get3A_441 : i32 to index
          %get3A_443 = arith.constant 0 : index
          %get3A_444 = tpu.vector_load %arg8[%get3A_442, %get3A_443] {strides = array<i32>} : memref<8x16xf32, #tpu.memory_space<vmem>>, vector<1x16xf32>,
          %get3A_445 = vector.shape_cast %get3A_444 : vector<1x16xf32> to vector<16xf32>
          %scan3A = arith.constant 0 : i32
          %scan3A_446 = arith.constant 0 : i32
          %scan3A_447 = arith.constant 240 : i32
          %scan3A_448 = arith.addi %scan3A_446, %scan3A_447 : i32
          %scan3A_449 = arith.constant 1 : i32
          %scan3A_450:3 = scf.for %scan3A_1738 = %scan3A_446 to %scan3A_448 step %scan3A_449 iter_args(%scan3A_1739 = %broadcast_in_dim3A_435, %scan3A_1740 = %get3A_440, %scan3A_1741 = %get3A_445) -> (vector<16xf32>, vector<16xf32>, vector<16xf32>)  : i32 {
            %mul3A_1742 = arith.constant 16 : i32
            %mul3A_1743 = arith.muli %scan3A_1738, %mul3A_1742 : i32
            %get3A_1744 = arith.constant 0 : i32
            %get3A_1745 = arith.constant 0 : i32
            %get3A_1746 = tpu.memref_slice %run_scoped3A[%rem3A_409, %get3A_1744, %get3A_1745] : memref<2x8x3840xf32, #tpu.memory_space<vmem>> -> memref<1x8x3840xf32, #tpu.memory_space<vmem>>
            %get3A_1747 = tpu.memref_squeeze %get3A_1746 : memref<1x8x3840xf32, #tpu.memory_space<vmem>> -> memref<8x3840xf32, #tpu.memory_space<vmem>>
            %get3A_1748 = arith.constant 0 : i32
            %get3A_1749 = tpu.memref_slice %get3A_1747[%scan3A, %get3A_1748] : memref<8x3840xf32, #tpu.memory_space<vmem>> -> memref<1x3840xf32, #tpu.memory_space<vmem>>
            %get3A_1750 = tpu.memref_squeeze %get3A_1749 : memref<1x3840xf32, #tpu.memory_space<vmem>> -> memref<3840xf32, #tpu.memory_space<vmem>>
            %get3A_1751 = arith.index_cast %mul3A_1743 : i32 to index
            %get3A_1752 = tpu.vector_load %get3A_1750[%get3A_1751] {strides = array<i32>} : memref<3840xf32, #tpu.memory_space<vmem>>, vector<16xf32>,
            %get3A_1753 = vector.shape_cast %get3A_1752 : vector<16xf32> to vector<16xf32>
            %max3A_1754 = arith.maximumf %scan3A_1739, %get3A_1753 : vector<16xf32>
            %add3A_1755 = arith.addf %scan3A_1740, %get3A_1753 : vector<16xf32>
            %mul3A_1756 = arith.constant 3840 : i32
            %mul3A_1757 = arith.muli %add3A_269, %mul3A_1756 : i32
            %mul3A_1758 = arith.constant 16 : i32
            %mul3A_1759 = arith.muli %scan3A_1738, %mul3A_1758 : i32
            %add3A_1760 = arith.addi %mul3A_1757, %mul3A_1759 : i32
            %sub3A_1761 = vector.broadcast %add3A_1760 : i32 to vector<16xi32>
            %sub3A_1762 = arith.subi %get3A_423, %sub3A_1761 : vector<16xi32>
            %eq3A_1763 = arith.cmpi eq, %iota3A, %sub3A_1762 : vector<16xi32>
            %jit3A_1764 = arith.constant 0.000000e+00 : f32
            %broadcast_in_dim3A_1765 = vector.broadcast %jit3A_1764 : f32 to vector<16xf32>
            %select_n3A_1766 = arith.select %eq3A_1763, %get3A_1753, %broadcast_in_dim3A_1765 : vector<16xi1>, vector<16xf32>
            %add3A_1767 = arith.addf %scan3A_1741, %select_n3A_1766 : vector<16xf32>
            scf.yield %max3A_1754, %add3A_1755, %add3A_1767 : vector<16xf32>, vector<16xf32>, vector<16xf32>
          }
          %scan3A_451 = arith.constant 240 : i32
          %get3A_452 = arith.constant 0 : i32
          %get3A_453 = arith.index_cast %get3A_452 : i32 to index
          %get3A_454 = arith.constant 0 : index
          %get3A_455 = tpu.vector_load %arg5[%get3A_453, %get3A_454] {strides = array<i32>} : memref<8x16xf32, #tpu.memory_space<vmem>>, vector<1x16xf32>,
          %get3A_456 = vector.shape_cast %get3A_455 : vector<1x16xf32> to vector<16xf32>
          %max3A = arith.maximumf %get3A_456, %scan3A_450#0 : vector<16xf32>
          %get3A_457 = arith.constant 0 : i32
          %get3A_458 = arith.index_cast %get3A_457 : i32 to index
          %get3A_459 = arith.constant 0 : index
          %get3A_460 = tpu.vector_load %arg6[%get3A_458, %get3A_459] {strides = array<i32>} : memref<8x16xf32, #tpu.memory_space<vmem>>, vector<1x16xf32>,
          %get3A_461 = vector.shape_cast %get3A_460 : vector<1x16xf32> to vector<16xf32>
          %sub3A_462 = arith.subf %get3A_456, %max3A : vector<16xf32>
          %exp3A = math.exp %sub3A_462 : vector<16xf32>
          %mul3A_463 = arith.mulf %get3A_461, %exp3A : vector<16xf32>
          %scan3A_464 = arith.constant 0 : i32
          %scan3A_465 = arith.constant 0 : i32
          %scan3A_466 = arith.constant 240 : i32
          %scan3A_467 = arith.addi %scan3A_465, %scan3A_466 : i32
          %scan3A_468 = arith.constant 1 : i32
          %scan3A_469 = scf.for %scan3A_1738 = %scan3A_465 to %scan3A_467 step %scan3A_468 iter_args(%scan3A_1739 = %mul3A_463) -> (vector<16xf32>)  : i32 {
            %mul3A_1740 = arith.constant 16 : i32
            %mul3A_1741 = arith.muli %scan3A_1738, %mul3A_1740 : i32
            %get3A_1742 = arith.constant 0 : i32
            %get3A_1743 = arith.constant 0 : i32
            %get3A_1744 = tpu.memref_slice %run_scoped3A[%rem3A_409, %get3A_1742, %get3A_1743] : memref<2x8x3840xf32, #tpu.memory_space<vmem>> -> memref<1x8x3840xf32, #tpu.memory_space<vmem>>
            %get3A_1745 = tpu.memref_squeeze %get3A_1744 : memref<1x8x3840xf32, #tpu.memory_space<vmem>> -> memref<8x3840xf32, #tpu.memory_space<vmem>>
            %get3A_1746 = arith.constant 0 : i32
            %get3A_1747 = tpu.memref_slice %get3A_1745[%scan3A_464, %get3A_1746] : memref<8x3840xf32, #tpu.memory_space<vmem>> -> memref<1x3840xf32, #tpu.memory_space<vmem>>
            %get3A_1748 = tpu.memref_squeeze %get3A_1747 : memref<1x3840xf32, #tpu.memory_space<vmem>> -> memref<3840xf32, #tpu.memory_space<vmem>>
            %get3A_1749 = arith.index_cast %mul3A_1741 : i32 to index
            %get3A_1750 = tpu.vector_load %get3A_1748[%get3A_1749] {strides = array<i32>} : memref<3840xf32, #tpu.memory_space<vmem>>, vector<16xf32>,
            %get3A_1751 = vector.shape_cast %get3A_1750 : vector<16xf32> to vector<16xf32>
            %sub3A_1752 = arith.subf %get3A_1751, %max3A : vector<16xf32>
            %exp3A_1753 = math.exp %sub3A_1752 : vector<16xf32>
            %add3A_1754 = arith.addf %scan3A_1739, %exp3A_1753 : vector<16xf32>
            scf.yield %add3A_1754 : vector<16xf32>
          }
          %scan3A_470 = arith.constant 240 : i32
          %swap3A = arith.constant 0 : i32
          %swap3A_471 = arith.index_cast %swap3A : i32 to index
          %swap3A_472 = arith.constant 0 : index
          %swap3A_473 = tpu.vector_load %arg5[%swap3A_471, %swap3A_472] {strides = array<i32>} : memref<8x16xf32, #tpu.memory_space<vmem>>, vector<1x16xf32>,
          %swap3A_474 = vector.shape_cast %swap3A_473 : vector<1x16xf32> to vector<16xf32>
          %swap3A_475 = vector.shape_cast %max3A : vector<16xf32> to vector<1x16xf32>
          tpu.vector_store %arg5[%swap3A_471, %swap3A_472], %swap3A_475 {strides = array<i32>} : memref<8x16xf32, #tpu.memory_space<vmem>>, vector<1x16xf32>,
          %swap3A_476 = arith.constant 0 : i32
          %swap3A_477 = arith.index_cast %swap3A_476 : i32 to index
          %swap3A_478 = arith.constant 0 : index
          %swap3A_479 = tpu.vector_load %arg6[%swap3A_477, %swap3A_478] {strides = array<i32>} : memref<8x16xf32, #tpu.memory_space<vmem>>, vector<1x16xf32>,
          %swap3A_480 = vector.shape_cast %swap3A_479 : vector<1x16xf32> to vector<16xf32>
          %swap3A_481 = vector.shape_cast %scan3A_469 : vector<16xf32> to vector<1x16xf32>
          tpu.vector_store %arg6[%swap3A_477, %swap3A_478], %swap3A_481 {strides = array<i32>} : memref<8x16xf32, #tpu.memory_space<vmem>>, vector<1x16xf32>,
          %swap3A_482 = arith.constant 0 : i32
          %swap3A_483 = arith.index_cast %swap3A_482 : i32 to index
          %swap3A_484 = arith.constant 0 : index
          %swap3A_485 = tpu.vector_load %arg7[%swap3A_483, %swap3A_484] {strides = array<i32>} : memref<8x16xf32, #tpu.memory_space<vmem>>, vector<1x16xf32>,
          %swap3A_486 = vector.shape_cast %swap3A_485 : vector<1x16xf32> to vector<16xf32>
          %swap3A_487 = vector.shape_cast %scan3A_450#1 : vector<16xf32> to vector<1x16xf32>
          tpu.vector_store %arg7[%swap3A_483, %swap3A_484], %swap3A_487 {strides = array<i32>} : memref<8x16xf32, #tpu.memory_space<vmem>>, vector<1x16xf32>,
          %swap3A_488 = arith.constant 0 : i32
          %swap3A_489 = arith.index_cast %swap3A_488 : i32 to index
          %swap3A_490 = arith.constant 0 : index
          %swap3A_491 = tpu.vector_load %arg8[%swap3A_489, %swap3A_490] {strides = array<i32>} : memref<8x16xf32, #tpu.memory_space<vmem>>, vector<1x16xf32>,
          %swap3A_492 = vector.shape_cast %swap3A_491 : vector<1x16xf32> to vector<16xf32>
          %swap3A_493 = vector.shape_cast %scan3A_450#2 : vector<16xf32> to vector<1x16xf32>
          tpu.vector_store %arg8[%swap3A_489, %swap3A_490], %swap3A_493 {strides = array<i32>} : memref<8x16xf32, #tpu.memory_space<vmem>>, vector<1x16xf32>,
          %swap3A_494 = arith.constant 0 : i32
          %swap3A_495 = arith.constant 0 : i32
          %swap3A_496 = arith.constant 0 : i32
          %swap3A_497 = tpu.memref_slice %run_scoped3A_22[%rem3A_413, %swap3A_495, %swap3A_496] : memref<2x8x80xf32, #tpu.memory_space<vmem>> -> memref<1x8x80xf32, #tpu.memory_space<vmem>>
          %swap3A_498 = tpu.memref_squeeze %swap3A_497 : memref<1x8x80xf32, #tpu.memory_space<vmem>> -> memref<8x80xf32, #tpu.memory_space<vmem>>
          %swap3A_499 = arith.constant 0 : i32
          %swap3A_500 = tpu.memref_slice %swap3A_498[%swap3A_494, %swap3A_499] : memref<8x80xf32, #tpu.memory_space<vmem>> -> memref<1x80xf32, #tpu.memory_space<vmem>>
          %swap3A_501 = tpu.memref_squeeze %swap3A_500 : memref<1x80xf32, #tpu.memory_space<vmem>> -> memref<80xf32, #tpu.memory_space<vmem>>
          %swap3A_502 = arith.constant 0 : index
          %swap3A_503 = tpu.vector_load %swap3A_501[%swap3A_502] {strides = array<i32>} : memref<80xf32, #tpu.memory_space<vmem>>, vector<16xf32>,
          %swap3A_504 = vector.shape_cast %swap3A_503 : vector<16xf32> to vector<16xf32>
          %swap3A_505 = vector.shape_cast %max3A : vector<16xf32> to vector<16xf32>
          tpu.vector_store %swap3A_501[%swap3A_502], %swap3A_505 {strides = array<i32>} : memref<80xf32, #tpu.memory_space<vmem>>, vector<16xf32>,
          %swap3A_506 = arith.constant 0 : i32
          %swap3A_507 = arith.constant 0 : i32
          %swap3A_508 = arith.constant 0 : i32
          %swap3A_509 = tpu.memref_slice %run_scoped3A_22[%rem3A_413, %swap3A_507, %swap3A_508] : memref<2x8x80xf32, #tpu.memory_space<vmem>> -> memref<1x8x80xf32, #tpu.memory_space<vmem>>
          %swap3A_510 = tpu.memref_squeeze %swap3A_509 : memref<1x8x80xf32, #tpu.memory_space<vmem>> -> memref<8x80xf32, #tpu.memory_space<vmem>>
          %swap3A_511 = arith.constant 0 : i32
          %swap3A_512 = tpu.memref_slice %swap3A_510[%swap3A_506, %swap3A_511] : memref<8x80xf32, #tpu.memory_space<vmem>> -> memref<1x80xf32, #tpu.memory_space<vmem>>
          %swap3A_513 = tpu.memref_squeeze %swap3A_512 : memref<1x80xf32, #tpu.memory_space<vmem>> -> memref<80xf32, #tpu.memory_space<vmem>>
          %swap3A_514 = arith.constant 16 : index
          %swap3A_515 = tpu.vector_load %swap3A_513[%swap3A_514] {strides = array<i32>} : memref<80xf32, #tpu.memory_space<vmem>>, vector<16xf32>,
          %swap3A_516 = vector.shape_cast %swap3A_515 : vector<16xf32> to vector<16xf32>
          %swap3A_517 = vector.shape_cast %scan3A_469 : vector<16xf32> to vector<16xf32>
          tpu.vector_store %swap3A_513[%swap3A_514], %swap3A_517 {strides = array<i32>} : memref<80xf32, #tpu.memory_space<vmem>>, vector<16xf32>,
          %swap3A_518 = arith.constant 0 : i32
          %swap3A_519 = arith.constant 0 : i32
          %swap3A_520 = arith.constant 0 : i32
          %swap3A_521 = tpu.memref_slice %run_scoped3A_22[%rem3A_413, %swap3A_519, %swap3A_520] : memref<2x8x80xf32, #tpu.memory_space<vmem>> -> memref<1x8x80xf32, #tpu.memory_space<vmem>>
          %swap3A_522 = tpu.memref_squeeze %swap3A_521 : memref<1x8x80xf32, #tpu.memory_space<vmem>> -> memref<8x80xf32, #tpu.memory_space<vmem>>
          %swap3A_523 = arith.constant 0 : i32
          %swap3A_524 = tpu.memref_slice %swap3A_522[%swap3A_518, %swap3A_523] : memref<8x80xf32, #tpu.memory_space<vmem>> -> memref<1x80xf32, #tpu.memory_space<vmem>>
          %swap3A_525 = tpu.memref_squeeze %swap3A_524 : memref<1x80xf32, #tpu.memory_space<vmem>> -> memref<80xf32, #tpu.memory_space<vmem>>
          %swap3A_526 = arith.constant 32 : index
          %swap3A_527 = tpu.vector_load %swap3A_525[%swap3A_526] {strides = array<i32>} : memref<80xf32, #tpu.memory_space<vmem>>, vector<16xf32>,
          %swap3A_528 = vector.shape_cast %swap3A_527 : vector<16xf32> to vector<16xf32>
          %swap3A_529 = vector.shape_cast %scan3A_450#1 : vector<16xf32> to vector<16xf32>
          tpu.vector_store %swap3A_525[%swap3A_526], %swap3A_529 {strides = array<i32>} : memref<80xf32, #tpu.memory_space<vmem>>, vector<16xf32>,
          %swap3A_530 = arith.constant 0 : i32
          %swap3A_531 = arith.constant 0 : i32
          %swap3A_532 = arith.constant 0 : i32
          %swap3A_533 = tpu.memref_slice %run_scoped3A_22[%rem3A_413, %swap3A_531, %swap3A_532] : memref<2x8x80xf32, #tpu.memory_space<vmem>> -> memref<1x8x80xf32, #tpu.memory_space<vmem>>
          %swap3A_534 = tpu.memref_squeeze %swap3A_533 : memref<1x8x80xf32, #tpu.memory_space<vmem>> -> memref<8x80xf32, #tpu.memory_space<vmem>>
          %swap3A_535 = arith.constant 0 : i32
          %swap3A_536 = tpu.memref_slice %swap3A_534[%swap3A_530, %swap3A_535] : memref<8x80xf32, #tpu.memory_space<vmem>> -> memref<1x80xf32, #tpu.memory_space<vmem>>
          %swap3A_537 = tpu.memref_squeeze %swap3A_536 : memref<1x80xf32, #tpu.memory_space<vmem>> -> memref<80xf32, #tpu.memory_space<vmem>>
          %swap3A_538 = arith.constant 48 : index
          %swap3A_539 = tpu.vector_load %swap3A_537[%swap3A_538] {strides = array<i32>} : memref<80xf32, #tpu.memory_space<vmem>>, vector<16xf32>,
          %swap3A_540 = vector.shape_cast %swap3A_539 : vector<16xf32> to vector<16xf32>
          %swap3A_541 = vector.shape_cast %scan3A_450#2 : vector<16xf32> to vector<16xf32>
          tpu.vector_store %swap3A_537[%swap3A_538], %swap3A_541 {strides = array<i32>} : memref<80xf32, #tpu.memory_space<vmem>>, vector<16xf32>,
          %get3A_542 = arith.constant 0 : i32
          %get3A_543 = arith.index_cast %get3A_542 : i32 to index
          %get3A_544 = arith.constant 0 : index
          %get3A_545 = tpu.vector_load %arg9[%get3A_543, %get3A_544] {strides = array<i32>} : memref<8x16xf32, #tpu.memory_space<vmem>>, vector<1x16xf32>,
          %get3A_546 = vector.shape_cast %get3A_545 : vector<1x16xf32> to vector<16xf32>
          %swap3A_547 = arith.constant 0 : i32
          %swap3A_548 = arith.constant 0 : i32
          %swap3A_549 = arith.constant 0 : i32
          %swap3A_550 = tpu.memref_slice %run_scoped3A_22[%rem3A_413, %swap3A_548, %swap3A_549] : memref<2x8x80xf32, #tpu.memory_space<vmem>> -> memref<1x8x80xf32, #tpu.memory_space<vmem>>
          %swap3A_551 = tpu.memref_squeeze %swap3A_550 : memref<1x8x80xf32, #tpu.memory_space<vmem>> -> memref<8x80xf32, #tpu.memory_space<vmem>>
          %swap3A_552 = arith.constant 0 : i32
          %swap3A_553 = tpu.memref_slice %swap3A_551[%swap3A_547, %swap3A_552] : memref<8x80xf32, #tpu.memory_space<vmem>> -> memref<1x80xf32, #tpu.memory_space<vmem>>
          %swap3A_554 = tpu.memref_squeeze %swap3A_553 : memref<1x80xf32, #tpu.memory_space<vmem>> -> memref<80xf32, #tpu.memory_space<vmem>>
          %swap3A_555 = arith.constant 64 : index
          %swap3A_556 = tpu.vector_load %swap3A_554[%swap3A_555] {strides = array<i32>} : memref<80xf32, #tpu.memory_space<vmem>>, vector<16xf32>,
          %swap3A_557 = vector.shape_cast %swap3A_556 : vector<16xf32> to vector<16xf32>
          %swap3A_558 = vector.shape_cast %get3A_546 : vector<16xf32> to vector<16xf32>
          tpu.vector_store %swap3A_554[%swap3A_555], %swap3A_558 {strides = array<i32>} : memref<80xf32, #tpu.memory_space<vmem>>, vector<16xf32>,
          %get3A_559 = arith.constant 1 : i32
          %get3A_560 = arith.constant 0 : i32
          %get3A_561 = arith.constant 0 : i32
          %get3A_562 = tpu.memref_slice %run_scoped3A_20[%rem3A_411, %get3A_560, %get3A_561] : memref<2x8x16xi32, #tpu.memory_space<vmem>> -> memref<1x8x16xi32, #tpu.memory_space<vmem>>
          %get3A_563 = tpu.memref_squeeze %get3A_562 : memref<1x8x16xi32, #tpu.memory_space<vmem>> -> memref<8x16xi32, #tpu.memory_space<vmem>>
          %get3A_564 = arith.constant 0 : i32
          %get3A_565 = tpu.memref_slice %get3A_563[%get3A_559, %get3A_564] : memref<8x16xi32, #tpu.memory_space<vmem>> -> memref<1x16xi32, #tpu.memory_space<vmem>>
          %get3A_566 = tpu.memref_squeeze %get3A_565 : memref<1x16xi32, #tpu.memory_space<vmem>> -> memref<16xi32, #tpu.memory_space<vmem>>
          %get3A_567 = arith.constant 0 : index
          %get3A_568 = tpu.vector_load %get3A_566[%get3A_567] {strides = array<i32>} : memref<16xi32, #tpu.memory_space<vmem>>, vector<16xi32>,
          %get3A_569 = vector.shape_cast %get3A_568 : vector<16xi32> to vector<16xi32>
          %eq3A_570 = arith.constant 0 : i32
          %eq3A_571 = arith.cmpi eq, %add3A_269, %eq3A_570 : i32
          %convert_element_type3A_572 = arith.extui %eq3A_571 : i1 to i32
          %cond3A_573 = arith.constant 1 : i32
          %cond3A_574 = arith.constant 1 : i32
          %cond3A_575 = arith.constant 1 : i32
          %cond3A_576 = arith.constant 1 : i32
          %cond3A_577 = arith.constant 1 : i32
          %cond3A_578 = arith.constant 1 : i32
          %cond3A_579 = arith.constant 0 : i32
          %cond3A_580 = arith.cmpi ne, %convert_element_type3A_572, %cond3A_579 : i32
          scf.if %cond3A_580 {
            %broadcast_in_dim3A_1738 = arith.constant 0xFF800000 : f32
            %broadcast_in_dim3A_1739 = vector.broadcast %broadcast_in_dim3A_1738 : f32 to vector<16xf32>
            %swap3A_1740 = arith.index_cast %cond3A_573 : i32 to index
            %swap3A_1741 = arith.constant 0 : index
            %swap3A_1742 = tpu.vector_load %arg5[%swap3A_1740, %swap3A_1741] {strides = array<i32>} : memref<8x16xf32, #tpu.memory_space<vmem>>, vector<1x16xf32>,
            %swap3A_1743 = vector.shape_cast %swap3A_1742 : vector<1x16xf32> to vector<16xf32>
            %swap3A_1744 = vector.shape_cast %broadcast_in_dim3A_1739 : vector<16xf32> to vector<1x16xf32>
            tpu.vector_store %arg5[%swap3A_1740, %swap3A_1741], %swap3A_1744 {strides = array<i32>} : memref<8x16xf32, #tpu.memory_space<vmem>>, vector<1x16xf32>,
            %broadcast_in_dim3A_1745 = arith.constant 0.000000e+00 : f32
            %broadcast_in_dim3A_1746 = vector.broadcast %broadcast_in_dim3A_1745 : f32 to vector<16xf32>
            %swap3A_1747 = arith.index_cast %cond3A_574 : i32 to index
            %swap3A_1748 = arith.constant 0 : index
            %swap3A_1749 = tpu.vector_load %arg6[%swap3A_1747, %swap3A_1748] {strides = array<i32>} : memref<8x16xf32, #tpu.memory_space<vmem>>, vector<1x16xf32>,
            %swap3A_1750 = vector.shape_cast %swap3A_1749 : vector<1x16xf32> to vector<16xf32>
            %swap3A_1751 = vector.shape_cast %broadcast_in_dim3A_1746 : vector<16xf32> to vector<1x16xf32>
            tpu.vector_store %arg6[%swap3A_1747, %swap3A_1748], %swap3A_1751 {strides = array<i32>} : memref<8x16xf32, #tpu.memory_space<vmem>>, vector<1x16xf32>,
            %broadcast_in_dim3A_1752 = arith.constant 0.000000e+00 : f32
            %broadcast_in_dim3A_1753 = vector.broadcast %broadcast_in_dim3A_1752 : f32 to vector<16xf32>
            %swap3A_1754 = arith.index_cast %cond3A_575 : i32 to index
            %swap3A_1755 = arith.constant 0 : index
            %swap3A_1756 = tpu.vector_load %arg7[%swap3A_1754, %swap3A_1755] {strides = array<i32>} : memref<8x16xf32, #tpu.memory_space<vmem>>, vector<1x16xf32>,
            %swap3A_1757 = vector.shape_cast %swap3A_1756 : vector<1x16xf32> to vector<16xf32>
            %swap3A_1758 = vector.shape_cast %broadcast_in_dim3A_1753 : vector<16xf32> to vector<1x16xf32>
            tpu.vector_store %arg7[%swap3A_1754, %swap3A_1755], %swap3A_1758 {strides = array<i32>} : memref<8x16xf32, #tpu.memory_space<vmem>>, vector<1x16xf32>,
            %broadcast_in_dim3A_1759 = arith.constant 0.000000e+00 : f32
            %broadcast_in_dim3A_1760 = vector.broadcast %broadcast_in_dim3A_1759 : f32 to vector<16xf32>
            %swap3A_1761 = arith.index_cast %cond3A_576 : i32 to index
            %swap3A_1762 = arith.constant 0 : index
            %swap3A_1763 = tpu.vector_load %arg8[%swap3A_1761, %swap3A_1762] {strides = array<i32>} : memref<8x16xf32, #tpu.memory_space<vmem>>, vector<1x16xf32>,
            %swap3A_1764 = vector.shape_cast %swap3A_1763 : vector<1x16xf32> to vector<16xf32>
            %swap3A_1765 = vector.shape_cast %broadcast_in_dim3A_1760 : vector<16xf32> to vector<1x16xf32>
            tpu.vector_store %arg8[%swap3A_1761, %swap3A_1762], %swap3A_1765 {strides = array<i32>} : memref<8x16xf32, #tpu.memory_space<vmem>>, vector<1x16xf32>,
            %get3A_1766 = arith.constant 0 : i32
            %get3A_1767 = arith.constant 0 : i32
            %get3A_1768 = tpu.memref_slice %run_scoped3A[%rem3A_409, %get3A_1766, %get3A_1767] : memref<2x8x3840xf32, #tpu.memory_space<vmem>> -> memref<1x8x3840xf32, #tpu.memory_space<vmem>>
            %get3A_1769 = tpu.memref_squeeze %get3A_1768 : memref<1x8x3840xf32, #tpu.memory_space<vmem>> -> memref<8x3840xf32, #tpu.memory_space<vmem>>
            %get3A_1770 = arith.constant 0 : i32
            %get3A_1771 = tpu.memref_slice %get3A_1769[%cond3A_577, %get3A_1770] : memref<8x3840xf32, #tpu.memory_space<vmem>> -> memref<1x3840xf32, #tpu.memory_space<vmem>>
            %get3A_1772 = tpu.memref_squeeze %get3A_1771 : memref<1x3840xf32, #tpu.memory_space<vmem>> -> memref<3840xf32, #tpu.memory_space<vmem>>
            %get3A_1773 = arith.constant 0 : index
            %get3A_1774 = tpu.vector_load %get3A_1772[%get3A_1773] {strides = array<i32>} : memref<3840xf32, #tpu.memory_space<vmem>>, vector<16xf32>,
            %get3A_1775 = vector.shape_cast %get3A_1774 : vector<16xf32> to vector<16xf32>
            %swap3A_1776 = arith.index_cast %cond3A_578 : i32 to index
            %swap3A_1777 = arith.constant 0 : index
            %swap3A_1778 = tpu.vector_load %arg9[%swap3A_1776, %swap3A_1777] {strides = array<i32>} : memref<8x16xf32, #tpu.memory_space<vmem>>, vector<1x16xf32>,
            %swap3A_1779 = vector.shape_cast %swap3A_1778 : vector<1x16xf32> to vector<16xf32>
            %swap3A_1780 = vector.shape_cast %get3A_1775 : vector<16xf32> to vector<1x16xf32>
            tpu.vector_store %arg9[%swap3A_1776, %swap3A_1777], %swap3A_1780 {strides = array<i32>} : memref<8x16xf32, #tpu.memory_space<vmem>>, vector<1x16xf32>,
          } else {
          }
          %broadcast_in_dim3A_581 = arith.constant 0xFF800000 : f32
          %broadcast_in_dim3A_582 = vector.broadcast %broadcast_in_dim3A_581 : f32 to vector<16xf32>
          %get3A_583 = arith.constant 1 : i32
          %get3A_584 = arith.index_cast %get3A_583 : i32 to index
          %get3A_585 = arith.constant 0 : index
          %get3A_586 = tpu.vector_load %arg7[%get3A_584, %get3A_585] {strides = array<i32>} : memref<8x16xf32, #tpu.memory_space<vmem>>, vector<1x16xf32>,
          %get3A_587 = vector.shape_cast %get3A_586 : vector<1x16xf32> to vector<16xf32>
          %get3A_588 = arith.constant 1 : i32
          %get3A_589 = arith.index_cast %get3A_588 : i32 to index
          %get3A_590 = arith.constant 0 : index
          %get3A_591 = tpu.vector_load %arg8[%get3A_589, %get3A_590] {strides = array<i32>} : memref<8x16xf32, #tpu.memory_space<vmem>>, vector<1x16xf32>,
          %get3A_592 = vector.shape_cast %get3A_591 : vector<1x16xf32> to vector<16xf32>
          %scan3A_593 = arith.constant 1 : i32
          %scan3A_594 = arith.constant 0 : i32
          %scan3A_595 = arith.constant 240 : i32
          %scan3A_596 = arith.addi %scan3A_594, %scan3A_595 : i32
          %scan3A_597 = arith.constant 1 : i32
          %scan3A_598:3 = scf.for %scan3A_1738 = %scan3A_594 to %scan3A_596 step %scan3A_597 iter_args(%scan3A_1739 = %broadcast_in_dim3A_582, %scan3A_1740 = %get3A_587, %scan3A_1741 = %get3A_592) -> (vector<16xf32>, vector<16xf32>, vector<16xf32>)  : i32 {
            %mul3A_1742 = arith.constant 16 : i32
            %mul3A_1743 = arith.muli %scan3A_1738, %mul3A_1742 : i32
            %get3A_1744 = arith.constant 0 : i32
            %get3A_1745 = arith.constant 0 : i32
            %get3A_1746 = tpu.memref_slice %run_scoped3A[%rem3A_409, %get3A_1744, %get3A_1745] : memref<2x8x3840xf32, #tpu.memory_space<vmem>> -> memref<1x8x3840xf32, #tpu.memory_space<vmem>>
            %get3A_1747 = tpu.memref_squeeze %get3A_1746 : memref<1x8x3840xf32, #tpu.memory_space<vmem>> -> memref<8x3840xf32, #tpu.memory_space<vmem>>
            %get3A_1748 = arith.constant 0 : i32
            %get3A_1749 = tpu.memref_slice %get3A_1747[%scan3A_593, %get3A_1748] : memref<8x3840xf32, #tpu.memory_space<vmem>> -> memref<1x3840xf32, #tpu.memory_space<vmem>>
            %get3A_1750 = tpu.memref_squeeze %get3A_1749 : memref<1x3840xf32, #tpu.memory_space<vmem>> -> memref<3840xf32, #tpu.memory_space<vmem>>
            %get3A_1751 = arith.index_cast %mul3A_1743 : i32 to index
            %get3A_1752 = tpu.vector_load %get3A_1750[%get3A_1751] {strides = array<i32>} : memref<3840xf32, #tpu.memory_space<vmem>>, vector<16xf32>,
            %get3A_1753 = vector.shape_cast %get3A_1752 : vector<16xf32> to vector<16xf32>
            %max3A_1754 = arith.maximumf %scan3A_1739, %get3A_1753 : vector<16xf32>
            %add3A_1755 = arith.addf %scan3A_1740, %get3A_1753 : vector<16xf32>
            %mul3A_1756 = arith.constant 3840 : i32
            %mul3A_1757 = arith.muli %add3A_269, %mul3A_1756 : i32
            %mul3A_1758 = arith.constant 16 : i32
            %mul3A_1759 = arith.muli %scan3A_1738, %mul3A_1758 : i32
            %add3A_1760 = arith.addi %mul3A_1757, %mul3A_1759 : i32
            %sub3A_1761 = vector.broadcast %add3A_1760 : i32 to vector<16xi32>
            %sub3A_1762 = arith.subi %get3A_569, %sub3A_1761 : vector<16xi32>
            %eq3A_1763 = arith.cmpi eq, %iota3A, %sub3A_1762 : vector<16xi32>
            %jit3A_1764 = arith.constant 0.000000e+00 : f32
            %broadcast_in_dim3A_1765 = vector.broadcast %jit3A_1764 : f32 to vector<16xf32>
            %select_n3A_1766 = arith.select %eq3A_1763, %get3A_1753, %broadcast_in_dim3A_1765 : vector<16xi1>, vector<16xf32>
            %add3A_1767 = arith.addf %scan3A_1741, %select_n3A_1766 : vector<16xf32>
            scf.yield %max3A_1754, %add3A_1755, %add3A_1767 : vector<16xf32>, vector<16xf32>, vector<16xf32>
          }
          %scan3A_599 = arith.constant 240 : i32
          %get3A_600 = arith.constant 1 : i32
          %get3A_601 = arith.index_cast %get3A_600 : i32 to index
          %get3A_602 = arith.constant 0 : index
          %get3A_603 = tpu.vector_load %arg5[%get3A_601, %get3A_602] {strides = array<i32>} : memref<8x16xf32, #tpu.memory_space<vmem>>, vector<1x16xf32>,
          %get3A_604 = vector.shape_cast %get3A_603 : vector<1x16xf32> to vector<16xf32>
          %max3A_605 = arith.maximumf %get3A_604, %scan3A_598#0 : vector<16xf32>
          %get3A_606 = arith.constant 1 : i32
          %get3A_607 = arith.index_cast %get3A_606 : i32 to index
          %get3A_608 = arith.constant 0 : index
          %get3A_609 = tpu.vector_load %arg6[%get3A_607, %get3A_608] {strides = array<i32>} : memref<8x16xf32, #tpu.memory_space<vmem>>, vector<1x16xf32>,
          %get3A_610 = vector.shape_cast %get3A_609 : vector<1x16xf32> to vector<16xf32>
          %sub3A_611 = arith.subf %get3A_604, %max3A_605 : vector<16xf32>
          %exp3A_612 = math.exp %sub3A_611 : vector<16xf32>
          %mul3A_613 = arith.mulf %get3A_610, %exp3A_612 : vector<16xf32>
          %scan3A_614 = arith.constant 1 : i32
          %scan3A_615 = arith.constant 0 : i32
          %scan3A_616 = arith.constant 240 : i32
          %scan3A_617 = arith.addi %scan3A_615, %scan3A_616 : i32
          %scan3A_618 = arith.constant 1 : i32
          %scan3A_619 = scf.for %scan3A_1738 = %scan3A_615 to %scan3A_617 step %scan3A_618 iter_args(%scan3A_1739 = %mul3A_613) -> (vector<16xf32>)  : i32 {
            %mul3A_1740 = arith.constant 16 : i32
            %mul3A_1741 = arith.muli %scan3A_1738, %mul3A_1740 : i32
            %get3A_1742 = arith.constant 0 : i32
            %get3A_1743 = arith.constant 0 : i32
            %get3A_1744 = tpu.memref_slice %run_scoped3A[%rem3A_409, %get3A_1742, %get3A_1743] : memref<2x8x3840xf32, #tpu.memory_space<vmem>> -> memref<1x8x3840xf32, #tpu.memory_space<vmem>>
            %get3A_1745 = tpu.memref_squeeze %get3A_1744 : memref<1x8x3840xf32, #tpu.memory_space<vmem>> -> memref<8x3840xf32, #tpu.memory_space<vmem>>
            %get3A_1746 = arith.constant 0 : i32
            %get3A_1747 = tpu.memref_slice %get3A_1745[%scan3A_614, %get3A_1746] : memref<8x3840xf32, #tpu.memory_space<vmem>> -> memref<1x3840xf32, #tpu.memory_space<vmem>>
            %get3A_1748 = tpu.memref_squeeze %get3A_1747 : memref<1x3840xf32, #tpu.memory_space<vmem>> -> memref<3840xf32, #tpu.memory_space<vmem>>
            %get3A_1749 = arith.index_cast %mul3A_1741 : i32 to index
            %get3A_1750 = tpu.vector_load %get3A_1748[%get3A_1749] {strides = array<i32>} : memref<3840xf32, #tpu.memory_space<vmem>>, vector<16xf32>,
            %get3A_1751 = vector.shape_cast %get3A_1750 : vector<16xf32> to vector<16xf32>
            %sub3A_1752 = arith.subf %get3A_1751, %max3A_605 : vector<16xf32>
            %exp3A_1753 = math.exp %sub3A_1752 : vector<16xf32>
            %add3A_1754 = arith.addf %scan3A_1739, %exp3A_1753 : vector<16xf32>
            scf.yield %add3A_1754 : vector<16xf32>
          }
          %scan3A_620 = arith.constant 240 : i32
          %swap3A_621 = arith.constant 1 : i32
          %swap3A_622 = arith.index_cast %swap3A_621 : i32 to index
          %swap3A_623 = arith.constant 0 : index
          %swap3A_624 = tpu.vector_load %arg5[%swap3A_622, %swap3A_623] {strides = array<i32>} : memref<8x16xf32, #tpu.memory_space<vmem>>, vector<1x16xf32>,
          %swap3A_625 = vector.shape_cast %swap3A_624 : vector<1x16xf32> to vector<16xf32>
          %swap3A_626 = vector.shape_cast %max3A_605 : vector<16xf32> to vector<1x16xf32>
          tpu.vector_store %arg5[%swap3A_622, %swap3A_623], %swap3A_626 {strides = array<i32>} : memref<8x16xf32, #tpu.memory_space<vmem>>, vector<1x16xf32>,
          %swap3A_627 = arith.constant 1 : i32
          %swap3A_628 = arith.index_cast %swap3A_627 : i32 to index
          %swap3A_629 = arith.constant 0 : index
          %swap3A_630 = tpu.vector_load %arg6[%swap3A_628, %swap3A_629] {strides = array<i32>} : memref<8x16xf32, #tpu.memory_space<vmem>>, vector<1x16xf32>,
          %swap3A_631 = vector.shape_cast %swap3A_630 : vector<1x16xf32> to vector<16xf32>
          %swap3A_632 = vector.shape_cast %scan3A_619 : vector<16xf32> to vector<1x16xf32>
          tpu.vector_store %arg6[%swap3A_628, %swap3A_629], %swap3A_632 {strides = array<i32>} : memref<8x16xf32, #tpu.memory_space<vmem>>, vector<1x16xf32>,
          %swap3A_633 = arith.constant 1 : i32
          %swap3A_634 = arith.index_cast %swap3A_633 : i32 to index
          %swap3A_635 = arith.constant 0 : index
          %swap3A_636 = tpu.vector_load %arg7[%swap3A_634, %swap3A_635] {strides = array<i32>} : memref<8x16xf32, #tpu.memory_space<vmem>>, vector<1x16xf32>,
          %swap3A_637 = vector.shape_cast %swap3A_636 : vector<1x16xf32> to vector<16xf32>
          %swap3A_638 = vector.shape_cast %scan3A_598#1 : vector<16xf32> to vector<1x16xf32>
          tpu.vector_store %arg7[%swap3A_634, %swap3A_635], %swap3A_638 {strides = array<i32>} : memref<8x16xf32, #tpu.memory_space<vmem>>, vector<1x16xf32>,
          %swap3A_639 = arith.constant 1 : i32
          %swap3A_640 = arith.index_cast %swap3A_639 : i32 to index
          %swap3A_641 = arith.constant 0 : index
          %swap3A_642 = tpu.vector_load %arg8[%swap3A_640, %swap3A_641] {strides = array<i32>} : memref<8x16xf32, #tpu.memory_space<vmem>>, vector<1x16xf32>,
          %swap3A_643 = vector.shape_cast %swap3A_642 : vector<1x16xf32> to vector<16xf32>
          %swap3A_644 = vector.shape_cast %scan3A_598#2 : vector<16xf32> to vector<1x16xf32>
          tpu.vector_store %arg8[%swap3A_640, %swap3A_641], %swap3A_644 {strides = array<i32>} : memref<8x16xf32, #tpu.memory_space<vmem>>, vector<1x16xf32>,
          %swap3A_645 = arith.constant 1 : i32
          %swap3A_646 = arith.constant 0 : i32
          %swap3A_647 = arith.constant 0 : i32
          %swap3A_648 = tpu.memref_slice %run_scoped3A_22[%rem3A_413, %swap3A_646, %swap3A_647] : memref<2x8x80xf32, #tpu.memory_space<vmem>> -> memref<1x8x80xf32, #tpu.memory_space<vmem>>
          %swap3A_649 = tpu.memref_squeeze %swap3A_648 : memref<1x8x80xf32, #tpu.memory_space<vmem>> -> memref<8x80xf32, #tpu.memory_space<vmem>>
          %swap3A_650 = arith.constant 0 : i32
          %swap3A_651 = tpu.memref_slice %swap3A_649[%swap3A_645, %swap3A_650] : memref<8x80xf32, #tpu.memory_space<vmem>> -> memref<1x80xf32, #tpu.memory_space<vmem>>
          %swap3A_652 = tpu.memref_squeeze %swap3A_651 : memref<1x80xf32, #tpu.memory_space<vmem>> -> memref<80xf32, #tpu.memory_space<vmem>>
          %swap3A_653 = arith.constant 0 : index
          %swap3A_654 = tpu.vector_load %swap3A_652[%swap3A_653] {strides = array<i32>} : memref<80xf32, #tpu.memory_space<vmem>>, vector<16xf32>,
          %swap3A_655 = vector.shape_cast %swap3A_654 : vector<16xf32> to vector<16xf32>
          %swap3A_656 = vector.shape_cast %max3A_605 : vector<16xf32> to vector<16xf32>
          tpu.vector_store %swap3A_652[%swap3A_653], %swap3A_656 {strides = array<i32>} : memref<80xf32, #tpu.memory_space<vmem>>, vector<16xf32>,
          %swap3A_657 = arith.constant 1 : i32
          %swap3A_658 = arith.constant 0 : i32
          %swap3A_659 = arith.constant 0 : i32
          %swap3A_660 = tpu.memref_slice %run_scoped3A_22[%rem3A_413, %swap3A_658, %swap3A_659] : memref<2x8x80xf32, #tpu.memory_space<vmem>> -> memref<1x8x80xf32, #tpu.memory_space<vmem>>
          %swap3A_661 = tpu.memref_squeeze %swap3A_660 : memref<1x8x80xf32, #tpu.memory_space<vmem>> -> memref<8x80xf32, #tpu.memory_space<vmem>>
          %swap3A_662 = arith.constant 0 : i32
          %swap3A_663 = tpu.memref_slice %swap3A_661[%swap3A_657, %swap3A_662] : memref<8x80xf32, #tpu.memory_space<vmem>> -> memref<1x80xf32, #tpu.memory_space<vmem>>
          %swap3A_664 = tpu.memref_squeeze %swap3A_663 : memref<1x80xf32, #tpu.memory_space<vmem>> -> memref<80xf32, #tpu.memory_space<vmem>>
          %swap3A_665 = arith.constant 16 : index
          %swap3A_666 = tpu.vector_load %swap3A_664[%swap3A_665] {strides = array<i32>} : memref<80xf32, #tpu.memory_space<vmem>>, vector<16xf32>,
          %swap3A_667 = vector.shape_cast %swap3A_666 : vector<16xf32> to vector<16xf32>
          %swap3A_668 = vector.shape_cast %scan3A_619 : vector<16xf32> to vector<16xf32>
          tpu.vector_store %swap3A_664[%swap3A_665], %swap3A_668 {strides = array<i32>} : memref<80xf32, #tpu.memory_space<vmem>>, vector<16xf32>,
          %swap3A_669 = arith.constant 1 : i32
          %swap3A_670 = arith.constant 0 : i32
          %swap3A_671 = arith.constant 0 : i32
          %swap3A_672 = tpu.memref_slice %run_scoped3A_22[%rem3A_413, %swap3A_670, %swap3A_671] : memref<2x8x80xf32, #tpu.memory_space<vmem>> -> memref<1x8x80xf32, #tpu.memory_space<vmem>>
          %swap3A_673 = tpu.memref_squeeze %swap3A_672 : memref<1x8x80xf32, #tpu.memory_space<vmem>> -> memref<8x80xf32, #tpu.memory_space<vmem>>
          %swap3A_674 = arith.constant 0 : i32
          %swap3A_675 = tpu.memref_slice %swap3A_673[%swap3A_669, %swap3A_674] : memref<8x80xf32, #tpu.memory_space<vmem>> -> memref<1x80xf32, #tpu.memory_space<vmem>>
          %swap3A_676 = tpu.memref_squeeze %swap3A_675 : memref<1x80xf32, #tpu.memory_space<vmem>> -> memref<80xf32, #tpu.memory_space<vmem>>
          %swap3A_677 = arith.constant 32 : index
          %swap3A_678 = tpu.vector_load %swap3A_676[%swap3A_677] {strides = array<i32>} : memref<80xf32, #tpu.memory_space<vmem>>, vector<16xf32>,
          %swap3A_679 = vector.shape_cast %swap3A_678 : vector<16xf32> to vector<16xf32>
          %swap3A_680 = vector.shape_cast %scan3A_598#1 : vector<16xf32> to vector<16xf32>
          tpu.vector_store %swap3A_676[%swap3A_677], %swap3A_680 {strides = array<i32>} : memref<80xf32, #tpu.memory_space<vmem>>, vector<16xf32>,
          %swap3A_681 = arith.constant 1 : i32
          %swap3A_682 = arith.constant 0 : i32
          %swap3A_683 = arith.constant 0 : i32
          %swap3A_684 = tpu.memref_slice %run_scoped3A_22[%rem3A_413, %swap3A_682, %swap3A_683] : memref<2x8x80xf32, #tpu.memory_space<vmem>> -> memref<1x8x80xf32, #tpu.memory_space<vmem>>
          %swap3A_685 = tpu.memref_squeeze %swap3A_684 : memref<1x8x80xf32, #tpu.memory_space<vmem>> -> memref<8x80xf32, #tpu.memory_space<vmem>>
          %swap3A_686 = arith.constant 0 : i32
          %swap3A_687 = tpu.memref_slice %swap3A_685[%swap3A_681, %swap3A_686] : memref<8x80xf32, #tpu.memory_space<vmem>> -> memref<1x80xf32, #tpu.memory_space<vmem>>
          %swap3A_688 = tpu.memref_squeeze %swap3A_687 : memref<1x80xf32, #tpu.memory_space<vmem>> -> memref<80xf32, #tpu.memory_space<vmem>>
          %swap3A_689 = arith.constant 48 : index
          %swap3A_690 = tpu.vector_load %swap3A_688[%swap3A_689] {strides = array<i32>} : memref<80xf32, #tpu.memory_space<vmem>>, vector<16xf32>,
          %swap3A_691 = vector.shape_cast %swap3A_690 : vector<16xf32> to vector<16xf32>
          %swap3A_692 = vector.shape_cast %scan3A_598#2 : vector<16xf32> to vector<16xf32>
          tpu.vector_store %swap3A_688[%swap3A_689], %swap3A_692 {strides = array<i32>} : memref<80xf32, #tpu.memory_space<vmem>>, vector<16xf32>,
          %get3A_693 = arith.constant 1 : i32
          %get3A_694 = arith.index_cast %get3A_693 : i32 to index
          %get3A_695 = arith.constant 0 : index
          %get3A_696 = tpu.vector_load %arg9[%get3A_694, %get3A_695] {strides = array<i32>} : memref<8x16xf32, #tpu.memory_space<vmem>>, vector<1x16xf32>,
          %get3A_697 = vector.shape_cast %get3A_696 : vector<1x16xf32> to vector<16xf32>
          %swap3A_698 = arith.constant 1 : i32
          %swap3A_699 = arith.constant 0 : i32
          %swap3A_700 = arith.constant 0 : i32
          %swap3A_701 = tpu.memref_slice %run_scoped3A_22[%rem3A_413, %swap3A_699, %swap3A_700] : memref<2x8x80xf32, #tpu.memory_space<vmem>> -> memref<1x8x80xf32, #tpu.memory_space<vmem>>
          %swap3A_702 = tpu.memref_squeeze %swap3A_701 : memref<1x8x80xf32, #tpu.memory_space<vmem>> -> memref<8x80xf32, #tpu.memory_space<vmem>>
          %swap3A_703 = arith.constant 0 : i32
          %swap3A_704 = tpu.memref_slice %swap3A_702[%swap3A_698, %swap3A_703] : memref<8x80xf32, #tpu.memory_space<vmem>> -> memref<1x80xf32, #tpu.memory_space<vmem>>
          %swap3A_705 = tpu.memref_squeeze %swap3A_704 : memref<1x80xf32, #tpu.memory_space<vmem>> -> memref<80xf32, #tpu.memory_space<vmem>>
          %swap3A_706 = arith.constant 64 : index
          %swap3A_707 = tpu.vector_load %swap3A_705[%swap3A_706] {strides = array<i32>} : memref<80xf32, #tpu.memory_space<vmem>>, vector<16xf32>,
          %swap3A_708 = vector.shape_cast %swap3A_707 : vector<16xf32> to vector<16xf32>
          %swap3A_709 = vector.shape_cast %get3A_697 : vector<16xf32> to vector<16xf32>
          tpu.vector_store %swap3A_705[%swap3A_706], %swap3A_709 {strides = array<i32>} : memref<80xf32, #tpu.memory_space<vmem>>, vector<16xf32>,
          %get3A_710 = arith.constant 2 : i32
          %get3A_711 = arith.constant 0 : i32
          %get3A_712 = arith.constant 0 : i32
          %get3A_713 = tpu.memref_slice %run_scoped3A_20[%rem3A_411, %get3A_711, %get3A_712] : memref<2x8x16xi32, #tpu.memory_space<vmem>> -> memref<1x8x16xi32, #tpu.memory_space<vmem>>
          %get3A_714 = tpu.memref_squeeze %get3A_713 : memref<1x8x16xi32, #tpu.memory_space<vmem>> -> memref<8x16xi32, #tpu.memory_space<vmem>>
          %get3A_715 = arith.constant 0 : i32
          %get3A_716 = tpu.memref_slice %get3A_714[%get3A_710, %get3A_715] : memref<8x16xi32, #tpu.memory_space<vmem>> -> memref<1x16xi32, #tpu.memory_space<vmem>>
          %get3A_717 = tpu.memref_squeeze %get3A_716 : memref<1x16xi32, #tpu.memory_space<vmem>> -> memref<16xi32, #tpu.memory_space<vmem>>
          %get3A_718 = arith.constant 0 : index
          %get3A_719 = tpu.vector_load %get3A_717[%get3A_718] {strides = array<i32>} : memref<16xi32, #tpu.memory_space<vmem>>, vector<16xi32>,
          %get3A_720 = vector.shape_cast %get3A_719 : vector<16xi32> to vector<16xi32>
          %eq3A_721 = arith.constant 0 : i32
          %eq3A_722 = arith.cmpi eq, %add3A_269, %eq3A_721 : i32
          %convert_element_type3A_723 = arith.extui %eq3A_722 : i1 to i32
          %cond3A_724 = arith.constant 2 : i32
          %cond3A_725 = arith.constant 2 : i32
          %cond3A_726 = arith.constant 2 : i32
          %cond3A_727 = arith.constant 2 : i32
          %cond3A_728 = arith.constant 2 : i32
          %cond3A_729 = arith.constant 2 : i32
          %cond3A_730 = arith.constant 0 : i32
          %cond3A_731 = arith.cmpi ne, %convert_element_type3A_723, %cond3A_730 : i32
          scf.if %cond3A_731 {
            %broadcast_in_dim3A_1738 = arith.constant 0xFF800000 : f32
            %broadcast_in_dim3A_1739 = vector.broadcast %broadcast_in_dim3A_1738 : f32 to vector<16xf32>
            %swap3A_1740 = arith.index_cast %cond3A_724 : i32 to index
            %swap3A_1741 = arith.constant 0 : index
            %swap3A_1742 = tpu.vector_load %arg5[%swap3A_1740, %swap3A_1741] {strides = array<i32>} : memref<8x16xf32, #tpu.memory_space<vmem>>, vector<1x16xf32>,
            %swap3A_1743 = vector.shape_cast %swap3A_1742 : vector<1x16xf32> to vector<16xf32>
            %swap3A_1744 = vector.shape_cast %broadcast_in_dim3A_1739 : vector<16xf32> to vector<1x16xf32>
            tpu.vector_store %arg5[%swap3A_1740, %swap3A_1741], %swap3A_1744 {strides = array<i32>} : memref<8x16xf32, #tpu.memory_space<vmem>>, vector<1x16xf32>,
            %broadcast_in_dim3A_1745 = arith.constant 0.000000e+00 : f32
            %broadcast_in_dim3A_1746 = vector.broadcast %broadcast_in_dim3A_1745 : f32 to vector<16xf32>
            %swap3A_1747 = arith.index_cast %cond3A_725 : i32 to index
            %swap3A_1748 = arith.constant 0 : index
            %swap3A_1749 = tpu.vector_load %arg6[%swap3A_1747, %swap3A_1748] {strides = array<i32>} : memref<8x16xf32, #tpu.memory_space<vmem>>, vector<1x16xf32>,
            %swap3A_1750 = vector.shape_cast %swap3A_1749 : vector<1x16xf32> to vector<16xf32>
            %swap3A_1751 = vector.shape_cast %broadcast_in_dim3A_1746 : vector<16xf32> to vector<1x16xf32>
            tpu.vector_store %arg6[%swap3A_1747, %swap3A_1748], %swap3A_1751 {strides = array<i32>} : memref<8x16xf32, #tpu.memory_space<vmem>>, vector<1x16xf32>,
            %broadcast_in_dim3A_1752 = arith.constant 0.000000e+00 : f32
            %broadcast_in_dim3A_1753 = vector.broadcast %broadcast_in_dim3A_1752 : f32 to vector<16xf32>
            %swap3A_1754 = arith.index_cast %cond3A_726 : i32 to index
            %swap3A_1755 = arith.constant 0 : index
            %swap3A_1756 = tpu.vector_load %arg7[%swap3A_1754, %swap3A_1755] {strides = array<i32>} : memref<8x16xf32, #tpu.memory_space<vmem>>, vector<1x16xf32>,
            %swap3A_1757 = vector.shape_cast %swap3A_1756 : vector<1x16xf32> to vector<16xf32>
            %swap3A_1758 = vector.shape_cast %broadcast_in_dim3A_1753 : vector<16xf32> to vector<1x16xf32>
            tpu.vector_store %arg7[%swap3A_1754, %swap3A_1755], %swap3A_1758 {strides = array<i32>} : memref<8x16xf32, #tpu.memory_space<vmem>>, vector<1x16xf32>,
            %broadcast_in_dim3A_1759 = arith.constant 0.000000e+00 : f32
            %broadcast_in_dim3A_1760 = vector.broadcast %broadcast_in_dim3A_1759 : f32 to vector<16xf32>
            %swap3A_1761 = arith.index_cast %cond3A_727 : i32 to index
            %swap3A_1762 = arith.constant 0 : index
            %swap3A_1763 = tpu.vector_load %arg8[%swap3A_1761, %swap3A_1762] {strides = array<i32>} : memref<8x16xf32, #tpu.memory_space<vmem>>, vector<1x16xf32>,
            %swap3A_1764 = vector.shape_cast %swap3A_1763 : vector<1x16xf32> to vector<16xf32>
            %swap3A_1765 = vector.shape_cast %broadcast_in_dim3A_1760 : vector<16xf32> to vector<1x16xf32>
            tpu.vector_store %arg8[%swap3A_1761, %swap3A_1762], %swap3A_1765 {strides = array<i32>} : memref<8x16xf32, #tpu.memory_space<vmem>>, vector<1x16xf32>,
            %get3A_1766 = arith.constant 0 : i32
            %get3A_1767 = arith.constant 0 : i32
            %get3A_1768 = tpu.memref_slice %run_scoped3A[%rem3A_409, %get3A_1766, %get3A_1767] : memref<2x8x3840xf32, #tpu.memory_space<vmem>> -> memref<1x8x3840xf32, #tpu.memory_space<vmem>>
            %get3A_1769 = tpu.memref_squeeze %get3A_1768 : memref<1x8x3840xf32, #tpu.memory_space<vmem>> -> memref<8x3840xf32, #tpu.memory_space<vmem>>
            %get3A_1770 = arith.constant 0 : i32
            %get3A_1771 = tpu.memref_slice %get3A_1769[%cond3A_728, %get3A_1770] : memref<8x3840xf32, #tpu.memory_space<vmem>> -> memref<1x3840xf32, #tpu.memory_space<vmem>>
            %get3A_1772 = tpu.memref_squeeze %get3A_1771 : memref<1x3840xf32, #tpu.memory_space<vmem>> -> memref<3840xf32, #tpu.memory_space<vmem>>
            %get3A_1773 = arith.constant 0 : index
            %get3A_1774 = tpu.vector_load %get3A_1772[%get3A_1773] {strides = array<i32>} : memref<3840xf32, #tpu.memory_space<vmem>>, vector<16xf32>,
            %get3A_1775 = vector.shape_cast %get3A_1774 : vector<16xf32> to vector<16xf32>
            %swap3A_1776 = arith.index_cast %cond3A_729 : i32 to index
            %swap3A_1777 = arith.constant 0 : index
            %swap3A_1778 = tpu.vector_load %arg9[%swap3A_1776, %swap3A_1777] {strides = array<i32>} : memref<8x16xf32, #tpu.memory_space<vmem>>, vector<1x16xf32>,
            %swap3A_1779 = vector.shape_cast %swap3A_1778 : vector<1x16xf32> to vector<16xf32>
            %swap3A_1780 = vector.shape_cast %get3A_1775 : vector<16xf32> to vector<1x16xf32>
            tpu.vector_store %arg9[%swap3A_1776, %swap3A_1777], %swap3A_1780 {strides = array<i32>} : memref<8x16xf32, #tpu.memory_space<vmem>>, vector<1x16xf32>,
          } else {
          }
          %broadcast_in_dim3A_732 = arith.constant 0xFF800000 : f32
          %broadcast_in_dim3A_733 = vector.broadcast %broadcast_in_dim3A_732 : f32 to vector<16xf32>
          %get3A_734 = arith.constant 2 : i32
          %get3A_735 = arith.index_cast %get3A_734 : i32 to index
          %get3A_736 = arith.constant 0 : index
          %get3A_737 = tpu.vector_load %arg7[%get3A_735, %get3A_736] {strides = array<i32>} : memref<8x16xf32, #tpu.memory_space<vmem>>, vector<1x16xf32>,
          %get3A_738 = vector.shape_cast %get3A_737 : vector<1x16xf32> to vector<16xf32>
          %get3A_739 = arith.constant 2 : i32
          %get3A_740 = arith.index_cast %get3A_739 : i32 to index
          %get3A_741 = arith.constant 0 : index
          %get3A_742 = tpu.vector_load %arg8[%get3A_740, %get3A_741] {strides = array<i32>} : memref<8x16xf32, #tpu.memory_space<vmem>>, vector<1x16xf32>,
          %get3A_743 = vector.shape_cast %get3A_742 : vector<1x16xf32> to vector<16xf32>
          %scan3A_744 = arith.constant 2 : i32
          %scan3A_745 = arith.constant 0 : i32
          %scan3A_746 = arith.constant 240 : i32
          %scan3A_747 = arith.addi %scan3A_745, %scan3A_746 : i32
          %scan3A_748 = arith.constant 1 : i32
          %scan3A_749:3 = scf.for %scan3A_1738 = %scan3A_745 to %scan3A_747 step %scan3A_748 iter_args(%scan3A_1739 = %broadcast_in_dim3A_733, %scan3A_1740 = %get3A_738, %scan3A_1741 = %get3A_743) -> (vector<16xf32>, vector<16xf32>, vector<16xf32>)  : i32 {
            %mul3A_1742 = arith.constant 16 : i32
            %mul3A_1743 = arith.muli %scan3A_1738, %mul3A_1742 : i32
            %get3A_1744 = arith.constant 0 : i32
            %get3A_1745 = arith.constant 0 : i32
            %get3A_1746 = tpu.memref_slice %run_scoped3A[%rem3A_409, %get3A_1744, %get3A_1745] : memref<2x8x3840xf32, #tpu.memory_space<vmem>> -> memref<1x8x3840xf32, #tpu.memory_space<vmem>>
            %get3A_1747 = tpu.memref_squeeze %get3A_1746 : memref<1x8x3840xf32, #tpu.memory_space<vmem>> -> memref<8x3840xf32, #tpu.memory_space<vmem>>
            %get3A_1748 = arith.constant 0 : i32
            %get3A_1749 = tpu.memref_slice %get3A_1747[%scan3A_744, %get3A_1748] : memref<8x3840xf32, #tpu.memory_space<vmem>> -> memref<1x3840xf32, #tpu.memory_space<vmem>>
            %get3A_1750 = tpu.memref_squeeze %get3A_1749 : memref<1x3840xf32, #tpu.memory_space<vmem>> -> memref<3840xf32, #tpu.memory_space<vmem>>
            %get3A_1751 = arith.index_cast %mul3A_1743 : i32 to index
            %get3A_1752 = tpu.vector_load %get3A_1750[%get3A_1751] {strides = array<i32>} : memref<3840xf32, #tpu.memory_space<vmem>>, vector<16xf32>,
            %get3A_1753 = vector.shape_cast %get3A_1752 : vector<16xf32> to vector<16xf32>
            %max3A_1754 = arith.maximumf %scan3A_1739, %get3A_1753 : vector<16xf32>
            %add3A_1755 = arith.addf %scan3A_1740, %get3A_1753 : vector<16xf32>
            %mul3A_1756 = arith.constant 3840 : i32
            %mul3A_1757 = arith.muli %add3A_269, %mul3A_1756 : i32
            %mul3A_1758 = arith.constant 16 : i32
            %mul3A_1759 = arith.muli %scan3A_1738, %mul3A_1758 : i32
            %add3A_1760 = arith.addi %mul3A_1757, %mul3A_1759 : i32
            %sub3A_1761 = vector.broadcast %add3A_1760 : i32 to vector<16xi32>
            %sub3A_1762 = arith.subi %get3A_720, %sub3A_1761 : vector<16xi32>
            %eq3A_1763 = arith.cmpi eq, %iota3A, %sub3A_1762 : vector<16xi32>
            %jit3A_1764 = arith.constant 0.000000e+00 : f32
            %broadcast_in_dim3A_1765 = vector.broadcast %jit3A_1764 : f32 to vector<16xf32>
            %select_n3A_1766 = arith.select %eq3A_1763, %get3A_1753, %broadcast_in_dim3A_1765 : vector<16xi1>, vector<16xf32>
            %add3A_1767 = arith.addf %scan3A_1741, %select_n3A_1766 : vector<16xf32>
            scf.yield %max3A_1754, %add3A_1755, %add3A_1767 : vector<16xf32>, vector<16xf32>, vector<16xf32>
          }
          %scan3A_750 = arith.constant 240 : i32
          %get3A_751 = arith.constant 2 : i32
          %get3A_752 = arith.index_cast %get3A_751 : i32 to index
          %get3A_753 = arith.constant 0 : index
          %get3A_754 = tpu.vector_load %arg5[%get3A_752, %get3A_753] {strides = array<i32>} : memref<8x16xf32, #tpu.memory_space<vmem>>, vector<1x16xf32>,
          %get3A_755 = vector.shape_cast %get3A_754 : vector<1x16xf32> to vector<16xf32>
          %max3A_756 = arith.maximumf %get3A_755, %scan3A_749#0 : vector<16xf32>
          %get3A_757 = arith.constant 2 : i32
          %get3A_758 = arith.index_cast %get3A_757 : i32 to index
          %get3A_759 = arith.constant 0 : index
          %get3A_760 = tpu.vector_load %arg6[%get3A_758, %get3A_759] {strides = array<i32>} : memref<8x16xf32, #tpu.memory_space<vmem>>, vector<1x16xf32>,
          %get3A_761 = vector.shape_cast %get3A_760 : vector<1x16xf32> to vector<16xf32>
          %sub3A_762 = arith.subf %get3A_755, %max3A_756 : vector<16xf32>
          %exp3A_763 = math.exp %sub3A_762 : vector<16xf32>
          %mul3A_764 = arith.mulf %get3A_761, %exp3A_763 : vector<16xf32>
          %scan3A_765 = arith.constant 2 : i32
          %scan3A_766 = arith.constant 0 : i32
          %scan3A_767 = arith.constant 240 : i32
          %scan3A_768 = arith.addi %scan3A_766, %scan3A_767 : i32
          %scan3A_769 = arith.constant 1 : i32
          %scan3A_770 = scf.for %scan3A_1738 = %scan3A_766 to %scan3A_768 step %scan3A_769 iter_args(%scan3A_1739 = %mul3A_764) -> (vector<16xf32>)  : i32 {
            %mul3A_1740 = arith.constant 16 : i32
            %mul3A_1741 = arith.muli %scan3A_1738, %mul3A_1740 : i32
            %get3A_1742 = arith.constant 0 : i32
            %get3A_1743 = arith.constant 0 : i32
            %get3A_1744 = tpu.memref_slice %run_scoped3A[%rem3A_409, %get3A_1742, %get3A_1743] : memref<2x8x3840xf32, #tpu.memory_space<vmem>> -> memref<1x8x3840xf32, #tpu.memory_space<vmem>>
            %get3A_1745 = tpu.memref_squeeze %get3A_1744 : memref<1x8x3840xf32, #tpu.memory_space<vmem>> -> memref<8x3840xf32, #tpu.memory_space<vmem>>
            %get3A_1746 = arith.constant 0 : i32
            %get3A_1747 = tpu.memref_slice %get3A_1745[%scan3A_765, %get3A_1746] : memref<8x3840xf32, #tpu.memory_space<vmem>> -> memref<1x3840xf32, #tpu.memory_space<vmem>>
            %get3A_1748 = tpu.memref_squeeze %get3A_1747 : memref<1x3840xf32, #tpu.memory_space<vmem>> -> memref<3840xf32, #tpu.memory_space<vmem>>
            %get3A_1749 = arith.index_cast %mul3A_1741 : i32 to index
            %get3A_1750 = tpu.vector_load %get3A_1748[%get3A_1749] {strides = array<i32>} : memref<3840xf32, #tpu.memory_space<vmem>>, vector<16xf32>,
            %get3A_1751 = vector.shape_cast %get3A_1750 : vector<16xf32> to vector<16xf32>
            %sub3A_1752 = arith.subf %get3A_1751, %max3A_756 : vector<16xf32>
            %exp3A_1753 = math.exp %sub3A_1752 : vector<16xf32>
            %add3A_1754 = arith.addf %scan3A_1739, %exp3A_1753 : vector<16xf32>
            scf.yield %add3A_1754 : vector<16xf32>
          }
          %scan3A_771 = arith.constant 240 : i32
          %swap3A_772 = arith.constant 2 : i32
          %swap3A_773 = arith.index_cast %swap3A_772 : i32 to index
          %swap3A_774 = arith.constant 0 : index
          %swap3A_775 = tpu.vector_load %arg5[%swap3A_773, %swap3A_774] {strides = array<i32>} : memref<8x16xf32, #tpu.memory_space<vmem>>, vector<1x16xf32>,
          %swap3A_776 = vector.shape_cast %swap3A_775 : vector<1x16xf32> to vector<16xf32>
          %swap3A_777 = vector.shape_cast %max3A_756 : vector<16xf32> to vector<1x16xf32>
          tpu.vector_store %arg5[%swap3A_773, %swap3A_774], %swap3A_777 {strides = array<i32>} : memref<8x16xf32, #tpu.memory_space<vmem>>, vector<1x16xf32>,
          %swap3A_778 = arith.constant 2 : i32
          %swap3A_779 = arith.index_cast %swap3A_778 : i32 to index
          %swap3A_780 = arith.constant 0 : index
          %swap3A_781 = tpu.vector_load %arg6[%swap3A_779, %swap3A_780] {strides = array<i32>} : memref<8x16xf32, #tpu.memory_space<vmem>>, vector<1x16xf32>,
          %swap3A_782 = vector.shape_cast %swap3A_781 : vector<1x16xf32> to vector<16xf32>
          %swap3A_783 = vector.shape_cast %scan3A_770 : vector<16xf32> to vector<1x16xf32>
          tpu.vector_store %arg6[%swap3A_779, %swap3A_780], %swap3A_783 {strides = array<i32>} : memref<8x16xf32, #tpu.memory_space<vmem>>, vector<1x16xf32>,
          %swap3A_784 = arith.constant 2 : i32
          %swap3A_785 = arith.index_cast %swap3A_784 : i32 to index
          %swap3A_786 = arith.constant 0 : index
          %swap3A_787 = tpu.vector_load %arg7[%swap3A_785, %swap3A_786] {strides = array<i32>} : memref<8x16xf32, #tpu.memory_space<vmem>>, vector<1x16xf32>,
          %swap3A_788 = vector.shape_cast %swap3A_787 : vector<1x16xf32> to vector<16xf32>
          %swap3A_789 = vector.shape_cast %scan3A_749#1 : vector<16xf32> to vector<1x16xf32>
          tpu.vector_store %arg7[%swap3A_785, %swap3A_786], %swap3A_789 {strides = array<i32>} : memref<8x16xf32, #tpu.memory_space<vmem>>, vector<1x16xf32>,
          %swap3A_790 = arith.constant 2 : i32
          %swap3A_791 = arith.index_cast %swap3A_790 : i32 to index
          %swap3A_792 = arith.constant 0 : index
          %swap3A_793 = tpu.vector_load %arg8[%swap3A_791, %swap3A_792] {strides = array<i32>} : memref<8x16xf32, #tpu.memory_space<vmem>>, vector<1x16xf32>,
          %swap3A_794 = vector.shape_cast %swap3A_793 : vector<1x16xf32> to vector<16xf32>
          %swap3A_795 = vector.shape_cast %scan3A_749#2 : vector<16xf32> to vector<1x16xf32>
          tpu.vector_store %arg8[%swap3A_791, %swap3A_792], %swap3A_795 {strides = array<i32>} : memref<8x16xf32, #tpu.memory_space<vmem>>, vector<1x16xf32>,
          %swap3A_796 = arith.constant 2 : i32
          %swap3A_797 = arith.constant 0 : i32
          %swap3A_798 = arith.constant 0 : i32
          %swap3A_799 = tpu.memref_slice %run_scoped3A_22[%rem3A_413, %swap3A_797, %swap3A_798] : memref<2x8x80xf32, #tpu.memory_space<vmem>> -> memref<1x8x80xf32, #tpu.memory_space<vmem>>
          %swap3A_800 = tpu.memref_squeeze %swap3A_799 : memref<1x8x80xf32, #tpu.memory_space<vmem>> -> memref<8x80xf32, #tpu.memory_space<vmem>>
          %swap3A_801 = arith.constant 0 : i32
          %swap3A_802 = tpu.memref_slice %swap3A_800[%swap3A_796, %swap3A_801] : memref<8x80xf32, #tpu.memory_space<vmem>> -> memref<1x80xf32, #tpu.memory_space<vmem>>
          %swap3A_803 = tpu.memref_squeeze %swap3A_802 : memref<1x80xf32, #tpu.memory_space<vmem>> -> memref<80xf32, #tpu.memory_space<vmem>>
          %swap3A_804 = arith.constant 0 : index
          %swap3A_805 = tpu.vector_load %swap3A_803[%swap3A_804] {strides = array<i32>} : memref<80xf32, #tpu.memory_space<vmem>>, vector<16xf32>,
          %swap3A_806 = vector.shape_cast %swap3A_805 : vector<16xf32> to vector<16xf32>
          %swap3A_807 = vector.shape_cast %max3A_756 : vector<16xf32> to vector<16xf32>
          tpu.vector_store %swap3A_803[%swap3A_804], %swap3A_807 {strides = array<i32>} : memref<80xf32, #tpu.memory_space<vmem>>, vector<16xf32>,
          %swap3A_808 = arith.constant 2 : i32
          %swap3A_809 = arith.constant 0 : i32
          %swap3A_810 = arith.constant 0 : i32
          %swap3A_811 = tpu.memref_slice %run_scoped3A_22[%rem3A_413, %swap3A_809, %swap3A_810] : memref<2x8x80xf32, #tpu.memory_space<vmem>> -> memref<1x8x80xf32, #tpu.memory_space<vmem>>
          %swap3A_812 = tpu.memref_squeeze %swap3A_811 : memref<1x8x80xf32, #tpu.memory_space<vmem>> -> memref<8x80xf32, #tpu.memory_space<vmem>>
          %swap3A_813 = arith.constant 0 : i32
          %swap3A_814 = tpu.memref_slice %swap3A_812[%swap3A_808, %swap3A_813] : memref<8x80xf32, #tpu.memory_space<vmem>> -> memref<1x80xf32, #tpu.memory_space<vmem>>
          %swap3A_815 = tpu.memref_squeeze %swap3A_814 : memref<1x80xf32, #tpu.memory_space<vmem>> -> memref<80xf32, #tpu.memory_space<vmem>>
          %swap3A_816 = arith.constant 16 : index
          %swap3A_817 = tpu.vector_load %swap3A_815[%swap3A_816] {strides = array<i32>} : memref<80xf32, #tpu.memory_space<vmem>>, vector<16xf32>,
          %swap3A_818 = vector.shape_cast %swap3A_817 : vector<16xf32> to vector<16xf32>
          %swap3A_819 = vector.shape_cast %scan3A_770 : vector<16xf32> to vector<16xf32>
          tpu.vector_store %swap3A_815[%swap3A_816], %swap3A_819 {strides = array<i32>} : memref<80xf32, #tpu.memory_space<vmem>>, vector<16xf32>,
          %swap3A_820 = arith.constant 2 : i32
          %swap3A_821 = arith.constant 0 : i32
          %swap3A_822 = arith.constant 0 : i32
          %swap3A_823 = tpu.memref_slice %run_scoped3A_22[%rem3A_413, %swap3A_821, %swap3A_822] : memref<2x8x80xf32, #tpu.memory_space<vmem>> -> memref<1x8x80xf32, #tpu.memory_space<vmem>>
          %swap3A_824 = tpu.memref_squeeze %swap3A_823 : memref<1x8x80xf32, #tpu.memory_space<vmem>> -> memref<8x80xf32, #tpu.memory_space<vmem>>
          %swap3A_825 = arith.constant 0 : i32
          %swap3A_826 = tpu.memref_slice %swap3A_824[%swap3A_820, %swap3A_825] : memref<8x80xf32, #tpu.memory_space<vmem>> -> memref<1x80xf32, #tpu.memory_space<vmem>>
          %swap3A_827 = tpu.memref_squeeze %swap3A_826 : memref<1x80xf32, #tpu.memory_space<vmem>> -> memref<80xf32, #tpu.memory_space<vmem>>
          %swap3A_828 = arith.constant 32 : index
          %swap3A_829 = tpu.vector_load %swap3A_827[%swap3A_828] {strides = array<i32>} : memref<80xf32, #tpu.memory_space<vmem>>, vector<16xf32>,
          %swap3A_830 = vector.shape_cast %swap3A_829 : vector<16xf32> to vector<16xf32>
          %swap3A_831 = vector.shape_cast %scan3A_749#1 : vector<16xf32> to vector<16xf32>
          tpu.vector_store %swap3A_827[%swap3A_828], %swap3A_831 {strides = array<i32>} : memref<80xf32, #tpu.memory_space<vmem>>, vector<16xf32>,
          %swap3A_832 = arith.constant 2 : i32
          %swap3A_833 = arith.constant 0 : i32
          %swap3A_834 = arith.constant 0 : i32
          %swap3A_835 = tpu.memref_slice %run_scoped3A_22[%rem3A_413, %swap3A_833, %swap3A_834] : memref<2x8x80xf32, #tpu.memory_space<vmem>> -> memref<1x8x80xf32, #tpu.memory_space<vmem>>
          %swap3A_836 = tpu.memref_squeeze %swap3A_835 : memref<1x8x80xf32, #tpu.memory_space<vmem>> -> memref<8x80xf32, #tpu.memory_space<vmem>>
          %swap3A_837 = arith.constant 0 : i32
          %swap3A_838 = tpu.memref_slice %swap3A_836[%swap3A_832, %swap3A_837] : memref<8x80xf32, #tpu.memory_space<vmem>> -> memref<1x80xf32, #tpu.memory_space<vmem>>
          %swap3A_839 = tpu.memref_squeeze %swap3A_838 : memref<1x80xf32, #tpu.memory_space<vmem>> -> memref<80xf32, #tpu.memory_space<vmem>>
          %swap3A_840 = arith.constant 48 : index
          %swap3A_841 = tpu.vector_load %swap3A_839[%swap3A_840] {strides = array<i32>} : memref<80xf32, #tpu.memory_space<vmem>>, vector<16xf32>,
          %swap3A_842 = vector.shape_cast %swap3A_841 : vector<16xf32> to vector<16xf32>
          %swap3A_843 = vector.shape_cast %scan3A_749#2 : vector<16xf32> to vector<16xf32>
          tpu.vector_store %swap3A_839[%swap3A_840], %swap3A_843 {strides = array<i32>} : memref<80xf32, #tpu.memory_space<vmem>>, vector<16xf32>,
          %get3A_844 = arith.constant 2 : i32
          %get3A_845 = arith.index_cast %get3A_844 : i32 to index
          %get3A_846 = arith.constant 0 : index
          %get3A_847 = tpu.vector_load %arg9[%get3A_845, %get3A_846] {strides = array<i32>} : memref<8x16xf32, #tpu.memory_space<vmem>>, vector<1x16xf32>,
          %get3A_848 = vector.shape_cast %get3A_847 : vector<1x16xf32> to vector<16xf32>
          %swap3A_849 = arith.constant 2 : i32
          %swap3A_850 = arith.constant 0 : i32
          %swap3A_851 = arith.constant 0 : i32
          %swap3A_852 = tpu.memref_slice %run_scoped3A_22[%rem3A_413, %swap3A_850, %swap3A_851] : memref<2x8x80xf32, #tpu.memory_space<vmem>> -> memref<1x8x80xf32, #tpu.memory_space<vmem>>
          %swap3A_853 = tpu.memref_squeeze %swap3A_852 : memref<1x8x80xf32, #tpu.memory_space<vmem>> -> memref<8x80xf32, #tpu.memory_space<vmem>>
          %swap3A_854 = arith.constant 0 : i32
          %swap3A_855 = tpu.memref_slice %swap3A_853[%swap3A_849, %swap3A_854] : memref<8x80xf32, #tpu.memory_space<vmem>> -> memref<1x80xf32, #tpu.memory_space<vmem>>
          %swap3A_856 = tpu.memref_squeeze %swap3A_855 : memref<1x80xf32, #tpu.memory_space<vmem>> -> memref<80xf32, #tpu.memory_space<vmem>>
          %swap3A_857 = arith.constant 64 : index
          %swap3A_858 = tpu.vector_load %swap3A_856[%swap3A_857] {strides = array<i32>} : memref<80xf32, #tpu.memory_space<vmem>>, vector<16xf32>,
          %swap3A_859 = vector.shape_cast %swap3A_858 : vector<16xf32> to vector<16xf32>
          %swap3A_860 = vector.shape_cast %get3A_848 : vector<16xf32> to vector<16xf32>
          tpu.vector_store %swap3A_856[%swap3A_857], %swap3A_860 {strides = array<i32>} : memref<80xf32, #tpu.memory_space<vmem>>, vector<16xf32>,
          %get3A_861 = arith.constant 3 : i32
          %get3A_862 = arith.constant 0 : i32
          %get3A_863 = arith.constant 0 : i32
          %get3A_864 = tpu.memref_slice %run_scoped3A_20[%rem3A_411, %get3A_862, %get3A_863] : memref<2x8x16xi32, #tpu.memory_space<vmem>> -> memref<1x8x16xi32, #tpu.memory_space<vmem>>
          %get3A_865 = tpu.memref_squeeze %get3A_864 : memref<1x8x16xi32, #tpu.memory_space<vmem>> -> memref<8x16xi32, #tpu.memory_space<vmem>>
          %get3A_866 = arith.constant 0 : i32
          %get3A_867 = tpu.memref_slice %get3A_865[%get3A_861, %get3A_866] : memref<8x16xi32, #tpu.memory_space<vmem>> -> memref<1x16xi32, #tpu.memory_space<vmem>>
          %get3A_868 = tpu.memref_squeeze %get3A_867 : memref<1x16xi32, #tpu.memory_space<vmem>> -> memref<16xi32, #tpu.memory_space<vmem>>
          %get3A_869 = arith.constant 0 : index
          %get3A_870 = tpu.vector_load %get3A_868[%get3A_869] {strides = array<i32>} : memref<16xi32, #tpu.memory_space<vmem>>, vector<16xi32>,
          %get3A_871 = vector.shape_cast %get3A_870 : vector<16xi32> to vector<16xi32>
          %eq3A_872 = arith.constant 0 : i32
          %eq3A_873 = arith.cmpi eq, %add3A_269, %eq3A_872 : i32
          %convert_element_type3A_874 = arith.extui %eq3A_873 : i1 to i32
          %cond3A_875 = arith.constant 3 : i32
          %cond3A_876 = arith.constant 3 : i32
          %cond3A_877 = arith.constant 3 : i32
          %cond3A_878 = arith.constant 3 : i32
          %cond3A_879 = arith.constant 3 : i32
          %cond3A_880 = arith.constant 3 : i32
          %cond3A_881 = arith.constant 0 : i32
          %cond3A_882 = arith.cmpi ne, %convert_element_type3A_874, %cond3A_881 : i32
          scf.if %cond3A_882 {
            %broadcast_in_dim3A_1738 = arith.constant 0xFF800000 : f32
            %broadcast_in_dim3A_1739 = vector.broadcast %broadcast_in_dim3A_1738 : f32 to vector<16xf32>
            %swap3A_1740 = arith.index_cast %cond3A_875 : i32 to index
            %swap3A_1741 = arith.constant 0 : index
            %swap3A_1742 = tpu.vector_load %arg5[%swap3A_1740, %swap3A_1741] {strides = array<i32>} : memref<8x16xf32, #tpu.memory_space<vmem>>, vector<1x16xf32>,
            %swap3A_1743 = vector.shape_cast %swap3A_1742 : vector<1x16xf32> to vector<16xf32>
            %swap3A_1744 = vector.shape_cast %broadcast_in_dim3A_1739 : vector<16xf32> to vector<1x16xf32>
            tpu.vector_store %arg5[%swap3A_1740, %swap3A_1741], %swap3A_1744 {strides = array<i32>} : memref<8x16xf32, #tpu.memory_space<vmem>>, vector<1x16xf32>,
            %broadcast_in_dim3A_1745 = arith.constant 0.000000e+00 : f32
            %broadcast_in_dim3A_1746 = vector.broadcast %broadcast_in_dim3A_1745 : f32 to vector<16xf32>
            %swap3A_1747 = arith.index_cast %cond3A_876 : i32 to index
            %swap3A_1748 = arith.constant 0 : index
            %swap3A_1749 = tpu.vector_load %arg6[%swap3A_1747, %swap3A_1748] {strides = array<i32>} : memref<8x16xf32, #tpu.memory_space<vmem>>, vector<1x16xf32>,
            %swap3A_1750 = vector.shape_cast %swap3A_1749 : vector<1x16xf32> to vector<16xf32>
            %swap3A_1751 = vector.shape_cast %broadcast_in_dim3A_1746 : vector<16xf32> to vector<1x16xf32>
            tpu.vector_store %arg6[%swap3A_1747, %swap3A_1748], %swap3A_1751 {strides = array<i32>} : memref<8x16xf32, #tpu.memory_space<vmem>>, vector<1x16xf32>,
            %broadcast_in_dim3A_1752 = arith.constant 0.000000e+00 : f32
            %broadcast_in_dim3A_1753 = vector.broadcast %broadcast_in_dim3A_1752 : f32 to vector<16xf32>
            %swap3A_1754 = arith.index_cast %cond3A_877 : i32 to index
            %swap3A_1755 = arith.constant 0 : index
            %swap3A_1756 = tpu.vector_load %arg7[%swap3A_1754, %swap3A_1755] {strides = array<i32>} : memref<8x16xf32, #tpu.memory_space<vmem>>, vector<1x16xf32>,
            %swap3A_1757 = vector.shape_cast %swap3A_1756 : vector<1x16xf32> to vector<16xf32>
            %swap3A_1758 = vector.shape_cast %broadcast_in_dim3A_1753 : vector<16xf32> to vector<1x16xf32>
            tpu.vector_store %arg7[%swap3A_1754, %swap3A_1755], %swap3A_1758 {strides = array<i32>} : memref<8x16xf32, #tpu.memory_space<vmem>>, vector<1x16xf32>,
            %broadcast_in_dim3A_1759 = arith.constant 0.000000e+00 : f32
            %broadcast_in_dim3A_1760 = vector.broadcast %broadcast_in_dim3A_1759 : f32 to vector<16xf32>
            %swap3A_1761 = arith.index_cast %cond3A_878 : i32 to index
            %swap3A_1762 = arith.constant 0 : index
            %swap3A_1763 = tpu.vector_load %arg8[%swap3A_1761, %swap3A_1762] {strides = array<i32>} : memref<8x16xf32, #tpu.memory_space<vmem>>, vector<1x16xf32>,
            %swap3A_1764 = vector.shape_cast %swap3A_1763 : vector<1x16xf32> to vector<16xf32>
            %swap3A_1765 = vector.shape_cast %broadcast_in_dim3A_1760 : vector<16xf32> to vector<1x16xf32>
            tpu.vector_store %arg8[%swap3A_1761, %swap3A_1762], %swap3A_1765 {strides = array<i32>} : memref<8x16xf32, #tpu.memory_space<vmem>>, vector<1x16xf32>,
            %get3A_1766 = arith.constant 0 : i32
            %get3A_1767 = arith.constant 0 : i32
            %get3A_1768 = tpu.memref_slice %run_scoped3A[%rem3A_409, %get3A_1766, %get3A_1767] : memref<2x8x3840xf32, #tpu.memory_space<vmem>> -> memref<1x8x3840xf32, #tpu.memory_space<vmem>>
            %get3A_1769 = tpu.memref_squeeze %get3A_1768 : memref<1x8x3840xf32, #tpu.memory_space<vmem>> -> memref<8x3840xf32, #tpu.memory_space<vmem>>
            %get3A_1770 = arith.constant 0 : i32
            %get3A_1771 = tpu.memref_slice %get3A_1769[%cond3A_879, %get3A_1770] : memref<8x3840xf32, #tpu.memory_space<vmem>> -> memref<1x3840xf32, #tpu.memory_space<vmem>>
            %get3A_1772 = tpu.memref_squeeze %get3A_1771 : memref<1x3840xf32, #tpu.memory_space<vmem>> -> memref<3840xf32, #tpu.memory_space<vmem>>
            %get3A_1773 = arith.constant 0 : index
            %get3A_1774 = tpu.vector_load %get3A_1772[%get3A_1773] {strides = array<i32>} : memref<3840xf32, #tpu.memory_space<vmem>>, vector<16xf32>,
            %get3A_1775 = vector.shape_cast %get3A_1774 : vector<16xf32> to vector<16xf32>
            %swap3A_1776 = arith.index_cast %cond3A_880 : i32 to index
            %swap3A_1777 = arith.constant 0 : index
            %swap3A_1778 = tpu.vector_load %arg9[%swap3A_1776, %swap3A_1777] {strides = array<i32>} : memref<8x16xf32, #tpu.memory_space<vmem>>, vector<1x16xf32>,
            %swap3A_1779 = vector.shape_cast %swap3A_1778 : vector<1x16xf32> to vector<16xf32>
            %swap3A_1780 = vector.shape_cast %get3A_1775 : vector<16xf32> to vector<1x16xf32>
            tpu.vector_store %arg9[%swap3A_1776, %swap3A_1777], %swap3A_1780 {strides = array<i32>} : memref<8x16xf32, #tpu.memory_space<vmem>>, vector<1x16xf32>,
          } else {
          }
          %broadcast_in_dim3A_883 = arith.constant 0xFF800000 : f32
          %broadcast_in_dim3A_884 = vector.broadcast %broadcast_in_dim3A_883 : f32 to vector<16xf32>
          %get3A_885 = arith.constant 3 : i32
          %get3A_886 = arith.index_cast %get3A_885 : i32 to index
          %get3A_887 = arith.constant 0 : index
          %get3A_888 = tpu.vector_load %arg7[%get3A_886, %get3A_887] {strides = array<i32>} : memref<8x16xf32, #tpu.memory_space<vmem>>, vector<1x16xf32>,
          %get3A_889 = vector.shape_cast %get3A_888 : vector<1x16xf32> to vector<16xf32>
          %get3A_890 = arith.constant 3 : i32
          %get3A_891 = arith.index_cast %get3A_890 : i32 to index
          %get3A_892 = arith.constant 0 : index
          %get3A_893 = tpu.vector_load %arg8[%get3A_891, %get3A_892] {strides = array<i32>} : memref<8x16xf32, #tpu.memory_space<vmem>>, vector<1x16xf32>,
          %get3A_894 = vector.shape_cast %get3A_893 : vector<1x16xf32> to vector<16xf32>
          %scan3A_895 = arith.constant 3 : i32
          %scan3A_896 = arith.constant 0 : i32
          %scan3A_897 = arith.constant 240 : i32
          %scan3A_898 = arith.addi %scan3A_896, %scan3A_897 : i32
          %scan3A_899 = arith.constant 1 : i32
          %scan3A_900:3 = scf.for %scan3A_1738 = %scan3A_896 to %scan3A_898 step %scan3A_899 iter_args(%scan3A_1739 = %broadcast_in_dim3A_884, %scan3A_1740 = %get3A_889, %scan3A_1741 = %get3A_894) -> (vector<16xf32>, vector<16xf32>, vector<16xf32>)  : i32 {
            %mul3A_1742 = arith.constant 16 : i32
            %mul3A_1743 = arith.muli %scan3A_1738, %mul3A_1742 : i32
            %get3A_1744 = arith.constant 0 : i32
            %get3A_1745 = arith.constant 0 : i32
            %get3A_1746 = tpu.memref_slice %run_scoped3A[%rem3A_409, %get3A_1744, %get3A_1745] : memref<2x8x3840xf32, #tpu.memory_space<vmem>> -> memref<1x8x3840xf32, #tpu.memory_space<vmem>>
            %get3A_1747 = tpu.memref_squeeze %get3A_1746 : memref<1x8x3840xf32, #tpu.memory_space<vmem>> -> memref<8x3840xf32, #tpu.memory_space<vmem>>
            %get3A_1748 = arith.constant 0 : i32
            %get3A_1749 = tpu.memref_slice %get3A_1747[%scan3A_895, %get3A_1748] : memref<8x3840xf32, #tpu.memory_space<vmem>> -> memref<1x3840xf32, #tpu.memory_space<vmem>>
            %get3A_1750 = tpu.memref_squeeze %get3A_1749 : memref<1x3840xf32, #tpu.memory_space<vmem>> -> memref<3840xf32, #tpu.memory_space<vmem>>
            %get3A_1751 = arith.index_cast %mul3A_1743 : i32 to index
            %get3A_1752 = tpu.vector_load %get3A_1750[%get3A_1751] {strides = array<i32>} : memref<3840xf32, #tpu.memory_space<vmem>>, vector<16xf32>,
            %get3A_1753 = vector.shape_cast %get3A_1752 : vector<16xf32> to vector<16xf32>
            %max3A_1754 = arith.maximumf %scan3A_1739, %get3A_1753 : vector<16xf32>
            %add3A_1755 = arith.addf %scan3A_1740, %get3A_1753 : vector<16xf32>
            %mul3A_1756 = arith.constant 3840 : i32
            %mul3A_1757 = arith.muli %add3A_269, %mul3A_1756 : i32
            %mul3A_1758 = arith.constant 16 : i32
            %mul3A_1759 = arith.muli %scan3A_1738, %mul3A_1758 : i32
            %add3A_1760 = arith.addi %mul3A_1757, %mul3A_1759 : i32
            %sub3A_1761 = vector.broadcast %add3A_1760 : i32 to vector<16xi32>
            %sub3A_1762 = arith.subi %get3A_871, %sub3A_1761 : vector<16xi32>
            %eq3A_1763 = arith.cmpi eq, %iota3A, %sub3A_1762 : vector<16xi32>
            %jit3A_1764 = arith.constant 0.000000e+00 : f32
            %broadcast_in_dim3A_1765 = vector.broadcast %jit3A_1764 : f32 to vector<16xf32>
            %select_n3A_1766 = arith.select %eq3A_1763, %get3A_1753, %broadcast_in_dim3A_1765 : vector<16xi1>, vector<16xf32>
            %add3A_1767 = arith.addf %scan3A_1741, %select_n3A_1766 : vector<16xf32>
            scf.yield %max3A_1754, %add3A_1755, %add3A_1767 : vector<16xf32>, vector<16xf32>, vector<16xf32>
          }
          %scan3A_901 = arith.constant 240 : i32
          %get3A_902 = arith.constant 3 : i32
          %get3A_903 = arith.index_cast %get3A_902 : i32 to index
          %get3A_904 = arith.constant 0 : index
          %get3A_905 = tpu.vector_load %arg5[%get3A_903, %get3A_904] {strides = array<i32>} : memref<8x16xf32, #tpu.memory_space<vmem>>, vector<1x16xf32>,
          %get3A_906 = vector.shape_cast %get3A_905 : vector<1x16xf32> to vector<16xf32>
          %max3A_907 = arith.maximumf %get3A_906, %scan3A_900#0 : vector<16xf32>
          %get3A_908 = arith.constant 3 : i32
          %get3A_909 = arith.index_cast %get3A_908 : i32 to index
          %get3A_910 = arith.constant 0 : index
          %get3A_911 = tpu.vector_load %arg6[%get3A_909, %get3A_910] {strides = array<i32>} : memref<8x16xf32, #tpu.memory_space<vmem>>, vector<1x16xf32>,
          %get3A_912 = vector.shape_cast %get3A_911 : vector<1x16xf32> to vector<16xf32>
          %sub3A_913 = arith.subf %get3A_906, %max3A_907 : vector<16xf32>
          %exp3A_914 = math.exp %sub3A_913 : vector<16xf32>
          %mul3A_915 = arith.mulf %get3A_912, %exp3A_914 : vector<16xf32>
          %scan3A_916 = arith.constant 3 : i32
          %scan3A_917 = arith.constant 0 : i32
          %scan3A_918 = arith.constant 240 : i32
          %scan3A_919 = arith.addi %scan3A_917, %scan3A_918 : i32
          %scan3A_920 = arith.constant 1 : i32
          %scan3A_921 = scf.for %scan3A_1738 = %scan3A_917 to %scan3A_919 step %scan3A_920 iter_args(%scan3A_1739 = %mul3A_915) -> (vector<16xf32>)  : i32 {
            %mul3A_1740 = arith.constant 16 : i32
            %mul3A_1741 = arith.muli %scan3A_1738, %mul3A_1740 : i32
            %get3A_1742 = arith.constant 0 : i32
            %get3A_1743 = arith.constant 0 : i32
            %get3A_1744 = tpu.memref_slice %run_scoped3A[%rem3A_409, %get3A_1742, %get3A_1743] : memref<2x8x3840xf32, #tpu.memory_space<vmem>> -> memref<1x8x3840xf32, #tpu.memory_space<vmem>>
            %get3A_1745 = tpu.memref_squeeze %get3A_1744 : memref<1x8x3840xf32, #tpu.memory_space<vmem>> -> memref<8x3840xf32, #tpu.memory_space<vmem>>
            %get3A_1746 = arith.constant 0 : i32
            %get3A_1747 = tpu.memref_slice %get3A_1745[%scan3A_916, %get3A_1746] : memref<8x3840xf32, #tpu.memory_space<vmem>> -> memref<1x3840xf32, #tpu.memory_space<vmem>>
            %get3A_1748 = tpu.memref_squeeze %get3A_1747 : memref<1x3840xf32, #tpu.memory_space<vmem>> -> memref<3840xf32, #tpu.memory_space<vmem>>
            %get3A_1749 = arith.index_cast %mul3A_1741 : i32 to index
            %get3A_1750 = tpu.vector_load %get3A_1748[%get3A_1749] {strides = array<i32>} : memref<3840xf32, #tpu.memory_space<vmem>>, vector<16xf32>,
            %get3A_1751 = vector.shape_cast %get3A_1750 : vector<16xf32> to vector<16xf32>
            %sub3A_1752 = arith.subf %get3A_1751, %max3A_907 : vector<16xf32>
            %exp3A_1753 = math.exp %sub3A_1752 : vector<16xf32>
            %add3A_1754 = arith.addf %scan3A_1739, %exp3A_1753 : vector<16xf32>
            scf.yield %add3A_1754 : vector<16xf32>
          }
          %scan3A_922 = arith.constant 240 : i32
          %swap3A_923 = arith.constant 3 : i32
          %swap3A_924 = arith.index_cast %swap3A_923 : i32 to index
          %swap3A_925 = arith.constant 0 : index
          %swap3A_926 = tpu.vector_load %arg5[%swap3A_924, %swap3A_925] {strides = array<i32>} : memref<8x16xf32, #tpu.memory_space<vmem>>, vector<1x16xf32>,
          %swap3A_927 = vector.shape_cast %swap3A_926 : vector<1x16xf32> to vector<16xf32>
          %swap3A_928 = vector.shape_cast %max3A_907 : vector<16xf32> to vector<1x16xf32>
          tpu.vector_store %arg5[%swap3A_924, %swap3A_925], %swap3A_928 {strides = array<i32>} : memref<8x16xf32, #tpu.memory_space<vmem>>, vector<1x16xf32>,
          %swap3A_929 = arith.constant 3 : i32
          %swap3A_930 = arith.index_cast %swap3A_929 : i32 to index
          %swap3A_931 = arith.constant 0 : index
          %swap3A_932 = tpu.vector_load %arg6[%swap3A_930, %swap3A_931] {strides = array<i32>} : memref<8x16xf32, #tpu.memory_space<vmem>>, vector<1x16xf32>,
          %swap3A_933 = vector.shape_cast %swap3A_932 : vector<1x16xf32> to vector<16xf32>
          %swap3A_934 = vector.shape_cast %scan3A_921 : vector<16xf32> to vector<1x16xf32>
          tpu.vector_store %arg6[%swap3A_930, %swap3A_931], %swap3A_934 {strides = array<i32>} : memref<8x16xf32, #tpu.memory_space<vmem>>, vector<1x16xf32>,
          %swap3A_935 = arith.constant 3 : i32
          %swap3A_936 = arith.index_cast %swap3A_935 : i32 to index
          %swap3A_937 = arith.constant 0 : index
          %swap3A_938 = tpu.vector_load %arg7[%swap3A_936, %swap3A_937] {strides = array<i32>} : memref<8x16xf32, #tpu.memory_space<vmem>>, vector<1x16xf32>,
          %swap3A_939 = vector.shape_cast %swap3A_938 : vector<1x16xf32> to vector<16xf32>
          %swap3A_940 = vector.shape_cast %scan3A_900#1 : vector<16xf32> to vector<1x16xf32>
          tpu.vector_store %arg7[%swap3A_936, %swap3A_937], %swap3A_940 {strides = array<i32>} : memref<8x16xf32, #tpu.memory_space<vmem>>, vector<1x16xf32>,
          %swap3A_941 = arith.constant 3 : i32
          %swap3A_942 = arith.index_cast %swap3A_941 : i32 to index
          %swap3A_943 = arith.constant 0 : index
          %swap3A_944 = tpu.vector_load %arg8[%swap3A_942, %swap3A_943] {strides = array<i32>} : memref<8x16xf32, #tpu.memory_space<vmem>>, vector<1x16xf32>,
          %swap3A_945 = vector.shape_cast %swap3A_944 : vector<1x16xf32> to vector<16xf32>
          %swap3A_946 = vector.shape_cast %scan3A_900#2 : vector<16xf32> to vector<1x16xf32>
          tpu.vector_store %arg8[%swap3A_942, %swap3A_943], %swap3A_946 {strides = array<i32>} : memref<8x16xf32, #tpu.memory_space<vmem>>, vector<1x16xf32>,
          %swap3A_947 = arith.constant 3 : i32
          %swap3A_948 = arith.constant 0 : i32
          %swap3A_949 = arith.constant 0 : i32
          %swap3A_950 = tpu.memref_slice %run_scoped3A_22[%rem3A_413, %swap3A_948, %swap3A_949] : memref<2x8x80xf32, #tpu.memory_space<vmem>> -> memref<1x8x80xf32, #tpu.memory_space<vmem>>
          %swap3A_951 = tpu.memref_squeeze %swap3A_950 : memref<1x8x80xf32, #tpu.memory_space<vmem>> -> memref<8x80xf32, #tpu.memory_space<vmem>>
          %swap3A_952 = arith.constant 0 : i32
          %swap3A_953 = tpu.memref_slice %swap3A_951[%swap3A_947, %swap3A_952] : memref<8x80xf32, #tpu.memory_space<vmem>> -> memref<1x80xf32, #tpu.memory_space<vmem>>
          %swap3A_954 = tpu.memref_squeeze %swap3A_953 : memref<1x80xf32, #tpu.memory_space<vmem>> -> memref<80xf32, #tpu.memory_space<vmem>>
          %swap3A_955 = arith.constant 0 : index
          %swap3A_956 = tpu.vector_load %swap3A_954[%swap3A_955] {strides = array<i32>} : memref<80xf32, #tpu.memory_space<vmem>>, vector<16xf32>,
          %swap3A_957 = vector.shape_cast %swap3A_956 : vector<16xf32> to vector<16xf32>
          %swap3A_958 = vector.shape_cast %max3A_907 : vector<16xf32> to vector<16xf32>
          tpu.vector_store %swap3A_954[%swap3A_955], %swap3A_958 {strides = array<i32>} : memref<80xf32, #tpu.memory_space<vmem>>, vector<16xf32>,
          %swap3A_959 = arith.constant 3 : i32
          %swap3A_960 = arith.constant 0 : i32
          %swap3A_961 = arith.constant 0 : i32
          %swap3A_962 = tpu.memref_slice %run_scoped3A_22[%rem3A_413, %swap3A_960, %swap3A_961] : memref<2x8x80xf32, #tpu.memory_space<vmem>> -> memref<1x8x80xf32, #tpu.memory_space<vmem>>
          %swap3A_963 = tpu.memref_squeeze %swap3A_962 : memref<1x8x80xf32, #tpu.memory_space<vmem>> -> memref<8x80xf32, #tpu.memory_space<vmem>>
          %swap3A_964 = arith.constant 0 : i32
          %swap3A_965 = tpu.memref_slice %swap3A_963[%swap3A_959, %swap3A_964] : memref<8x80xf32, #tpu.memory_space<vmem>> -> memref<1x80xf32, #tpu.memory_space<vmem>>
          %swap3A_966 = tpu.memref_squeeze %swap3A_965 : memref<1x80xf32, #tpu.memory_space<vmem>> -> memref<80xf32, #tpu.memory_space<vmem>>
          %swap3A_967 = arith.constant 16 : index
          %swap3A_968 = tpu.vector_load %swap3A_966[%swap3A_967] {strides = array<i32>} : memref<80xf32, #tpu.memory_space<vmem>>, vector<16xf32>,
          %swap3A_969 = vector.shape_cast %swap3A_968 : vector<16xf32> to vector<16xf32>
          %swap3A_970 = vector.shape_cast %scan3A_921 : vector<16xf32> to vector<16xf32>
          tpu.vector_store %swap3A_966[%swap3A_967], %swap3A_970 {strides = array<i32>} : memref<80xf32, #tpu.memory_space<vmem>>, vector<16xf32>,
          %swap3A_971 = arith.constant 3 : i32
          %swap3A_972 = arith.constant 0 : i32
          %swap3A_973 = arith.constant 0 : i32
          %swap3A_974 = tpu.memref_slice %run_scoped3A_22[%rem3A_413, %swap3A_972, %swap3A_973] : memref<2x8x80xf32, #tpu.memory_space<vmem>> -> memref<1x8x80xf32, #tpu.memory_space<vmem>>
          %swap3A_975 = tpu.memref_squeeze %swap3A_974 : memref<1x8x80xf32, #tpu.memory_space<vmem>> -> memref<8x80xf32, #tpu.memory_space<vmem>>
          %swap3A_976 = arith.constant 0 : i32
          %swap3A_977 = tpu.memref_slice %swap3A_975[%swap3A_971, %swap3A_976] : memref<8x80xf32, #tpu.memory_space<vmem>> -> memref<1x80xf32, #tpu.memory_space<vmem>>
          %swap3A_978 = tpu.memref_squeeze %swap3A_977 : memref<1x80xf32, #tpu.memory_space<vmem>> -> memref<80xf32, #tpu.memory_space<vmem>>
          %swap3A_979 = arith.constant 32 : index
          %swap3A_980 = tpu.vector_load %swap3A_978[%swap3A_979] {strides = array<i32>} : memref<80xf32, #tpu.memory_space<vmem>>, vector<16xf32>,
          %swap3A_981 = vector.shape_cast %swap3A_980 : vector<16xf32> to vector<16xf32>
          %swap3A_982 = vector.shape_cast %scan3A_900#1 : vector<16xf32> to vector<16xf32>
          tpu.vector_store %swap3A_978[%swap3A_979], %swap3A_982 {strides = array<i32>} : memref<80xf32, #tpu.memory_space<vmem>>, vector<16xf32>,
          %swap3A_983 = arith.constant 3 : i32
          %swap3A_984 = arith.constant 0 : i32
          %swap3A_985 = arith.constant 0 : i32
          %swap3A_986 = tpu.memref_slice %run_scoped3A_22[%rem3A_413, %swap3A_984, %swap3A_985] : memref<2x8x80xf32, #tpu.memory_space<vmem>> -> memref<1x8x80xf32, #tpu.memory_space<vmem>>
          %swap3A_987 = tpu.memref_squeeze %swap3A_986 : memref<1x8x80xf32, #tpu.memory_space<vmem>> -> memref<8x80xf32, #tpu.memory_space<vmem>>
          %swap3A_988 = arith.constant 0 : i32
          %swap3A_989 = tpu.memref_slice %swap3A_987[%swap3A_983, %swap3A_988] : memref<8x80xf32, #tpu.memory_space<vmem>> -> memref<1x80xf32, #tpu.memory_space<vmem>>
          %swap3A_990 = tpu.memref_squeeze %swap3A_989 : memref<1x80xf32, #tpu.memory_space<vmem>> -> memref<80xf32, #tpu.memory_space<vmem>>
          %swap3A_991 = arith.constant 48 : index
          %swap3A_992 = tpu.vector_load %swap3A_990[%swap3A_991] {strides = array<i32>} : memref<80xf32, #tpu.memory_space<vmem>>, vector<16xf32>,
          %swap3A_993 = vector.shape_cast %swap3A_992 : vector<16xf32> to vector<16xf32>
          %swap3A_994 = vector.shape_cast %scan3A_900#2 : vector<16xf32> to vector<16xf32>
          tpu.vector_store %swap3A_990[%swap3A_991], %swap3A_994 {strides = array<i32>} : memref<80xf32, #tpu.memory_space<vmem>>, vector<16xf32>,
          %get3A_995 = arith.constant 3 : i32
          %get3A_996 = arith.index_cast %get3A_995 : i32 to index
          %get3A_997 = arith.constant 0 : index
          %get3A_998 = tpu.vector_load %arg9[%get3A_996, %get3A_997] {strides = array<i32>} : memref<8x16xf32, #tpu.memory_space<vmem>>, vector<1x16xf32>,
          %get3A_999 = vector.shape_cast %get3A_998 : vector<1x16xf32> to vector<16xf32>
          %swap3A_1000 = arith.constant 3 : i32
          %swap3A_1001 = arith.constant 0 : i32
          %swap3A_1002 = arith.constant 0 : i32
          %swap3A_1003 = tpu.memref_slice %run_scoped3A_22[%rem3A_413, %swap3A_1001, %swap3A_1002] : memref<2x8x80xf32, #tpu.memory_space<vmem>> -> memref<1x8x80xf32, #tpu.memory_space<vmem>>
          %swap3A_1004 = tpu.memref_squeeze %swap3A_1003 : memref<1x8x80xf32, #tpu.memory_space<vmem>> -> memref<8x80xf32, #tpu.memory_space<vmem>>
          %swap3A_1005 = arith.constant 0 : i32
          %swap3A_1006 = tpu.memref_slice %swap3A_1004[%swap3A_1000, %swap3A_1005] : memref<8x80xf32, #tpu.memory_space<vmem>> -> memref<1x80xf32, #tpu.memory_space<vmem>>
          %swap3A_1007 = tpu.memref_squeeze %swap3A_1006 : memref<1x80xf32, #tpu.memory_space<vmem>> -> memref<80xf32, #tpu.memory_space<vmem>>
          %swap3A_1008 = arith.constant 64 : index
          %swap3A_1009 = tpu.vector_load %swap3A_1007[%swap3A_1008] {strides = array<i32>} : memref<80xf32, #tpu.memory_space<vmem>>, vector<16xf32>,
          %swap3A_1010 = vector.shape_cast %swap3A_1009 : vector<16xf32> to vector<16xf32>
          %swap3A_1011 = vector.shape_cast %get3A_999 : vector<16xf32> to vector<16xf32>
          tpu.vector_store %swap3A_1007[%swap3A_1008], %swap3A_1011 {strides = array<i32>} : memref<80xf32, #tpu.memory_space<vmem>>, vector<16xf32>,
          %get3A_1012 = arith.constant 4 : i32
          %get3A_1013 = arith.constant 0 : i32
          %get3A_1014 = arith.constant 0 : i32
          %get3A_1015 = tpu.memref_slice %run_scoped3A_20[%rem3A_411, %get3A_1013, %get3A_1014] : memref<2x8x16xi32, #tpu.memory_space<vmem>> -> memref<1x8x16xi32, #tpu.memory_space<vmem>>
          %get3A_1016 = tpu.memref_squeeze %get3A_1015 : memref<1x8x16xi32, #tpu.memory_space<vmem>> -> memref<8x16xi32, #tpu.memory_space<vmem>>
          %get3A_1017 = arith.constant 0 : i32
          %get3A_1018 = tpu.memref_slice %get3A_1016[%get3A_1012, %get3A_1017] : memref<8x16xi32, #tpu.memory_space<vmem>> -> memref<1x16xi32, #tpu.memory_space<vmem>>
          %get3A_1019 = tpu.memref_squeeze %get3A_1018 : memref<1x16xi32, #tpu.memory_space<vmem>> -> memref<16xi32, #tpu.memory_space<vmem>>
          %get3A_1020 = arith.constant 0 : index
          %get3A_1021 = tpu.vector_load %get3A_1019[%get3A_1020] {strides = array<i32>} : memref<16xi32, #tpu.memory_space<vmem>>, vector<16xi32>,
          %get3A_1022 = vector.shape_cast %get3A_1021 : vector<16xi32> to vector<16xi32>
          %eq3A_1023 = arith.constant 0 : i32
          %eq3A_1024 = arith.cmpi eq, %add3A_269, %eq3A_1023 : i32
          %convert_element_type3A_1025 = arith.extui %eq3A_1024 : i1 to i32
          %cond3A_1026 = arith.constant 4 : i32
          %cond3A_1027 = arith.constant 4 : i32
          %cond3A_1028 = arith.constant 4 : i32
          %cond3A_1029 = arith.constant 4 : i32
          %cond3A_1030 = arith.constant 4 : i32
          %cond3A_1031 = arith.constant 4 : i32
          %cond3A_1032 = arith.constant 0 : i32
          %cond3A_1033 = arith.cmpi ne, %convert_element_type3A_1025, %cond3A_1032 : i32
          scf.if %cond3A_1033 {
            %broadcast_in_dim3A_1738 = arith.constant 0xFF800000 : f32
            %broadcast_in_dim3A_1739 = vector.broadcast %broadcast_in_dim3A_1738 : f32 to vector<16xf32>
            %swap3A_1740 = arith.index_cast %cond3A_1026 : i32 to index
            %swap3A_1741 = arith.constant 0 : index
            %swap3A_1742 = tpu.vector_load %arg5[%swap3A_1740, %swap3A_1741] {strides = array<i32>} : memref<8x16xf32, #tpu.memory_space<vmem>>, vector<1x16xf32>,
            %swap3A_1743 = vector.shape_cast %swap3A_1742 : vector<1x16xf32> to vector<16xf32>
            %swap3A_1744 = vector.shape_cast %broadcast_in_dim3A_1739 : vector<16xf32> to vector<1x16xf32>
            tpu.vector_store %arg5[%swap3A_1740, %swap3A_1741], %swap3A_1744 {strides = array<i32>} : memref<8x16xf32, #tpu.memory_space<vmem>>, vector<1x16xf32>,
            %broadcast_in_dim3A_1745 = arith.constant 0.000000e+00 : f32
            %broadcast_in_dim3A_1746 = vector.broadcast %broadcast_in_dim3A_1745 : f32 to vector<16xf32>
            %swap3A_1747 = arith.index_cast %cond3A_1027 : i32 to index
            %swap3A_1748 = arith.constant 0 : index
            %swap3A_1749 = tpu.vector_load %arg6[%swap3A_1747, %swap3A_1748] {strides = array<i32>} : memref<8x16xf32, #tpu.memory_space<vmem>>, vector<1x16xf32>,
            %swap3A_1750 = vector.shape_cast %swap3A_1749 : vector<1x16xf32> to vector<16xf32>
            %swap3A_1751 = vector.shape_cast %broadcast_in_dim3A_1746 : vector<16xf32> to vector<1x16xf32>
            tpu.vector_store %arg6[%swap3A_1747, %swap3A_1748], %swap3A_1751 {strides = array<i32>} : memref<8x16xf32, #tpu.memory_space<vmem>>, vector<1x16xf32>,
            %broadcast_in_dim3A_1752 = arith.constant 0.000000e+00 : f32
            %broadcast_in_dim3A_1753 = vector.broadcast %broadcast_in_dim3A_1752 : f32 to vector<16xf32>
            %swap3A_1754 = arith.index_cast %cond3A_1028 : i32 to index
            %swap3A_1755 = arith.constant 0 : index
            %swap3A_1756 = tpu.vector_load %arg7[%swap3A_1754, %swap3A_1755] {strides = array<i32>} : memref<8x16xf32, #tpu.memory_space<vmem>>, vector<1x16xf32>,
            %swap3A_1757 = vector.shape_cast %swap3A_1756 : vector<1x16xf32> to vector<16xf32>
            %swap3A_1758 = vector.shape_cast %broadcast_in_dim3A_1753 : vector<16xf32> to vector<1x16xf32>
            tpu.vector_store %arg7[%swap3A_1754, %swap3A_1755], %swap3A_1758 {strides = array<i32>} : memref<8x16xf32, #tpu.memory_space<vmem>>, vector<1x16xf32>,
            %broadcast_in_dim3A_1759 = arith.constant 0.000000e+00 : f32
            %broadcast_in_dim3A_1760 = vector.broadcast %broadcast_in_dim3A_1759 : f32 to vector<16xf32>
            %swap3A_1761 = arith.index_cast %cond3A_1029 : i32 to index
            %swap3A_1762 = arith.constant 0 : index
            %swap3A_1763 = tpu.vector_load %arg8[%swap3A_1761, %swap3A_1762] {strides = array<i32>} : memref<8x16xf32, #tpu.memory_space<vmem>>, vector<1x16xf32>,
            %swap3A_1764 = vector.shape_cast %swap3A_1763 : vector<1x16xf32> to vector<16xf32>
            %swap3A_1765 = vector.shape_cast %broadcast_in_dim3A_1760 : vector<16xf32> to vector<1x16xf32>
            tpu.vector_store %arg8[%swap3A_1761, %swap3A_1762], %swap3A_1765 {strides = array<i32>} : memref<8x16xf32, #tpu.memory_space<vmem>>, vector<1x16xf32>,
            %get3A_1766 = arith.constant 0 : i32
            %get3A_1767 = arith.constant 0 : i32
            %get3A_1768 = tpu.memref_slice %run_scoped3A[%rem3A_409, %get3A_1766, %get3A_1767] : memref<2x8x3840xf32, #tpu.memory_space<vmem>> -> memref<1x8x3840xf32, #tpu.memory_space<vmem>>
            %get3A_1769 = tpu.memref_squeeze %get3A_1768 : memref<1x8x3840xf32, #tpu.memory_space<vmem>> -> memref<8x3840xf32, #tpu.memory_space<vmem>>
            %get3A_1770 = arith.constant 0 : i32
            %get3A_1771 = tpu.memref_slice %get3A_1769[%cond3A_1030, %get3A_1770] : memref<8x3840xf32, #tpu.memory_space<vmem>> -> memref<1x3840xf32, #tpu.memory_space<vmem>>
            %get3A_1772 = tpu.memref_squeeze %get3A_1771 : memref<1x3840xf32, #tpu.memory_space<vmem>> -> memref<3840xf32, #tpu.memory_space<vmem>>
            %get3A_1773 = arith.constant 0 : index
            %get3A_1774 = tpu.vector_load %get3A_1772[%get3A_1773] {strides = array<i32>} : memref<3840xf32, #tpu.memory_space<vmem>>, vector<16xf32>,
            %get3A_1775 = vector.shape_cast %get3A_1774 : vector<16xf32> to vector<16xf32>
            %swap3A_1776 = arith.index_cast %cond3A_1031 : i32 to index
            %swap3A_1777 = arith.constant 0 : index
            %swap3A_1778 = tpu.vector_load %arg9[%swap3A_1776, %swap3A_1777] {strides = array<i32>} : memref<8x16xf32, #tpu.memory_space<vmem>>, vector<1x16xf32>,
            %swap3A_1779 = vector.shape_cast %swap3A_1778 : vector<1x16xf32> to vector<16xf32>
            %swap3A_1780 = vector.shape_cast %get3A_1775 : vector<16xf32> to vector<1x16xf32>
            tpu.vector_store %arg9[%swap3A_1776, %swap3A_1777], %swap3A_1780 {strides = array<i32>} : memref<8x16xf32, #tpu.memory_space<vmem>>, vector<1x16xf32>,
          } else {
          }
          %broadcast_in_dim3A_1034 = arith.constant 0xFF800000 : f32
          %broadcast_in_dim3A_1035 = vector.broadcast %broadcast_in_dim3A_1034 : f32 to vector<16xf32>
          %get3A_1036 = arith.constant 4 : i32
          %get3A_1037 = arith.index_cast %get3A_1036 : i32 to index
          %get3A_1038 = arith.constant 0 : index
          %get3A_1039 = tpu.vector_load %arg7[%get3A_1037, %get3A_1038] {strides = array<i32>} : memref<8x16xf32, #tpu.memory_space<vmem>>, vector<1x16xf32>,
          %get3A_1040 = vector.shape_cast %get3A_1039 : vector<1x16xf32> to vector<16xf32>
          %get3A_1041 = arith.constant 4 : i32
          %get3A_1042 = arith.index_cast %get3A_1041 : i32 to index
          %get3A_1043 = arith.constant 0 : index
          %get3A_1044 = tpu.vector_load %arg8[%get3A_1042, %get3A_1043] {strides = array<i32>} : memref<8x16xf32, #tpu.memory_space<vmem>>, vector<1x16xf32>,
          %get3A_1045 = vector.shape_cast %get3A_1044 : vector<1x16xf32> to vector<16xf32>
          %scan3A_1046 = arith.constant 4 : i32
          %scan3A_1047 = arith.constant 0 : i32
          %scan3A_1048 = arith.constant 240 : i32
          %scan3A_1049 = arith.addi %scan3A_1047, %scan3A_1048 : i32
          %scan3A_1050 = arith.constant 1 : i32
          %scan3A_1051:3 = scf.for %scan3A_1738 = %scan3A_1047 to %scan3A_1049 step %scan3A_1050 iter_args(%scan3A_1739 = %broadcast_in_dim3A_1035, %scan3A_1740 = %get3A_1040, %scan3A_1741 = %get3A_1045) -> (vector<16xf32>, vector<16xf32>, vector<16xf32>)  : i32 {
            %mul3A_1742 = arith.constant 16 : i32
            %mul3A_1743 = arith.muli %scan3A_1738, %mul3A_1742 : i32
            %get3A_1744 = arith.constant 0 : i32
            %get3A_1745 = arith.constant 0 : i32
            %get3A_1746 = tpu.memref_slice %run_scoped3A[%rem3A_409, %get3A_1744, %get3A_1745] : memref<2x8x3840xf32, #tpu.memory_space<vmem>> -> memref<1x8x3840xf32, #tpu.memory_space<vmem>>
            %get3A_1747 = tpu.memref_squeeze %get3A_1746 : memref<1x8x3840xf32, #tpu.memory_space<vmem>> -> memref<8x3840xf32, #tpu.memory_space<vmem>>
            %get3A_1748 = arith.constant 0 : i32
            %get3A_1749 = tpu.memref_slice %get3A_1747[%scan3A_1046, %get3A_1748] : memref<8x3840xf32, #tpu.memory_space<vmem>> -> memref<1x3840xf32, #tpu.memory_space<vmem>>
            %get3A_1750 = tpu.memref_squeeze %get3A_1749 : memref<1x3840xf32, #tpu.memory_space<vmem>> -> memref<3840xf32, #tpu.memory_space<vmem>>
            %get3A_1751 = arith.index_cast %mul3A_1743 : i32 to index
            %get3A_1752 = tpu.vector_load %get3A_1750[%get3A_1751] {strides = array<i32>} : memref<3840xf32, #tpu.memory_space<vmem>>, vector<16xf32>,
            %get3A_1753 = vector.shape_cast %get3A_1752 : vector<16xf32> to vector<16xf32>
            %max3A_1754 = arith.maximumf %scan3A_1739, %get3A_1753 : vector<16xf32>
            %add3A_1755 = arith.addf %scan3A_1740, %get3A_1753 : vector<16xf32>
            %mul3A_1756 = arith.constant 3840 : i32
            %mul3A_1757 = arith.muli %add3A_269, %mul3A_1756 : i32
            %mul3A_1758 = arith.constant 16 : i32
            %mul3A_1759 = arith.muli %scan3A_1738, %mul3A_1758 : i32
            %add3A_1760 = arith.addi %mul3A_1757, %mul3A_1759 : i32
            %sub3A_1761 = vector.broadcast %add3A_1760 : i32 to vector<16xi32>
            %sub3A_1762 = arith.subi %get3A_1022, %sub3A_1761 : vector<16xi32>
            %eq3A_1763 = arith.cmpi eq, %iota3A, %sub3A_1762 : vector<16xi32>
            %jit3A_1764 = arith.constant 0.000000e+00 : f32
            %broadcast_in_dim3A_1765 = vector.broadcast %jit3A_1764 : f32 to vector<16xf32>
            %select_n3A_1766 = arith.select %eq3A_1763, %get3A_1753, %broadcast_in_dim3A_1765 : vector<16xi1>, vector<16xf32>
            %add3A_1767 = arith.addf %scan3A_1741, %select_n3A_1766 : vector<16xf32>
            scf.yield %max3A_1754, %add3A_1755, %add3A_1767 : vector<16xf32>, vector<16xf32>, vector<16xf32>
          }
          %scan3A_1052 = arith.constant 240 : i32
          %get3A_1053 = arith.constant 4 : i32
          %get3A_1054 = arith.index_cast %get3A_1053 : i32 to index
          %get3A_1055 = arith.constant 0 : index
          %get3A_1056 = tpu.vector_load %arg5[%get3A_1054, %get3A_1055] {strides = array<i32>} : memref<8x16xf32, #tpu.memory_space<vmem>>, vector<1x16xf32>,
          %get3A_1057 = vector.shape_cast %get3A_1056 : vector<1x16xf32> to vector<16xf32>
          %max3A_1058 = arith.maximumf %get3A_1057, %scan3A_1051#0 : vector<16xf32>
          %get3A_1059 = arith.constant 4 : i32
          %get3A_1060 = arith.index_cast %get3A_1059 : i32 to index
          %get3A_1061 = arith.constant 0 : index
          %get3A_1062 = tpu.vector_load %arg6[%get3A_1060, %get3A_1061] {strides = array<i32>} : memref<8x16xf32, #tpu.memory_space<vmem>>, vector<1x16xf32>,
          %get3A_1063 = vector.shape_cast %get3A_1062 : vector<1x16xf32> to vector<16xf32>
          %sub3A_1064 = arith.subf %get3A_1057, %max3A_1058 : vector<16xf32>
          %exp3A_1065 = math.exp %sub3A_1064 : vector<16xf32>
          %mul3A_1066 = arith.mulf %get3A_1063, %exp3A_1065 : vector<16xf32>
          %scan3A_1067 = arith.constant 4 : i32
          %scan3A_1068 = arith.constant 0 : i32
          %scan3A_1069 = arith.constant 240 : i32
          %scan3A_1070 = arith.addi %scan3A_1068, %scan3A_1069 : i32
          %scan3A_1071 = arith.constant 1 : i32
          %scan3A_1072 = scf.for %scan3A_1738 = %scan3A_1068 to %scan3A_1070 step %scan3A_1071 iter_args(%scan3A_1739 = %mul3A_1066) -> (vector<16xf32>)  : i32 {
            %mul3A_1740 = arith.constant 16 : i32
            %mul3A_1741 = arith.muli %scan3A_1738, %mul3A_1740 : i32
            %get3A_1742 = arith.constant 0 : i32
            %get3A_1743 = arith.constant 0 : i32
            %get3A_1744 = tpu.memref_slice %run_scoped3A[%rem3A_409, %get3A_1742, %get3A_1743] : memref<2x8x3840xf32, #tpu.memory_space<vmem>> -> memref<1x8x3840xf32, #tpu.memory_space<vmem>>
            %get3A_1745 = tpu.memref_squeeze %get3A_1744 : memref<1x8x3840xf32, #tpu.memory_space<vmem>> -> memref<8x3840xf32, #tpu.memory_space<vmem>>
            %get3A_1746 = arith.constant 0 : i32
            %get3A_1747 = tpu.memref_slice %get3A_1745[%scan3A_1067, %get3A_1746] : memref<8x3840xf32, #tpu.memory_space<vmem>> -> memref<1x3840xf32, #tpu.memory_space<vmem>>
            %get3A_1748 = tpu.memref_squeeze %get3A_1747 : memref<1x3840xf32, #tpu.memory_space<vmem>> -> memref<3840xf32, #tpu.memory_space<vmem>>
            %get3A_1749 = arith.index_cast %mul3A_1741 : i32 to index
            %get3A_1750 = tpu.vector_load %get3A_1748[%get3A_1749] {strides = array<i32>} : memref<3840xf32, #tpu.memory_space<vmem>>, vector<16xf32>,
            %get3A_1751 = vector.shape_cast %get3A_1750 : vector<16xf32> to vector<16xf32>
            %sub3A_1752 = arith.subf %get3A_1751, %max3A_1058 : vector<16xf32>
            %exp3A_1753 = math.exp %sub3A_1752 : vector<16xf32>
            %add3A_1754 = arith.addf %scan3A_1739, %exp3A_1753 : vector<16xf32>
            scf.yield %add3A_1754 : vector<16xf32>
          }
          %scan3A_1073 = arith.constant 240 : i32
          %swap3A_1074 = arith.constant 4 : i32
          %swap3A_1075 = arith.index_cast %swap3A_1074 : i32 to index
          %swap3A_1076 = arith.constant 0 : index
          %swap3A_1077 = tpu.vector_load %arg5[%swap3A_1075, %swap3A_1076] {strides = array<i32>} : memref<8x16xf32, #tpu.memory_space<vmem>>, vector<1x16xf32>,
          %swap3A_1078 = vector.shape_cast %swap3A_1077 : vector<1x16xf32> to vector<16xf32>
          %swap3A_1079 = vector.shape_cast %max3A_1058 : vector<16xf32> to vector<1x16xf32>
          tpu.vector_store %arg5[%swap3A_1075, %swap3A_1076], %swap3A_1079 {strides = array<i32>} : memref<8x16xf32, #tpu.memory_space<vmem>>, vector<1x16xf32>,
          %swap3A_1080 = arith.constant 4 : i32
          %swap3A_1081 = arith.index_cast %swap3A_1080 : i32 to index
          %swap3A_1082 = arith.constant 0 : index
          %swap3A_1083 = tpu.vector_load %arg6[%swap3A_1081, %swap3A_1082] {strides = array<i32>} : memref<8x16xf32, #tpu.memory_space<vmem>>, vector<1x16xf32>,
          %swap3A_1084 = vector.shape_cast %swap3A_1083 : vector<1x16xf32> to vector<16xf32>
          %swap3A_1085 = vector.shape_cast %scan3A_1072 : vector<16xf32> to vector<1x16xf32>
          tpu.vector_store %arg6[%swap3A_1081, %swap3A_1082], %swap3A_1085 {strides = array<i32>} : memref<8x16xf32, #tpu.memory_space<vmem>>, vector<1x16xf32>,
          %swap3A_1086 = arith.constant 4 : i32
          %swap3A_1087 = arith.index_cast %swap3A_1086 : i32 to index
          %swap3A_1088 = arith.constant 0 : index
          %swap3A_1089 = tpu.vector_load %arg7[%swap3A_1087, %swap3A_1088] {strides = array<i32>} : memref<8x16xf32, #tpu.memory_space<vmem>>, vector<1x16xf32>,
          %swap3A_1090 = vector.shape_cast %swap3A_1089 : vector<1x16xf32> to vector<16xf32>
          %swap3A_1091 = vector.shape_cast %scan3A_1051#1 : vector<16xf32> to vector<1x16xf32>
          tpu.vector_store %arg7[%swap3A_1087, %swap3A_1088], %swap3A_1091 {strides = array<i32>} : memref<8x16xf32, #tpu.memory_space<vmem>>, vector<1x16xf32>,
          %swap3A_1092 = arith.constant 4 : i32
          %swap3A_1093 = arith.index_cast %swap3A_1092 : i32 to index
          %swap3A_1094 = arith.constant 0 : index
          %swap3A_1095 = tpu.vector_load %arg8[%swap3A_1093, %swap3A_1094] {strides = array<i32>} : memref<8x16xf32, #tpu.memory_space<vmem>>, vector<1x16xf32>,
          %swap3A_1096 = vector.shape_cast %swap3A_1095 : vector<1x16xf32> to vector<16xf32>
          %swap3A_1097 = vector.shape_cast %scan3A_1051#2 : vector<16xf32> to vector<1x16xf32>
          tpu.vector_store %arg8[%swap3A_1093, %swap3A_1094], %swap3A_1097 {strides = array<i32>} : memref<8x16xf32, #tpu.memory_space<vmem>>, vector<1x16xf32>,
          %swap3A_1098 = arith.constant 4 : i32
          %swap3A_1099 = arith.constant 0 : i32
          %swap3A_1100 = arith.constant 0 : i32
          %swap3A_1101 = tpu.memref_slice %run_scoped3A_22[%rem3A_413, %swap3A_1099, %swap3A_1100] : memref<2x8x80xf32, #tpu.memory_space<vmem>> -> memref<1x8x80xf32, #tpu.memory_space<vmem>>
          %swap3A_1102 = tpu.memref_squeeze %swap3A_1101 : memref<1x8x80xf32, #tpu.memory_space<vmem>> -> memref<8x80xf32, #tpu.memory_space<vmem>>
          %swap3A_1103 = arith.constant 0 : i32
          %swap3A_1104 = tpu.memref_slice %swap3A_1102[%swap3A_1098, %swap3A_1103] : memref<8x80xf32, #tpu.memory_space<vmem>> -> memref<1x80xf32, #tpu.memory_space<vmem>>
          %swap3A_1105 = tpu.memref_squeeze %swap3A_1104 : memref<1x80xf32, #tpu.memory_space<vmem>> -> memref<80xf32, #tpu.memory_space<vmem>>
          %swap3A_1106 = arith.constant 0 : index
          %swap3A_1107 = tpu.vector_load %swap3A_1105[%swap3A_1106] {strides = array<i32>} : memref<80xf32, #tpu.memory_space<vmem>>, vector<16xf32>,
          %swap3A_1108 = vector.shape_cast %swap3A_1107 : vector<16xf32> to vector<16xf32>
          %swap3A_1109 = vector.shape_cast %max3A_1058 : vector<16xf32> to vector<16xf32>
          tpu.vector_store %swap3A_1105[%swap3A_1106], %swap3A_1109 {strides = array<i32>} : memref<80xf32, #tpu.memory_space<vmem>>, vector<16xf32>,
          %swap3A_1110 = arith.constant 4 : i32
          %swap3A_1111 = arith.constant 0 : i32
          %swap3A_1112 = arith.constant 0 : i32
          %swap3A_1113 = tpu.memref_slice %run_scoped3A_22[%rem3A_413, %swap3A_1111, %swap3A_1112] : memref<2x8x80xf32, #tpu.memory_space<vmem>> -> memref<1x8x80xf32, #tpu.memory_space<vmem>>
          %swap3A_1114 = tpu.memref_squeeze %swap3A_1113 : memref<1x8x80xf32, #tpu.memory_space<vmem>> -> memref<8x80xf32, #tpu.memory_space<vmem>>
          %swap3A_1115 = arith.constant 0 : i32
          %swap3A_1116 = tpu.memref_slice %swap3A_1114[%swap3A_1110, %swap3A_1115] : memref<8x80xf32, #tpu.memory_space<vmem>> -> memref<1x80xf32, #tpu.memory_space<vmem>>
          %swap3A_1117 = tpu.memref_squeeze %swap3A_1116 : memref<1x80xf32, #tpu.memory_space<vmem>> -> memref<80xf32, #tpu.memory_space<vmem>>
          %swap3A_1118 = arith.constant 16 : index
          %swap3A_1119 = tpu.vector_load %swap3A_1117[%swap3A_1118] {strides = array<i32>} : memref<80xf32, #tpu.memory_space<vmem>>, vector<16xf32>,
          %swap3A_1120 = vector.shape_cast %swap3A_1119 : vector<16xf32> to vector<16xf32>
          %swap3A_1121 = vector.shape_cast %scan3A_1072 : vector<16xf32> to vector<16xf32>
          tpu.vector_store %swap3A_1117[%swap3A_1118], %swap3A_1121 {strides = array<i32>} : memref<80xf32, #tpu.memory_space<vmem>>, vector<16xf32>,
          %swap3A_1122 = arith.constant 4 : i32
          %swap3A_1123 = arith.constant 0 : i32
          %swap3A_1124 = arith.constant 0 : i32
          %swap3A_1125 = tpu.memref_slice %run_scoped3A_22[%rem3A_413, %swap3A_1123, %swap3A_1124] : memref<2x8x80xf32, #tpu.memory_space<vmem>> -> memref<1x8x80xf32, #tpu.memory_space<vmem>>
          %swap3A_1126 = tpu.memref_squeeze %swap3A_1125 : memref<1x8x80xf32, #tpu.memory_space<vmem>> -> memref<8x80xf32, #tpu.memory_space<vmem>>
          %swap3A_1127 = arith.constant 0 : i32
          %swap3A_1128 = tpu.memref_slice %swap3A_1126[%swap3A_1122, %swap3A_1127] : memref<8x80xf32, #tpu.memory_space<vmem>> -> memref<1x80xf32, #tpu.memory_space<vmem>>
          %swap3A_1129 = tpu.memref_squeeze %swap3A_1128 : memref<1x80xf32, #tpu.memory_space<vmem>> -> memref<80xf32, #tpu.memory_space<vmem>>
          %swap3A_1130 = arith.constant 32 : index
          %swap3A_1131 = tpu.vector_load %swap3A_1129[%swap3A_1130] {strides = array<i32>} : memref<80xf32, #tpu.memory_space<vmem>>, vector<16xf32>,
          %swap3A_1132 = vector.shape_cast %swap3A_1131 : vector<16xf32> to vector<16xf32>
          %swap3A_1133 = vector.shape_cast %scan3A_1051#1 : vector<16xf32> to vector<16xf32>
          tpu.vector_store %swap3A_1129[%swap3A_1130], %swap3A_1133 {strides = array<i32>} : memref<80xf32, #tpu.memory_space<vmem>>, vector<16xf32>,
          %swap3A_1134 = arith.constant 4 : i32
          %swap3A_1135 = arith.constant 0 : i32
          %swap3A_1136 = arith.constant 0 : i32
          %swap3A_1137 = tpu.memref_slice %run_scoped3A_22[%rem3A_413, %swap3A_1135, %swap3A_1136] : memref<2x8x80xf32, #tpu.memory_space<vmem>> -> memref<1x8x80xf32, #tpu.memory_space<vmem>>
          %swap3A_1138 = tpu.memref_squeeze %swap3A_1137 : memref<1x8x80xf32, #tpu.memory_space<vmem>> -> memref<8x80xf32, #tpu.memory_space<vmem>>
          %swap3A_1139 = arith.constant 0 : i32
          %swap3A_1140 = tpu.memref_slice %swap3A_1138[%swap3A_1134, %swap3A_1139] : memref<8x80xf32, #tpu.memory_space<vmem>> -> memref<1x80xf32, #tpu.memory_space<vmem>>
          %swap3A_1141 = tpu.memref_squeeze %swap3A_1140 : memref<1x80xf32, #tpu.memory_space<vmem>> -> memref<80xf32, #tpu.memory_space<vmem>>
          %swap3A_1142 = arith.constant 48 : index
          %swap3A_1143 = tpu.vector_load %swap3A_1141[%swap3A_1142] {strides = array<i32>} : memref<80xf32, #tpu.memory_space<vmem>>, vector<16xf32>,
          %swap3A_1144 = vector.shape_cast %swap3A_1143 : vector<16xf32> to vector<16xf32>
          %swap3A_1145 = vector.shape_cast %scan3A_1051#2 : vector<16xf32> to vector<16xf32>
          tpu.vector_store %swap3A_1141[%swap3A_1142], %swap3A_1145 {strides = array<i32>} : memref<80xf32, #tpu.memory_space<vmem>>, vector<16xf32>,
          %get3A_1146 = arith.constant 4 : i32
          %get3A_1147 = arith.index_cast %get3A_1146 : i32 to index
          %get3A_1148 = arith.constant 0 : index
          %get3A_1149 = tpu.vector_load %arg9[%get3A_1147, %get3A_1148] {strides = array<i32>} : memref<8x16xf32, #tpu.memory_space<vmem>>, vector<1x16xf32>,
          %get3A_1150 = vector.shape_cast %get3A_1149 : vector<1x16xf32> to vector<16xf32>
          %swap3A_1151 = arith.constant 4 : i32
          %swap3A_1152 = arith.constant 0 : i32
          %swap3A_1153 = arith.constant 0 : i32
          %swap3A_1154 = tpu.memref_slice %run_scoped3A_22[%rem3A_413, %swap3A_1152, %swap3A_1153] : memref<2x8x80xf32, #tpu.memory_space<vmem>> -> memref<1x8x80xf32, #tpu.memory_space<vmem>>
          %swap3A_1155 = tpu.memref_squeeze %swap3A_1154 : memref<1x8x80xf32, #tpu.memory_space<vmem>> -> memref<8x80xf32, #tpu.memory_space<vmem>>
          %swap3A_1156 = arith.constant 0 : i32
          %swap3A_1157 = tpu.memref_slice %swap3A_1155[%swap3A_1151, %swap3A_1156] : memref<8x80xf32, #tpu.memory_space<vmem>> -> memref<1x80xf32, #tpu.memory_space<vmem>>
          %swap3A_1158 = tpu.memref_squeeze %swap3A_1157 : memref<1x80xf32, #tpu.memory_space<vmem>> -> memref<80xf32, #tpu.memory_space<vmem>>
          %swap3A_1159 = arith.constant 64 : index
          %swap3A_1160 = tpu.vector_load %swap3A_1158[%swap3A_1159] {strides = array<i32>} : memref<80xf32, #tpu.memory_space<vmem>>, vector<16xf32>,
          %swap3A_1161 = vector.shape_cast %swap3A_1160 : vector<16xf32> to vector<16xf32>
          %swap3A_1162 = vector.shape_cast %get3A_1150 : vector<16xf32> to vector<16xf32>
          tpu.vector_store %swap3A_1158[%swap3A_1159], %swap3A_1162 {strides = array<i32>} : memref<80xf32, #tpu.memory_space<vmem>>, vector<16xf32>,
          %get3A_1163 = arith.constant 5 : i32
          %get3A_1164 = arith.constant 0 : i32
          %get3A_1165 = arith.constant 0 : i32
          %get3A_1166 = tpu.memref_slice %run_scoped3A_20[%rem3A_411, %get3A_1164, %get3A_1165] : memref<2x8x16xi32, #tpu.memory_space<vmem>> -> memref<1x8x16xi32, #tpu.memory_space<vmem>>
          %get3A_1167 = tpu.memref_squeeze %get3A_1166 : memref<1x8x16xi32, #tpu.memory_space<vmem>> -> memref<8x16xi32, #tpu.memory_space<vmem>>
          %get3A_1168 = arith.constant 0 : i32
          %get3A_1169 = tpu.memref_slice %get3A_1167[%get3A_1163, %get3A_1168] : memref<8x16xi32, #tpu.memory_space<vmem>> -> memref<1x16xi32, #tpu.memory_space<vmem>>
          %get3A_1170 = tpu.memref_squeeze %get3A_1169 : memref<1x16xi32, #tpu.memory_space<vmem>> -> memref<16xi32, #tpu.memory_space<vmem>>
          %get3A_1171 = arith.constant 0 : index
          %get3A_1172 = tpu.vector_load %get3A_1170[%get3A_1171] {strides = array<i32>} : memref<16xi32, #tpu.memory_space<vmem>>, vector<16xi32>,
          %get3A_1173 = vector.shape_cast %get3A_1172 : vector<16xi32> to vector<16xi32>
          %eq3A_1174 = arith.constant 0 : i32
          %eq3A_1175 = arith.cmpi eq, %add3A_269, %eq3A_1174 : i32
          %convert_element_type3A_1176 = arith.extui %eq3A_1175 : i1 to i32
          %cond3A_1177 = arith.constant 5 : i32
          %cond3A_1178 = arith.constant 5 : i32
          %cond3A_1179 = arith.constant 5 : i32
          %cond3A_1180 = arith.constant 5 : i32
          %cond3A_1181 = arith.constant 5 : i32
          %cond3A_1182 = arith.constant 5 : i32
          %cond3A_1183 = arith.constant 0 : i32
          %cond3A_1184 = arith.cmpi ne, %convert_element_type3A_1176, %cond3A_1183 : i32
          scf.if %cond3A_1184 {
            %broadcast_in_dim3A_1738 = arith.constant 0xFF800000 : f32
            %broadcast_in_dim3A_1739 = vector.broadcast %broadcast_in_dim3A_1738 : f32 to vector<16xf32>
            %swap3A_1740 = arith.index_cast %cond3A_1177 : i32 to index
            %swap3A_1741 = arith.constant 0 : index
            %swap3A_1742 = tpu.vector_load %arg5[%swap3A_1740, %swap3A_1741] {strides = array<i32>} : memref<8x16xf32, #tpu.memory_space<vmem>>, vector<1x16xf32>,
            %swap3A_1743 = vector.shape_cast %swap3A_1742 : vector<1x16xf32> to vector<16xf32>
            %swap3A_1744 = vector.shape_cast %broadcast_in_dim3A_1739 : vector<16xf32> to vector<1x16xf32>
            tpu.vector_store %arg5[%swap3A_1740, %swap3A_1741], %swap3A_1744 {strides = array<i32>} : memref<8x16xf32, #tpu.memory_space<vmem>>, vector<1x16xf32>,
            %broadcast_in_dim3A_1745 = arith.constant 0.000000e+00 : f32
            %broadcast_in_dim3A_1746 = vector.broadcast %broadcast_in_dim3A_1745 : f32 to vector<16xf32>
            %swap3A_1747 = arith.index_cast %cond3A_1178 : i32 to index
            %swap3A_1748 = arith.constant 0 : index
            %swap3A_1749 = tpu.vector_load %arg6[%swap3A_1747, %swap3A_1748] {strides = array<i32>} : memref<8x16xf32, #tpu.memory_space<vmem>>, vector<1x16xf32>,
            %swap3A_1750 = vector.shape_cast %swap3A_1749 : vector<1x16xf32> to vector<16xf32>
            %swap3A_1751 = vector.shape_cast %broadcast_in_dim3A_1746 : vector<16xf32> to vector<1x16xf32>
            tpu.vector_store %arg6[%swap3A_1747, %swap3A_1748], %swap3A_1751 {strides = array<i32>} : memref<8x16xf32, #tpu.memory_space<vmem>>, vector<1x16xf32>,
            %broadcast_in_dim3A_1752 = arith.constant 0.000000e+00 : f32
            %broadcast_in_dim3A_1753 = vector.broadcast %broadcast_in_dim3A_1752 : f32 to vector<16xf32>
            %swap3A_1754 = arith.index_cast %cond3A_1179 : i32 to index
            %swap3A_1755 = arith.constant 0 : index
            %swap3A_1756 = tpu.vector_load %arg7[%swap3A_1754, %swap3A_1755] {strides = array<i32>} : memref<8x16xf32, #tpu.memory_space<vmem>>, vector<1x16xf32>,
            %swap3A_1757 = vector.shape_cast %swap3A_1756 : vector<1x16xf32> to vector<16xf32>
            %swap3A_1758 = vector.shape_cast %broadcast_in_dim3A_1753 : vector<16xf32> to vector<1x16xf32>
            tpu.vector_store %arg7[%swap3A_1754, %swap3A_1755], %swap3A_1758 {strides = array<i32>} : memref<8x16xf32, #tpu.memory_space<vmem>>, vector<1x16xf32>,
            %broadcast_in_dim3A_1759 = arith.constant 0.000000e+00 : f32
            %broadcast_in_dim3A_1760 = vector.broadcast %broadcast_in_dim3A_1759 : f32 to vector<16xf32>
            %swap3A_1761 = arith.index_cast %cond3A_1180 : i32 to index
            %swap3A_1762 = arith.constant 0 : index
            %swap3A_1763 = tpu.vector_load %arg8[%swap3A_1761, %swap3A_1762] {strides = array<i32>} : memref<8x16xf32, #tpu.memory_space<vmem>>, vector<1x16xf32>,
            %swap3A_1764 = vector.shape_cast %swap3A_1763 : vector<1x16xf32> to vector<16xf32>
            %swap3A_1765 = vector.shape_cast %broadcast_in_dim3A_1760 : vector<16xf32> to vector<1x16xf32>
            tpu.vector_store %arg8[%swap3A_1761, %swap3A_1762], %swap3A_1765 {strides = array<i32>} : memref<8x16xf32, #tpu.memory_space<vmem>>, vector<1x16xf32>,
            %get3A_1766 = arith.constant 0 : i32
            %get3A_1767 = arith.constant 0 : i32
            %get3A_1768 = tpu.memref_slice %run_scoped3A[%rem3A_409, %get3A_1766, %get3A_1767] : memref<2x8x3840xf32, #tpu.memory_space<vmem>> -> memref<1x8x3840xf32, #tpu.memory_space<vmem>>
            %get3A_1769 = tpu.memref_squeeze %get3A_1768 : memref<1x8x3840xf32, #tpu.memory_space<vmem>> -> memref<8x3840xf32, #tpu.memory_space<vmem>>
            %get3A_1770 = arith.constant 0 : i32
            %get3A_1771 = tpu.memref_slice %get3A_1769[%cond3A_1181, %get3A_1770] : memref<8x3840xf32, #tpu.memory_space<vmem>> -> memref<1x3840xf32, #tpu.memory_space<vmem>>
            %get3A_1772 = tpu.memref_squeeze %get3A_1771 : memref<1x3840xf32, #tpu.memory_space<vmem>> -> memref<3840xf32, #tpu.memory_space<vmem>>
            %get3A_1773 = arith.constant 0 : index
            %get3A_1774 = tpu.vector_load %get3A_1772[%get3A_1773] {strides = array<i32>} : memref<3840xf32, #tpu.memory_space<vmem>>, vector<16xf32>,
            %get3A_1775 = vector.shape_cast %get3A_1774 : vector<16xf32> to vector<16xf32>
            %swap3A_1776 = arith.index_cast %cond3A_1182 : i32 to index
            %swap3A_1777 = arith.constant 0 : index
            %swap3A_1778 = tpu.vector_load %arg9[%swap3A_1776, %swap3A_1777] {strides = array<i32>} : memref<8x16xf32, #tpu.memory_space<vmem>>, vector<1x16xf32>,
            %swap3A_1779 = vector.shape_cast %swap3A_1778 : vector<1x16xf32> to vector<16xf32>
            %swap3A_1780 = vector.shape_cast %get3A_1775 : vector<16xf32> to vector<1x16xf32>
            tpu.vector_store %arg9[%swap3A_1776, %swap3A_1777], %swap3A_1780 {strides = array<i32>} : memref<8x16xf32, #tpu.memory_space<vmem>>, vector<1x16xf32>,
          } else {
          }
          %broadcast_in_dim3A_1185 = arith.constant 0xFF800000 : f32
          %broadcast_in_dim3A_1186 = vector.broadcast %broadcast_in_dim3A_1185 : f32 to vector<16xf32>
          %get3A_1187 = arith.constant 5 : i32
          %get3A_1188 = arith.index_cast %get3A_1187 : i32 to index
          %get3A_1189 = arith.constant 0 : index
          %get3A_1190 = tpu.vector_load %arg7[%get3A_1188, %get3A_1189] {strides = array<i32>} : memref<8x16xf32, #tpu.memory_space<vmem>>, vector<1x16xf32>,
          %get3A_1191 = vector.shape_cast %get3A_1190 : vector<1x16xf32> to vector<16xf32>
          %get3A_1192 = arith.constant 5 : i32
          %get3A_1193 = arith.index_cast %get3A_1192 : i32 to index
          %get3A_1194 = arith.constant 0 : index
          %get3A_1195 = tpu.vector_load %arg8[%get3A_1193, %get3A_1194] {strides = array<i32>} : memref<8x16xf32, #tpu.memory_space<vmem>>, vector<1x16xf32>,
          %get3A_1196 = vector.shape_cast %get3A_1195 : vector<1x16xf32> to vector<16xf32>
          %scan3A_1197 = arith.constant 5 : i32
          %scan3A_1198 = arith.constant 0 : i32
          %scan3A_1199 = arith.constant 240 : i32
          %scan3A_1200 = arith.addi %scan3A_1198, %scan3A_1199 : i32
          %scan3A_1201 = arith.constant 1 : i32
          %scan3A_1202:3 = scf.for %scan3A_1738 = %scan3A_1198 to %scan3A_1200 step %scan3A_1201 iter_args(%scan3A_1739 = %broadcast_in_dim3A_1186, %scan3A_1740 = %get3A_1191, %scan3A_1741 = %get3A_1196) -> (vector<16xf32>, vector<16xf32>, vector<16xf32>)  : i32 {
            %mul3A_1742 = arith.constant 16 : i32
            %mul3A_1743 = arith.muli %scan3A_1738, %mul3A_1742 : i32
            %get3A_1744 = arith.constant 0 : i32
            %get3A_1745 = arith.constant 0 : i32
            %get3A_1746 = tpu.memref_slice %run_scoped3A[%rem3A_409, %get3A_1744, %get3A_1745] : memref<2x8x3840xf32, #tpu.memory_space<vmem>> -> memref<1x8x3840xf32, #tpu.memory_space<vmem>>
            %get3A_1747 = tpu.memref_squeeze %get3A_1746 : memref<1x8x3840xf32, #tpu.memory_space<vmem>> -> memref<8x3840xf32, #tpu.memory_space<vmem>>
            %get3A_1748 = arith.constant 0 : i32
            %get3A_1749 = tpu.memref_slice %get3A_1747[%scan3A_1197, %get3A_1748] : memref<8x3840xf32, #tpu.memory_space<vmem>> -> memref<1x3840xf32, #tpu.memory_space<vmem>>
            %get3A_1750 = tpu.memref_squeeze %get3A_1749 : memref<1x3840xf32, #tpu.memory_space<vmem>> -> memref<3840xf32, #tpu.memory_space<vmem>>
            %get3A_1751 = arith.index_cast %mul3A_1743 : i32 to index
            %get3A_1752 = tpu.vector_load %get3A_1750[%get3A_1751] {strides = array<i32>} : memref<3840xf32, #tpu.memory_space<vmem>>, vector<16xf32>,
            %get3A_1753 = vector.shape_cast %get3A_1752 : vector<16xf32> to vector<16xf32>
            %max3A_1754 = arith.maximumf %scan3A_1739, %get3A_1753 : vector<16xf32>
            %add3A_1755 = arith.addf %scan3A_1740, %get3A_1753 : vector<16xf32>
            %mul3A_1756 = arith.constant 3840 : i32
            %mul3A_1757 = arith.muli %add3A_269, %mul3A_1756 : i32
            %mul3A_1758 = arith.constant 16 : i32
            %mul3A_1759 = arith.muli %scan3A_1738, %mul3A_1758 : i32
            %add3A_1760 = arith.addi %mul3A_1757, %mul3A_1759 : i32
            %sub3A_1761 = vector.broadcast %add3A_1760 : i32 to vector<16xi32>
            %sub3A_1762 = arith.subi %get3A_1173, %sub3A_1761 : vector<16xi32>
            %eq3A_1763 = arith.cmpi eq, %iota3A, %sub3A_1762 : vector<16xi32>
            %jit3A_1764 = arith.constant 0.000000e+00 : f32
            %broadcast_in_dim3A_1765 = vector.broadcast %jit3A_1764 : f32 to vector<16xf32>
            %select_n3A_1766 = arith.select %eq3A_1763, %get3A_1753, %broadcast_in_dim3A_1765 : vector<16xi1>, vector<16xf32>
            %add3A_1767 = arith.addf %scan3A_1741, %select_n3A_1766 : vector<16xf32>
            scf.yield %max3A_1754, %add3A_1755, %add3A_1767 : vector<16xf32>, vector<16xf32>, vector<16xf32>
          }
          %scan3A_1203 = arith.constant 240 : i32
          %get3A_1204 = arith.constant 5 : i32
          %get3A_1205 = arith.index_cast %get3A_1204 : i32 to index
          %get3A_1206 = arith.constant 0 : index
          %get3A_1207 = tpu.vector_load %arg5[%get3A_1205, %get3A_1206] {strides = array<i32>} : memref<8x16xf32, #tpu.memory_space<vmem>>, vector<1x16xf32>,
          %get3A_1208 = vector.shape_cast %get3A_1207 : vector<1x16xf32> to vector<16xf32>
          %max3A_1209 = arith.maximumf %get3A_1208, %scan3A_1202#0 : vector<16xf32>
          %get3A_1210 = arith.constant 5 : i32
          %get3A_1211 = arith.index_cast %get3A_1210 : i32 to index
          %get3A_1212 = arith.constant 0 : index
          %get3A_1213 = tpu.vector_load %arg6[%get3A_1211, %get3A_1212] {strides = array<i32>} : memref<8x16xf32, #tpu.memory_space<vmem>>, vector<1x16xf32>,
          %get3A_1214 = vector.shape_cast %get3A_1213 : vector<1x16xf32> to vector<16xf32>
          %sub3A_1215 = arith.subf %get3A_1208, %max3A_1209 : vector<16xf32>
          %exp3A_1216 = math.exp %sub3A_1215 : vector<16xf32>
          %mul3A_1217 = arith.mulf %get3A_1214, %exp3A_1216 : vector<16xf32>
          %scan3A_1218 = arith.constant 5 : i32
          %scan3A_1219 = arith.constant 0 : i32
          %scan3A_1220 = arith.constant 240 : i32
          %scan3A_1221 = arith.addi %scan3A_1219, %scan3A_1220 : i32
          %scan3A_1222 = arith.constant 1 : i32
          %scan3A_1223 = scf.for %scan3A_1738 = %scan3A_1219 to %scan3A_1221 step %scan3A_1222 iter_args(%scan3A_1739 = %mul3A_1217) -> (vector<16xf32>)  : i32 {
            %mul3A_1740 = arith.constant 16 : i32
            %mul3A_1741 = arith.muli %scan3A_1738, %mul3A_1740 : i32
            %get3A_1742 = arith.constant 0 : i32
            %get3A_1743 = arith.constant 0 : i32
            %get3A_1744 = tpu.memref_slice %run_scoped3A[%rem3A_409, %get3A_1742, %get3A_1743] : memref<2x8x3840xf32, #tpu.memory_space<vmem>> -> memref<1x8x3840xf32, #tpu.memory_space<vmem>>
            %get3A_1745 = tpu.memref_squeeze %get3A_1744 : memref<1x8x3840xf32, #tpu.memory_space<vmem>> -> memref<8x3840xf32, #tpu.memory_space<vmem>>
            %get3A_1746 = arith.constant 0 : i32
            %get3A_1747 = tpu.memref_slice %get3A_1745[%scan3A_1218, %get3A_1746] : memref<8x3840xf32, #tpu.memory_space<vmem>> -> memref<1x3840xf32, #tpu.memory_space<vmem>>
            %get3A_1748 = tpu.memref_squeeze %get3A_1747 : memref<1x3840xf32, #tpu.memory_space<vmem>> -> memref<3840xf32, #tpu.memory_space<vmem>>
            %get3A_1749 = arith.index_cast %mul3A_1741 : i32 to index
            %get3A_1750 = tpu.vector_load %get3A_1748[%get3A_1749] {strides = array<i32>} : memref<3840xf32, #tpu.memory_space<vmem>>, vector<16xf32>,
            %get3A_1751 = vector.shape_cast %get3A_1750 : vector<16xf32> to vector<16xf32>
            %sub3A_1752 = arith.subf %get3A_1751, %max3A_1209 : vector<16xf32>
            %exp3A_1753 = math.exp %sub3A_1752 : vector<16xf32>
            %add3A_1754 = arith.addf %scan3A_1739, %exp3A_1753 : vector<16xf32>
            scf.yield %add3A_1754 : vector<16xf32>
          }
          %scan3A_1224 = arith.constant 240 : i32
          %swap3A_1225 = arith.constant 5 : i32
          %swap3A_1226 = arith.index_cast %swap3A_1225 : i32 to index
          %swap3A_1227 = arith.constant 0 : index
          %swap3A_1228 = tpu.vector_load %arg5[%swap3A_1226, %swap3A_1227] {strides = array<i32>} : memref<8x16xf32, #tpu.memory_space<vmem>>, vector<1x16xf32>,
          %swap3A_1229 = vector.shape_cast %swap3A_1228 : vector<1x16xf32> to vector<16xf32>
          %swap3A_1230 = vector.shape_cast %max3A_1209 : vector<16xf32> to vector<1x16xf32>
          tpu.vector_store %arg5[%swap3A_1226, %swap3A_1227], %swap3A_1230 {strides = array<i32>} : memref<8x16xf32, #tpu.memory_space<vmem>>, vector<1x16xf32>,
          %swap3A_1231 = arith.constant 5 : i32
          %swap3A_1232 = arith.index_cast %swap3A_1231 : i32 to index
          %swap3A_1233 = arith.constant 0 : index
          %swap3A_1234 = tpu.vector_load %arg6[%swap3A_1232, %swap3A_1233] {strides = array<i32>} : memref<8x16xf32, #tpu.memory_space<vmem>>, vector<1x16xf32>,
          %swap3A_1235 = vector.shape_cast %swap3A_1234 : vector<1x16xf32> to vector<16xf32>
          %swap3A_1236 = vector.shape_cast %scan3A_1223 : vector<16xf32> to vector<1x16xf32>
          tpu.vector_store %arg6[%swap3A_1232, %swap3A_1233], %swap3A_1236 {strides = array<i32>} : memref<8x16xf32, #tpu.memory_space<vmem>>, vector<1x16xf32>,
          %swap3A_1237 = arith.constant 5 : i32
          %swap3A_1238 = arith.index_cast %swap3A_1237 : i32 to index
          %swap3A_1239 = arith.constant 0 : index
          %swap3A_1240 = tpu.vector_load %arg7[%swap3A_1238, %swap3A_1239] {strides = array<i32>} : memref<8x16xf32, #tpu.memory_space<vmem>>, vector<1x16xf32>,
          %swap3A_1241 = vector.shape_cast %swap3A_1240 : vector<1x16xf32> to vector<16xf32>
          %swap3A_1242 = vector.shape_cast %scan3A_1202#1 : vector<16xf32> to vector<1x16xf32>
          tpu.vector_store %arg7[%swap3A_1238, %swap3A_1239], %swap3A_1242 {strides = array<i32>} : memref<8x16xf32, #tpu.memory_space<vmem>>, vector<1x16xf32>,
          %swap3A_1243 = arith.constant 5 : i32
          %swap3A_1244 = arith.index_cast %swap3A_1243 : i32 to index
          %swap3A_1245 = arith.constant 0 : index
          %swap3A_1246 = tpu.vector_load %arg8[%swap3A_1244, %swap3A_1245] {strides = array<i32>} : memref<8x16xf32, #tpu.memory_space<vmem>>, vector<1x16xf32>,
          %swap3A_1247 = vector.shape_cast %swap3A_1246 : vector<1x16xf32> to vector<16xf32>
          %swap3A_1248 = vector.shape_cast %scan3A_1202#2 : vector<16xf32> to vector<1x16xf32>
          tpu.vector_store %arg8[%swap3A_1244, %swap3A_1245], %swap3A_1248 {strides = array<i32>} : memref<8x16xf32, #tpu.memory_space<vmem>>, vector<1x16xf32>,
          %swap3A_1249 = arith.constant 5 : i32
          %swap3A_1250 = arith.constant 0 : i32
          %swap3A_1251 = arith.constant 0 : i32
          %swap3A_1252 = tpu.memref_slice %run_scoped3A_22[%rem3A_413, %swap3A_1250, %swap3A_1251] : memref<2x8x80xf32, #tpu.memory_space<vmem>> -> memref<1x8x80xf32, #tpu.memory_space<vmem>>
          %swap3A_1253 = tpu.memref_squeeze %swap3A_1252 : memref<1x8x80xf32, #tpu.memory_space<vmem>> -> memref<8x80xf32, #tpu.memory_space<vmem>>
          %swap3A_1254 = arith.constant 0 : i32
          %swap3A_1255 = tpu.memref_slice %swap3A_1253[%swap3A_1249, %swap3A_1254] : memref<8x80xf32, #tpu.memory_space<vmem>> -> memref<1x80xf32, #tpu.memory_space<vmem>>
          %swap3A_1256 = tpu.memref_squeeze %swap3A_1255 : memref<1x80xf32, #tpu.memory_space<vmem>> -> memref<80xf32, #tpu.memory_space<vmem>>
          %swap3A_1257 = arith.constant 0 : index
          %swap3A_1258 = tpu.vector_load %swap3A_1256[%swap3A_1257] {strides = array<i32>} : memref<80xf32, #tpu.memory_space<vmem>>, vector<16xf32>,
          %swap3A_1259 = vector.shape_cast %swap3A_1258 : vector<16xf32> to vector<16xf32>
          %swap3A_1260 = vector.shape_cast %max3A_1209 : vector<16xf32> to vector<16xf32>
          tpu.vector_store %swap3A_1256[%swap3A_1257], %swap3A_1260 {strides = array<i32>} : memref<80xf32, #tpu.memory_space<vmem>>, vector<16xf32>,
          %swap3A_1261 = arith.constant 5 : i32
          %swap3A_1262 = arith.constant 0 : i32
          %swap3A_1263 = arith.constant 0 : i32
          %swap3A_1264 = tpu.memref_slice %run_scoped3A_22[%rem3A_413, %swap3A_1262, %swap3A_1263] : memref<2x8x80xf32, #tpu.memory_space<vmem>> -> memref<1x8x80xf32, #tpu.memory_space<vmem>>
          %swap3A_1265 = tpu.memref_squeeze %swap3A_1264 : memref<1x8x80xf32, #tpu.memory_space<vmem>> -> memref<8x80xf32, #tpu.memory_space<vmem>>
          %swap3A_1266 = arith.constant 0 : i32
          %swap3A_1267 = tpu.memref_slice %swap3A_1265[%swap3A_1261, %swap3A_1266] : memref<8x80xf32, #tpu.memory_space<vmem>> -> memref<1x80xf32, #tpu.memory_space<vmem>>
          %swap3A_1268 = tpu.memref_squeeze %swap3A_1267 : memref<1x80xf32, #tpu.memory_space<vmem>> -> memref<80xf32, #tpu.memory_space<vmem>>
          %swap3A_1269 = arith.constant 16 : index
          %swap3A_1270 = tpu.vector_load %swap3A_1268[%swap3A_1269] {strides = array<i32>} : memref<80xf32, #tpu.memory_space<vmem>>, vector<16xf32>,
          %swap3A_1271 = vector.shape_cast %swap3A_1270 : vector<16xf32> to vector<16xf32>
          %swap3A_1272 = vector.shape_cast %scan3A_1223 : vector<16xf32> to vector<16xf32>
          tpu.vector_store %swap3A_1268[%swap3A_1269], %swap3A_1272 {strides = array<i32>} : memref<80xf32, #tpu.memory_space<vmem>>, vector<16xf32>,
          %swap3A_1273 = arith.constant 5 : i32
          %swap3A_1274 = arith.constant 0 : i32
          %swap3A_1275 = arith.constant 0 : i32
          %swap3A_1276 = tpu.memref_slice %run_scoped3A_22[%rem3A_413, %swap3A_1274, %swap3A_1275] : memref<2x8x80xf32, #tpu.memory_space<vmem>> -> memref<1x8x80xf32, #tpu.memory_space<vmem>>
          %swap3A_1277 = tpu.memref_squeeze %swap3A_1276 : memref<1x8x80xf32, #tpu.memory_space<vmem>> -> memref<8x80xf32, #tpu.memory_space<vmem>>
          %swap3A_1278 = arith.constant 0 : i32
          %swap3A_1279 = tpu.memref_slice %swap3A_1277[%swap3A_1273, %swap3A_1278] : memref<8x80xf32, #tpu.memory_space<vmem>> -> memref<1x80xf32, #tpu.memory_space<vmem>>
          %swap3A_1280 = tpu.memref_squeeze %swap3A_1279 : memref<1x80xf32, #tpu.memory_space<vmem>> -> memref<80xf32, #tpu.memory_space<vmem>>
          %swap3A_1281 = arith.constant 32 : index
          %swap3A_1282 = tpu.vector_load %swap3A_1280[%swap3A_1281] {strides = array<i32>} : memref<80xf32, #tpu.memory_space<vmem>>, vector<16xf32>,
          %swap3A_1283 = vector.shape_cast %swap3A_1282 : vector<16xf32> to vector<16xf32>
          %swap3A_1284 = vector.shape_cast %scan3A_1202#1 : vector<16xf32> to vector<16xf32>
          tpu.vector_store %swap3A_1280[%swap3A_1281], %swap3A_1284 {strides = array<i32>} : memref<80xf32, #tpu.memory_space<vmem>>, vector<16xf32>,
          %swap3A_1285 = arith.constant 5 : i32
          %swap3A_1286 = arith.constant 0 : i32
          %swap3A_1287 = arith.constant 0 : i32
          %swap3A_1288 = tpu.memref_slice %run_scoped3A_22[%rem3A_413, %swap3A_1286, %swap3A_1287] : memref<2x8x80xf32, #tpu.memory_space<vmem>> -> memref<1x8x80xf32, #tpu.memory_space<vmem>>
          %swap3A_1289 = tpu.memref_squeeze %swap3A_1288 : memref<1x8x80xf32, #tpu.memory_space<vmem>> -> memref<8x80xf32, #tpu.memory_space<vmem>>
          %swap3A_1290 = arith.constant 0 : i32
          %swap3A_1291 = tpu.memref_slice %swap3A_1289[%swap3A_1285, %swap3A_1290] : memref<8x80xf32, #tpu.memory_space<vmem>> -> memref<1x80xf32, #tpu.memory_space<vmem>>
          %swap3A_1292 = tpu.memref_squeeze %swap3A_1291 : memref<1x80xf32, #tpu.memory_space<vmem>> -> memref<80xf32, #tpu.memory_space<vmem>>
          %swap3A_1293 = arith.constant 48 : index
          %swap3A_1294 = tpu.vector_load %swap3A_1292[%swap3A_1293] {strides = array<i32>} : memref<80xf32, #tpu.memory_space<vmem>>, vector<16xf32>,
          %swap3A_1295 = vector.shape_cast %swap3A_1294 : vector<16xf32> to vector<16xf32>
          %swap3A_1296 = vector.shape_cast %scan3A_1202#2 : vector<16xf32> to vector<16xf32>
          tpu.vector_store %swap3A_1292[%swap3A_1293], %swap3A_1296 {strides = array<i32>} : memref<80xf32, #tpu.memory_space<vmem>>, vector<16xf32>,
          %get3A_1297 = arith.constant 5 : i32
          %get3A_1298 = arith.index_cast %get3A_1297 : i32 to index
          %get3A_1299 = arith.constant 0 : index
          %get3A_1300 = tpu.vector_load %arg9[%get3A_1298, %get3A_1299] {strides = array<i32>} : memref<8x16xf32, #tpu.memory_space<vmem>>, vector<1x16xf32>,
          %get3A_1301 = vector.shape_cast %get3A_1300 : vector<1x16xf32> to vector<16xf32>
          %swap3A_1302 = arith.constant 5 : i32
          %swap3A_1303 = arith.constant 0 : i32
          %swap3A_1304 = arith.constant 0 : i32
          %swap3A_1305 = tpu.memref_slice %run_scoped3A_22[%rem3A_413, %swap3A_1303, %swap3A_1304] : memref<2x8x80xf32, #tpu.memory_space<vmem>> -> memref<1x8x80xf32, #tpu.memory_space<vmem>>
          %swap3A_1306 = tpu.memref_squeeze %swap3A_1305 : memref<1x8x80xf32, #tpu.memory_space<vmem>> -> memref<8x80xf32, #tpu.memory_space<vmem>>
          %swap3A_1307 = arith.constant 0 : i32
          %swap3A_1308 = tpu.memref_slice %swap3A_1306[%swap3A_1302, %swap3A_1307] : memref<8x80xf32, #tpu.memory_space<vmem>> -> memref<1x80xf32, #tpu.memory_space<vmem>>
          %swap3A_1309 = tpu.memref_squeeze %swap3A_1308 : memref<1x80xf32, #tpu.memory_space<vmem>> -> memref<80xf32, #tpu.memory_space<vmem>>
          %swap3A_1310 = arith.constant 64 : index
          %swap3A_1311 = tpu.vector_load %swap3A_1309[%swap3A_1310] {strides = array<i32>} : memref<80xf32, #tpu.memory_space<vmem>>, vector<16xf32>,
          %swap3A_1312 = vector.shape_cast %swap3A_1311 : vector<16xf32> to vector<16xf32>
          %swap3A_1313 = vector.shape_cast %get3A_1301 : vector<16xf32> to vector<16xf32>
          tpu.vector_store %swap3A_1309[%swap3A_1310], %swap3A_1313 {strides = array<i32>} : memref<80xf32, #tpu.memory_space<vmem>>, vector<16xf32>,
          %get3A_1314 = arith.constant 6 : i32
          %get3A_1315 = arith.constant 0 : i32
          %get3A_1316 = arith.constant 0 : i32
          %get3A_1317 = tpu.memref_slice %run_scoped3A_20[%rem3A_411, %get3A_1315, %get3A_1316] : memref<2x8x16xi32, #tpu.memory_space<vmem>> -> memref<1x8x16xi32, #tpu.memory_space<vmem>>
          %get3A_1318 = tpu.memref_squeeze %get3A_1317 : memref<1x8x16xi32, #tpu.memory_space<vmem>> -> memref<8x16xi32, #tpu.memory_space<vmem>>
          %get3A_1319 = arith.constant 0 : i32
          %get3A_1320 = tpu.memref_slice %get3A_1318[%get3A_1314, %get3A_1319] : memref<8x16xi32, #tpu.memory_space<vmem>> -> memref<1x16xi32, #tpu.memory_space<vmem>>
          %get3A_1321 = tpu.memref_squeeze %get3A_1320 : memref<1x16xi32, #tpu.memory_space<vmem>> -> memref<16xi32, #tpu.memory_space<vmem>>
          %get3A_1322 = arith.constant 0 : index
          %get3A_1323 = tpu.vector_load %get3A_1321[%get3A_1322] {strides = array<i32>} : memref<16xi32, #tpu.memory_space<vmem>>, vector<16xi32>,
          %get3A_1324 = vector.shape_cast %get3A_1323 : vector<16xi32> to vector<16xi32>
          %eq3A_1325 = arith.constant 0 : i32
          %eq3A_1326 = arith.cmpi eq, %add3A_269, %eq3A_1325 : i32
          %convert_element_type3A_1327 = arith.extui %eq3A_1326 : i1 to i32
          %cond3A_1328 = arith.constant 6 : i32
          %cond3A_1329 = arith.constant 6 : i32
          %cond3A_1330 = arith.constant 6 : i32
          %cond3A_1331 = arith.constant 6 : i32
          %cond3A_1332 = arith.constant 6 : i32
          %cond3A_1333 = arith.constant 6 : i32
          %cond3A_1334 = arith.constant 0 : i32
          %cond3A_1335 = arith.cmpi ne, %convert_element_type3A_1327, %cond3A_1334 : i32
          scf.if %cond3A_1335 {
            %broadcast_in_dim3A_1738 = arith.constant 0xFF800000 : f32
            %broadcast_in_dim3A_1739 = vector.broadcast %broadcast_in_dim3A_1738 : f32 to vector<16xf32>
            %swap3A_1740 = arith.index_cast %cond3A_1328 : i32 to index
            %swap3A_1741 = arith.constant 0 : index
            %swap3A_1742 = tpu.vector_load %arg5[%swap3A_1740, %swap3A_1741] {strides = array<i32>} : memref<8x16xf32, #tpu.memory_space<vmem>>, vector<1x16xf32>,
            %swap3A_1743 = vector.shape_cast %swap3A_1742 : vector<1x16xf32> to vector<16xf32>
            %swap3A_1744 = vector.shape_cast %broadcast_in_dim3A_1739 : vector<16xf32> to vector<1x16xf32>
            tpu.vector_store %arg5[%swap3A_1740, %swap3A_1741], %swap3A_1744 {strides = array<i32>} : memref<8x16xf32, #tpu.memory_space<vmem>>, vector<1x16xf32>,
            %broadcast_in_dim3A_1745 = arith.constant 0.000000e+00 : f32
            %broadcast_in_dim3A_1746 = vector.broadcast %broadcast_in_dim3A_1745 : f32 to vector<16xf32>
            %swap3A_1747 = arith.index_cast %cond3A_1329 : i32 to index
            %swap3A_1748 = arith.constant 0 : index
            %swap3A_1749 = tpu.vector_load %arg6[%swap3A_1747, %swap3A_1748] {strides = array<i32>} : memref<8x16xf32, #tpu.memory_space<vmem>>, vector<1x16xf32>,
            %swap3A_1750 = vector.shape_cast %swap3A_1749 : vector<1x16xf32> to vector<16xf32>
            %swap3A_1751 = vector.shape_cast %broadcast_in_dim3A_1746 : vector<16xf32> to vector<1x16xf32>
            tpu.vector_store %arg6[%swap3A_1747, %swap3A_1748], %swap3A_1751 {strides = array<i32>} : memref<8x16xf32, #tpu.memory_space<vmem>>, vector<1x16xf32>,
            %broadcast_in_dim3A_1752 = arith.constant 0.000000e+00 : f32
            %broadcast_in_dim3A_1753 = vector.broadcast %broadcast_in_dim3A_1752 : f32 to vector<16xf32>
            %swap3A_1754 = arith.index_cast %cond3A_1330 : i32 to index
            %swap3A_1755 = arith.constant 0 : index
            %swap3A_1756 = tpu.vector_load %arg7[%swap3A_1754, %swap3A_1755] {strides = array<i32>} : memref<8x16xf32, #tpu.memory_space<vmem>>, vector<1x16xf32>,
            %swap3A_1757 = vector.shape_cast %swap3A_1756 : vector<1x16xf32> to vector<16xf32>
            %swap3A_1758 = vector.shape_cast %broadcast_in_dim3A_1753 : vector<16xf32> to vector<1x16xf32>
            tpu.vector_store %arg7[%swap3A_1754, %swap3A_1755], %swap3A_1758 {strides = array<i32>} : memref<8x16xf32, #tpu.memory_space<vmem>>, vector<1x16xf32>,
            %broadcast_in_dim3A_1759 = arith.constant 0.000000e+00 : f32
            %broadcast_in_dim3A_1760 = vector.broadcast %broadcast_in_dim3A_1759 : f32 to vector<16xf32>
            %swap3A_1761 = arith.index_cast %cond3A_1331 : i32 to index
            %swap3A_1762 = arith.constant 0 : index
            %swap3A_1763 = tpu.vector_load %arg8[%swap3A_1761, %swap3A_1762] {strides = array<i32>} : memref<8x16xf32, #tpu.memory_space<vmem>>, vector<1x16xf32>,
            %swap3A_1764 = vector.shape_cast %swap3A_1763 : vector<1x16xf32> to vector<16xf32>
            %swap3A_1765 = vector.shape_cast %broadcast_in_dim3A_1760 : vector<16xf32> to vector<1x16xf32>
            tpu.vector_store %arg8[%swap3A_1761, %swap3A_1762], %swap3A_1765 {strides = array<i32>} : memref<8x16xf32, #tpu.memory_space<vmem>>, vector<1x16xf32>,
            %get3A_1766 = arith.constant 0 : i32
            %get3A_1767 = arith.constant 0 : i32
            %get3A_1768 = tpu.memref_slice %run_scoped3A[%rem3A_409, %get3A_1766, %get3A_1767] : memref<2x8x3840xf32, #tpu.memory_space<vmem>> -> memref<1x8x3840xf32, #tpu.memory_space<vmem>>
            %get3A_1769 = tpu.memref_squeeze %get3A_1768 : memref<1x8x3840xf32, #tpu.memory_space<vmem>> -> memref<8x3840xf32, #tpu.memory_space<vmem>>
            %get3A_1770 = arith.constant 0 : i32
            %get3A_1771 = tpu.memref_slice %get3A_1769[%cond3A_1332, %get3A_1770] : memref<8x3840xf32, #tpu.memory_space<vmem>> -> memref<1x3840xf32, #tpu.memory_space<vmem>>
            %get3A_1772 = tpu.memref_squeeze %get3A_1771 : memref<1x3840xf32, #tpu.memory_space<vmem>> -> memref<3840xf32, #tpu.memory_space<vmem>>
            %get3A_1773 = arith.constant 0 : index
            %get3A_1774 = tpu.vector_load %get3A_1772[%get3A_1773] {strides = array<i32>} : memref<3840xf32, #tpu.memory_space<vmem>>, vector<16xf32>,
            %get3A_1775 = vector.shape_cast %get3A_1774 : vector<16xf32> to vector<16xf32>
            %swap3A_1776 = arith.index_cast %cond3A_1333 : i32 to index
            %swap3A_1777 = arith.constant 0 : index
            %swap3A_1778 = tpu.vector_load %arg9[%swap3A_1776, %swap3A_1777] {strides = array<i32>} : memref<8x16xf32, #tpu.memory_space<vmem>>, vector<1x16xf32>,
            %swap3A_1779 = vector.shape_cast %swap3A_1778 : vector<1x16xf32> to vector<16xf32>
            %swap3A_1780 = vector.shape_cast %get3A_1775 : vector<16xf32> to vector<1x16xf32>
            tpu.vector_store %arg9[%swap3A_1776, %swap3A_1777], %swap3A_1780 {strides = array<i32>} : memref<8x16xf32, #tpu.memory_space<vmem>>, vector<1x16xf32>,
          } else {
          }
          %broadcast_in_dim3A_1336 = arith.constant 0xFF800000 : f32
          %broadcast_in_dim3A_1337 = vector.broadcast %broadcast_in_dim3A_1336 : f32 to vector<16xf32>
          %get3A_1338 = arith.constant 6 : i32
          %get3A_1339 = arith.index_cast %get3A_1338 : i32 to index
          %get3A_1340 = arith.constant 0 : index
          %get3A_1341 = tpu.vector_load %arg7[%get3A_1339, %get3A_1340] {strides = array<i32>} : memref<8x16xf32, #tpu.memory_space<vmem>>, vector<1x16xf32>,
          %get3A_1342 = vector.shape_cast %get3A_1341 : vector<1x16xf32> to vector<16xf32>
          %get3A_1343 = arith.constant 6 : i32
          %get3A_1344 = arith.index_cast %get3A_1343 : i32 to index
          %get3A_1345 = arith.constant 0 : index
          %get3A_1346 = tpu.vector_load %arg8[%get3A_1344, %get3A_1345] {strides = array<i32>} : memref<8x16xf32, #tpu.memory_space<vmem>>, vector<1x16xf32>,
          %get3A_1347 = vector.shape_cast %get3A_1346 : vector<1x16xf32> to vector<16xf32>
          %scan3A_1348 = arith.constant 6 : i32
          %scan3A_1349 = arith.constant 0 : i32
          %scan3A_1350 = arith.constant 240 : i32
          %scan3A_1351 = arith.addi %scan3A_1349, %scan3A_1350 : i32
          %scan3A_1352 = arith.constant 1 : i32
          %scan3A_1353:3 = scf.for %scan3A_1738 = %scan3A_1349 to %scan3A_1351 step %scan3A_1352 iter_args(%scan3A_1739 = %broadcast_in_dim3A_1337, %scan3A_1740 = %get3A_1342, %scan3A_1741 = %get3A_1347) -> (vector<16xf32>, vector<16xf32>, vector<16xf32>)  : i32 {
            %mul3A_1742 = arith.constant 16 : i32
            %mul3A_1743 = arith.muli %scan3A_1738, %mul3A_1742 : i32
            %get3A_1744 = arith.constant 0 : i32
            %get3A_1745 = arith.constant 0 : i32
            %get3A_1746 = tpu.memref_slice %run_scoped3A[%rem3A_409, %get3A_1744, %get3A_1745] : memref<2x8x3840xf32, #tpu.memory_space<vmem>> -> memref<1x8x3840xf32, #tpu.memory_space<vmem>>
            %get3A_1747 = tpu.memref_squeeze %get3A_1746 : memref<1x8x3840xf32, #tpu.memory_space<vmem>> -> memref<8x3840xf32, #tpu.memory_space<vmem>>
            %get3A_1748 = arith.constant 0 : i32
            %get3A_1749 = tpu.memref_slice %get3A_1747[%scan3A_1348, %get3A_1748] : memref<8x3840xf32, #tpu.memory_space<vmem>> -> memref<1x3840xf32, #tpu.memory_space<vmem>>
            %get3A_1750 = tpu.memref_squeeze %get3A_1749 : memref<1x3840xf32, #tpu.memory_space<vmem>> -> memref<3840xf32, #tpu.memory_space<vmem>>
            %get3A_1751 = arith.index_cast %mul3A_1743 : i32 to index
            %get3A_1752 = tpu.vector_load %get3A_1750[%get3A_1751] {strides = array<i32>} : memref<3840xf32, #tpu.memory_space<vmem>>, vector<16xf32>,
            %get3A_1753 = vector.shape_cast %get3A_1752 : vector<16xf32> to vector<16xf32>
            %max3A_1754 = arith.maximumf %scan3A_1739, %get3A_1753 : vector<16xf32>
            %add3A_1755 = arith.addf %scan3A_1740, %get3A_1753 : vector<16xf32>
            %mul3A_1756 = arith.constant 3840 : i32
            %mul3A_1757 = arith.muli %add3A_269, %mul3A_1756 : i32
            %mul3A_1758 = arith.constant 16 : i32
            %mul3A_1759 = arith.muli %scan3A_1738, %mul3A_1758 : i32
            %add3A_1760 = arith.addi %mul3A_1757, %mul3A_1759 : i32
            %sub3A_1761 = vector.broadcast %add3A_1760 : i32 to vector<16xi32>
            %sub3A_1762 = arith.subi %get3A_1324, %sub3A_1761 : vector<16xi32>
            %eq3A_1763 = arith.cmpi eq, %iota3A, %sub3A_1762 : vector<16xi32>
            %jit3A_1764 = arith.constant 0.000000e+00 : f32
            %broadcast_in_dim3A_1765 = vector.broadcast %jit3A_1764 : f32 to vector<16xf32>
            %select_n3A_1766 = arith.select %eq3A_1763, %get3A_1753, %broadcast_in_dim3A_1765 : vector<16xi1>, vector<16xf32>
            %add3A_1767 = arith.addf %scan3A_1741, %select_n3A_1766 : vector<16xf32>
            scf.yield %max3A_1754, %add3A_1755, %add3A_1767 : vector<16xf32>, vector<16xf32>, vector<16xf32>
          }
          %scan3A_1354 = arith.constant 240 : i32
          %get3A_1355 = arith.constant 6 : i32
          %get3A_1356 = arith.index_cast %get3A_1355 : i32 to index
          %get3A_1357 = arith.constant 0 : index
          %get3A_1358 = tpu.vector_load %arg5[%get3A_1356, %get3A_1357] {strides = array<i32>} : memref<8x16xf32, #tpu.memory_space<vmem>>, vector<1x16xf32>,
          %get3A_1359 = vector.shape_cast %get3A_1358 : vector<1x16xf32> to vector<16xf32>
          %max3A_1360 = arith.maximumf %get3A_1359, %scan3A_1353#0 : vector<16xf32>
          %get3A_1361 = arith.constant 6 : i32
          %get3A_1362 = arith.index_cast %get3A_1361 : i32 to index
          %get3A_1363 = arith.constant 0 : index
          %get3A_1364 = tpu.vector_load %arg6[%get3A_1362, %get3A_1363] {strides = array<i32>} : memref<8x16xf32, #tpu.memory_space<vmem>>, vector<1x16xf32>,
          %get3A_1365 = vector.shape_cast %get3A_1364 : vector<1x16xf32> to vector<16xf32>
          %sub3A_1366 = arith.subf %get3A_1359, %max3A_1360 : vector<16xf32>
          %exp3A_1367 = math.exp %sub3A_1366 : vector<16xf32>
          %mul3A_1368 = arith.mulf %get3A_1365, %exp3A_1367 : vector<16xf32>
          %scan3A_1369 = arith.constant 6 : i32
          %scan3A_1370 = arith.constant 0 : i32
          %scan3A_1371 = arith.constant 240 : i32
          %scan3A_1372 = arith.addi %scan3A_1370, %scan3A_1371 : i32
          %scan3A_1373 = arith.constant 1 : i32
          %scan3A_1374 = scf.for %scan3A_1738 = %scan3A_1370 to %scan3A_1372 step %scan3A_1373 iter_args(%scan3A_1739 = %mul3A_1368) -> (vector<16xf32>)  : i32 {
            %mul3A_1740 = arith.constant 16 : i32
            %mul3A_1741 = arith.muli %scan3A_1738, %mul3A_1740 : i32
            %get3A_1742 = arith.constant 0 : i32
            %get3A_1743 = arith.constant 0 : i32
            %get3A_1744 = tpu.memref_slice %run_scoped3A[%rem3A_409, %get3A_1742, %get3A_1743] : memref<2x8x3840xf32, #tpu.memory_space<vmem>> -> memref<1x8x3840xf32, #tpu.memory_space<vmem>>
            %get3A_1745 = tpu.memref_squeeze %get3A_1744 : memref<1x8x3840xf32, #tpu.memory_space<vmem>> -> memref<8x3840xf32, #tpu.memory_space<vmem>>
            %get3A_1746 = arith.constant 0 : i32
            %get3A_1747 = tpu.memref_slice %get3A_1745[%scan3A_1369, %get3A_1746] : memref<8x3840xf32, #tpu.memory_space<vmem>> -> memref<1x3840xf32, #tpu.memory_space<vmem>>
            %get3A_1748 = tpu.memref_squeeze %get3A_1747 : memref<1x3840xf32, #tpu.memory_space<vmem>> -> memref<3840xf32, #tpu.memory_space<vmem>>
            %get3A_1749 = arith.index_cast %mul3A_1741 : i32 to index
            %get3A_1750 = tpu.vector_load %get3A_1748[%get3A_1749] {strides = array<i32>} : memref<3840xf32, #tpu.memory_space<vmem>>, vector<16xf32>,
            %get3A_1751 = vector.shape_cast %get3A_1750 : vector<16xf32> to vector<16xf32>
            %sub3A_1752 = arith.subf %get3A_1751, %max3A_1360 : vector<16xf32>
            %exp3A_1753 = math.exp %sub3A_1752 : vector<16xf32>
            %add3A_1754 = arith.addf %scan3A_1739, %exp3A_1753 : vector<16xf32>
            scf.yield %add3A_1754 : vector<16xf32>
          }
          %scan3A_1375 = arith.constant 240 : i32
          %swap3A_1376 = arith.constant 6 : i32
          %swap3A_1377 = arith.index_cast %swap3A_1376 : i32 to index
          %swap3A_1378 = arith.constant 0 : index
          %swap3A_1379 = tpu.vector_load %arg5[%swap3A_1377, %swap3A_1378] {strides = array<i32>} : memref<8x16xf32, #tpu.memory_space<vmem>>, vector<1x16xf32>,
          %swap3A_1380 = vector.shape_cast %swap3A_1379 : vector<1x16xf32> to vector<16xf32>
          %swap3A_1381 = vector.shape_cast %max3A_1360 : vector<16xf32> to vector<1x16xf32>
          tpu.vector_store %arg5[%swap3A_1377, %swap3A_1378], %swap3A_1381 {strides = array<i32>} : memref<8x16xf32, #tpu.memory_space<vmem>>, vector<1x16xf32>,
          %swap3A_1382 = arith.constant 6 : i32
          %swap3A_1383 = arith.index_cast %swap3A_1382 : i32 to index
          %swap3A_1384 = arith.constant 0 : index
          %swap3A_1385 = tpu.vector_load %arg6[%swap3A_1383, %swap3A_1384] {strides = array<i32>} : memref<8x16xf32, #tpu.memory_space<vmem>>, vector<1x16xf32>,
          %swap3A_1386 = vector.shape_cast %swap3A_1385 : vector<1x16xf32> to vector<16xf32>
          %swap3A_1387 = vector.shape_cast %scan3A_1374 : vector<16xf32> to vector<1x16xf32>
          tpu.vector_store %arg6[%swap3A_1383, %swap3A_1384], %swap3A_1387 {strides = array<i32>} : memref<8x16xf32, #tpu.memory_space<vmem>>, vector<1x16xf32>,
          %swap3A_1388 = arith.constant 6 : i32
          %swap3A_1389 = arith.index_cast %swap3A_1388 : i32 to index
          %swap3A_1390 = arith.constant 0 : index
          %swap3A_1391 = tpu.vector_load %arg7[%swap3A_1389, %swap3A_1390] {strides = array<i32>} : memref<8x16xf32, #tpu.memory_space<vmem>>, vector<1x16xf32>,
          %swap3A_1392 = vector.shape_cast %swap3A_1391 : vector<1x16xf32> to vector<16xf32>
          %swap3A_1393 = vector.shape_cast %scan3A_1353#1 : vector<16xf32> to vector<1x16xf32>
          tpu.vector_store %arg7[%swap3A_1389, %swap3A_1390], %swap3A_1393 {strides = array<i32>} : memref<8x16xf32, #tpu.memory_space<vmem>>, vector<1x16xf32>,
          %swap3A_1394 = arith.constant 6 : i32
          %swap3A_1395 = arith.index_cast %swap3A_1394 : i32 to index
          %swap3A_1396 = arith.constant 0 : index
          %swap3A_1397 = tpu.vector_load %arg8[%swap3A_1395, %swap3A_1396] {strides = array<i32>} : memref<8x16xf32, #tpu.memory_space<vmem>>, vector<1x16xf32>,
          %swap3A_1398 = vector.shape_cast %swap3A_1397 : vector<1x16xf32> to vector<16xf32>
          %swap3A_1399 = vector.shape_cast %scan3A_1353#2 : vector<16xf32> to vector<1x16xf32>
          tpu.vector_store %arg8[%swap3A_1395, %swap3A_1396], %swap3A_1399 {strides = array<i32>} : memref<8x16xf32, #tpu.memory_space<vmem>>, vector<1x16xf32>,
          %swap3A_1400 = arith.constant 6 : i32
          %swap3A_1401 = arith.constant 0 : i32
          %swap3A_1402 = arith.constant 0 : i32
          %swap3A_1403 = tpu.memref_slice %run_scoped3A_22[%rem3A_413, %swap3A_1401, %swap3A_1402] : memref<2x8x80xf32, #tpu.memory_space<vmem>> -> memref<1x8x80xf32, #tpu.memory_space<vmem>>
          %swap3A_1404 = tpu.memref_squeeze %swap3A_1403 : memref<1x8x80xf32, #tpu.memory_space<vmem>> -> memref<8x80xf32, #tpu.memory_space<vmem>>
          %swap3A_1405 = arith.constant 0 : i32
          %swap3A_1406 = tpu.memref_slice %swap3A_1404[%swap3A_1400, %swap3A_1405] : memref<8x80xf32, #tpu.memory_space<vmem>> -> memref<1x80xf32, #tpu.memory_space<vmem>>
          %swap3A_1407 = tpu.memref_squeeze %swap3A_1406 : memref<1x80xf32, #tpu.memory_space<vmem>> -> memref<80xf32, #tpu.memory_space<vmem>>
          %swap3A_1408 = arith.constant 0 : index
          %swap3A_1409 = tpu.vector_load %swap3A_1407[%swap3A_1408] {strides = array<i32>} : memref<80xf32, #tpu.memory_space<vmem>>, vector<16xf32>,
          %swap3A_1410 = vector.shape_cast %swap3A_1409 : vector<16xf32> to vector<16xf32>
          %swap3A_1411 = vector.shape_cast %max3A_1360 : vector<16xf32> to vector<16xf32>
          tpu.vector_store %swap3A_1407[%swap3A_1408], %swap3A_1411 {strides = array<i32>} : memref<80xf32, #tpu.memory_space<vmem>>, vector<16xf32>,
          %swap3A_1412 = arith.constant 6 : i32
          %swap3A_1413 = arith.constant 0 : i32
          %swap3A_1414 = arith.constant 0 : i32
          %swap3A_1415 = tpu.memref_slice %run_scoped3A_22[%rem3A_413, %swap3A_1413, %swap3A_1414] : memref<2x8x80xf32, #tpu.memory_space<vmem>> -> memref<1x8x80xf32, #tpu.memory_space<vmem>>
          %swap3A_1416 = tpu.memref_squeeze %swap3A_1415 : memref<1x8x80xf32, #tpu.memory_space<vmem>> -> memref<8x80xf32, #tpu.memory_space<vmem>>
          %swap3A_1417 = arith.constant 0 : i32
          %swap3A_1418 = tpu.memref_slice %swap3A_1416[%swap3A_1412, %swap3A_1417] : memref<8x80xf32, #tpu.memory_space<vmem>> -> memref<1x80xf32, #tpu.memory_space<vmem>>
          %swap3A_1419 = tpu.memref_squeeze %swap3A_1418 : memref<1x80xf32, #tpu.memory_space<vmem>> -> memref<80xf32, #tpu.memory_space<vmem>>
          %swap3A_1420 = arith.constant 16 : index
          %swap3A_1421 = tpu.vector_load %swap3A_1419[%swap3A_1420] {strides = array<i32>} : memref<80xf32, #tpu.memory_space<vmem>>, vector<16xf32>,
          %swap3A_1422 = vector.shape_cast %swap3A_1421 : vector<16xf32> to vector<16xf32>
          %swap3A_1423 = vector.shape_cast %scan3A_1374 : vector<16xf32> to vector<16xf32>
          tpu.vector_store %swap3A_1419[%swap3A_1420], %swap3A_1423 {strides = array<i32>} : memref<80xf32, #tpu.memory_space<vmem>>, vector<16xf32>,
          %swap3A_1424 = arith.constant 6 : i32
          %swap3A_1425 = arith.constant 0 : i32
          %swap3A_1426 = arith.constant 0 : i32
          %swap3A_1427 = tpu.memref_slice %run_scoped3A_22[%rem3A_413, %swap3A_1425, %swap3A_1426] : memref<2x8x80xf32, #tpu.memory_space<vmem>> -> memref<1x8x80xf32, #tpu.memory_space<vmem>>
          %swap3A_1428 = tpu.memref_squeeze %swap3A_1427 : memref<1x8x80xf32, #tpu.memory_space<vmem>> -> memref<8x80xf32, #tpu.memory_space<vmem>>
          %swap3A_1429 = arith.constant 0 : i32
          %swap3A_1430 = tpu.memref_slice %swap3A_1428[%swap3A_1424, %swap3A_1429] : memref<8x80xf32, #tpu.memory_space<vmem>> -> memref<1x80xf32, #tpu.memory_space<vmem>>
          %swap3A_1431 = tpu.memref_squeeze %swap3A_1430 : memref<1x80xf32, #tpu.memory_space<vmem>> -> memref<80xf32, #tpu.memory_space<vmem>>
          %swap3A_1432 = arith.constant 32 : index
          %swap3A_1433 = tpu.vector_load %swap3A_1431[%swap3A_1432] {strides = array<i32>} : memref<80xf32, #tpu.memory_space<vmem>>, vector<16xf32>,
          %swap3A_1434 = vector.shape_cast %swap3A_1433 : vector<16xf32> to vector<16xf32>
          %swap3A_1435 = vector.shape_cast %scan3A_1353#1 : vector<16xf32> to vector<16xf32>
          tpu.vector_store %swap3A_1431[%swap3A_1432], %swap3A_1435 {strides = array<i32>} : memref<80xf32, #tpu.memory_space<vmem>>, vector<16xf32>,
          %swap3A_1436 = arith.constant 6 : i32
          %swap3A_1437 = arith.constant 0 : i32
          %swap3A_1438 = arith.constant 0 : i32
          %swap3A_1439 = tpu.memref_slice %run_scoped3A_22[%rem3A_413, %swap3A_1437, %swap3A_1438] : memref<2x8x80xf32, #tpu.memory_space<vmem>> -> memref<1x8x80xf32, #tpu.memory_space<vmem>>
          %swap3A_1440 = tpu.memref_squeeze %swap3A_1439 : memref<1x8x80xf32, #tpu.memory_space<vmem>> -> memref<8x80xf32, #tpu.memory_space<vmem>>
          %swap3A_1441 = arith.constant 0 : i32
          %swap3A_1442 = tpu.memref_slice %swap3A_1440[%swap3A_1436, %swap3A_1441] : memref<8x80xf32, #tpu.memory_space<vmem>> -> memref<1x80xf32, #tpu.memory_space<vmem>>
          %swap3A_1443 = tpu.memref_squeeze %swap3A_1442 : memref<1x80xf32, #tpu.memory_space<vmem>> -> memref<80xf32, #tpu.memory_space<vmem>>
          %swap3A_1444 = arith.constant 48 : index
          %swap3A_1445 = tpu.vector_load %swap3A_1443[%swap3A_1444] {strides = array<i32>} : memref<80xf32, #tpu.memory_space<vmem>>, vector<16xf32>,
          %swap3A_1446 = vector.shape_cast %swap3A_1445 : vector<16xf32> to vector<16xf32>
          %swap3A_1447 = vector.shape_cast %scan3A_1353#2 : vector<16xf32> to vector<16xf32>
          tpu.vector_store %swap3A_1443[%swap3A_1444], %swap3A_1447 {strides = array<i32>} : memref<80xf32, #tpu.memory_space<vmem>>, vector<16xf32>,
          %get3A_1448 = arith.constant 6 : i32
          %get3A_1449 = arith.index_cast %get3A_1448 : i32 to index
          %get3A_1450 = arith.constant 0 : index
          %get3A_1451 = tpu.vector_load %arg9[%get3A_1449, %get3A_1450] {strides = array<i32>} : memref<8x16xf32, #tpu.memory_space<vmem>>, vector<1x16xf32>,
          %get3A_1452 = vector.shape_cast %get3A_1451 : vector<1x16xf32> to vector<16xf32>
          %swap3A_1453 = arith.constant 6 : i32
          %swap3A_1454 = arith.constant 0 : i32
          %swap3A_1455 = arith.constant 0 : i32
          %swap3A_1456 = tpu.memref_slice %run_scoped3A_22[%rem3A_413, %swap3A_1454, %swap3A_1455] : memref<2x8x80xf32, #tpu.memory_space<vmem>> -> memref<1x8x80xf32, #tpu.memory_space<vmem>>
          %swap3A_1457 = tpu.memref_squeeze %swap3A_1456 : memref<1x8x80xf32, #tpu.memory_space<vmem>> -> memref<8x80xf32, #tpu.memory_space<vmem>>
          %swap3A_1458 = arith.constant 0 : i32
          %swap3A_1459 = tpu.memref_slice %swap3A_1457[%swap3A_1453, %swap3A_1458] : memref<8x80xf32, #tpu.memory_space<vmem>> -> memref<1x80xf32, #tpu.memory_space<vmem>>
          %swap3A_1460 = tpu.memref_squeeze %swap3A_1459 : memref<1x80xf32, #tpu.memory_space<vmem>> -> memref<80xf32, #tpu.memory_space<vmem>>
          %swap3A_1461 = arith.constant 64 : index
          %swap3A_1462 = tpu.vector_load %swap3A_1460[%swap3A_1461] {strides = array<i32>} : memref<80xf32, #tpu.memory_space<vmem>>, vector<16xf32>,
          %swap3A_1463 = vector.shape_cast %swap3A_1462 : vector<16xf32> to vector<16xf32>
          %swap3A_1464 = vector.shape_cast %get3A_1452 : vector<16xf32> to vector<16xf32>
          tpu.vector_store %swap3A_1460[%swap3A_1461], %swap3A_1464 {strides = array<i32>} : memref<80xf32, #tpu.memory_space<vmem>>, vector<16xf32>,
          %get3A_1465 = arith.constant 7 : i32
          %get3A_1466 = arith.constant 0 : i32
          %get3A_1467 = arith.constant 0 : i32
          %get3A_1468 = tpu.memref_slice %run_scoped3A_20[%rem3A_411, %get3A_1466, %get3A_1467] : memref<2x8x16xi32, #tpu.memory_space<vmem>> -> memref<1x8x16xi32, #tpu.memory_space<vmem>>
          %get3A_1469 = tpu.memref_squeeze %get3A_1468 : memref<1x8x16xi32, #tpu.memory_space<vmem>> -> memref<8x16xi32, #tpu.memory_space<vmem>>
          %get3A_1470 = arith.constant 0 : i32
          %get3A_1471 = tpu.memref_slice %get3A_1469[%get3A_1465, %get3A_1470] : memref<8x16xi32, #tpu.memory_space<vmem>> -> memref<1x16xi32, #tpu.memory_space<vmem>>
          %get3A_1472 = tpu.memref_squeeze %get3A_1471 : memref<1x16xi32, #tpu.memory_space<vmem>> -> memref<16xi32, #tpu.memory_space<vmem>>
          %get3A_1473 = arith.constant 0 : index
          %get3A_1474 = tpu.vector_load %get3A_1472[%get3A_1473] {strides = array<i32>} : memref<16xi32, #tpu.memory_space<vmem>>, vector<16xi32>,
          %get3A_1475 = vector.shape_cast %get3A_1474 : vector<16xi32> to vector<16xi32>
          %eq3A_1476 = arith.constant 0 : i32
          %eq3A_1477 = arith.cmpi eq, %add3A_269, %eq3A_1476 : i32
          %convert_element_type3A_1478 = arith.extui %eq3A_1477 : i1 to i32
          %cond3A_1479 = arith.constant 7 : i32
          %cond3A_1480 = arith.constant 7 : i32
          %cond3A_1481 = arith.constant 7 : i32
          %cond3A_1482 = arith.constant 7 : i32
          %cond3A_1483 = arith.constant 7 : i32
          %cond3A_1484 = arith.constant 7 : i32
          %cond3A_1485 = arith.constant 0 : i32
          %cond3A_1486 = arith.cmpi ne, %convert_element_type3A_1478, %cond3A_1485 : i32
          scf.if %cond3A_1486 {
            %broadcast_in_dim3A_1738 = arith.constant 0xFF800000 : f32
            %broadcast_in_dim3A_1739 = vector.broadcast %broadcast_in_dim3A_1738 : f32 to vector<16xf32>
            %swap3A_1740 = arith.index_cast %cond3A_1479 : i32 to index
            %swap3A_1741 = arith.constant 0 : index
            %swap3A_1742 = tpu.vector_load %arg5[%swap3A_1740, %swap3A_1741] {strides = array<i32>} : memref<8x16xf32, #tpu.memory_space<vmem>>, vector<1x16xf32>,
            %swap3A_1743 = vector.shape_cast %swap3A_1742 : vector<1x16xf32> to vector<16xf32>
            %swap3A_1744 = vector.shape_cast %broadcast_in_dim3A_1739 : vector<16xf32> to vector<1x16xf32>
            tpu.vector_store %arg5[%swap3A_1740, %swap3A_1741], %swap3A_1744 {strides = array<i32>} : memref<8x16xf32, #tpu.memory_space<vmem>>, vector<1x16xf32>,
            %broadcast_in_dim3A_1745 = arith.constant 0.000000e+00 : f32
            %broadcast_in_dim3A_1746 = vector.broadcast %broadcast_in_dim3A_1745 : f32 to vector<16xf32>
            %swap3A_1747 = arith.index_cast %cond3A_1480 : i32 to index
            %swap3A_1748 = arith.constant 0 : index
            %swap3A_1749 = tpu.vector_load %arg6[%swap3A_1747, %swap3A_1748] {strides = array<i32>} : memref<8x16xf32, #tpu.memory_space<vmem>>, vector<1x16xf32>,
            %swap3A_1750 = vector.shape_cast %swap3A_1749 : vector<1x16xf32> to vector<16xf32>
            %swap3A_1751 = vector.shape_cast %broadcast_in_dim3A_1746 : vector<16xf32> to vector<1x16xf32>
            tpu.vector_store %arg6[%swap3A_1747, %swap3A_1748], %swap3A_1751 {strides = array<i32>} : memref<8x16xf32, #tpu.memory_space<vmem>>, vector<1x16xf32>,
            %broadcast_in_dim3A_1752 = arith.constant 0.000000e+00 : f32
            %broadcast_in_dim3A_1753 = vector.broadcast %broadcast_in_dim3A_1752 : f32 to vector<16xf32>
            %swap3A_1754 = arith.index_cast %cond3A_1481 : i32 to index
            %swap3A_1755 = arith.constant 0 : index
            %swap3A_1756 = tpu.vector_load %arg7[%swap3A_1754, %swap3A_1755] {strides = array<i32>} : memref<8x16xf32, #tpu.memory_space<vmem>>, vector<1x16xf32>,
            %swap3A_1757 = vector.shape_cast %swap3A_1756 : vector<1x16xf32> to vector<16xf32>
            %swap3A_1758 = vector.shape_cast %broadcast_in_dim3A_1753 : vector<16xf32> to vector<1x16xf32>
            tpu.vector_store %arg7[%swap3A_1754, %swap3A_1755], %swap3A_1758 {strides = array<i32>} : memref<8x16xf32, #tpu.memory_space<vmem>>, vector<1x16xf32>,
            %broadcast_in_dim3A_1759 = arith.constant 0.000000e+00 : f32
            %broadcast_in_dim3A_1760 = vector.broadcast %broadcast_in_dim3A_1759 : f32 to vector<16xf32>
            %swap3A_1761 = arith.index_cast %cond3A_1482 : i32 to index
            %swap3A_1762 = arith.constant 0 : index
            %swap3A_1763 = tpu.vector_load %arg8[%swap3A_1761, %swap3A_1762] {strides = array<i32>} : memref<8x16xf32, #tpu.memory_space<vmem>>, vector<1x16xf32>,
            %swap3A_1764 = vector.shape_cast %swap3A_1763 : vector<1x16xf32> to vector<16xf32>
            %swap3A_1765 = vector.shape_cast %broadcast_in_dim3A_1760 : vector<16xf32> to vector<1x16xf32>
            tpu.vector_store %arg8[%swap3A_1761, %swap3A_1762], %swap3A_1765 {strides = array<i32>} : memref<8x16xf32, #tpu.memory_space<vmem>>, vector<1x16xf32>,
            %get3A_1766 = arith.constant 0 : i32
            %get3A_1767 = arith.constant 0 : i32
            %get3A_1768 = tpu.memref_slice %run_scoped3A[%rem3A_409, %get3A_1766, %get3A_1767] : memref<2x8x3840xf32, #tpu.memory_space<vmem>> -> memref<1x8x3840xf32, #tpu.memory_space<vmem>>
            %get3A_1769 = tpu.memref_squeeze %get3A_1768 : memref<1x8x3840xf32, #tpu.memory_space<vmem>> -> memref<8x3840xf32, #tpu.memory_space<vmem>>
            %get3A_1770 = arith.constant 0 : i32
            %get3A_1771 = tpu.memref_slice %get3A_1769[%cond3A_1483, %get3A_1770] : memref<8x3840xf32, #tpu.memory_space<vmem>> -> memref<1x3840xf32, #tpu.memory_space<vmem>>
            %get3A_1772 = tpu.memref_squeeze %get3A_1771 : memref<1x3840xf32, #tpu.memory_space<vmem>> -> memref<3840xf32, #tpu.memory_space<vmem>>
            %get3A_1773 = arith.constant 0 : index
            %get3A_1774 = tpu.vector_load %get3A_1772[%get3A_1773] {strides = array<i32>} : memref<3840xf32, #tpu.memory_space<vmem>>, vector<16xf32>,
            %get3A_1775 = vector.shape_cast %get3A_1774 : vector<16xf32> to vector<16xf32>
            %swap3A_1776 = arith.index_cast %cond3A_1484 : i32 to index
            %swap3A_1777 = arith.constant 0 : index
            %swap3A_1778 = tpu.vector_load %arg9[%swap3A_1776, %swap3A_1777] {strides = array<i32>} : memref<8x16xf32, #tpu.memory_space<vmem>>, vector<1x16xf32>,
            %swap3A_1779 = vector.shape_cast %swap3A_1778 : vector<1x16xf32> to vector<16xf32>
            %swap3A_1780 = vector.shape_cast %get3A_1775 : vector<16xf32> to vector<1x16xf32>
            tpu.vector_store %arg9[%swap3A_1776, %swap3A_1777], %swap3A_1780 {strides = array<i32>} : memref<8x16xf32, #tpu.memory_space<vmem>>, vector<1x16xf32>,
          } else {
          }
          %broadcast_in_dim3A_1487 = arith.constant 0xFF800000 : f32
          %broadcast_in_dim3A_1488 = vector.broadcast %broadcast_in_dim3A_1487 : f32 to vector<16xf32>
          %get3A_1489 = arith.constant 7 : i32
          %get3A_1490 = arith.index_cast %get3A_1489 : i32 to index
          %get3A_1491 = arith.constant 0 : index
          %get3A_1492 = tpu.vector_load %arg7[%get3A_1490, %get3A_1491] {strides = array<i32>} : memref<8x16xf32, #tpu.memory_space<vmem>>, vector<1x16xf32>,
          %get3A_1493 = vector.shape_cast %get3A_1492 : vector<1x16xf32> to vector<16xf32>
          %get3A_1494 = arith.constant 7 : i32
          %get3A_1495 = arith.index_cast %get3A_1494 : i32 to index
          %get3A_1496 = arith.constant 0 : index
          %get3A_1497 = tpu.vector_load %arg8[%get3A_1495, %get3A_1496] {strides = array<i32>} : memref<8x16xf32, #tpu.memory_space<vmem>>, vector<1x16xf32>,
          %get3A_1498 = vector.shape_cast %get3A_1497 : vector<1x16xf32> to vector<16xf32>
          %scan3A_1499 = arith.constant 7 : i32
          %scan3A_1500 = arith.constant 0 : i32
          %scan3A_1501 = arith.constant 240 : i32
          %scan3A_1502 = arith.addi %scan3A_1500, %scan3A_1501 : i32
          %scan3A_1503 = arith.constant 1 : i32
          %scan3A_1504:3 = scf.for %scan3A_1738 = %scan3A_1500 to %scan3A_1502 step %scan3A_1503 iter_args(%scan3A_1739 = %broadcast_in_dim3A_1488, %scan3A_1740 = %get3A_1493, %scan3A_1741 = %get3A_1498) -> (vector<16xf32>, vector<16xf32>, vector<16xf32>)  : i32 {
            %mul3A_1742 = arith.constant 16 : i32
            %mul3A_1743 = arith.muli %scan3A_1738, %mul3A_1742 : i32
            %get3A_1744 = arith.constant 0 : i32
            %get3A_1745 = arith.constant 0 : i32
            %get3A_1746 = tpu.memref_slice %run_scoped3A[%rem3A_409, %get3A_1744, %get3A_1745] : memref<2x8x3840xf32, #tpu.memory_space<vmem>> -> memref<1x8x3840xf32, #tpu.memory_space<vmem>>
            %get3A_1747 = tpu.memref_squeeze %get3A_1746 : memref<1x8x3840xf32, #tpu.memory_space<vmem>> -> memref<8x3840xf32, #tpu.memory_space<vmem>>
            %get3A_1748 = arith.constant 0 : i32
            %get3A_1749 = tpu.memref_slice %get3A_1747[%scan3A_1499, %get3A_1748] : memref<8x3840xf32, #tpu.memory_space<vmem>> -> memref<1x3840xf32, #tpu.memory_space<vmem>>
            %get3A_1750 = tpu.memref_squeeze %get3A_1749 : memref<1x3840xf32, #tpu.memory_space<vmem>> -> memref<3840xf32, #tpu.memory_space<vmem>>
            %get3A_1751 = arith.index_cast %mul3A_1743 : i32 to index
            %get3A_1752 = tpu.vector_load %get3A_1750[%get3A_1751] {strides = array<i32>} : memref<3840xf32, #tpu.memory_space<vmem>>, vector<16xf32>,
            %get3A_1753 = vector.shape_cast %get3A_1752 : vector<16xf32> to vector<16xf32>
            %max3A_1754 = arith.maximumf %scan3A_1739, %get3A_1753 : vector<16xf32>
            %add3A_1755 = arith.addf %scan3A_1740, %get3A_1753 : vector<16xf32>
            %mul3A_1756 = arith.constant 3840 : i32
            %mul3A_1757 = arith.muli %add3A_269, %mul3A_1756 : i32
            %mul3A_1758 = arith.constant 16 : i32
            %mul3A_1759 = arith.muli %scan3A_1738, %mul3A_1758 : i32
            %add3A_1760 = arith.addi %mul3A_1757, %mul3A_1759 : i32
            %sub3A_1761 = vector.broadcast %add3A_1760 : i32 to vector<16xi32>
            %sub3A_1762 = arith.subi %get3A_1475, %sub3A_1761 : vector<16xi32>
            %eq3A_1763 = arith.cmpi eq, %iota3A, %sub3A_1762 : vector<16xi32>
            %jit3A_1764 = arith.constant 0.000000e+00 : f32
            %broadcast_in_dim3A_1765 = vector.broadcast %jit3A_1764 : f32 to vector<16xf32>
            %select_n3A_1766 = arith.select %eq3A_1763, %get3A_1753, %broadcast_in_dim3A_1765 : vector<16xi1>, vector<16xf32>
            %add3A_1767 = arith.addf %scan3A_1741, %select_n3A_1766 : vector<16xf32>
            scf.yield %max3A_1754, %add3A_1755, %add3A_1767 : vector<16xf32>, vector<16xf32>, vector<16xf32>
          }
          %scan3A_1505 = arith.constant 240 : i32
          %get3A_1506 = arith.constant 7 : i32
          %get3A_1507 = arith.index_cast %get3A_1506 : i32 to index
          %get3A_1508 = arith.constant 0 : index
          %get3A_1509 = tpu.vector_load %arg5[%get3A_1507, %get3A_1508] {strides = array<i32>} : memref<8x16xf32, #tpu.memory_space<vmem>>, vector<1x16xf32>,
          %get3A_1510 = vector.shape_cast %get3A_1509 : vector<1x16xf32> to vector<16xf32>
          %max3A_1511 = arith.maximumf %get3A_1510, %scan3A_1504#0 : vector<16xf32>
          %get3A_1512 = arith.constant 7 : i32
          %get3A_1513 = arith.index_cast %get3A_1512 : i32 to index
          %get3A_1514 = arith.constant 0 : index
          %get3A_1515 = tpu.vector_load %arg6[%get3A_1513, %get3A_1514] {strides = array<i32>} : memref<8x16xf32, #tpu.memory_space<vmem>>, vector<1x16xf32>,
          %get3A_1516 = vector.shape_cast %get3A_1515 : vector<1x16xf32> to vector<16xf32>
          %sub3A_1517 = arith.subf %get3A_1510, %max3A_1511 : vector<16xf32>
          %exp3A_1518 = math.exp %sub3A_1517 : vector<16xf32>
          %mul3A_1519 = arith.mulf %get3A_1516, %exp3A_1518 : vector<16xf32>
          %scan3A_1520 = arith.constant 7 : i32
          %scan3A_1521 = arith.constant 0 : i32
          %scan3A_1522 = arith.constant 240 : i32
          %scan3A_1523 = arith.addi %scan3A_1521, %scan3A_1522 : i32
          %scan3A_1524 = arith.constant 1 : i32
          %scan3A_1525 = scf.for %scan3A_1738 = %scan3A_1521 to %scan3A_1523 step %scan3A_1524 iter_args(%scan3A_1739 = %mul3A_1519) -> (vector<16xf32>)  : i32 {
            %mul3A_1740 = arith.constant 16 : i32
            %mul3A_1741 = arith.muli %scan3A_1738, %mul3A_1740 : i32
            %get3A_1742 = arith.constant 0 : i32
            %get3A_1743 = arith.constant 0 : i32
            %get3A_1744 = tpu.memref_slice %run_scoped3A[%rem3A_409, %get3A_1742, %get3A_1743] : memref<2x8x3840xf32, #tpu.memory_space<vmem>> -> memref<1x8x3840xf32, #tpu.memory_space<vmem>>
            %get3A_1745 = tpu.memref_squeeze %get3A_1744 : memref<1x8x3840xf32, #tpu.memory_space<vmem>> -> memref<8x3840xf32, #tpu.memory_space<vmem>>
            %get3A_1746 = arith.constant 0 : i32
            %get3A_1747 = tpu.memref_slice %get3A_1745[%scan3A_1520, %get3A_1746] : memref<8x3840xf32, #tpu.memory_space<vmem>> -> memref<1x3840xf32, #tpu.memory_space<vmem>>
            %get3A_1748 = tpu.memref_squeeze %get3A_1747 : memref<1x3840xf32, #tpu.memory_space<vmem>> -> memref<3840xf32, #tpu.memory_space<vmem>>
            %get3A_1749 = arith.index_cast %mul3A_1741 : i32 to index
            %get3A_1750 = tpu.vector_load %get3A_1748[%get3A_1749] {strides = array<i32>} : memref<3840xf32, #tpu.memory_space<vmem>>, vector<16xf32>,
            %get3A_1751 = vector.shape_cast %get3A_1750 : vector<16xf32> to vector<16xf32>
            %sub3A_1752 = arith.subf %get3A_1751, %max3A_1511 : vector<16xf32>
            %exp3A_1753 = math.exp %sub3A_1752 : vector<16xf32>
            %add3A_1754 = arith.addf %scan3A_1739, %exp3A_1753 : vector<16xf32>
            scf.yield %add3A_1754 : vector<16xf32>
          }
          %scan3A_1526 = arith.constant 240 : i32
          %swap3A_1527 = arith.constant 7 : i32
          %swap3A_1528 = arith.index_cast %swap3A_1527 : i32 to index
          %swap3A_1529 = arith.constant 0 : index
          %swap3A_1530 = tpu.vector_load %arg5[%swap3A_1528, %swap3A_1529] {strides = array<i32>} : memref<8x16xf32, #tpu.memory_space<vmem>>, vector<1x16xf32>,
          %swap3A_1531 = vector.shape_cast %swap3A_1530 : vector<1x16xf32> to vector<16xf32>
          %swap3A_1532 = vector.shape_cast %max3A_1511 : vector<16xf32> to vector<1x16xf32>
          tpu.vector_store %arg5[%swap3A_1528, %swap3A_1529], %swap3A_1532 {strides = array<i32>} : memref<8x16xf32, #tpu.memory_space<vmem>>, vector<1x16xf32>,
          %swap3A_1533 = arith.constant 7 : i32
          %swap3A_1534 = arith.index_cast %swap3A_1533 : i32 to index
          %swap3A_1535 = arith.constant 0 : index
          %swap3A_1536 = tpu.vector_load %arg6[%swap3A_1534, %swap3A_1535] {strides = array<i32>} : memref<8x16xf32, #tpu.memory_space<vmem>>, vector<1x16xf32>,
          %swap3A_1537 = vector.shape_cast %swap3A_1536 : vector<1x16xf32> to vector<16xf32>
          %swap3A_1538 = vector.shape_cast %scan3A_1525 : vector<16xf32> to vector<1x16xf32>
          tpu.vector_store %arg6[%swap3A_1534, %swap3A_1535], %swap3A_1538 {strides = array<i32>} : memref<8x16xf32, #tpu.memory_space<vmem>>, vector<1x16xf32>,
          %swap3A_1539 = arith.constant 7 : i32
          %swap3A_1540 = arith.index_cast %swap3A_1539 : i32 to index
          %swap3A_1541 = arith.constant 0 : index
          %swap3A_1542 = tpu.vector_load %arg7[%swap3A_1540, %swap3A_1541] {strides = array<i32>} : memref<8x16xf32, #tpu.memory_space<vmem>>, vector<1x16xf32>,
          %swap3A_1543 = vector.shape_cast %swap3A_1542 : vector<1x16xf32> to vector<16xf32>
          %swap3A_1544 = vector.shape_cast %scan3A_1504#1 : vector<16xf32> to vector<1x16xf32>
          tpu.vector_store %arg7[%swap3A_1540, %swap3A_1541], %swap3A_1544 {strides = array<i32>} : memref<8x16xf32, #tpu.memory_space<vmem>>, vector<1x16xf32>,
          %swap3A_1545 = arith.constant 7 : i32
          %swap3A_1546 = arith.index_cast %swap3A_1545 : i32 to index
          %swap3A_1547 = arith.constant 0 : index
          %swap3A_1548 = tpu.vector_load %arg8[%swap3A_1546, %swap3A_1547] {strides = array<i32>} : memref<8x16xf32, #tpu.memory_space<vmem>>, vector<1x16xf32>,
          %swap3A_1549 = vector.shape_cast %swap3A_1548 : vector<1x16xf32> to vector<16xf32>
          %swap3A_1550 = vector.shape_cast %scan3A_1504#2 : vector<16xf32> to vector<1x16xf32>
          tpu.vector_store %arg8[%swap3A_1546, %swap3A_1547], %swap3A_1550 {strides = array<i32>} : memref<8x16xf32, #tpu.memory_space<vmem>>, vector<1x16xf32>,
          %swap3A_1551 = arith.constant 7 : i32
          %swap3A_1552 = arith.constant 0 : i32
          %swap3A_1553 = arith.constant 0 : i32
          %swap3A_1554 = tpu.memref_slice %run_scoped3A_22[%rem3A_413, %swap3A_1552, %swap3A_1553] : memref<2x8x80xf32, #tpu.memory_space<vmem>> -> memref<1x8x80xf32, #tpu.memory_space<vmem>>
          %swap3A_1555 = tpu.memref_squeeze %swap3A_1554 : memref<1x8x80xf32, #tpu.memory_space<vmem>> -> memref<8x80xf32, #tpu.memory_space<vmem>>
          %swap3A_1556 = arith.constant 0 : i32
          %swap3A_1557 = tpu.memref_slice %swap3A_1555[%swap3A_1551, %swap3A_1556] : memref<8x80xf32, #tpu.memory_space<vmem>> -> memref<1x80xf32, #tpu.memory_space<vmem>>
          %swap3A_1558 = tpu.memref_squeeze %swap3A_1557 : memref<1x80xf32, #tpu.memory_space<vmem>> -> memref<80xf32, #tpu.memory_space<vmem>>
          %swap3A_1559 = arith.constant 0 : index
          %swap3A_1560 = tpu.vector_load %swap3A_1558[%swap3A_1559] {strides = array<i32>} : memref<80xf32, #tpu.memory_space<vmem>>, vector<16xf32>,
          %swap3A_1561 = vector.shape_cast %swap3A_1560 : vector<16xf32> to vector<16xf32>
          %swap3A_1562 = vector.shape_cast %max3A_1511 : vector<16xf32> to vector<16xf32>
          tpu.vector_store %swap3A_1558[%swap3A_1559], %swap3A_1562 {strides = array<i32>} : memref<80xf32, #tpu.memory_space<vmem>>, vector<16xf32>,
          %swap3A_1563 = arith.constant 7 : i32
          %swap3A_1564 = arith.constant 0 : i32
          %swap3A_1565 = arith.constant 0 : i32
          %swap3A_1566 = tpu.memref_slice %run_scoped3A_22[%rem3A_413, %swap3A_1564, %swap3A_1565] : memref<2x8x80xf32, #tpu.memory_space<vmem>> -> memref<1x8x80xf32, #tpu.memory_space<vmem>>
          %swap3A_1567 = tpu.memref_squeeze %swap3A_1566 : memref<1x8x80xf32, #tpu.memory_space<vmem>> -> memref<8x80xf32, #tpu.memory_space<vmem>>
          %swap3A_1568 = arith.constant 0 : i32
          %swap3A_1569 = tpu.memref_slice %swap3A_1567[%swap3A_1563, %swap3A_1568] : memref<8x80xf32, #tpu.memory_space<vmem>> -> memref<1x80xf32, #tpu.memory_space<vmem>>
          %swap3A_1570 = tpu.memref_squeeze %swap3A_1569 : memref<1x80xf32, #tpu.memory_space<vmem>> -> memref<80xf32, #tpu.memory_space<vmem>>
          %swap3A_1571 = arith.constant 16 : index
          %swap3A_1572 = tpu.vector_load %swap3A_1570[%swap3A_1571] {strides = array<i32>} : memref<80xf32, #tpu.memory_space<vmem>>, vector<16xf32>,
          %swap3A_1573 = vector.shape_cast %swap3A_1572 : vector<16xf32> to vector<16xf32>
          %swap3A_1574 = vector.shape_cast %scan3A_1525 : vector<16xf32> to vector<16xf32>
          tpu.vector_store %swap3A_1570[%swap3A_1571], %swap3A_1574 {strides = array<i32>} : memref<80xf32, #tpu.memory_space<vmem>>, vector<16xf32>,
          %swap3A_1575 = arith.constant 7 : i32
          %swap3A_1576 = arith.constant 0 : i32
          %swap3A_1577 = arith.constant 0 : i32
          %swap3A_1578 = tpu.memref_slice %run_scoped3A_22[%rem3A_413, %swap3A_1576, %swap3A_1577] : memref<2x8x80xf32, #tpu.memory_space<vmem>> -> memref<1x8x80xf32, #tpu.memory_space<vmem>>
          %swap3A_1579 = tpu.memref_squeeze %swap3A_1578 : memref<1x8x80xf32, #tpu.memory_space<vmem>> -> memref<8x80xf32, #tpu.memory_space<vmem>>
          %swap3A_1580 = arith.constant 0 : i32
          %swap3A_1581 = tpu.memref_slice %swap3A_1579[%swap3A_1575, %swap3A_1580] : memref<8x80xf32, #tpu.memory_space<vmem>> -> memref<1x80xf32, #tpu.memory_space<vmem>>
          %swap3A_1582 = tpu.memref_squeeze %swap3A_1581 : memref<1x80xf32, #tpu.memory_space<vmem>> -> memref<80xf32, #tpu.memory_space<vmem>>
          %swap3A_1583 = arith.constant 32 : index
          %swap3A_1584 = tpu.vector_load %swap3A_1582[%swap3A_1583] {strides = array<i32>} : memref<80xf32, #tpu.memory_space<vmem>>, vector<16xf32>,
          %swap3A_1585 = vector.shape_cast %swap3A_1584 : vector<16xf32> to vector<16xf32>
          %swap3A_1586 = vector.shape_cast %scan3A_1504#1 : vector<16xf32> to vector<16xf32>
          tpu.vector_store %swap3A_1582[%swap3A_1583], %swap3A_1586 {strides = array<i32>} : memref<80xf32, #tpu.memory_space<vmem>>, vector<16xf32>,
          %swap3A_1587 = arith.constant 7 : i32
          %swap3A_1588 = arith.constant 0 : i32
          %swap3A_1589 = arith.constant 0 : i32
          %swap3A_1590 = tpu.memref_slice %run_scoped3A_22[%rem3A_413, %swap3A_1588, %swap3A_1589] : memref<2x8x80xf32, #tpu.memory_space<vmem>> -> memref<1x8x80xf32, #tpu.memory_space<vmem>>
          %swap3A_1591 = tpu.memref_squeeze %swap3A_1590 : memref<1x8x80xf32, #tpu.memory_space<vmem>> -> memref<8x80xf32, #tpu.memory_space<vmem>>
          %swap3A_1592 = arith.constant 0 : i32
          %swap3A_1593 = tpu.memref_slice %swap3A_1591[%swap3A_1587, %swap3A_1592] : memref<8x80xf32, #tpu.memory_space<vmem>> -> memref<1x80xf32, #tpu.memory_space<vmem>>
          %swap3A_1594 = tpu.memref_squeeze %swap3A_1593 : memref<1x80xf32, #tpu.memory_space<vmem>> -> memref<80xf32, #tpu.memory_space<vmem>>
          %swap3A_1595 = arith.constant 48 : index
          %swap3A_1596 = tpu.vector_load %swap3A_1594[%swap3A_1595] {strides = array<i32>} : memref<80xf32, #tpu.memory_space<vmem>>, vector<16xf32>,
          %swap3A_1597 = vector.shape_cast %swap3A_1596 : vector<16xf32> to vector<16xf32>
          %swap3A_1598 = vector.shape_cast %scan3A_1504#2 : vector<16xf32> to vector<16xf32>
          tpu.vector_store %swap3A_1594[%swap3A_1595], %swap3A_1598 {strides = array<i32>} : memref<80xf32, #tpu.memory_space<vmem>>, vector<16xf32>,
          %get3A_1599 = arith.constant 7 : i32
          %get3A_1600 = arith.index_cast %get3A_1599 : i32 to index
          %get3A_1601 = arith.constant 0 : index
          %get3A_1602 = tpu.vector_load %arg9[%get3A_1600, %get3A_1601] {strides = array<i32>} : memref<8x16xf32, #tpu.memory_space<vmem>>, vector<1x16xf32>,
          %get3A_1603 = vector.shape_cast %get3A_1602 : vector<1x16xf32> to vector<16xf32>
          %swap3A_1604 = arith.constant 7 : i32
          %swap3A_1605 = arith.constant 0 : i32
          %swap3A_1606 = arith.constant 0 : i32
          %swap3A_1607 = tpu.memref_slice %run_scoped3A_22[%rem3A_413, %swap3A_1605, %swap3A_1606] : memref<2x8x80xf32, #tpu.memory_space<vmem>> -> memref<1x8x80xf32, #tpu.memory_space<vmem>>
          %swap3A_1608 = tpu.memref_squeeze %swap3A_1607 : memref<1x8x80xf32, #tpu.memory_space<vmem>> -> memref<8x80xf32, #tpu.memory_space<vmem>>
          %swap3A_1609 = arith.constant 0 : i32
          %swap3A_1610 = tpu.memref_slice %swap3A_1608[%swap3A_1604, %swap3A_1609] : memref<8x80xf32, #tpu.memory_space<vmem>> -> memref<1x80xf32, #tpu.memory_space<vmem>>
          %swap3A_1611 = tpu.memref_squeeze %swap3A_1610 : memref<1x80xf32, #tpu.memory_space<vmem>> -> memref<80xf32, #tpu.memory_space<vmem>>
          %swap3A_1612 = arith.constant 64 : index
          %swap3A_1613 = tpu.vector_load %swap3A_1611[%swap3A_1612] {strides = array<i32>} : memref<80xf32, #tpu.memory_space<vmem>>, vector<16xf32>,
          %swap3A_1614 = vector.shape_cast %swap3A_1613 : vector<16xf32> to vector<16xf32>
          %swap3A_1615 = vector.shape_cast %get3A_1603 : vector<16xf32> to vector<16xf32>
          tpu.vector_store %swap3A_1611[%swap3A_1612], %swap3A_1615 {strides = array<i32>} : memref<80xf32, #tpu.memory_space<vmem>>, vector<16xf32>,
          "tpu.trace_stop"() : () -> ()
          %add3A_1616 = arith.constant 240 : i32
          %add3A_1617 = arith.addi %add3A_1616, %add3A_267 : i32
          %add3A_1618 = arith.constant 240 : i32
          %add3A_1619 = arith.addi %add3A_1618, %add3A_303 : i32
          %ne3A_1620 = arith.cmpi ne, %add3A_1617, %add3A_1619 : i32
          %ne3A_1621 = arith.cmpi ne, %add3A_269, %add3A_305 : i32
          %or3A_1622 = arith.constant false
          %or3A_1623 = arith.ori %or3A_1622, %ne3A_1620 : i1
          %or3A_1624 = arith.ori %or3A_1623, %ne3A_1621 : i1
          %or3A_1625 = arith.ori %or3A_1624, %eq3A_266 : i1
          %convert_element_type3A_1626 = arith.extui %or3A_1625 : i1 to i32
          %cond3A_1627 = arith.constant 0 : i32
          %cond3A_1628 = arith.cmpi ne, %convert_element_type3A_1626, %cond3A_1627 : i32
          scf.if %cond3A_1628 {
          } else {
          }
          %and3A_1629 = arith.constant false
          %and3A_1630 = arith.andi %or3A_1625, %and3A_1629 : i1
          %ne3A_1631 = arith.cmpi ne, %add3A_267, %add3A_303 : i32
          %or3A_1632 = arith.constant false
          %or3A_1633 = arith.ori %or3A_1632, %ne3A_1631 : i1
          %or3A_1634 = arith.constant false
          %or3A_1635 = arith.ori %or3A_1633, %or3A_1634 : i1
          %or3A_1636 = arith.ori %or3A_1635, %eq3A_266 : i1
          %convert_element_type3A_1637 = arith.extui %or3A_1636 : i1 to i32
          %cond3A_1638 = arith.constant 0 : i32
          %cond3A_1639 = arith.cmpi ne, %convert_element_type3A_1637, %cond3A_1638 : i32
          scf.if %cond3A_1639 {
          } else {
          }
          %and3A_1640 = arith.constant false
          %and3A_1641 = arith.andi %or3A_1636, %and3A_1640 : i1
          %ne3A_1642 = arith.cmpi ne, %add3A_267, %add3A_303 : i32
          %or3A_1643 = arith.constant false
          %or3A_1644 = arith.ori %or3A_1643, %ne3A_1642 : i1
          %or3A_1645 = arith.constant false
          %or3A_1646 = arith.ori %or3A_1644, %or3A_1645 : i1
          %or3A_1647 = arith.ori %or3A_1646, %eq3A_266 : i1
          %convert_element_type3A_1648 = arith.extui %or3A_1647 : i1 to i32
          %cond3A_1649 = arith.constant 0 : i32
          %cond3A_1650 = arith.cmpi ne, %convert_element_type3A_1648, %cond3A_1649 : i32
          scf.if %cond3A_1650 {
            "tpu.trace_start"() <{level = 10 : i32, message = "ep_copy_out"}> : () -> ()
            %rem3A_1738 = arith.constant 2 : i32
            %rem3A_1739 = arith.remui %while3A_254, %rem3A_1738 : i32
            %mul3A_1740 = arith.constant 8 : i32
            %mul3A_1741 = arith.muli %mul3A_1740, %add3A_267 : i32
            %dma_start3A_1742 = arith.constant 0 : i32
            %dma_start3A_1743 = arith.constant 0 : i32
            %dma_start3A_1744 = tpu.memref_slice %run_scoped3A_22[%rem3A_1739, %dma_start3A_1742, %dma_start3A_1743] : memref<2x8x80xf32, #tpu.memory_space<vmem>> -> memref<1x8x80xf32, #tpu.memory_space<vmem>>
            %dma_start3A_1745 = tpu.memref_squeeze %dma_start3A_1744 : memref<1x8x80xf32, #tpu.memory_space<vmem>> -> memref<8x80xf32, #tpu.memory_space<vmem>>
            %dma_start3A_1746 = arith.constant 0 : i32
            %dma_start3A_1747 = tpu.memref_slice %arg4[%mul3A_1741, %dma_start3A_1746] : memref<128x80xf32, #tpu.memory_space<hbm>> -> memref<8x80xf32, #tpu.memory_space<hbm>>
            %dma_start3A_1748 = tpu.memref_slice %run_scoped3A_23[%rem3A_1739] : memref<2x!tpu.dma_semaphore, #tpu.memory_space<semaphore_mem>> -> memref<1x!tpu.dma_semaphore, #tpu.memory_space<semaphore_mem>>
            %dma_start3A_1749 = tpu.memref_squeeze %dma_start3A_1748 : memref<1x!tpu.dma_semaphore, #tpu.memory_space<semaphore_mem>> -> memref<!tpu.dma_semaphore, #tpu.memory_space<semaphore_mem>>
            %dma_start3A_1750 = arith.constant 0 : i32
            %dma_start3A_1751 = tpu.memref_slice %arg4[%mul3A_1741, %dma_start3A_1750] : memref<128x80xf32, #tpu.memory_space<hbm>> -> memref<8x80xf32, #tpu.memory_space<hbm>>
            %dma_start3A_1752 = arith.constant 0 : i32
            %dma_start3A_1753 = arith.constant 0 : i32
            %dma_start3A_1754 = tpu.memref_slice %run_scoped3A_22[%rem3A_1739, %dma_start3A_1752, %dma_start3A_1753] : memref<2x8x80xf32, #tpu.memory_space<vmem>> -> memref<1x8x80xf32, #tpu.memory_space<vmem>>
            %dma_start3A_1755 = tpu.memref_squeeze %dma_start3A_1754 : memref<1x8x80xf32, #tpu.memory_space<vmem>> -> memref<8x80xf32, #tpu.memory_space<vmem>>
            tpu.enqueue_dma source(%dma_start3A_1755 : memref<8x80xf32, #tpu.memory_space<vmem>>) target(%dma_start3A_1751 : memref<8x80xf32, #tpu.memory_space<hbm>>) target_semaphore(%dma_start3A_1749 : memref<!tpu.dma_semaphore, #tpu.memory_space<semaphore_mem>>)
            "tpu.trace_stop"() : () -> ()
          } else {
          }
          %and3A_1651 = arith.constant true
          %and3A_1652 = arith.andi %or3A_1647, %and3A_1651 : i1
          %add3A_1653 = arith.constant 1 : i32
          %add3A_1654 = arith.addi %while3A_254, %add3A_1653 : i32
          %select_n3A_1655 = arith.select %and3A_1652, %add3A_1654, %while3A_254 : i32
          %add3A_1656 = arith.constant 240 : i32
          %add3A_1657 = arith.addi %add3A_1656, %add3A_267 : i32
          %add3A_1658 = arith.constant 240 : i32
          %add3A_1659 = arith.addi %add3A_1658, %add3A_286 : i32
          %ne3A_1660 = arith.cmpi ne, %add3A_1657, %add3A_1659 : i32
          %ne3A_1661 = arith.cmpi ne, %add3A_269, %add3A_288 : i32
          %or3A_1662 = arith.constant false
          %or3A_1663 = arith.ori %or3A_1662, %ne3A_1660 : i1
          %or3A_1664 = arith.ori %or3A_1663, %ne3A_1661 : i1
          %not3A_1665 = arith.constant true
          %not3A_1666 = arith.xori %eq3A_263, %not3A_1665 : i1
          %and3A_1667 = arith.andi %or3A_1664, %not3A_1666 : i1
          %convert_element_type3A_1668 = arith.extui %and3A_1667 : i1 to i32
          %cond3A_1669 = arith.constant 0 : i32
          %cond3A_1670 = arith.cmpi ne, %convert_element_type3A_1668, %cond3A_1669 : i32
          scf.if %cond3A_1670 {
          } else {
          }
          %and3A_1671 = arith.constant false
          %and3A_1672 = arith.andi %and3A_1667, %and3A_1671 : i1
          %ne3A_1673 = arith.cmpi ne, %add3A_267, %add3A_286 : i32
          %or3A_1674 = arith.constant false
          %or3A_1675 = arith.ori %or3A_1674, %ne3A_1673 : i1
          %or3A_1676 = arith.constant false
          %or3A_1677 = arith.ori %or3A_1675, %or3A_1676 : i1
          %not3A_1678 = arith.constant true
          %not3A_1679 = arith.xori %eq3A_263, %not3A_1678 : i1
          %and3A_1680 = arith.andi %or3A_1677, %not3A_1679 : i1
          %convert_element_type3A_1681 = arith.extui %and3A_1680 : i1 to i32
          %cond3A_1682 = arith.constant 0 : i32
          %cond3A_1683 = arith.cmpi ne, %convert_element_type3A_1681, %cond3A_1682 : i32
          scf.if %cond3A_1683 {
          } else {
          }
          %and3A_1684 = arith.constant false
          %and3A_1685 = arith.andi %and3A_1680, %and3A_1684 : i1
          %ne3A_1686 = arith.cmpi ne, %add3A_267, %add3A_286 : i32
          %or3A_1687 = arith.constant false
          %or3A_1688 = arith.ori %or3A_1687, %ne3A_1686 : i1
          %or3A_1689 = arith.constant false
          %or3A_1690 = arith.ori %or3A_1688, %or3A_1689 : i1
          %not3A_1691 = arith.constant true
          %not3A_1692 = arith.xori %eq3A_263, %not3A_1691 : i1
          %and3A_1693 = arith.andi %or3A_1690, %not3A_1692 : i1
          %convert_element_type3A_1694 = arith.extui %and3A_1693 : i1 to i32
          %cond3A_1695 = arith.constant 0 : i32
          %cond3A_1696 = arith.cmpi ne, %convert_element_type3A_1694, %cond3A_1695 : i32
          scf.if %cond3A_1696 {
            "tpu.trace_start"() <{level = 10 : i32, message = "ep_wait_out"}> : () -> ()
            %rem3A_1738 = arith.constant 2 : i32
            %rem3A_1739 = arith.remui %while3A_255, %rem3A_1738 : i32
            %mul3A_1740 = arith.constant 8 : i32
            %mul3A_1741 = arith.muli %mul3A_1740, %add3A_286 : i32
            %dma_wait3A = arith.constant 0 : i32
            %dma_wait3A_1742 = arith.constant 0 : i32
            %dma_wait3A_1743 = tpu.memref_slice %run_scoped3A_22[%rem3A_1739, %dma_wait3A, %dma_wait3A_1742] : memref<2x8x80xf32, #tpu.memory_space<vmem>> -> memref<1x8x80xf32, #tpu.memory_space<vmem>>
            %dma_wait3A_1744 = tpu.memref_squeeze %dma_wait3A_1743 : memref<1x8x80xf32, #tpu.memory_space<vmem>> -> memref<8x80xf32, #tpu.memory_space<vmem>>
            %dma_wait3A_1745 = arith.constant 0 : i32
            %dma_wait3A_1746 = tpu.memref_slice %arg4[%mul3A_1741, %dma_wait3A_1745] : memref<128x80xf32, #tpu.memory_space<hbm>> -> memref<8x80xf32, #tpu.memory_space<hbm>>
            %dma_wait3A_1747 = tpu.memref_slice %run_scoped3A_23[%rem3A_1739] : memref<2x!tpu.dma_semaphore, #tpu.memory_space<semaphore_mem>> -> memref<1x!tpu.dma_semaphore, #tpu.memory_space<semaphore_mem>>
            %dma_wait3A_1748 = tpu.memref_squeeze %dma_wait3A_1747 : memref<1x!tpu.dma_semaphore, #tpu.memory_space<semaphore_mem>> -> memref<!tpu.dma_semaphore, #tpu.memory_space<semaphore_mem>>
            %dma_wait3A_1749 = arith.constant 0 : i32
            %dma_wait3A_1750 = tpu.memref_slice %arg4[%mul3A_1741, %dma_wait3A_1749] : memref<128x80xf32, #tpu.memory_space<hbm>> -> memref<8x80xf32, #tpu.memory_space<hbm>>
            %dma_wait3A_1751 = arith.constant 0 : i32
            %dma_wait3A_1752 = arith.constant 0 : i32
            %dma_wait3A_1753 = tpu.memref_slice %run_scoped3A_22[%rem3A_1739, %dma_wait3A_1751, %dma_wait3A_1752] : memref<2x8x80xf32, #tpu.memory_space<vmem>> -> memref<1x8x80xf32, #tpu.memory_space<vmem>>
            %dma_wait3A_1754 = tpu.memref_squeeze %dma_wait3A_1753 : memref<1x8x80xf32, #tpu.memory_space<vmem>> -> memref<8x80xf32, #tpu.memory_space<vmem>>
            tpu.wait_dma2 semaphore(%dma_wait3A_1748 : memref<!tpu.dma_semaphore, #tpu.memory_space<semaphore_mem>>) src(%dma_wait3A_1754 : memref<8x80xf32, #tpu.memory_space<vmem>>) dst(%dma_wait3A_1750 : memref<8x80xf32, #tpu.memory_space<hbm>>)
            "tpu.trace_stop"() : () -> ()
          } else {
          }
          %and3A_1697 = arith.constant true
          %and3A_1698 = arith.andi %and3A_1693, %and3A_1697 : i1
          %add3A_1699 = arith.constant 1 : i32
          %add3A_1700 = arith.addi %while3A_255, %add3A_1699 : i32
          %select_n3A_1701 = arith.select %and3A_1698, %add3A_1700, %while3A_255 : i32
          %add3A_1702 = arith.constant 240 : i32
          %add3A_1703 = arith.addi %add3A_1702, %add3A_267 : i32
          %add3A_1704 = arith.constant 240 : i32
          %add3A_1705 = arith.addi %add3A_1704, %add3A_303 : i32
          %ne3A_1706 = arith.cmpi ne, %add3A_1703, %add3A_1705 : i32
          %ne3A_1707 = arith.cmpi ne, %add3A_269, %add3A_305 : i32
          %or3A_1708 = arith.constant false
          %or3A_1709 = arith.ori %or3A_1708, %ne3A_1706 : i1
          %or3A_1710 = arith.ori %or3A_1709, %ne3A_1707 : i1
          %or3A_1711 = arith.ori %or3A_1710, %eq3A_266 : i1
          %add3A_1712 = arith.constant 1 : i32
          %add3A_1713 = arith.addi %while3A_251, %add3A_1712 : i32
          %select_n3A_1714 = arith.select %or3A_1711, %add3A_1713, %while3A_251 : i32
          %ne3A_1715 = arith.cmpi ne, %add3A_267, %add3A_303 : i32
          %or3A_1716 = arith.constant false
          %or3A_1717 = arith.ori %or3A_1716, %ne3A_1715 : i1
          %or3A_1718 = arith.constant false
          %or3A_1719 = arith.ori %or3A_1717, %or3A_1718 : i1
          %or3A_1720 = arith.ori %or3A_1719, %eq3A_266 : i1
          %add3A_1721 = arith.constant 1 : i32
          %add3A_1722 = arith.addi %while3A_253, %add3A_1721 : i32
          %select_n3A_1723 = arith.select %or3A_1720, %add3A_1722, %while3A_253 : i32
          %add3A_1724 = arith.constant 1 : i32
          %add3A_1725 = arith.addi %while3A_257, %add3A_1724 : i32
          %select_n3A_1726 = arith.constant true
          %select_n3A_1727 = arith.select %select_n3A_1726, %add3A_1725, %while3A_257 : i32
          %eq3A_1728 = arith.constant 26 : i32
          %eq3A_1729 = arith.cmpi eq, %select_n3A_1727, %eq3A_1728 : i32
          %select_n3A_1730 = arith.constant 0 : i32
          %select_n3A_1731 = arith.select %eq3A_1729, %select_n3A_1730, %select_n3A_1727 : i32
          %add3A_1732 = arith.constant 1 : i32
          %add3A_1733 = arith.addi %while3A_256, %add3A_1732 : i32
          %select_n3A_1734 = arith.select %eq3A_1729, %add3A_1733, %while3A_256 : i32
          %eq3A_1735 = arith.cmpi eq, %select_n3A_1734, %select_n3A : i32
          %select_n3A_1736 = arith.constant 0 : i32
          %select_n3A_1737 = arith.select %eq3A_1735, %select_n3A_1736, %select_n3A_1734 : i32
          scf.yield %select_n3A_342, %select_n3A_1714, %select_n3A_363, %select_n3A_1723, %select_n3A_1655, %select_n3A_1701, %select_n3A_1737, %select_n3A_1731 : i32, i32, i32, i32, i32, i32, i32, i32
        }
        %sub3A_157 = arith.constant 1 : i32
        %sub3A_158 = arith.subi %while3A_156#7, %sub3A_157 : i32
        %select_n3A_159 = arith.constant true
        %select_n3A_160 = arith.select %select_n3A_159, %sub3A_158, %while3A_156#7 : i32
        %eq3A_161 = arith.constant -1 : i32
        %eq3A_162 = arith.cmpi eq, %select_n3A_160, %eq3A_161 : i32
        %select_n3A_163 = arith.constant 25 : i32
        %select_n3A_164 = arith.select %eq3A_162, %select_n3A_163, %select_n3A_160 : i32
        %sub3A_165 = arith.constant 1 : i32
        %sub3A_166 = arith.subi %while3A_156#6, %sub3A_165 : i32
        %select_n3A_167 = arith.select %eq3A_162, %sub3A_166, %while3A_156#6 : i32
        %eq3A_168 = arith.constant -1 : i32
        %eq3A_169 = arith.cmpi eq, %select_n3A_167, %eq3A_168 : i32
        %sub3A_170 = arith.constant 1 : i32
        %sub3A_171 = arith.subi %select_n3A, %sub3A_170 : i32
        %select_n3A_172 = arith.select %eq3A_169, %sub3A_171, %select_n3A_167 : i32
        %sub3A_173 = arith.constant 1 : i32
        %sub3A_174 = arith.subi %mul3A_18, %sub3A_173 : i32
        %mul3A_175 = arith.constant 1 : i32
        %mul3A_176 = arith.muli %mul3A_175, %select_n3A : i32
        %mul3A_177 = arith.constant 26 : i32
        %mul3A_178 = arith.muli %mul3A_176, %mul3A_177 : i32
        %eq3A_179 = arith.constant 0 : i32
        %eq3A_180 = arith.cmpi eq, %sub3A_174, %eq3A_179 : i32
        %sub3A_181 = arith.constant 1 : i32
        %sub3A_182 = arith.subi %mul3A_178, %sub3A_181 : i32
        %eq3A_183 = arith.cmpi eq, %sub3A_174, %sub3A_182 : i32
        %add3A_184 = arith.addi %select_n3A_172, %select_n3A_14 : i32
        %add3A_185 = arith.constant 0 : i32
        %add3A_186 = arith.addi %select_n3A_164, %add3A_185 : i32
        %sub3A_187 = arith.constant 1 : i32
        %sub3A_188 = arith.subi %select_n3A_164, %sub3A_187 : i32
        %select_n3A_189 = arith.constant true
        %select_n3A_190 = arith.select %select_n3A_189, %sub3A_188, %select_n3A_164 : i32
        %eq3A_191 = arith.constant -1 : i32
        %eq3A_192 = arith.cmpi eq, %select_n3A_190, %eq3A_191 : i32
        %select_n3A_193 = arith.constant 25 : i32
        %select_n3A_194 = arith.select %eq3A_192, %select_n3A_193, %select_n3A_190 : i32
        %sub3A_195 = arith.constant 1 : i32
        %sub3A_196 = arith.subi %select_n3A_172, %sub3A_195 : i32
        %select_n3A_197 = arith.select %eq3A_192, %sub3A_196, %select_n3A_172 : i32
        %eq3A_198 = arith.constant -1 : i32
        %eq3A_199 = arith.cmpi eq, %select_n3A_197, %eq3A_198 : i32
        %sub3A_200 = arith.constant 1 : i32
        %sub3A_201 = arith.subi %select_n3A, %sub3A_200 : i32
        %select_n3A_202 = arith.select %eq3A_199, %sub3A_201, %select_n3A_197 : i32
        %add3A_203 = arith.addi %select_n3A_202, %select_n3A_14 : i32
        %add3A_204 = arith.constant 0 : i32
        %add3A_205 = arith.addi %select_n3A_194, %add3A_204 : i32
        %add3A_206 = arith.constant 1 : i32
        %add3A_207 = arith.addi %select_n3A_164, %add3A_206 : i32
        %select_n3A_208 = arith.constant true
        %select_n3A_209 = arith.select %select_n3A_208, %add3A_207, %select_n3A_164 : i32
        %eq3A_210 = arith.constant 26 : i32
        %eq3A_211 = arith.cmpi eq, %select_n3A_209, %eq3A_210 : i32
        %select_n3A_212 = arith.constant 0 : i32
        %select_n3A_213 = arith.select %eq3A_211, %select_n3A_212, %select_n3A_209 : i32
        %add3A_214 = arith.constant 1 : i32
        %add3A_215 = arith.addi %select_n3A_172, %add3A_214 : i32
        %select_n3A_216 = arith.select %eq3A_211, %add3A_215, %select_n3A_172 : i32
        %eq3A_217 = arith.cmpi eq, %select_n3A_216, %select_n3A : i32
        %select_n3A_218 = arith.constant 0 : i32
        %select_n3A_219 = arith.select %eq3A_217, %select_n3A_218, %select_n3A_216 : i32
        %add3A_220 = arith.addi %select_n3A_219, %select_n3A_14 : i32
        %add3A_221 = arith.constant 0 : i32
        %add3A_222 = arith.addi %select_n3A_213, %add3A_221 : i32
        %add3A_223 = arith.constant 1 : i32
        %add3A_224 = arith.addi %select_n3A_213, %add3A_223 : i32
        %select_n3A_225 = arith.constant true
        %select_n3A_226 = arith.select %select_n3A_225, %add3A_224, %select_n3A_213 : i32
        %eq3A_227 = arith.constant 26 : i32
        %eq3A_228 = arith.cmpi eq, %select_n3A_226, %eq3A_227 : i32
        %select_n3A_229 = arith.constant 0 : i32
        %select_n3A_230 = arith.select %eq3A_228, %select_n3A_229, %select_n3A_226 : i32
        %add3A_231 = arith.constant 1 : i32
        %add3A_232 = arith.addi %select_n3A_219, %add3A_231 : i32
        %select_n3A_233 = arith.select %eq3A_228, %add3A_232, %select_n3A_219 : i32
        %eq3A_234 = arith.cmpi eq, %select_n3A_233, %select_n3A : i32
        %select_n3A_235 = arith.constant 0 : i32
        %select_n3A_236 = arith.select %eq3A_234, %select_n3A_235, %select_n3A_233 : i32
        %add3A_237 = arith.addi %select_n3A_236, %select_n3A_14 : i32
        %add3A_238 = arith.constant 0 : i32
        %add3A_239 = arith.addi %select_n3A_230, %add3A_238 : i32
        %convert_element_type3A_240 = arith.extui %eq3A_183 : i1 to i32
        %cond3A_241 = arith.constant 0 : i32
        %cond3A_242 = arith.cmpi ne, %convert_element_type3A_240, %cond3A_241 : i32
        scf.if %cond3A_242 {
        } else {
        }
        %convert_element_type3A_243 = arith.extui %eq3A_183 : i1 to i32
        %cond3A_244 = arith.constant 0 : i32
        %cond3A_245 = arith.cmpi ne, %convert_element_type3A_243, %cond3A_244 : i32
        scf.if %cond3A_245 {
        } else {
        }
        %convert_element_type3A_246 = arith.extui %eq3A_183 : i1 to i32
        %cond3A_247 = arith.constant 0 : i32
        %cond3A_248 = arith.cmpi ne, %convert_element_type3A_246, %cond3A_247 : i32
        scf.if %cond3A_248 {
          "tpu.trace_start"() <{level = 10 : i32, message = "ep_finalize"}> : () -> ()
          %rem3A_249 = arith.constant 2 : i32
          %rem3A_250 = arith.remui %while3A_156#5, %rem3A_249 : i32
          %mul3A_251 = arith.constant 8 : i32
          %mul3A_252 = arith.muli %mul3A_251, %add3A_184 : i32
          %dma_wait3A = arith.constant 0 : i32
          %dma_wait3A_253 = arith.constant 0 : i32
          %dma_wait3A_254 = tpu.memref_slice %run_scoped3A_22[%rem3A_250, %dma_wait3A, %dma_wait3A_253] : memref<2x8x80xf32, #tpu.memory_space<vmem>> -> memref<1x8x80xf32, #tpu.memory_space<vmem>>
          %dma_wait3A_255 = tpu.memref_squeeze %dma_wait3A_254 : memref<1x8x80xf32, #tpu.memory_space<vmem>> -> memref<8x80xf32, #tpu.memory_space<vmem>>
          %dma_wait3A_256 = arith.constant 0 : i32
          %dma_wait3A_257 = tpu.memref_slice %arg4[%mul3A_252, %dma_wait3A_256] : memref<128x80xf32, #tpu.memory_space<hbm>> -> memref<8x80xf32, #tpu.memory_space<hbm>>
          %dma_wait3A_258 = tpu.memref_slice %run_scoped3A_23[%rem3A_250] : memref<2x!tpu.dma_semaphore, #tpu.memory_space<semaphore_mem>> -> memref<1x!tpu.dma_semaphore, #tpu.memory_space<semaphore_mem>>
          %dma_wait3A_259 = tpu.memref_squeeze %dma_wait3A_258 : memref<1x!tpu.dma_semaphore, #tpu.memory_space<semaphore_mem>> -> memref<!tpu.dma_semaphore, #tpu.memory_space<semaphore_mem>>
          %dma_wait3A_260 = arith.constant 0 : i32
          %dma_wait3A_261 = tpu.memref_slice %arg4[%mul3A_252, %dma_wait3A_260] : memref<128x80xf32, #tpu.memory_space<hbm>> -> memref<8x80xf32, #tpu.memory_space<hbm>>
          %dma_wait3A_262 = arith.constant 0 : i32
          %dma_wait3A_263 = arith.constant 0 : i32
          %dma_wait3A_264 = tpu.memref_slice %run_scoped3A_22[%rem3A_250, %dma_wait3A_262, %dma_wait3A_263] : memref<2x8x80xf32, #tpu.memory_space<vmem>> -> memref<1x8x80xf32, #tpu.memory_space<vmem>>
          %dma_wait3A_265 = tpu.memref_squeeze %dma_wait3A_264 : memref<1x8x80xf32, #tpu.memory_space<vmem>> -> memref<8x80xf32, #tpu.memory_space<vmem>>
          tpu.wait_dma2 semaphore(%dma_wait3A_259 : memref<!tpu.dma_semaphore, #tpu.memory_space<semaphore_mem>>) src(%dma_wait3A_265 : memref<8x80xf32, #tpu.memory_space<vmem>>) dst(%dma_wait3A_261 : memref<8x80xf32, #tpu.memory_space<hbm>>)
          "tpu.trace_stop"() : () -> ()
        } else {
        }
      } else {
      }
      tpu.yield
    }) : () -> ()
    return
  }
}

module attributes {stable_mosaic.version = 14 : i64} {
  func.func @_tc_kernel(%arg0: i32, %arg1: memref<32x12544xf32, #tpu.memory_space<vmem>>, %arg2: memref<32x12544xf32, #tpu.memory_space<vmem>>, %arg3: memref<32x12544xf32, #tpu.memory_space<vmem>>, %arg4: memref<32x12544xf32, #tpu.memory_space<vmem>>, %arg5: memref<32x12544xf32, #tpu.memory_space<vmem>>, %arg6: memref<32x12544xf32, #tpu.memory_space<vmem>>, %arg7: memref<32x12544xf32, #tpu.memory_space<vmem>>, %arg8: memref<32x12544xf32, #tpu.memory_space<vmem>>, %arg9: memref<32x1xi32, #tpu.memory_space<vmem>>, %arg10: memref<32x1xf32, #tpu.memory_space<vmem>>) attributes {dimension_semantics = [#tpu.dimension_semantics<arbitrary>], iteration_bounds = array<i64: 60>, scalar_prefetch = 0 : i64, scratch_operands = 0 : i64, tpu.core_type = #tpu.core_type<tc>, window_params = [{transform_indices = @transform_0, window_bounds = array<i64: 32, 12544>}, {transform_indices = @transform_1, window_bounds = array<i64: 32, 12544>}, {transform_indices = @transform_2, window_bounds = array<i64: 32, 12544>}, {transform_indices = @transform_3, window_bounds = array<i64: 32, 12544>}, {transform_indices = @transform_4, window_bounds = array<i64: 32, 12544>}, {transform_indices = @transform_5, window_bounds = array<i64: 32, 12544>}, {transform_indices = @transform_6, window_bounds = array<i64: 32, 12544>}, {transform_indices = @transform_7, window_bounds = array<i64: 32, 12544>}, {transform_indices = @transform_8, window_bounds = array<i64: 32, 1>}, {transform_indices = @transform_9, window_bounds = array<i64: 32, 1>}]} {
    %get3A = arith.constant 0 : index
    %get3A_0 = arith.constant 0 : index
    %get3A_1 = vector.load %arg9[%get3A, %get3A_0] : memref<32x1xi32, #tpu.memory_space<vmem>>, vector<32x1xi32>
    %get3A_2 = arith.constant 0 : index
    %get3A_3 = arith.constant 0 : index
    %get3A_4 = vector.load %arg1[%get3A_2, %get3A_3] : memref<32x12544xf32, #tpu.memory_space<vmem>>, vector<32x12544xf32>
    %iota3A = tpu.iota {dimensions = array<i32: 1>} : vector<32x12544xi32>
    %reduce_sum3A = arith.constant dense<0.000000e+00> : vector<32xf32>
    %reduce_sum3A_5 = vector.multi_reduction <add>, %get3A_4, %reduce_sum3A [1] : vector<32x12544xf32> to vector<32xf32>
    %broadcast_in_dim3A = vector.shape_cast %reduce_sum3A_5 : vector<32xf32> to vector<32x1xf32>
    %reduce_max3A = arith.constant dense<0xFF800000> : vector<32xf32>
    %reduce_max3A_6 = vector.multi_reduction <maximumf>, %get3A_4, %reduce_max3A [1] : vector<32x12544xf32> to vector<32xf32>
    %broadcast_in_dim3A_7 = vector.shape_cast %reduce_max3A_6 : vector<32xf32> to vector<32x1xf32>
    %sub3A = vector.broadcast %broadcast_in_dim3A_7 : vector<32x1xf32> to vector<32x12544xf32>
    %sub3A_8 = arith.subf %get3A_4, %sub3A : vector<32x12544xf32>
    %exp3A = math.exp %sub3A_8 : vector<32x12544xf32>
    %reduce_sum3A_9 = arith.constant dense<0.000000e+00> : vector<32xf32>
    %reduce_sum3A_10 = vector.multi_reduction <add>, %exp3A, %reduce_sum3A_9 [1] : vector<32x12544xf32> to vector<32xf32>
    %broadcast_in_dim3A_11 = vector.shape_cast %reduce_sum3A_10 : vector<32xf32> to vector<32x1xf32>
    %sub3A_12 = arith.constant 0 : i32
    %sub3A_13 = vector.broadcast %sub3A_12 : i32 to vector<32x1xi32>
    %sub3A_14 = arith.subi %get3A_1, %sub3A_13 : vector<32x1xi32>
    %eq3A = vector.broadcast %sub3A_14 : vector<32x1xi32> to vector<32x12544xi32>
    %eq3A_15 = arith.cmpi eq, %iota3A, %eq3A : vector<32x12544xi32>
    %jit3A = arith.constant 0.000000e+00 : f32
    %broadcast_in_dim3A_16 = vector.broadcast %jit3A : f32 to vector<32x12544xf32>
    %select_n3A = arith.select %eq3A_15, %get3A_4, %broadcast_in_dim3A_16 : vector<32x12544xi1>, vector<32x12544xf32>
    %reduce_sum3A_17 = arith.constant dense<0.000000e+00> : vector<32xf32>
    %reduce_sum3A_18 = vector.multi_reduction <add>, %select_n3A, %reduce_sum3A_17 [1] : vector<32x12544xf32> to vector<32xf32>
    %broadcast_in_dim3A_19 = vector.shape_cast %reduce_sum3A_18 : vector<32xf32> to vector<32x1xf32>
    %slice3A = vector.extract_strided_slice %get3A_4 {offsets = [0, 0], sizes = [32, 1], strides = [1, 1]} : vector<32x12544xf32> to vector<32x1xf32>
    %get3A_20 = arith.constant 0 : index
    %get3A_21 = arith.constant 0 : index
    %get3A_22 = vector.load %arg2[%get3A_20, %get3A_21] : memref<32x12544xf32, #tpu.memory_space<vmem>>, vector<32x12544xf32>
    %iota3A_23 = tpu.iota {dimensions = array<i32: 1>} : vector<32x12544xi32>
    %reduce_sum3A_24 = arith.constant dense<0.000000e+00> : vector<32xf32>
    %reduce_sum3A_25 = vector.multi_reduction <add>, %get3A_22, %reduce_sum3A_24 [1] : vector<32x12544xf32> to vector<32xf32>
    %broadcast_in_dim3A_26 = vector.shape_cast %reduce_sum3A_25 : vector<32xf32> to vector<32x1xf32>
    %reduce_max3A_27 = arith.constant dense<0xFF800000> : vector<32xf32>
    %reduce_max3A_28 = vector.multi_reduction <maximumf>, %get3A_22, %reduce_max3A_27 [1] : vector<32x12544xf32> to vector<32xf32>
    %broadcast_in_dim3A_29 = vector.shape_cast %reduce_max3A_28 : vector<32xf32> to vector<32x1xf32>
    %sub3A_30 = vector.broadcast %broadcast_in_dim3A_29 : vector<32x1xf32> to vector<32x12544xf32>
    %sub3A_31 = arith.subf %get3A_22, %sub3A_30 : vector<32x12544xf32>
    %exp3A_32 = math.exp %sub3A_31 : vector<32x12544xf32>
    %reduce_sum3A_33 = arith.constant dense<0.000000e+00> : vector<32xf32>
    %reduce_sum3A_34 = vector.multi_reduction <add>, %exp3A_32, %reduce_sum3A_33 [1] : vector<32x12544xf32> to vector<32xf32>
    %broadcast_in_dim3A_35 = vector.shape_cast %reduce_sum3A_34 : vector<32xf32> to vector<32x1xf32>
    %sub3A_36 = arith.constant 12544 : i32
    %sub3A_37 = vector.broadcast %sub3A_36 : i32 to vector<32x1xi32>
    %sub3A_38 = arith.subi %get3A_1, %sub3A_37 : vector<32x1xi32>
    %eq3A_39 = vector.broadcast %sub3A_38 : vector<32x1xi32> to vector<32x12544xi32>
    %eq3A_40 = arith.cmpi eq, %iota3A_23, %eq3A_39 : vector<32x12544xi32>
    %jit3A_41 = arith.constant 0.000000e+00 : f32
    %broadcast_in_dim3A_42 = vector.broadcast %jit3A_41 : f32 to vector<32x12544xf32>
    %select_n3A_43 = arith.select %eq3A_40, %get3A_22, %broadcast_in_dim3A_42 : vector<32x12544xi1>, vector<32x12544xf32>
    %reduce_sum3A_44 = arith.constant dense<0.000000e+00> : vector<32xf32>
    %reduce_sum3A_45 = vector.multi_reduction <add>, %select_n3A_43, %reduce_sum3A_44 [1] : vector<32x12544xf32> to vector<32xf32>
    %broadcast_in_dim3A_46 = vector.shape_cast %reduce_sum3A_45 : vector<32xf32> to vector<32x1xf32>
    %get3A_47 = arith.constant 0 : index
    %get3A_48 = arith.constant 0 : index
    %get3A_49 = vector.load %arg3[%get3A_47, %get3A_48] : memref<32x12544xf32, #tpu.memory_space<vmem>>, vector<32x12544xf32>
    %iota3A_50 = tpu.iota {dimensions = array<i32: 1>} : vector<32x12544xi32>
    %reduce_sum3A_51 = arith.constant dense<0.000000e+00> : vector<32xf32>
    %reduce_sum3A_52 = vector.multi_reduction <add>, %get3A_49, %reduce_sum3A_51 [1] : vector<32x12544xf32> to vector<32xf32>
    %broadcast_in_dim3A_53 = vector.shape_cast %reduce_sum3A_52 : vector<32xf32> to vector<32x1xf32>
    %reduce_max3A_54 = arith.constant dense<0xFF800000> : vector<32xf32>
    %reduce_max3A_55 = vector.multi_reduction <maximumf>, %get3A_49, %reduce_max3A_54 [1] : vector<32x12544xf32> to vector<32xf32>
    %broadcast_in_dim3A_56 = vector.shape_cast %reduce_max3A_55 : vector<32xf32> to vector<32x1xf32>
    %sub3A_57 = vector.broadcast %broadcast_in_dim3A_56 : vector<32x1xf32> to vector<32x12544xf32>
    %sub3A_58 = arith.subf %get3A_49, %sub3A_57 : vector<32x12544xf32>
    %exp3A_59 = math.exp %sub3A_58 : vector<32x12544xf32>
    %reduce_sum3A_60 = arith.constant dense<0.000000e+00> : vector<32xf32>
    %reduce_sum3A_61 = vector.multi_reduction <add>, %exp3A_59, %reduce_sum3A_60 [1] : vector<32x12544xf32> to vector<32xf32>
    %broadcast_in_dim3A_62 = vector.shape_cast %reduce_sum3A_61 : vector<32xf32> to vector<32x1xf32>
    %sub3A_63 = arith.constant 25088 : i32
    %sub3A_64 = vector.broadcast %sub3A_63 : i32 to vector<32x1xi32>
    %sub3A_65 = arith.subi %get3A_1, %sub3A_64 : vector<32x1xi32>
    %eq3A_66 = vector.broadcast %sub3A_65 : vector<32x1xi32> to vector<32x12544xi32>
    %eq3A_67 = arith.cmpi eq, %iota3A_50, %eq3A_66 : vector<32x12544xi32>
    %jit3A_68 = arith.constant 0.000000e+00 : f32
    %broadcast_in_dim3A_69 = vector.broadcast %jit3A_68 : f32 to vector<32x12544xf32>
    %select_n3A_70 = arith.select %eq3A_67, %get3A_49, %broadcast_in_dim3A_69 : vector<32x12544xi1>, vector<32x12544xf32>
    %reduce_sum3A_71 = arith.constant dense<0.000000e+00> : vector<32xf32>
    %reduce_sum3A_72 = vector.multi_reduction <add>, %select_n3A_70, %reduce_sum3A_71 [1] : vector<32x12544xf32> to vector<32xf32>
    %broadcast_in_dim3A_73 = vector.shape_cast %reduce_sum3A_72 : vector<32xf32> to vector<32x1xf32>
    %get3A_74 = arith.constant 0 : index
    %get3A_75 = arith.constant 0 : index
    %get3A_76 = vector.load %arg4[%get3A_74, %get3A_75] : memref<32x12544xf32, #tpu.memory_space<vmem>>, vector<32x12544xf32>
    %iota3A_77 = tpu.iota {dimensions = array<i32: 1>} : vector<32x12544xi32>
    %reduce_sum3A_78 = arith.constant dense<0.000000e+00> : vector<32xf32>
    %reduce_sum3A_79 = vector.multi_reduction <add>, %get3A_76, %reduce_sum3A_78 [1] : vector<32x12544xf32> to vector<32xf32>
    %broadcast_in_dim3A_80 = vector.shape_cast %reduce_sum3A_79 : vector<32xf32> to vector<32x1xf32>
    %reduce_max3A_81 = arith.constant dense<0xFF800000> : vector<32xf32>
    %reduce_max3A_82 = vector.multi_reduction <maximumf>, %get3A_76, %reduce_max3A_81 [1] : vector<32x12544xf32> to vector<32xf32>
    %broadcast_in_dim3A_83 = vector.shape_cast %reduce_max3A_82 : vector<32xf32> to vector<32x1xf32>
    %sub3A_84 = vector.broadcast %broadcast_in_dim3A_83 : vector<32x1xf32> to vector<32x12544xf32>
    %sub3A_85 = arith.subf %get3A_76, %sub3A_84 : vector<32x12544xf32>
    %exp3A_86 = math.exp %sub3A_85 : vector<32x12544xf32>
    %reduce_sum3A_87 = arith.constant dense<0.000000e+00> : vector<32xf32>
    %reduce_sum3A_88 = vector.multi_reduction <add>, %exp3A_86, %reduce_sum3A_87 [1] : vector<32x12544xf32> to vector<32xf32>
    %broadcast_in_dim3A_89 = vector.shape_cast %reduce_sum3A_88 : vector<32xf32> to vector<32x1xf32>
    %sub3A_90 = arith.constant 37632 : i32
    %sub3A_91 = vector.broadcast %sub3A_90 : i32 to vector<32x1xi32>
    %sub3A_92 = arith.subi %get3A_1, %sub3A_91 : vector<32x1xi32>
    %eq3A_93 = vector.broadcast %sub3A_92 : vector<32x1xi32> to vector<32x12544xi32>
    %eq3A_94 = arith.cmpi eq, %iota3A_77, %eq3A_93 : vector<32x12544xi32>
    %jit3A_95 = arith.constant 0.000000e+00 : f32
    %broadcast_in_dim3A_96 = vector.broadcast %jit3A_95 : f32 to vector<32x12544xf32>
    %select_n3A_97 = arith.select %eq3A_94, %get3A_76, %broadcast_in_dim3A_96 : vector<32x12544xi1>, vector<32x12544xf32>
    %reduce_sum3A_98 = arith.constant dense<0.000000e+00> : vector<32xf32>
    %reduce_sum3A_99 = vector.multi_reduction <add>, %select_n3A_97, %reduce_sum3A_98 [1] : vector<32x12544xf32> to vector<32xf32>
    %broadcast_in_dim3A_100 = vector.shape_cast %reduce_sum3A_99 : vector<32xf32> to vector<32x1xf32>
    %get3A_101 = arith.constant 0 : index
    %get3A_102 = arith.constant 0 : index
    %get3A_103 = vector.load %arg5[%get3A_101, %get3A_102] : memref<32x12544xf32, #tpu.memory_space<vmem>>, vector<32x12544xf32>
    %iota3A_104 = tpu.iota {dimensions = array<i32: 1>} : vector<32x12544xi32>
    %reduce_sum3A_105 = arith.constant dense<0.000000e+00> : vector<32xf32>
    %reduce_sum3A_106 = vector.multi_reduction <add>, %get3A_103, %reduce_sum3A_105 [1] : vector<32x12544xf32> to vector<32xf32>
    %broadcast_in_dim3A_107 = vector.shape_cast %reduce_sum3A_106 : vector<32xf32> to vector<32x1xf32>
    %reduce_max3A_108 = arith.constant dense<0xFF800000> : vector<32xf32>
    %reduce_max3A_109 = vector.multi_reduction <maximumf>, %get3A_103, %reduce_max3A_108 [1] : vector<32x12544xf32> to vector<32xf32>
    %broadcast_in_dim3A_110 = vector.shape_cast %reduce_max3A_109 : vector<32xf32> to vector<32x1xf32>
    %sub3A_111 = vector.broadcast %broadcast_in_dim3A_110 : vector<32x1xf32> to vector<32x12544xf32>
    %sub3A_112 = arith.subf %get3A_103, %sub3A_111 : vector<32x12544xf32>
    %exp3A_113 = math.exp %sub3A_112 : vector<32x12544xf32>
    %reduce_sum3A_114 = arith.constant dense<0.000000e+00> : vector<32xf32>
    %reduce_sum3A_115 = vector.multi_reduction <add>, %exp3A_113, %reduce_sum3A_114 [1] : vector<32x12544xf32> to vector<32xf32>
    %broadcast_in_dim3A_116 = vector.shape_cast %reduce_sum3A_115 : vector<32xf32> to vector<32x1xf32>
    %sub3A_117 = arith.constant 50176 : i32
    %sub3A_118 = vector.broadcast %sub3A_117 : i32 to vector<32x1xi32>
    %sub3A_119 = arith.subi %get3A_1, %sub3A_118 : vector<32x1xi32>
    %eq3A_120 = vector.broadcast %sub3A_119 : vector<32x1xi32> to vector<32x12544xi32>
    %eq3A_121 = arith.cmpi eq, %iota3A_104, %eq3A_120 : vector<32x12544xi32>
    %jit3A_122 = arith.constant 0.000000e+00 : f32
    %broadcast_in_dim3A_123 = vector.broadcast %jit3A_122 : f32 to vector<32x12544xf32>
    %select_n3A_124 = arith.select %eq3A_121, %get3A_103, %broadcast_in_dim3A_123 : vector<32x12544xi1>, vector<32x12544xf32>
    %reduce_sum3A_125 = arith.constant dense<0.000000e+00> : vector<32xf32>
    %reduce_sum3A_126 = vector.multi_reduction <add>, %select_n3A_124, %reduce_sum3A_125 [1] : vector<32x12544xf32> to vector<32xf32>
    %broadcast_in_dim3A_127 = vector.shape_cast %reduce_sum3A_126 : vector<32xf32> to vector<32x1xf32>
    %get3A_128 = arith.constant 0 : index
    %get3A_129 = arith.constant 0 : index
    %get3A_130 = vector.load %arg6[%get3A_128, %get3A_129] : memref<32x12544xf32, #tpu.memory_space<vmem>>, vector<32x12544xf32>
    %iota3A_131 = tpu.iota {dimensions = array<i32: 1>} : vector<32x12544xi32>
    %reduce_sum3A_132 = arith.constant dense<0.000000e+00> : vector<32xf32>
    %reduce_sum3A_133 = vector.multi_reduction <add>, %get3A_130, %reduce_sum3A_132 [1] : vector<32x12544xf32> to vector<32xf32>
    %broadcast_in_dim3A_134 = vector.shape_cast %reduce_sum3A_133 : vector<32xf32> to vector<32x1xf32>
    %reduce_max3A_135 = arith.constant dense<0xFF800000> : vector<32xf32>
    %reduce_max3A_136 = vector.multi_reduction <maximumf>, %get3A_130, %reduce_max3A_135 [1] : vector<32x12544xf32> to vector<32xf32>
    %broadcast_in_dim3A_137 = vector.shape_cast %reduce_max3A_136 : vector<32xf32> to vector<32x1xf32>
    %sub3A_138 = vector.broadcast %broadcast_in_dim3A_137 : vector<32x1xf32> to vector<32x12544xf32>
    %sub3A_139 = arith.subf %get3A_130, %sub3A_138 : vector<32x12544xf32>
    %exp3A_140 = math.exp %sub3A_139 : vector<32x12544xf32>
    %reduce_sum3A_141 = arith.constant dense<0.000000e+00> : vector<32xf32>
    %reduce_sum3A_142 = vector.multi_reduction <add>, %exp3A_140, %reduce_sum3A_141 [1] : vector<32x12544xf32> to vector<32xf32>
    %broadcast_in_dim3A_143 = vector.shape_cast %reduce_sum3A_142 : vector<32xf32> to vector<32x1xf32>
    %sub3A_144 = arith.constant 62720 : i32
    %sub3A_145 = vector.broadcast %sub3A_144 : i32 to vector<32x1xi32>
    %sub3A_146 = arith.subi %get3A_1, %sub3A_145 : vector<32x1xi32>
    %eq3A_147 = vector.broadcast %sub3A_146 : vector<32x1xi32> to vector<32x12544xi32>
    %eq3A_148 = arith.cmpi eq, %iota3A_131, %eq3A_147 : vector<32x12544xi32>
    %jit3A_149 = arith.constant 0.000000e+00 : f32
    %broadcast_in_dim3A_150 = vector.broadcast %jit3A_149 : f32 to vector<32x12544xf32>
    %select_n3A_151 = arith.select %eq3A_148, %get3A_130, %broadcast_in_dim3A_150 : vector<32x12544xi1>, vector<32x12544xf32>
    %reduce_sum3A_152 = arith.constant dense<0.000000e+00> : vector<32xf32>
    %reduce_sum3A_153 = vector.multi_reduction <add>, %select_n3A_151, %reduce_sum3A_152 [1] : vector<32x12544xf32> to vector<32xf32>
    %broadcast_in_dim3A_154 = vector.shape_cast %reduce_sum3A_153 : vector<32xf32> to vector<32x1xf32>
    %get3A_155 = arith.constant 0 : index
    %get3A_156 = arith.constant 0 : index
    %get3A_157 = vector.load %arg7[%get3A_155, %get3A_156] : memref<32x12544xf32, #tpu.memory_space<vmem>>, vector<32x12544xf32>
    %iota3A_158 = tpu.iota {dimensions = array<i32: 1>} : vector<32x12544xi32>
    %reduce_sum3A_159 = arith.constant dense<0.000000e+00> : vector<32xf32>
    %reduce_sum3A_160 = vector.multi_reduction <add>, %get3A_157, %reduce_sum3A_159 [1] : vector<32x12544xf32> to vector<32xf32>
    %broadcast_in_dim3A_161 = vector.shape_cast %reduce_sum3A_160 : vector<32xf32> to vector<32x1xf32>
    %reduce_max3A_162 = arith.constant dense<0xFF800000> : vector<32xf32>
    %reduce_max3A_163 = vector.multi_reduction <maximumf>, %get3A_157, %reduce_max3A_162 [1] : vector<32x12544xf32> to vector<32xf32>
    %broadcast_in_dim3A_164 = vector.shape_cast %reduce_max3A_163 : vector<32xf32> to vector<32x1xf32>
    %sub3A_165 = vector.broadcast %broadcast_in_dim3A_164 : vector<32x1xf32> to vector<32x12544xf32>
    %sub3A_166 = arith.subf %get3A_157, %sub3A_165 : vector<32x12544xf32>
    %exp3A_167 = math.exp %sub3A_166 : vector<32x12544xf32>
    %reduce_sum3A_168 = arith.constant dense<0.000000e+00> : vector<32xf32>
    %reduce_sum3A_169 = vector.multi_reduction <add>, %exp3A_167, %reduce_sum3A_168 [1] : vector<32x12544xf32> to vector<32xf32>
    %broadcast_in_dim3A_170 = vector.shape_cast %reduce_sum3A_169 : vector<32xf32> to vector<32x1xf32>
    %sub3A_171 = arith.constant 75264 : i32
    %sub3A_172 = vector.broadcast %sub3A_171 : i32 to vector<32x1xi32>
    %sub3A_173 = arith.subi %get3A_1, %sub3A_172 : vector<32x1xi32>
    %eq3A_174 = vector.broadcast %sub3A_173 : vector<32x1xi32> to vector<32x12544xi32>
    %eq3A_175 = arith.cmpi eq, %iota3A_158, %eq3A_174 : vector<32x12544xi32>
    %jit3A_176 = arith.constant 0.000000e+00 : f32
    %broadcast_in_dim3A_177 = vector.broadcast %jit3A_176 : f32 to vector<32x12544xf32>
    %select_n3A_178 = arith.select %eq3A_175, %get3A_157, %broadcast_in_dim3A_177 : vector<32x12544xi1>, vector<32x12544xf32>
    %reduce_sum3A_179 = arith.constant dense<0.000000e+00> : vector<32xf32>
    %reduce_sum3A_180 = vector.multi_reduction <add>, %select_n3A_178, %reduce_sum3A_179 [1] : vector<32x12544xf32> to vector<32xf32>
    %broadcast_in_dim3A_181 = vector.shape_cast %reduce_sum3A_180 : vector<32xf32> to vector<32x1xf32>
    %get3A_182 = arith.constant 0 : index
    %get3A_183 = arith.constant 0 : index
    %get3A_184 = vector.load %arg8[%get3A_182, %get3A_183] : memref<32x12544xf32, #tpu.memory_space<vmem>>, vector<32x12544xf32>
    %iota3A_185 = tpu.iota {dimensions = array<i32: 1>} : vector<32x12544xi32>
    %lt3A = arith.constant 12192 : i32
    %lt3A_186 = vector.broadcast %lt3A : i32 to vector<32x12544xi32>
    %lt3A_187 = arith.cmpi slt, %iota3A_185, %lt3A_186 : vector<32x12544xi32>
    %jit3A_188 = arith.constant 0xFF800000 : f32
    %broadcast_in_dim3A_189 = vector.broadcast %jit3A_188 : f32 to vector<32x12544xf32>
    %select_n3A_190 = arith.select %lt3A_187, %get3A_184, %broadcast_in_dim3A_189 : vector<32x12544xi1>, vector<32x12544xf32>
    %lt3A_191 = arith.constant 12192 : i32
    %lt3A_192 = vector.broadcast %lt3A_191 : i32 to vector<32x12544xi32>
    %lt3A_193 = arith.cmpi slt, %iota3A_185, %lt3A_192 : vector<32x12544xi32>
    %jit3A_194 = arith.constant 0.000000e+00 : f32
    %broadcast_in_dim3A_195 = vector.broadcast %jit3A_194 : f32 to vector<32x12544xf32>
    %select_n3A_196 = arith.select %lt3A_193, %get3A_184, %broadcast_in_dim3A_195 : vector<32x12544xi1>, vector<32x12544xf32>
    %reduce_sum3A_197 = arith.constant dense<0.000000e+00> : vector<32xf32>
    %reduce_sum3A_198 = vector.multi_reduction <add>, %select_n3A_196, %reduce_sum3A_197 [1] : vector<32x12544xf32> to vector<32xf32>
    %broadcast_in_dim3A_199 = vector.shape_cast %reduce_sum3A_198 : vector<32xf32> to vector<32x1xf32>
    %reduce_max3A_200 = arith.constant dense<0xFF800000> : vector<32xf32>
    %reduce_max3A_201 = vector.multi_reduction <maximumf>, %select_n3A_190, %reduce_max3A_200 [1] : vector<32x12544xf32> to vector<32xf32>
    %broadcast_in_dim3A_202 = vector.shape_cast %reduce_max3A_201 : vector<32xf32> to vector<32x1xf32>
    %sub3A_203 = vector.broadcast %broadcast_in_dim3A_202 : vector<32x1xf32> to vector<32x12544xf32>
    %sub3A_204 = arith.subf %select_n3A_190, %sub3A_203 : vector<32x12544xf32>
    %exp3A_205 = math.exp %sub3A_204 : vector<32x12544xf32>
    %reduce_sum3A_206 = arith.constant dense<0.000000e+00> : vector<32xf32>
    %reduce_sum3A_207 = vector.multi_reduction <add>, %exp3A_205, %reduce_sum3A_206 [1] : vector<32x12544xf32> to vector<32xf32>
    %broadcast_in_dim3A_208 = vector.shape_cast %reduce_sum3A_207 : vector<32xf32> to vector<32x1xf32>
    %sub3A_209 = arith.constant 87808 : i32
    %sub3A_210 = vector.broadcast %sub3A_209 : i32 to vector<32x1xi32>
    %sub3A_211 = arith.subi %get3A_1, %sub3A_210 : vector<32x1xi32>
    %eq3A_212 = vector.broadcast %sub3A_211 : vector<32x1xi32> to vector<32x12544xi32>
    %eq3A_213 = arith.cmpi eq, %iota3A_185, %eq3A_212 : vector<32x12544xi32>
    %jit3A_214 = arith.constant 0.000000e+00 : f32
    %broadcast_in_dim3A_215 = vector.broadcast %jit3A_214 : f32 to vector<32x12544xf32>
    %select_n3A_216 = arith.select %eq3A_213, %get3A_184, %broadcast_in_dim3A_215 : vector<32x12544xi1>, vector<32x12544xf32>
    %reduce_sum3A_217 = arith.constant dense<0.000000e+00> : vector<32xf32>
    %reduce_sum3A_218 = vector.multi_reduction <add>, %select_n3A_216, %reduce_sum3A_217 [1] : vector<32x12544xf32> to vector<32xf32>
    %broadcast_in_dim3A_219 = vector.shape_cast %reduce_sum3A_218 : vector<32xf32> to vector<32x1xf32>
    %max3A = arith.maximumf %broadcast_in_dim3A_7, %broadcast_in_dim3A_29 : vector<32x1xf32>
    %max3A_220 = arith.maximumf %max3A, %broadcast_in_dim3A_56 : vector<32x1xf32>
    %max3A_221 = arith.maximumf %max3A_220, %broadcast_in_dim3A_83 : vector<32x1xf32>
    %max3A_222 = arith.maximumf %max3A_221, %broadcast_in_dim3A_110 : vector<32x1xf32>
    %max3A_223 = arith.maximumf %max3A_222, %broadcast_in_dim3A_137 : vector<32x1xf32>
    %max3A_224 = arith.maximumf %max3A_223, %broadcast_in_dim3A_164 : vector<32x1xf32>
    %max3A_225 = arith.maximumf %max3A_224, %broadcast_in_dim3A_202 : vector<32x1xf32>
    %sub3A_226 = arith.subf %broadcast_in_dim3A_7, %max3A_225 : vector<32x1xf32>
    %exp3A_227 = math.exp %sub3A_226 : vector<32x1xf32>
    %mul3A = arith.mulf %broadcast_in_dim3A_11, %exp3A_227 : vector<32x1xf32>
    %add3A = arith.constant 0.000000e+00 : f32
    %add3A_228 = vector.broadcast %add3A : f32 to vector<32x1xf32>
    %add3A_229 = arith.addf %add3A_228, %mul3A : vector<32x1xf32>
    %sub3A_230 = arith.subf %broadcast_in_dim3A_29, %max3A_225 : vector<32x1xf32>
    %exp3A_231 = math.exp %sub3A_230 : vector<32x1xf32>
    %mul3A_232 = arith.mulf %broadcast_in_dim3A_35, %exp3A_231 : vector<32x1xf32>
    %add3A_233 = arith.addf %add3A_229, %mul3A_232 : vector<32x1xf32>
    %sub3A_234 = arith.subf %broadcast_in_dim3A_56, %max3A_225 : vector<32x1xf32>
    %exp3A_235 = math.exp %sub3A_234 : vector<32x1xf32>
    %mul3A_236 = arith.mulf %broadcast_in_dim3A_62, %exp3A_235 : vector<32x1xf32>
    %add3A_237 = arith.addf %add3A_233, %mul3A_236 : vector<32x1xf32>
    %sub3A_238 = arith.subf %broadcast_in_dim3A_83, %max3A_225 : vector<32x1xf32>
    %exp3A_239 = math.exp %sub3A_238 : vector<32x1xf32>
    %mul3A_240 = arith.mulf %broadcast_in_dim3A_89, %exp3A_239 : vector<32x1xf32>
    %add3A_241 = arith.addf %add3A_237, %mul3A_240 : vector<32x1xf32>
    %sub3A_242 = arith.subf %broadcast_in_dim3A_110, %max3A_225 : vector<32x1xf32>
    %exp3A_243 = math.exp %sub3A_242 : vector<32x1xf32>
    %mul3A_244 = arith.mulf %broadcast_in_dim3A_116, %exp3A_243 : vector<32x1xf32>
    %add3A_245 = arith.addf %add3A_241, %mul3A_244 : vector<32x1xf32>
    %sub3A_246 = arith.subf %broadcast_in_dim3A_137, %max3A_225 : vector<32x1xf32>
    %exp3A_247 = math.exp %sub3A_246 : vector<32x1xf32>
    %mul3A_248 = arith.mulf %broadcast_in_dim3A_143, %exp3A_247 : vector<32x1xf32>
    %add3A_249 = arith.addf %add3A_245, %mul3A_248 : vector<32x1xf32>
    %sub3A_250 = arith.subf %broadcast_in_dim3A_164, %max3A_225 : vector<32x1xf32>
    %exp3A_251 = math.exp %sub3A_250 : vector<32x1xf32>
    %mul3A_252 = arith.mulf %broadcast_in_dim3A_170, %exp3A_251 : vector<32x1xf32>
    %add3A_253 = arith.addf %add3A_249, %mul3A_252 : vector<32x1xf32>
    %sub3A_254 = arith.subf %broadcast_in_dim3A_202, %max3A_225 : vector<32x1xf32>
    %exp3A_255 = math.exp %sub3A_254 : vector<32x1xf32>
    %mul3A_256 = arith.mulf %broadcast_in_dim3A_208, %exp3A_255 : vector<32x1xf32>
    %add3A_257 = arith.addf %add3A_253, %mul3A_256 : vector<32x1xf32>
    %add3A_258 = arith.constant 0.000000e+00 : f32
    %add3A_259 = vector.broadcast %add3A_258 : f32 to vector<32x1xf32>
    %add3A_260 = arith.addf %add3A_259, %broadcast_in_dim3A : vector<32x1xf32>
    %add3A_261 = arith.addf %add3A_260, %broadcast_in_dim3A_26 : vector<32x1xf32>
    %add3A_262 = arith.addf %add3A_261, %broadcast_in_dim3A_53 : vector<32x1xf32>
    %add3A_263 = arith.addf %add3A_262, %broadcast_in_dim3A_80 : vector<32x1xf32>
    %add3A_264 = arith.addf %add3A_263, %broadcast_in_dim3A_107 : vector<32x1xf32>
    %add3A_265 = arith.addf %add3A_264, %broadcast_in_dim3A_134 : vector<32x1xf32>
    %add3A_266 = arith.addf %add3A_265, %broadcast_in_dim3A_161 : vector<32x1xf32>
    %add3A_267 = arith.addf %add3A_266, %broadcast_in_dim3A_199 : vector<32x1xf32>
    %add3A_268 = arith.constant 0.000000e+00 : f32
    %add3A_269 = vector.broadcast %add3A_268 : f32 to vector<32x1xf32>
    %add3A_270 = arith.addf %add3A_269, %broadcast_in_dim3A_19 : vector<32x1xf32>
    %add3A_271 = arith.addf %add3A_270, %broadcast_in_dim3A_46 : vector<32x1xf32>
    %add3A_272 = arith.addf %add3A_271, %broadcast_in_dim3A_73 : vector<32x1xf32>
    %add3A_273 = arith.addf %add3A_272, %broadcast_in_dim3A_100 : vector<32x1xf32>
    %add3A_274 = arith.addf %add3A_273, %broadcast_in_dim3A_127 : vector<32x1xf32>
    %add3A_275 = arith.addf %add3A_274, %broadcast_in_dim3A_154 : vector<32x1xf32>
    %add3A_276 = arith.addf %add3A_275, %broadcast_in_dim3A_181 : vector<32x1xf32>
    %add3A_277 = arith.addf %add3A_276, %broadcast_in_dim3A_219 : vector<32x1xf32>
    %log3A = arith.constant 1.000020e-06 : f32
    %log3A_278 = math.log %log3A : f32
    %mul3A_279 = arith.constant 1.000000e-01 : f32
    %mul3A_280 = arith.mulf %mul3A_279, %log3A_278 : f32
    %log3A_281 = arith.constant 0.899999976 : f32
    %log3A_282 = math.log %log3A_281 : f32
    %mul3A_283 = arith.constant 0.899999976 : f32
    %mul3A_284 = arith.mulf %mul3A_283, %log3A_282 : f32
    %add3A_285 = arith.addf %mul3A_280, %mul3A_284 : f32
    %log3A_286 = math.log %add3A_257 : vector<32x1xf32>
    %add3A_287 = arith.addf %max3A_225, %log3A_286 : vector<32x1xf32>
    %mul3A_288 = arith.constant 1.000000e+05 : f32
    %mul3A_289 = vector.broadcast %mul3A_288 : f32 to vector<32x1xf32>
    %mul3A_290 = arith.mulf %mul3A_289, %add3A_287 : vector<32x1xf32>
    %sub3A_291 = arith.subf %add3A_267, %mul3A_290 : vector<32x1xf32>
    %sub3A_292 = arith.subf %slice3A, %add3A_287 : vector<32x1xf32>
    %sub3A_293 = arith.subf %add3A_277, %add3A_287 : vector<32x1xf32>
    %sub3A_294 = arith.subf %sub3A_291, %sub3A_292 : vector<32x1xf32>
    %sub3A_295 = arith.subf %sub3A_294, %sub3A_293 : vector<32x1xf32>
    %mul3A_296 = arith.constant 1.000020e-06 : f32
    %mul3A_297 = vector.broadcast %mul3A_296 : f32 to vector<32x1xf32>
    %mul3A_298 = arith.mulf %mul3A_297, %sub3A_295 : vector<32x1xf32>
    %sub3A_299 = vector.broadcast %add3A_285 : f32 to vector<32x1xf32>
    %sub3A_300 = arith.subf %sub3A_299, %mul3A_298 : vector<32x1xf32>
    %mul3A_301 = arith.constant 0.899999976 : f32
    %mul3A_302 = vector.broadcast %mul3A_301 : f32 to vector<32x1xf32>
    %mul3A_303 = arith.mulf %mul3A_302, %sub3A_293 : vector<32x1xf32>
    %sub3A_304 = arith.subf %sub3A_300, %mul3A_303 : vector<32x1xf32>
    %ne3A = arith.constant 0 : i32
    %ne3A_305 = vector.broadcast %ne3A : i32 to vector<32x1xi32>
    %ne3A_306 = arith.cmpi ne, %get3A_1, %ne3A_305 : vector<32x1xi32>
    %jit3A_307 = arith.constant 0.000000e+00 : f32
    %broadcast_in_dim3A_308 = vector.broadcast %jit3A_307 : f32 to vector<32x1xf32>
    %select_n3A_309 = arith.select %ne3A_306, %sub3A_304, %broadcast_in_dim3A_308 : vector<32x1xi1>, vector<32x1xf32>
    %swap3A = arith.constant 0 : index
    %swap3A_310 = arith.constant 0 : index
    %swap3A_311 = vector.load %arg10[%swap3A, %swap3A_310] : memref<32x1xf32, #tpu.memory_space<vmem>>, vector<32x1xf32>
    tpu.vector_store %arg10[%swap3A, %swap3A_310], %select_n3A_309 {strides = array<i32>} : memref<32x1xf32, #tpu.memory_space<vmem>>, vector<32x1xf32>,
    return
  }
  func.func @transform_0(%arg0: i32) -> (i32, i32) {
    %c0_i32 = arith.constant 0 : i32
    %c0_i32_0 = arith.constant 0 : i32
    return %arg0, %c0_i32 : i32, i32
  }
  func.func @transform_1(%arg0: i32) -> (i32, i32) {
    %c1_i32 = arith.constant 1 : i32
    %c0_i32 = arith.constant 0 : i32
    return %arg0, %c1_i32 : i32, i32
  }
  func.func @transform_2(%arg0: i32) -> (i32, i32) {
    %c2_i32 = arith.constant 2 : i32
    %c0_i32 = arith.constant 0 : i32
    return %arg0, %c2_i32 : i32, i32
  }
  func.func @transform_3(%arg0: i32) -> (i32, i32) {
    %c3_i32 = arith.constant 3 : i32
    %c0_i32 = arith.constant 0 : i32
    return %arg0, %c3_i32 : i32, i32
  }
  func.func @transform_4(%arg0: i32) -> (i32, i32) {
    %c4_i32 = arith.constant 4 : i32
    %c0_i32 = arith.constant 0 : i32
    return %arg0, %c4_i32 : i32, i32
  }
  func.func @transform_5(%arg0: i32) -> (i32, i32) {
    %c5_i32 = arith.constant 5 : i32
    %c0_i32 = arith.constant 0 : i32
    return %arg0, %c5_i32 : i32, i32
  }
  func.func @transform_6(%arg0: i32) -> (i32, i32) {
    %c6_i32 = arith.constant 6 : i32
    %c0_i32 = arith.constant 0 : i32
    return %arg0, %c6_i32 : i32, i32
  }
  func.func @transform_7(%arg0: i32) -> (i32, i32) {
    %c7_i32 = arith.constant 7 : i32
    %c0_i32 = arith.constant 0 : i32
    return %arg0, %c7_i32 : i32, i32
  }
  func.func @transform_8(%arg0: i32) -> (i32, i32) {
    %c0_i32 = arith.constant 0 : i32
    %c0_i32_0 = arith.constant 0 : i32
    return %arg0, %c0_i32 : i32, i32
  }
  func.func @transform_9(%arg0: i32) -> (i32, i32) {
    %c0_i32 = arith.constant 0 : i32
    %c0_i32_0 = arith.constant 0 : i32
    return %arg0, %c0_i32 : i32, i32
  }
}

</mosaic_0001>

<sc_bundles>
// kernel: kernel.4.cloned.1.call-start
scs
__scs_entry_jumppad:
0x0: {  	(pc) =	sbr.rel $0x88, $3  }
0x1: {  	(tag) =	ssettag $0x0;
	lr =	simm.s32 $0x1  }
0x2: {  	[smem:$0x3F9F] =	sst lr;
	_ =	strace $0xD0000000  }
0x3: {  	_ = 	snop  }
0x4: {  	_ = 	snop  }
0x5: {  	_ = 	snop  }
0x6: {  	_ = 	snop  }
0x7: {  	_ = 	snop  }
__scs_overlays_trampoline_lowered:
0x8: {  	[smem:$0x3FAE] =	sst s0  }
0x9: {  	[smem:$0x3FAF] =	sst s1  }
0xa: {  	[smem:$0x3FB0] =	sst s2  }
0xb: {  	[smem:$0x3FB1] =	sst s3  }
0xc: {  	[smem:$0x3FB2] =	sst s4  }
0xd: {  	[smem:$0x3FB3] =	sst s5  }
0xe: {  	[smem:$0x3FB4] =	sst s6  }
0xf: {  	[smem:$0x3FB5] =	sst s7  }
0x10: {  	[smem:$0x3FB6] =	sst s8  }
0x11: {  	[smem:$0x3FB7] =	sst s9;
	s0 =	simm.s32 @!p0 $0x0  }
0x12: {  	s1 =	sld [smem:$0x3F9D];
	s0 =	simm.s32 @p0 $0x1  }
0x13: {  	[smem:$0x3FB8] =	sst s0;
	s0 =	simm.s32 @!p1 $0x0  }
0x14: {  	s2 =	sld [smem:$0x3F9C];
	s0 =	simm.s32 @p1 $0x1  }
0x15: {  	[smem:$0x3FB9] =	sst s0;
	s0 =	simm.s32 @!p2 $0x0  }
0x16: {  	s3 =	sld [smem:$0x3FDB];
	s0 =	simm.s32 @p2 $0x1  }
0x17: {  	s4 =	simm.s32 $0x1BF5;
	[smem:$0x3FBB] =	sst s0  }
0x18: {  	s0 =	sld [smem:$0x3F9E];
	_ =	swait.ge [sflag:s4], $0x0  }
0x19: {  	s7 =	sld [smem:$0x3F9F]  }
0x1a: {  	s8 =	sadd.s32 $0xFFFFE003, lr  }
0x1b: {  	s9 =	sadd.s32 $0xFFFFFEF7, lr;
	s5 =	simm.s32 $0xFFFFFFFF;
	p2 =	slt.u32 s8, $0xFFFFF086  }
0x1c: {  	p1 =	slt.u32 s9, $0xF7A;
	s5 =	simm.s32 @!p2 $0x0  }
0x1d: {  	s5 =	simm.s32 @p1 $0x1;
	p0 =	seq.s32 s7, s2  }
0x1e: {  	s7 =	smul.u32 @!p0 $0xF7A, s2;
	p2 =	seq.s32 @!p0 s5, $0x0  }
0x1f: {  	s9 =	smul.u32 $0xF7A, s1;
	s8 =	simm.s32 @!p0 $0x1BF5;
	p2 =	por !p2, p0  }
0x20: {  	[sflag:s8] =	ssyncset.s32 @!p0 $0xFFFFF086;
	s6 =	sadd.s32 @!p0 s3, s7;
	s7 =	simm.s32 @!p0 $0x108  }
0x21: {  	s3 =	sadd.s32 s3, s9;
	s6 =	sadd.s32 @!p0 $0x88, s6;
	s7 =	simm.s32 @p2 $0x1082  }
0x22: {  	[simem:s7], [sflag:s8] =	dma.local @!p0 [hbm:s6], $0xF7A  }
0x23: {  	s9 =	sor.u32 $0xD0000000, s2;
	s6 =	simm.s32 $0x108;
	_ =	swait.ge @!p0 [sflag:s8], $0x0  }
0x24: {  	s3 =	sadd.s32 $0x88, s3;
	s6 =	simm.s32 @!p1 $0x1082;
	[sflag:s4] =	ssyncset.s32 $0xFFFFF086  }
0x25: {  	[simem:s6], [sflag:s4] =	dma.local [hbm:s3], $0xF7A  }
0x26: {  	[smem:$0x3F9F] =	sst s1;
	(tag) =	ssettag s2;
	_ =	strace s9  }
0x27: {  	s1 =	sld [smem:$0x3FAF]  }
0x28: {  	s2 =	sld [smem:$0x3FB0]  }
0x29: {  	s4 =	sld [smem:$0x3FB2]  }
0x2a: {  	p0 =	seq.s32 s5, $0x0;
	s5 =	sld [smem:$0x3FB3]  }
0x2b: {  	s6 =	sld [smem:$0x3FB4]  }
0x2c: {  	s7 =	sld [smem:$0x3FB5]  }
0x2d: {  	s3 =	simm.s32 $0x108;
	s8 =	sld [smem:$0x3FB6]  }
0x2e: {  	s3 =	simm.s32 @!p0 $0x1082;
	s9 =	sld [smem:$0x3FB7]  }
0x2f: {  	lr =	sadd.s32 s0, s3;
	s0 =	sld [smem:$0x3FAE]  }
0x30: {  	s3 =	sld [smem:$0x3FB1]  }
0x31: {  	[smem:$0x3FBA] =	sst s10  }
0x32: {  	s10 =	sld [smem:$0x3FB8];
	_ =	sdelay $0x3  }
0x33: {  	p0 =	seq.s32 s10, $0x1;
	s10 =	sld [smem:$0x3FBA];
	_ =	sdelay $0x3  }
0x34: {  	[smem:$0x3FBA] =	sst s10  }
0x35: {  	s10 =	sld [smem:$0x3FB9];
	_ =	sdelay $0x3  }
0x36: {  	p1 =	seq.s32 s10, $0x1;
	s10 =	sld [smem:$0x3FBA];
	_ =	sdelay $0x3  }
0x37: {  	[smem:$0x3FBA] =	sst s10  }
0x38: {  	s10 =	sld [smem:$0x3FBB]  }
0x39: {  	_ = 	snop;
	(pc) =	sbr.ind lr, $3  }
0x3a: {  	_ = 	snop  }
0x3b: {  	_ = 	snop  }
0x3c: {  	p2 =	seq.s32 s10, $0x1;
	s10 =	sld [smem:$0x3FBA]  }
0x3d: {  	_ =	shalt  }
0x3e: {  	_ =	shalt  }
0x3f: {  	_ =	shalt  }
0x40: {  	_ =	shalt  }
0x41: {  	_ =	shalt  }
0x42: {  	_ =	shalt  }
0x43: {  	_ =	shalt  }
0x44: {  	_ =	shalt  }
0x45: {  	_ =	shalt  }
0x46: {  	_ =	shalt  }
0x47: {  	_ =	shalt  }
0x48: {  	_ =	shalt  }
0x49: {  	_ =	shalt  }
0x4a: {  	_ =	shalt  }
0x4b: {  	_ =	shalt  }
0x4c: {  	_ =	shalt  }
0x4d: {  	_ =	shalt  }
0x4e: {  	_ =	shalt  }
0x4f: {  	_ =	shalt  }
0x50: {  	_ =	shalt  }
0x51: {  	_ =	shalt  }
0x52: {  	_ =	shalt  }
0x53: {  	_ =	shalt  }
0x54: {  	_ =	shalt  }
0x55: {  	_ =	shalt  }
0x56: {  	_ =	shalt  }
0x57: {  	_ =	shalt  }
0x58: {  	_ =	shalt  }
0x59: {  	_ =	shalt  }
0x5a: {  	_ =	shalt  }
0x5b: {  	_ =	shalt  }
0x5c: {  	_ =	shalt  }
0x5d: {  	_ =	shalt  }
0x5e: {  	_ =	shalt  }
0x5f: {  	_ =	shalt  }
0x60: {  	_ =	shalt  }
0x61: {  	_ =	shalt  }
0x62: {  	_ =	shalt  }
0x63: {  	_ =	shalt  }
0x64: {  	_ =	shalt  }
0x65: {  	_ =	shalt  }
0x66: {  	_ =	shalt  }
0x67: {  	_ =	shalt  }
0x68: {  	_ =	shalt  }
0x69: {  	_ =	shalt  }
0x6a: {  	_ =	shalt  }
0x6b: {  	_ =	shalt  }
0x6c: {  	_ =	shalt  }
0x6d: {  	_ =	shalt  }
0x6e: {  	_ =	shalt  }
0x6f: {  	_ =	shalt  }
0x70: {  	_ =	shalt  }
0x71: {  	_ =	shalt  }
0x72: {  	_ =	shalt  }
0x73: {  	_ =	shalt  }
0x74: {  	_ =	shalt  }
0x75: {  	_ =	shalt  }
0x76: {  	_ =	shalt  }
0x77: {  	_ =	shalt  }
0x78: {  	_ =	shalt  }
0x79: {  	_ =	shalt  }
0x7a: {  	_ =	shalt  }
0x7b: {  	_ =	shalt  }
0x7c: {  	_ =	shalt  }
0x7d: {  	_ =	shalt  }
0x7e: {  	_ =	shalt  }
0x7f: {  	_ =	shalt  }
0x80: {  	_ =	shalt  }
0x81: {  	_ =	shalt  }
0x82: {  	_ =	shalt  }
0x83: {  	_ =	shalt  }
0x84: {  	_ =	shalt  }
0x85: {  	_ =	shalt  }
0x86: {  	_ =	shalt  }
0x87: {  	_ =	shalt  }
.Lfunc_end0:
.L_simem_size_0:
called_computation_lowered:
.L_overlay_start_0:
0x88: {  	s2 =	sld [smem:$0x3FD9]  }
0x89: {  	s3 =	sld [smem:$0x3FFE];
	_ =	sdelay $0x1  }
0x8a: {  	s1 =	srdreg.scid  }
0x8b: {  	s0 =	sand.u32 $0x1, s1  }
0x8c: {  	s16 =	sshll.u32 s0, $0xA;
	s2 =	sadd.s32 s3, s2  }
0x8d: {  	s2 =	sadd.s32 s2, s16  }
0x8e: {  	[smem:$0x3FC6] =	sst s2  }
0x8f: {  	_ = 	snop  }
0x90: {  	(tm) =	ssettm $0x1  }
0x91: {  	s17 =	sld [smem:$0x3FFB];
	_ =	sdelay $0x3  }
0x92: {  	_ =	strace s17  }
0x93: {  	s2 =	sld [smem:$0x3FFC];
	_ =	sdelay $0x3  }
0x94: {  	_ =	strace s2  }
0x95: {  	s2 =	sld [smem:$0x3FFD];
	_ =	sdelay $0x3  }
0x96: {  	_ =	strace s2  }
0x97: {  	_ =	strace $0x8FFFFFFF  }
0x98: {  	s18 =	sld [smem:$0x3FDB];
	_ =	sdelay $0x1  }
0x99: {  	s19 =	simm.s32 $_scs_section_size  }
0x9a: {  	s4 =	simm.s32 $_size__tile_overlayer_lowered;
	s5 =	simm.s32 $_tile_overlayer_lowered  }
0x9b: {  	s22 =	simm.s32 $0x1BFF;
	s21 =	sshll.u32 s5, $0x1;
	s2 =	sadd.s32 s19, s18  }
0x9c: {  	s6 =	simm.s32 $0x0;
	s20 =	sshll.u32 s4, $0x1;
	s4 =	sadd.s32 s21, s2  }
0x9d: {  	[timem:s6], [sflag:s22] =	dma.local [hbm:s4], s20  }
0x9e: {  	_ =	swait.ge [sflag:s22], s20  }
0x9f: {  	s3 =	ssub.s32 $0x0, s20;
	[sflag:s22] =	ssyncset.done $0x0  }
0xa0: {  	[sflag:s22] =	ssyncadd.s32 s3;
	_ =	sdelay $0x1  }
0xa1: {  	s23 =	simm.s32 $0x1B8B  }
0xa2: {  	_ =	swait.ge [sflag:s23], $0x1  }
0xa3: {  	[sflag:s23] =	ssyncset.done $0x0  }
0xa4: {  	s25 =	simm.s32 $0x1B8E;
	s24 =	sld [smem:$0x3FFE];
	[sflag:s23] =	ssyncadd.s32 $0xFFFFFFFF  }
0xa5: {  	s26 =	simm.s32 $execute0_lowered;
	[smem:$0x3FD2] =	sst s25  }
0xa6: {  	s4 =	sshll.u32 s26, $0x1;
	_ =	strace $0x80000046;
	[dreg:$0x1] =	wrdreg $0xFFFFFFFF  }
0xa7: {  	s28 =	simm.s32 $_size_execute0_lowered;
	s2 =	sadd.s32 s2, s4;
	[dreg:$0x0] =	wrdreg $0x0  }
0xa8: {  	s4 =	sshll.u32 s28, $0x1;
	[dreg:$0x2] =	wrdreg s2  }
0xa9: {  	[dreg:$0x3] =	wrdreg s4  }
0xaa: {  	[dreg:$0x4] =	wrdreg $0xC0  }
0xab: {  	_ =	task [dreg:s6], $0x5FFFF  }
0xac: {  	[dreg:$0x1] =	wrdreg $0xFFFFFFFF  }
0xad: {  	[dreg:$0x0] =	wrdreg $0x60  }
0xae: {  	[dreg:$0x2] =	wrdreg s24  }
0xaf: {  	[dreg:$0x3] =	wrdreg $0x9  }
0xb0: {  	_ =	task.clear_ibuf [dreg:s6], $0x4FFFF;
	_ =	strace $0x90000046  }
0xb1: {  	s29 =	simm.s32 $0x9;
	_ =	strace $0x80000051  }
0xb2: {  	_ =	swait.ge [sflag:s29], $0x1  }
0xb3: {  	[sflag:s29] =	ssyncadd.s32 $0xFFFFFFFF  }
0xb4: {  	_ =	strace $0x90000051  }
0xb5: {  	_ =	sfence  }
0xb6: {  	s30 =	sld [smem:$0x0];
	_ =	sdelay $0x2  }
0xb7: {  	s31 =	sshll.u32 s1, $0xD;
	s1 =	sshrl.u32 s1, $0x2  }
0xb8: {  	s3 =	sand.u32 $0x4000, s31;
	s1 =	sadd.s32 s1, s30  }
0xb9: {  	s0 =	sor.u32 s3, s0;
	s1 =	sshll.u32 s1, $0x11  }
0xba: {  	s0 =	sor.u32 s1, s0  }
0xbb: {  	s0 =	sadd.s32 $0x8F2B, s0  }
0xbc: {  	[sflag:s0] =	ssyncadd.remote.s32 $0x1  }
0xbd: {  	_ =	sfence.sel $0xFFFF  }
0xbe: {  	[dreg:$0x0] =	wrdreg $0xFFFFFFFF;
	(pc) =	sbr.abs _section_cstart, $3  }
0xbf: {  	[dreg:$0x1] =	wrdreg $0xFFFFFFFF  }
0xc0: {  	_ =	task.clear_ibuf [dreg:s6], $0x2FFFF;
	_ =	strace $0x9FFFFFFF  }
0xc1: {  	(tm) =	ssettm $0x7FFFFFFF  }
tec
execute0_lowered:
.L_overlay_start_1:
0x0: {  	(tag) =	ssettag $0x1  }
0x1: {  	s1 =	srdreg.scid  }
0x2: {  	s6 =	sand.u32 $0x1, s1  }
0x3: {  	p0 =	seq.s32 s6, $0x1  }
.Ltmp0:
0x4: {  	_ = 	snop;
	(pc) =	sbr.rel @p0 .LBB2_36-.Ltmp0, $4  }
0x5: {  	_ = 	snop  }
0x6: {  	s2 =	rddreg [dreg:$0x0];
	s22 =	simm.s32 $0x0  }
0x7: {  	[smem:$0x7FF] =	sst s22  }
0x8: {  	s0 =	rddreg [dreg:$0x1];
	s1 =	stileid.u32;
	_ =	strace $0x80000047  }
0x9: {  	s3 =	sshll.u32 s6, $0x4  }
0xa: {  	s4 =	sadd.s32 $0x1870200, s2;
	s5 =	sadd.s32 $0x1870A00, s2;
	s3 =	sor.u32 s1, s3  }
0xb: {  	p0 =	seq.s32 s6, $0x0;
	s6 =	simm.s32 $0x19;
	s3 =	smin.u32 s3, $0x10  }
0xc: {  	_ =	strace $0x80000048;
	s9 =	simm.s32 $0x1400;
	s7 =	smul.u32 $0x18700, s3  }
0xd: {  	s31 =	simm.s32 $0x10400;
	s16 =	simm.s32 $0x0;
	s10 =	simm.s32 $0x0  }
0xe: {  	s11 =	simm.s32 $0x0;
	s12 =	simm.s32 $0x1;
	s7 =	sadd.s32 s7, s2  }
0xf: {  	s13 =	simm.s32 $0x0;
	s8 =	sshll.u32 s3, $0x7;
	s7 =	sadd.s32 $0x16E9000, s7  }
0x10: {  	[tilespmem:s9], [sflag:$0x1] =	stream.linear.gather [hbm4b:s7+s22], $0x7800, $0x200038;
	[tilespmem:$0x11400] =	vst v63  }
0x11: {  	s6 =	simm.s32 @!p0 $0xFFFFFFFF;
	s30 =	sadd.s32 s4, s8;
	s8 =	simm.s32 $0x0  }
0x12: {  	[tilespmem:s31], [sflag:$0x3] =	stream.linear.gather [hbm4b:s30+s22], $0x400, $0x200038;
	[tilespmem:$0x11400] =	vst v63  }
0x13: {  	v0 =	vlaneseq.u32;
	s7 =	simm.s32 $0x1;
	s9 =	simm.s32 $0x0;
	_ =	strace $0x90000048  }
.LBB2_2:
0x14: {  	s14 =	sadd.s32 $0x1, s22  }
0x15: {  	s15 =	simm.s32 $0x1;
	p0 =	seq.s32 s14, $0x1A  }
0x16: {  	s15 =	simm.s32 @!p0 $0x0  }
0x17: {  	s15 =	sadd.s32 s15, s16  }
0x18: {  	p1 =	seq.s32 s15, $0x1  }
0x19: {  	s14 =	simm.s32 @p0 $0x0;
	s15 =	simm.s32 @p1 $0x0  }
0x1a: {  	p0 =	sne.s32 s22, s14;
	p1 =	sne.s32 s16, s15  }
0x1b: {  	p2 =	slt.s32 s13, s6;
	p0 =	por p0, p1  }
0x1c: {  	p3 =	por !p2, !p0  }
0x1d: {  	s17 =	sadd.s32 s3, s15;
	p3 =	por !p3, !p3  }
0x1e: {  	s18 =	smul.u32 @p3 $0xC3800, s17  }
0x1f: {  	p2 =	por !p2, !p1;
	s19 =	smul.u32 @p3 $0x7800, s14  }
0x20: {  	p5 =	por !p2, !p2;
	s20 =	sand.u32 @p3 $0x1, s12;
	_ =	strace @p3 $0x80000049  }
0x21: {  	s17 =	sshll.u32 @p5 s17, $0x7;
	s21 =	smul.u32 @p3 $0x1E000, s20;
	s18 =	sadd.s32 @p3 s19, s18  }
0x22: {  	p4 =	seq.s32 s22, $0x0;
	s17 =	sand.u32 @p5 $0x1FFFFF80, s17;
	s18 =	sadd.s32 @p3 $0xB748000, s18  }
0x23: {  	s19 =	sadd.s32 @p3 $0x1, s20;
	s20 =	sshrl.u32 @p3 s21, $0x2;
	s18 =	sshrl.u32 @p3 s18, $0x3  }
0x24: {  	s21 =	simm.s32 @p3 $0x0;
	s20 =	sadd.s32 @p3 $0x1400, s20;
	s18 =	sadd.s32 @p3 s2, s18  }
0x25: {  	[tilespmem:s20], [sflag:s19] =	stream.linear.gather @p3 [hbm4b:s18+s21], $0x7800, $0x200038;
	[tilespmem:$0x11400] =	vst v63  }
0x26: {  	s17 =	sadd.s32 @p5 s4, s17;
	s18 =	sand.u32 @p5 $0x1, s7;
	s20 =	simm.s32 $0x1  }
0x27: {  	s21 =	simm.s32 @p5 $0x0;
	_ =	strace @p3 $0x90000049;
	s19 =	sshll.u32 @p5 s18, $0xA  }
0x28: {  	s18 =	sadd.s32 @p5 $0x3, s18;
	_ =	strace @p5 $0x8000004A;
	s19 =	sadd.s32 @p5 $0x10400, s19  }
0x29: {  	[tilespmem:s19], [sflag:s18] =	stream.linear.gather @p5 [hbm4b:s17+s21], $0x400, $0x200038;
	[tilespmem:$0x11400] =	vst v63  }
0x2a: {  	s20 =	simm.s32 @!p4 $0x0;
	s17 =	sand.u32 $0x1, s11;
	_ =	strace @p5 $0x9000004A  }
0x2b: {  	s28 =	ssub.s32 s16, s20;
	s29 =	sadd.s32 $0x1, s17;
	_ =	strace $0x8000004B  }
0x2c: {  	p2 =	sne.s32 s16, $0x0;
	p6 =	seq.s32 s28, $0xFFFFFFFF;
	_ =	swait.ge [sflag:s29], $0x7800  }
0x2d: {  	p2 =	por @!p6 p4, p4;
	p6 =	seq.s32 s13, $0x0;
	[sflag:s29] =	ssyncset.done $0x0  }
0x2e: {  	p6 =	por p6, p2;
	[sflag:s29] =	ssyncadd.s32 $0xFFFF8800  }
0x2f: {  	s18 =	sand.u32 @p6 $0x1, s10;
	_ =	strace $0x9000004B  }
0x30: {  	s18 =	sadd.s32 @p6 $0x3, s18;
	_ =	strace @p6 $0x8000004C  }
0x31: {  	_ =	swait.ge @p6 [sflag:s18], $0x400  }
0x32: {  	[sflag:s18] =	ssyncset.done @p6 $0x0  }
0x33: {  	[sflag:s18] =	ssyncadd.s32 @p6 $0xFFFFFC00  }
0x34: {  	s30 =	sshll.u32 s10, $0xA;
	_ =	strace @p6 $0x9000004C  }
0x35: {  	v2 =	vimm.f32 @p4 $-Inf;
	s19 =	sand.u32 $0x400, s30;
	_ =	strace $0x8000004D  }
0x36: {  	v1 =	vld [tilespmem:s19+$0x10400];
	[tilespmem:$0x0] =	vst @p4 v2;
	v2 =	vimm.f32 @p4 $0.0e+00  }
0x37: {  	s18 =	smul.u32 @p4 $0x1E000, s17;
	[tilespmem:$0x400] =	vst @p4 v2  }
0x38: {  	[tilespmem:$0x800] =	vst @p4 v2  }
0x39: {  	s17 =	smul.u32 @!p4 $0x1E000, s17;
	s21 =	sshrl.u32 @p4 s18, $0x2;
	[tilespmem:$0xC00] =	vst @p4 v2  }
0x3a: {  	s20 =	simm.s32 $0x1;
	v2 =	vld @p4 [tilespmem:s21+$0x1400]  }
0x3b: {  	s20 =	simm.s32 @!p3 $0x0;
	s17 =	smov.u32 @p4 s18  }
0x3c: {  	s31 =	simm.s32 $0x0;
	s12 =	sadd.s32 s20, s12;
	s20 =	sshrl.u32 s17, $0x2  }
0x3d: {  	s23 =	simm.s32 $0x1;
	s24 =	sand.u32 $0x7C00, s31;
	s21 =	sadd.s32 $0x1400, s20  }
0x3e: {  	s18 =	smul.u32 $0xF00, s22;
	s17 =	sand.u32 $0x70, s31;
	s24 =	sadd.s32 s24, s21  }
0x3f: {  	s23 =	simm.s32 @!p5 $0x0;
	v3 =	vld [tilespmem:$0x800];
	s24 =	sadd.s32 s17, s24;
	[tilespmem:$0x1000] =	vst @p4 v2  }
0x40: {  	s7 =	sadd.s32 s23, s7;
	s23 =	simm.s32 $0x10;
	s25 =	sadd.s32 $0x0, s18;
	v5 =	vld [tilespmem:s24+$0x0]  }
0x41: {  	s16 =	sadd.s32 s3, s16;
	v4 =	vld [tilespmem:$0xC00];
	v6 =	vmov s25;
	s17 =	sand.u32 $0x1, s9;
	v2 =	vimm.f32 $-Inf;
	s24 =	simm.s32 $0x80  }
.LBB2_3:
0x42: {  	s25 =	sand.u32 $0x7C00, s24  }
0x43: {  	p3 =	sne.s32 s23, $0xEF0;
	v6 =	vsub.s32 v1, v6;
	s26 =	smov.u32 s23;
	s23 =	sadd.s32 $0x10, s23  }
.Ltmp1:
0x44: {  	s28 =	sand.u32 $0x70, s26;
	s25 =	sadd.s32 s25, s21;
	vm0 =	veq.s32 v6, v0;
	(pc) =	sbr.rel @p3 .LBB2_3-.Ltmp1, $4  }
0x45: {  	s25 =	sadd.s32 s28, s25;
	v2 =	vmax.f32 v2, v5;
	v3 =	vadd.f32 v5, v3;
	v6 =	vnsel vm0, $0x0, v5  }
0x46: {  	v5 =	vld [tilespmem:s25+$0x0];
	v4 =	vadd.f32 v6, v4  }
0x47: {  	s25 =	sadd.s32 s26, s18  }
0x48: {  	s24 =	sadd.s32 $0x80, s24;
	v6 =	vmov s25  }
0x49: {  	v7 =	vld [tilespmem:$0x0];
	_ =	sdelay $0x3  }
0x4a: {  	v2 =	vmax.f32 v2, v5  }
0x4b: {  	v2 =	vmax.f32 v7, v2  }
0x4c: {  	s23 =	simm.s32 $0x0;
	v7 =	vsub.f32 v7, v2  }
0x4d: {  	s24 =	sand.u32 $0x7C00, s23  }
0x4e: {  	s23 =	sand.u32 $0x70, s23;
	s24 =	sadd.s32 s24, s21;
	v7 =	vmul.f32 $1.442695020e+00, v7  }
0x4f: {  	s23 =	sadd.s32 s23, s24  }
0x50: {  	(erf) = vpow2.f32 v7;
	v7 =	vld [tilespmem:s23+$0x0]  }
0x51: {  	s25 =	simm.s32 $0x80  }
0x52: {  	s26 =	simm.s32 $0x10;
	s25 =	sand.u32 $0x7C00, s25  }
0x53: {  	s28 =	sand.u32 $0x70, s26;
	s29 =	sadd.s32 s25, s21  }
0x54: {  	s23 =	sadd.s32 s28, s29  }
0x55: {  	v8 =	vld [tilespmem:s23+$0x0];
	v7 =	vsub.f32 v7, v2  }
0x56: {  	v9 =	vld [tilespmem:$0x400];
	v1 =	vsub.s32 v1, v6  }
0x57: {  	v7 =	vmul.f32 $1.442695020e+00, v7  }
0x58: {  	s30 =	simm.s32 $0x100  }
0x59: {  	s31 =	simm.s32 $0x20;
	vm0 =	veq.s32 v1, v0;
	s23 =	sand.u32 $0x7C00, s30;
	v1 =	vpop (erf);
	(erf) = vpow2.f32 v7  }
0x5a: {  	s24 =	sand.u32 $0x70, s31;
	s23 =	sadd.s32 s23, s21;
	v8 =	vsub.f32 v8, v2  }
0x5b: {  	s24 =	sadd.s32 s24, s23;
	v6 =	vmul.f32 v1, v9;
	v1 =	vadd.f32 v5, v3;
	v3 =	vnsel vm0, $0x0, v5  }
0x5c: {  	v3 =	vadd.f32 v3, v4;
	v4 =	vld [tilespmem:s24+$0x0]  }
0x5d: {  	s23 =	simm.s32 $0x30;
	v5 =	vmul.f32 $1.442695020e+00, v8;
	s24 =	simm.s32 $0x180  }
.LBB2_5:
0x5e: {  	s25 =	sand.u32 $0x7C00, s24  }
0x5f: {  	p3 =	sne.s32 s23, $0xEF0;
	(erf) = vpow2.f32 v5;
	s26 =	smov.u32 s23;
	s23 =	sadd.s32 $0x10, s23  }
.Ltmp2:
0x60: {  	s26 =	sand.u32 $0x70, s26;
	s25 =	sadd.s32 s25, s21;
	(pc) =	sbr.rel @p3 .LBB2_5-.Ltmp2, $4  }
0x61: {  	s25 =	sadd.s32 s26, s25;
	v5 =	vsub.f32 v4, v2  }
0x62: {  	v4 =	vld [tilespmem:s25+$0x0];
	v7 =	vpop (erf)  }
0x63: {  	v5 =	vmul.f32 $1.442695020e+00, v5;
	v6 =	vadd.f32 v7, v6  }
0x64: {  	s24 =	sadd.s32 $0x80, s24  }
0x65: {  	_ =	sdelay $0x1  }
0x66: {  	v4 =	vsub.f32 v4, v2;
	_ =	sdelay $0x1  }
0x67: {  	(erf) = vpow2.f32 v5;
	v4 =	vmul.f32 $1.442695020e+00, v4;
	_ =	sdelay $0x1  }
0x68: {  	(erf) = vpow2.f32 v4;
	_ =	sdelay $0x4  }
0x69: {  	v4 =	vpop (erf)  }
0x6a: {  	v4 =	vadd.f32 v4, v6  }
0x6b: {  	v5 =	vpop (erf)  }
0x6c: {  	v4 =	vadd.f32 v5, v4  }
0x6d: {  	[tilespmem:$0x0] =	vst v2;
	v5 =	vpop (erf)  }
0x6e: {  	[tilespmem:$0x800] =	vst v1;
	v4 =	vadd.f32 v5, v4  }
0x6f: {  	[tilespmem:$0xC00] =	vst v3  }
0x70: {  	s21 =	sshll.u32 s17, $0xA;
	[tilespmem:$0x400] =	vst v4  }
0x71: {  	[tilespmem:s21+$0x10C00] =	vst v2  }
0x72: {  	[tilespmem:s21+$0x10C10] =	vst v4  }
0x73: {  	[tilespmem:s21+$0x10C20] =	vst v1  }
0x74: {  	[tilespmem:s21+$0x10C30] =	vst v3  }
0x75: {  	v1 =	vld [tilespmem:$0x1000];
	_ =	sdelay $0x3  }
0x76: {  	p3 =	sne.s32 s22, $0x0  }
0x77: {  	[tilespmem:s21+$0x10C40] =	vst v1;
	v1 =	vimm.f32 @!p3 $-Inf  }
0x78: {  	v2 =	vld [tilespmem:s19+$0x10480];
	[tilespmem:$0x80] =	vst @!p3 v1;
	v1 =	vimm.f32 @!p3 $0.0e+00  }
0x79: {  	[tilespmem:$0x480] =	vst @!p3 v1  }
0x7a: {  	[tilespmem:$0x880] =	vst @!p3 v1  }
0x7b: {  	[tilespmem:$0xC80] =	vst @!p3 v1  }
0x7c: {  	v1 =	vld @!p3 [tilespmem:s20+$0x1480];
	_ =	sdelay $0x1  }
0x7d: {  	s31 =	simm.s32 $0x0  }
0x7e: {  	s23 =	sadd.s32 $0x1480, s20;
	s24 =	sand.u32 $0x7C00, s31  }
0x7f: {  	s22 =	sand.u32 $0x70, s31;
	s24 =	sadd.s32 s24, s23  }
0x80: {  	s25 =	sadd.s32 s22, s24;
	v3 =	vld [tilespmem:$0x880];
	[tilespmem:$0x1080] =	vst @!p3 v1  }
0x81: {  	s26 =	sadd.s32 $0x0, s18;
	v5 =	vld [tilespmem:s25+$0x0]  }
0x82: {  	s22 =	sadd.s32 $0x10C00, s21;
	s24 =	simm.s32 $0x10;
	v6 =	vmov s26;
	v4 =	vld [tilespmem:$0xC80];
	v1 =	vimm.f32 $-Inf;
	s25 =	simm.s32 $0x80  }
.LBB2_7:
0x83: {  	s26 =	sand.u32 $0x7C00, s25  }
0x84: {  	p4 =	sne.s32 s24, $0xEF0;
	v6 =	vsub.s32 v2, v6;
	s28 =	smov.u32 s24;
	s24 =	sadd.s32 $0x10, s24  }
.Ltmp3:
0x85: {  	s29 =	sand.u32 $0x70, s28;
	s26 =	sadd.s32 s26, s23;
	vm0 =	veq.s32 v6, v0;
	(pc) =	sbr.rel @p4 .LBB2_7-.Ltmp3, $4  }
0x86: {  	s26 =	sadd.s32 s29, s26;
	v1 =	vmax.f32 v1, v5;
	v3 =	vadd.f32 v5, v3;
	v6 =	vnsel vm0, $0x0, v5  }
0x87: {  	v5 =	vld [tilespmem:s26+$0x0];
	v4 =	vadd.f32 v6, v4  }
0x88: {  	s26 =	sadd.s32 s28, s18  }
0x89: {  	s25 =	sadd.s32 $0x80, s25;
	v6 =	vmov s26  }
0x8a: {  	v7 =	vld [tilespmem:$0x80];
	_ =	sdelay $0x3  }
0x8b: {  	v1 =	vmax.f32 v1, v5  }
0x8c: {  	v1 =	vmax.f32 v7, v1  }
0x8d: {  	s24 =	simm.s32 $0x0;
	v7 =	vsub.f32 v7, v1  }
0x8e: {  	s25 =	sand.u32 $0x7C00, s24  }
0x8f: {  	s24 =	sand.u32 $0x70, s24;
	s25 =	sadd.s32 s25, s23;
	v7 =	vmul.f32 $1.442695020e+00, v7  }
0x90: {  	s24 =	sadd.s32 s24, s25  }
0x91: {  	(erf) = vpow2.f32 v7;
	v7 =	vld [tilespmem:s24+$0x0]  }
0x92: {  	s26 =	simm.s32 $0x80  }
0x93: {  	s31 =	simm.s32 $0x10;
	s26 =	sand.u32 $0x7C00, s26  }
0x94: {  	s28 =	sand.u32 $0x70, s31;
	s29 =	sadd.s32 s26, s23  }
0x95: {  	s24 =	sadd.s32 s28, s29  }
0x96: {  	v8 =	vld [tilespmem:s24+$0x0];
	v7 =	vsub.f32 v7, v1  }
0x97: {  	v9 =	vld [tilespmem:$0x480];
	v2 =	vsub.s32 v2, v6  }
0x98: {  	v7 =	vmul.f32 $1.442695020e+00, v7  }
0x99: {  	s30 =	simm.s32 $0x100  }
0x9a: {  	s31 =	simm.s32 $0x20;
	vm0 =	veq.s32 v2, v0;
	s24 =	sand.u32 $0x7C00, s30;
	v2 =	vpop (erf);
	(erf) = vpow2.f32 v7  }
0x9b: {  	s25 =	sand.u32 $0x70, s31;
	s24 =	sadd.s32 s24, s23;
	v8 =	vsub.f32 v8, v1  }
0x9c: {  	s25 =	sadd.s32 s25, s24;
	v6 =	vmul.f32 v2, v9;
	v2 =	vadd.f32 v5, v3;
	v3 =	vnsel vm0, $0x0, v5  }
0x9d: {  	v3 =	vadd.f32 v3, v4;
	v4 =	vld [tilespmem:s25+$0x0]  }
0x9e: {  	s24 =	simm.s32 $0x30;
	v5 =	vmul.f32 $1.442695020e+00, v8;
	s25 =	simm.s32 $0x180  }
.LBB2_9:
0x9f: {  	s26 =	sand.u32 $0x7C00, s25  }
0xa0: {  	p4 =	sne.s32 s24, $0xEF0;
	(erf) = vpow2.f32 v5;
	s28 =	smov.u32 s24;
	s24 =	sadd.s32 $0x10, s24  }
.Ltmp4:
0xa1: {  	s28 =	sand.u32 $0x70, s28;
	s26 =	sadd.s32 s26, s23;
	(pc) =	sbr.rel @p4 .LBB2_9-.Ltmp4, $4  }
0xa2: {  	s26 =	sadd.s32 s28, s26;
	v5 =	vsub.f32 v4, v1  }
0xa3: {  	v4 =	vld [tilespmem:s26+$0x0];
	v7 =	vpop (erf)  }
0xa4: {  	v5 =	vmul.f32 $1.442695020e+00, v5;
	v6 =	vadd.f32 v7, v6  }
0xa5: {  	s25 =	sadd.s32 $0x80, s25  }
0xa6: {  	_ =	sdelay $0x1  }
0xa7: {  	v4 =	vsub.f32 v4, v1;
	_ =	sdelay $0x1  }
0xa8: {  	(erf) = vpow2.f32 v5;
	v4 =	vmul.f32 $1.442695020e+00, v4;
	_ =	sdelay $0x1  }
0xa9: {  	(erf) = vpow2.f32 v4;
	_ =	sdelay $0x4  }
0xaa: {  	v4 =	vpop (erf)  }
0xab: {  	v4 =	vadd.f32 v4, v6  }
0xac: {  	v5 =	vpop (erf)  }
0xad: {  	v4 =	vadd.f32 v5, v4  }
0xae: {  	[tilespmem:$0x80] =	vst v1;
	v5 =	vpop (erf)  }
0xaf: {  	[tilespmem:$0x880] =	vst v2;
	v4 =	vadd.f32 v5, v4  }
0xb0: {  	[tilespmem:$0xC80] =	vst v3  }
0xb1: {  	[tilespmem:$0x480] =	vst v4  }
0xb2: {  	[tilespmem:s21+$0x10C80] =	vst v1  }
0xb3: {  	[tilespmem:s21+$0x10C90] =	vst v4  }
0xb4: {  	[tilespmem:s21+$0x10CA0] =	vst v2  }
0xb5: {  	[tilespmem:s21+$0x10CB0] =	vst v3  }
0xb6: {  	v1 =	vld [tilespmem:$0x1080];
	_ =	sdelay $0x4  }
0xb7: {  	[tilespmem:s21+$0x10CC0] =	vst v1;
	v1 =	vimm.f32 @!p3 $-Inf  }
0xb8: {  	v2 =	vld [tilespmem:s19+$0x10500];
	[tilespmem:$0x100] =	vst @!p3 v1;
	v1 =	vimm.f32 @!p3 $0.0e+00  }
0xb9: {  	[tilespmem:$0x500] =	vst @!p3 v1  }
0xba: {  	[tilespmem:$0x900] =	vst @!p3 v1  }
0xbb: {  	[tilespmem:$0xD00] =	vst @!p3 v1  }
0xbc: {  	v1 =	vld @!p3 [tilespmem:s20+$0x1500];
	_ =	sdelay $0x1  }
0xbd: {  	s24 =	simm.s32 $0x0  }
0xbe: {  	s23 =	sadd.s32 $0x1500, s20;
	s25 =	sand.u32 $0x7C00, s24  }
0xbf: {  	s24 =	sand.u32 $0x70, s24;
	s25 =	sadd.s32 s25, s23  }
0xc0: {  	s25 =	sadd.s32 s24, s25;
	v3 =	vld [tilespmem:$0x900];
	[tilespmem:$0x1100] =	vst @!p3 v1  }
0xc1: {  	s26 =	sadd.s32 $0x0, s18;
	v5 =	vld [tilespmem:s25+$0x0]  }
0xc2: {  	s24 =	simm.s32 $0x10;
	v6 =	vmov s26;
	v4 =	vld [tilespmem:$0xD00];
	v1 =	vimm.f32 $-Inf;
	s25 =	simm.s32 $0x80  }
.LBB2_11:
0xc3: {  	s26 =	sand.u32 $0x7C00, s25  }
0xc4: {  	p4 =	sne.s32 s24, $0xEF0;
	v6 =	vsub.s32 v2, v6;
	s28 =	smov.u32 s24;
	s24 =	sadd.s32 $0x10, s24  }
.Ltmp5:
0xc5: {  	s29 =	sand.u32 $0x70, s28;
	s26 =	sadd.s32 s26, s23;
	vm0 =	veq.s32 v6, v0;
	(pc) =	sbr.rel @p4 .LBB2_11-.Ltmp5, $4  }
0xc6: {  	s26 =	sadd.s32 s29, s26;
	v1 =	vmax.f32 v1, v5;
	v3 =	vadd.f32 v5, v3;
	v6 =	vnsel vm0, $0x0, v5  }
0xc7: {  	v5 =	vld [tilespmem:s26+$0x0];
	v4 =	vadd.f32 v6, v4  }
0xc8: {  	s26 =	sadd.s32 s28, s18  }
0xc9: {  	s25 =	sadd.s32 $0x80, s25;
	v6 =	vmov s26  }
0xca: {  	v7 =	vld [tilespmem:$0x100];
	_ =	sdelay $0x3  }
0xcb: {  	v1 =	vmax.f32 v1, v5  }
0xcc: {  	v1 =	vmax.f32 v7, v1  }
0xcd: {  	s24 =	simm.s32 $0x0;
	v7 =	vsub.f32 v7, v1  }
0xce: {  	s25 =	sand.u32 $0x7C00, s24  }
0xcf: {  	s24 =	sand.u32 $0x70, s24;
	s25 =	sadd.s32 s25, s23;
	v7 =	vmul.f32 $1.442695020e+00, v7  }
0xd0: {  	s24 =	sadd.s32 s24, s25  }
0xd1: {  	(erf) = vpow2.f32 v7;
	v7 =	vld [tilespmem:s24+$0x0]  }
0xd2: {  	s26 =	simm.s32 $0x80  }
0xd3: {  	s31 =	simm.s32 $0x10;
	s26 =	sand.u32 $0x7C00, s26  }
0xd4: {  	s28 =	sand.u32 $0x70, s31;
	s29 =	sadd.s32 s26, s23  }
0xd5: {  	s24 =	sadd.s32 s28, s29  }
0xd6: {  	v8 =	vld [tilespmem:s24+$0x0];
	v7 =	vsub.f32 v7, v1  }
0xd7: {  	v9 =	vld [tilespmem:$0x500];
	v2 =	vsub.s32 v2, v6  }
0xd8: {  	v7 =	vmul.f32 $1.442695020e+00, v7  }
0xd9: {  	s30 =	simm.s32 $0x100  }
0xda: {  	s31 =	simm.s32 $0x20;
	vm0 =	veq.s32 v2, v0;
	s24 =	sand.u32 $0x7C00, s30;
	v2 =	vpop (erf);
	(erf) = vpow2.f32 v7  }
0xdb: {  	s25 =	sand.u32 $0x70, s31;
	s24 =	sadd.s32 s24, s23;
	v8 =	vsub.f32 v8, v1  }
0xdc: {  	s25 =	sadd.s32 s25, s24;
	v6 =	vmul.f32 v2, v9;
	v2 =	vadd.f32 v5, v3;
	v3 =	vnsel vm0, $0x0, v5  }
0xdd: {  	v3 =	vadd.f32 v3, v4;
	v4 =	vld [tilespmem:s25+$0x0]  }
0xde: {  	s24 =	simm.s32 $0x30;
	v5 =	vmul.f32 $1.442695020e+00, v8;
	s25 =	simm.s32 $0x180  }
.LBB2_13:
0xdf: {  	s26 =	sand.u32 $0x7C00, s25  }
0xe0: {  	p4 =	sne.s32 s24, $0xEF0;
	(erf) = vpow2.f32 v5;
	s28 =	smov.u32 s24;
	s24 =	sadd.s32 $0x10, s24  }
.Ltmp6:
0xe1: {  	s28 =	sand.u32 $0x70, s28;
	s26 =	sadd.s32 s26, s23;
	(pc) =	sbr.rel @p4 .LBB2_13-.Ltmp6, $4  }
0xe2: {  	s26 =	sadd.s32 s28, s26;
	v5 =	vsub.f32 v4, v1  }
0xe3: {  	v4 =	vld [tilespmem:s26+$0x0];
	v7 =	vpop (erf)  }
0xe4: {  	v5 =	vmul.f32 $1.442695020e+00, v5;
	v6 =	vadd.f32 v7, v6  }
0xe5: {  	s25 =	sadd.s32 $0x80, s25  }
0xe6: {  	_ =	sdelay $0x1  }
0xe7: {  	v4 =	vsub.f32 v4, v1;
	_ =	sdelay $0x1  }
0xe8: {  	(erf) = vpow2.f32 v5;
	v4 =	vmul.f32 $1.442695020e+00, v4;
	_ =	sdelay $0x1  }
0xe9: {  	(erf) = vpow2.f32 v4;
	_ =	sdelay $0x4  }
0xea: {  	v4 =	vpop (erf)  }
0xeb: {  	v4 =	vadd.f32 v4, v6  }
0xec: {  	v5 =	vpop (erf)  }
0xed: {  	v4 =	vadd.f32 v5, v4  }
0xee: {  	[tilespmem:$0x100] =	vst v1;
	v5 =	vpop (erf)  }
0xef: {  	[tilespmem:$0x900] =	vst v2;
	v4 =	vadd.f32 v5, v4  }
0xf0: {  	[tilespmem:$0xD00] =	vst v3  }
0xf1: {  	[tilespmem:$0x500] =	vst v4  }
0xf2: {  	[tilespmem:s21+$0x10D00] =	vst v1  }
0xf3: {  	[tilespmem:s21+$0x10D10] =	vst v4  }
0xf4: {  	[tilespmem:s21+$0x10D20] =	vst v2  }
0xf5: {  	[tilespmem:s21+$0x10D30] =	vst v3  }
0xf6: {  	v1 =	vld [tilespmem:$0x1100];
	_ =	sdelay $0x4  }
0xf7: {  	[tilespmem:s21+$0x10D40] =	vst v1;
	v1 =	vimm.f32 @!p3 $-Inf  }
0xf8: {  	v2 =	vld [tilespmem:s19+$0x10580];
	[tilespmem:$0x180] =	vst @!p3 v1;
	v1 =	vimm.f32 @!p3 $0.0e+00  }
0xf9: {  	[tilespmem:$0x580] =	vst @!p3 v1  }
0xfa: {  	[tilespmem:$0x980] =	vst @!p3 v1  }
0xfb: {  	[tilespmem:$0xD80] =	vst @!p3 v1  }
0xfc: {  	v1 =	vld @!p3 [tilespmem:s20+$0x1580];
	_ =	sdelay $0x1  }
0xfd: {  	s24 =	simm.s32 $0x0  }
0xfe: {  	s23 =	sadd.s32 $0x1580, s20;
	s25 =	sand.u32 $0x7C00, s24  }
0xff: {  	s24 =	sand.u32 $0x70, s24;
	s25 =	sadd.s32 s25, s23  }
0x100: {  	s25 =	sadd.s32 s24, s25;
	v3 =	vld [tilespmem:$0x980];
	[tilespmem:$0x1180] =	vst @!p3 v1  }
0x101: {  	s26 =	sadd.s32 $0x0, s18;
	v5 =	vld [tilespmem:s25+$0x0]  }
0x102: {  	s24 =	simm.s32 $0x10;
	v6 =	vmov s26;
	v4 =	vld [tilespmem:$0xD80];
	v1 =	vimm.f32 $-Inf;
	s25 =	simm.s32 $0x80  }
.LBB2_15:
0x103: {  	s26 =	sand.u32 $0x7C00, s25  }
0x104: {  	p4 =	sne.s32 s24, $0xEF0;
	v6 =	vsub.s32 v2, v6;
	s28 =	smov.u32 s24;
	s24 =	sadd.s32 $0x10, s24  }
.Ltmp7:
0x105: {  	s29 =	sand.u32 $0x70, s28;
	s26 =	sadd.s32 s26, s23;
	vm0 =	veq.s32 v6, v0;
	(pc) =	sbr.rel @p4 .LBB2_15-.Ltmp7, $4  }
0x106: {  	s26 =	sadd.s32 s29, s26;
	v1 =	vmax.f32 v1, v5;
	v3 =	vadd.f32 v5, v3;
	v6 =	vnsel vm0, $0x0, v5  }
0x107: {  	v5 =	vld [tilespmem:s26+$0x0];
	v4 =	vadd.f32 v6, v4  }
0x108: {  	s26 =	sadd.s32 s28, s18  }
0x109: {  	s25 =	sadd.s32 $0x80, s25;
	v6 =	vmov s26  }
0x10a: {  	v7 =	vld [tilespmem:$0x180];
	_ =	sdelay $0x3  }
0x10b: {  	v1 =	vmax.f32 v1, v5  }
0x10c: {  	v1 =	vmax.f32 v7, v1  }
0x10d: {  	s24 =	simm.s32 $0x0;
	v7 =	vsub.f32 v7, v1  }
0x10e: {  	s25 =	sand.u32 $0x7C00, s24  }
0x10f: {  	s24 =	sand.u32 $0x70, s24;
	s25 =	sadd.s32 s25, s23;
	v7 =	vmul.f32 $1.442695020e+00, v7  }
0x110: {  	s24 =	sadd.s32 s24, s25  }
0x111: {  	(erf) = vpow2.f32 v7;
	v7 =	vld [tilespmem:s24+$0x0]  }
0x112: {  	s26 =	simm.s32 $0x80  }
0x113: {  	s31 =	simm.s32 $0x10;
	s26 =	sand.u32 $0x7C00, s26  }
0x114: {  	s28 =	sand.u32 $0x70, s31;
	s29 =	sadd.s32 s26, s23  }
0x115: {  	s24 =	sadd.s32 s28, s29  }
0x116: {  	v8 =	vld [tilespmem:s24+$0x0];
	v7 =	vsub.f32 v7, v1  }
0x117: {  	v9 =	vld [tilespmem:$0x580];
	v2 =	vsub.s32 v2, v6  }
0x118: {  	v7 =	vmul.f32 $1.442695020e+00, v7  }
0x119: {  	s30 =	simm.s32 $0x100  }
0x11a: {  	s31 =	simm.s32 $0x20;
	vm0 =	veq.s32 v2, v0;
	s24 =	sand.u32 $0x7C00, s30;
	v2 =	vpop (erf);
	(erf) = vpow2.f32 v7  }
0x11b: {  	s25 =	sand.u32 $0x70, s31;
	s24 =	sadd.s32 s24, s23;
	v8 =	vsub.f32 v8, v1  }
0x11c: {  	s25 =	sadd.s32 s25, s24;
	v6 =	vmul.f32 v2, v9;
	v2 =	vadd.f32 v5, v3;
	v3 =	vnsel vm0, $0x0, v5  }
0x11d: {  	v3 =	vadd.f32 v3, v4;
	v4 =	vld [tilespmem:s25+$0x0]  }
0x11e: {  	s24 =	simm.s32 $0x30;
	v5 =	vmul.f32 $1.442695020e+00, v8;
	s25 =	simm.s32 $0x180  }
.LBB2_17:
0x11f: {  	s26 =	sand.u32 $0x7C00, s25  }
0x120: {  	p4 =	sne.s32 s24, $0xEF0;
	(erf) = vpow2.f32 v5;
	s28 =	smov.u32 s24;
	s24 =	sadd.s32 $0x10, s24  }
.Ltmp8:
0x121: {  	s28 =	sand.u32 $0x70, s28;
	s26 =	sadd.s32 s26, s23;
	(pc) =	sbr.rel @p4 .LBB2_17-.Ltmp8, $4  }
0x122: {  	s26 =	sadd.s32 s28, s26;
	v5 =	vsub.f32 v4, v1  }
0x123: {  	v4 =	vld [tilespmem:s26+$0x0];
	v7 =	vpop (erf)  }
0x124: {  	v5 =	vmul.f32 $1.442695020e+00, v5;
	v6 =	vadd.f32 v7, v6  }
0x125: {  	s25 =	sadd.s32 $0x80, s25  }
0x126: {  	_ =	sdelay $0x1  }
0x127: {  	v4 =	vsub.f32 v4, v1;
	_ =	sdelay $0x1  }
0x128: {  	(erf) = vpow2.f32 v5;
	v4 =	vmul.f32 $1.442695020e+00, v4;
	_ =	sdelay $0x1  }
0x129: {  	(erf) = vpow2.f32 v4;
	_ =	sdelay $0x4  }
0x12a: {  	v4 =	vpop (erf)  }
0x12b: {  	v4 =	vadd.f32 v4, v6  }
0x12c: {  	v5 =	vpop (erf)  }
0x12d: {  	v4 =	vadd.f32 v5, v4  }
0x12e: {  	[tilespmem:$0x180] =	vst v1;
	v5 =	vpop (erf)  }
0x12f: {  	[tilespmem:$0x980] =	vst v2;
	v4 =	vadd.f32 v5, v4  }
0x130: {  	[tilespmem:$0xD80] =	vst v3  }
0x131: {  	[tilespmem:$0x580] =	vst v4  }
0x132: {  	[tilespmem:s21+$0x10D80] =	vst v1  }
0x133: {  	[tilespmem:s21+$0x10D90] =	vst v4  }
0x134: {  	[tilespmem:s21+$0x10DA0] =	vst v2  }
0x135: {  	[tilespmem:s21+$0x10DB0] =	vst v3  }
0x136: {  	v1 =	vld [tilespmem:$0x1180];
	_ =	sdelay $0x4  }
0x137: {  	[tilespmem:s21+$0x10DC0] =	vst v1;
	v1 =	vimm.f32 @!p3 $-Inf  }
0x138: {  	v2 =	vld [tilespmem:s19+$0x10600];
	[tilespmem:$0x200] =	vst @!p3 v1;
	v1 =	vimm.f32 @!p3 $0.0e+00  }
0x139: {  	[tilespmem:$0x600] =	vst @!p3 v1  }
0x13a: {  	[tilespmem:$0xA00] =	vst @!p3 v1  }
0x13b: {  	[tilespmem:$0xE00] =	vst @!p3 v1  }
0x13c: {  	v1 =	vld @!p3 [tilespmem:s20+$0x1600];
	_ =	sdelay $0x1  }
0x13d: {  	s24 =	simm.s32 $0x0  }
0x13e: {  	s23 =	sadd.s32 $0x1600, s20;
	s25 =	sand.u32 $0x7C00, s24  }
0x13f: {  	s24 =	sand.u32 $0x70, s24;
	s25 =	sadd.s32 s25, s23  }
0x140: {  	s25 =	sadd.s32 s24, s25;
	v3 =	vld [tilespmem:$0xA00];
	[tilespmem:$0x1200] =	vst @!p3 v1  }
0x141: {  	s26 =	sadd.s32 $0x0, s18;
	v5 =	vld [tilespmem:s25+$0x0]  }
0x142: {  	s24 =	simm.s32 $0x10;
	v6 =	vmov s26;
	v4 =	vld [tilespmem:$0xE00];
	v1 =	vimm.f32 $-Inf;
	s25 =	simm.s32 $0x80  }
.LBB2_19:
0x143: {  	s26 =	sand.u32 $0x7C00, s25  }
0x144: {  	p4 =	sne.s32 s24, $0xEF0;
	v6 =	vsub.s32 v2, v6;
	s28 =	smov.u32 s24;
	s24 =	sadd.s32 $0x10, s24  }
.Ltmp9:
0x145: {  	s29 =	sand.u32 $0x70, s28;
	s26 =	sadd.s32 s26, s23;
	vm0 =	veq.s32 v6, v0;
	(pc) =	sbr.rel @p4 .LBB2_19-.Ltmp9, $4  }
0x146: {  	s26 =	sadd.s32 s29, s26;
	v1 =	vmax.f32 v1, v5;
	v3 =	vadd.f32 v5, v3;
	v6 =	vnsel vm0, $0x0, v5  }
0x147: {  	v5 =	vld [tilespmem:s26+$0x0];
	v4 =	vadd.f32 v6, v4  }
0x148: {  	s26 =	sadd.s32 s28, s18  }
0x149: {  	s25 =	sadd.s32 $0x80, s25;
	v6 =	vmov s26  }
0x14a: {  	v7 =	vld [tilespmem:$0x200];
	_ =	sdelay $0x3  }
0x14b: {  	v1 =	vmax.f32 v1, v5  }
0x14c: {  	v1 =	vmax.f32 v7, v1  }
0x14d: {  	s24 =	simm.s32 $0x0;
	v7 =	vsub.f32 v7, v1  }
0x14e: {  	s25 =	sand.u32 $0x7C00, s24  }
0x14f: {  	s24 =	sand.u32 $0x70, s24;
	s25 =	sadd.s32 s25, s23;
	v7 =	vmul.f32 $1.442695020e+00, v7  }
0x150: {  	s24 =	sadd.s32 s24, s25  }
0x151: {  	(erf) = vpow2.f32 v7;
	v7 =	vld [tilespmem:s24+$0x0]  }
0x152: {  	s26 =	simm.s32 $0x80  }
0x153: {  	s31 =	simm.s32 $0x10;
	s26 =	sand.u32 $0x7C00, s26  }
0x154: {  	s28 =	sand.u32 $0x70, s31;
	s29 =	sadd.s32 s26, s23  }
0x155: {  	s24 =	sadd.s32 s28, s29  }
0x156: {  	v8 =	vld [tilespmem:s24+$0x0];
	v7 =	vsub.f32 v7, v1  }
0x157: {  	v9 =	vld [tilespmem:$0x600];
	v2 =	vsub.s32 v2, v6  }
0x158: {  	v7 =	vmul.f32 $1.442695020e+00, v7  }
0x159: {  	s30 =	simm.s32 $0x100  }
0x15a: {  	s31 =	simm.s32 $0x20;
	vm0 =	veq.s32 v2, v0;
	s24 =	sand.u32 $0x7C00, s30;
	v2 =	vpop (erf);
	(erf) = vpow2.f32 v7  }
0x15b: {  	s25 =	sand.u32 $0x70, s31;
	s24 =	sadd.s32 s24, s23;
	v8 =	vsub.f32 v8, v1  }
0x15c: {  	s25 =	sadd.s32 s25, s24;
	v6 =	vmul.f32 v2, v9;
	v2 =	vadd.f32 v5, v3;
	v3 =	vnsel vm0, $0x0, v5  }
0x15d: {  	v3 =	vadd.f32 v3, v4;
	v4 =	vld [tilespmem:s25+$0x0]  }
0x15e: {  	s24 =	simm.s32 $0x30;
	v5 =	vmul.f32 $1.442695020e+00, v8;
	s25 =	simm.s32 $0x180  }
.LBB2_21:
0x15f: {  	s26 =	sand.u32 $0x7C00, s25  }
0x160: {  	p4 =	sne.s32 s24, $0xEF0;
	(erf) = vpow2.f32 v5;
	s28 =	smov.u32 s24;
	s24 =	sadd.s32 $0x10, s24  }
.Ltmp10:
0x161: {  	s28 =	sand.u32 $0x70, s28;
	s26 =	sadd.s32 s26, s23;
	(pc) =	sbr.rel @p4 .LBB2_21-.Ltmp10, $4  }
0x162: {  	s26 =	sadd.s32 s28, s26;
	v5 =	vsub.f32 v4, v1  }
0x163: {  	v4 =	vld [tilespmem:s26+$0x0];
	v7 =	vpop (erf)  }
0x164: {  	v5 =	vmul.f32 $1.442695020e+00, v5;
	v6 =	vadd.f32 v7, v6  }
0x165: {  	s25 =	sadd.s32 $0x80, s25  }
0x166: {  	_ =	sdelay $0x1  }
0x167: {  	v4 =	vsub.f32 v4, v1;
	_ =	sdelay $0x1  }
0x168: {  	(erf) = vpow2.f32 v5;
	v4 =	vmul.f32 $1.442695020e+00, v4;
	_ =	sdelay $0x1  }
0x169: {  	(erf) = vpow2.f32 v4;
	_ =	sdelay $0x4  }
0x16a: {  	v4 =	vpop (erf)  }
0x16b: {  	v4 =	vadd.f32 v4, v6  }
0x16c: {  	v5 =	vpop (erf)  }
0x16d: {  	v4 =	vadd.f32 v5, v4  }
0x16e: {  	[tilespmem:$0x200] =	vst v1;
	v5 =	vpop (erf)  }
0x16f: {  	[tilespmem:$0xA00] =	vst v2;
	v4 =	vadd.f32 v5, v4  }
0x170: {  	[tilespmem:$0xE00] =	vst v3  }
0x171: {  	[tilespmem:$0x600] =	vst v4  }
0x172: {  	[tilespmem:s21+$0x10E00] =	vst v1  }
0x173: {  	[tilespmem:s21+$0x10E10] =	vst v4  }
0x174: {  	[tilespmem:s21+$0x10E20] =	vst v2  }
0x175: {  	[tilespmem:s21+$0x10E30] =	vst v3  }
0x176: {  	v1 =	vld [tilespmem:$0x1200];
	_ =	sdelay $0x4  }
0x177: {  	[tilespmem:s21+$0x10E40] =	vst v1;
	v1 =	vimm.f32 @!p3 $-Inf  }
0x178: {  	v2 =	vld [tilespmem:s19+$0x10680];
	[tilespmem:$0x280] =	vst @!p3 v1;
	v1 =	vimm.f32 @!p3 $0.0e+00  }
0x179: {  	[tilespmem:$0x680] =	vst @!p3 v1  }
0x17a: {  	[tilespmem:$0xA80] =	vst @!p3 v1  }
0x17b: {  	[tilespmem:$0xE80] =	vst @!p3 v1  }
0x17c: {  	v1 =	vld @!p3 [tilespmem:s20+$0x1680];
	_ =	sdelay $0x1  }
0x17d: {  	s24 =	simm.s32 $0x0  }
0x17e: {  	s23 =	sadd.s32 $0x1680, s20;
	s25 =	sand.u32 $0x7C00, s24  }
0x17f: {  	s24 =	sand.u32 $0x70, s24;
	s25 =	sadd.s32 s25, s23  }
0x180: {  	s25 =	sadd.s32 s24, s25;
	v3 =	vld [tilespmem:$0xA80];
	[tilespmem:$0x1280] =	vst @!p3 v1  }
0x181: {  	s26 =	sadd.s32 $0x0, s18;
	v5 =	vld [tilespmem:s25+$0x0]  }
0x182: {  	s24 =	simm.s32 $0x10;
	v6 =	vmov s26;
	v4 =	vld [tilespmem:$0xE80];
	v1 =	vimm.f32 $-Inf;
	s25 =	simm.s32 $0x80  }
.LBB2_23:
0x183: {  	s26 =	sand.u32 $0x7C00, s25  }
0x184: {  	p4 =	sne.s32 s24, $0xEF0;
	v6 =	vsub.s32 v2, v6;
	s28 =	smov.u32 s24;
	s24 =	sadd.s32 $0x10, s24  }
.Ltmp11:
0x185: {  	s29 =	sand.u32 $0x70, s28;
	s26 =	sadd.s32 s26, s23;
	vm0 =	veq.s32 v6, v0;
	(pc) =	sbr.rel @p4 .LBB2_23-.Ltmp11, $4  }
0x186: {  	s26 =	sadd.s32 s29, s26;
	v1 =	vmax.f32 v1, v5;
	v3 =	vadd.f32 v5, v3;
	v6 =	vnsel vm0, $0x0, v5  }
0x187: {  	v5 =	vld [tilespmem:s26+$0x0];
	v4 =	vadd.f32 v6, v4  }
0x188: {  	s26 =	sadd.s32 s28, s18  }
0x189: {  	s25 =	sadd.s32 $0x80, s25;
	v6 =	vmov s26  }
0x18a: {  	v7 =	vld [tilespmem:$0x280];
	_ =	sdelay $0x3  }
0x18b: {  	v1 =	vmax.f32 v1, v5  }
0x18c: {  	v1 =	vmax.f32 v7, v1  }
0x18d: {  	s24 =	simm.s32 $0x0;
	v7 =	vsub.f32 v7, v1  }
0x18e: {  	s25 =	sand.u32 $0x7C00, s24  }
0x18f: {  	s24 =	sand.u32 $0x70, s24;
	s25 =	sadd.s32 s25, s23;
	v7 =	vmul.f32 $1.442695020e+00, v7  }
0x190: {  	s24 =	sadd.s32 s24, s25  }
0x191: {  	(erf) = vpow2.f32 v7;
	v7 =	vld [tilespmem:s24+$0x0]  }
0x192: {  	s26 =	simm.s32 $0x80  }
0x193: {  	s31 =	simm.s32 $0x10;
	s26 =	sand.u32 $0x7C00, s26  }
0x194: {  	s28 =	sand.u32 $0x70, s31;
	s29 =	sadd.s32 s26, s23  }
0x195: {  	s24 =	sadd.s32 s28, s29  }
0x196: {  	v8 =	vld [tilespmem:s24+$0x0];
	v7 =	vsub.f32 v7, v1  }
0x197: {  	v9 =	vld [tilespmem:$0x680];
	v2 =	vsub.s32 v2, v6  }
0x198: {  	v7 =	vmul.f32 $1.442695020e+00, v7  }
0x199: {  	s30 =	simm.s32 $0x100  }
0x19a: {  	s31 =	simm.s32 $0x20;
	vm0 =	veq.s32 v2, v0;
	s24 =	sand.u32 $0x7C00, s30;
	v2 =	vpop (erf);
	(erf) = vpow2.f32 v7  }
0x19b: {  	s25 =	sand.u32 $0x70, s31;
	s24 =	sadd.s32 s24, s23;
	v8 =	vsub.f32 v8, v1  }
0x19c: {  	s25 =	sadd.s32 s25, s24;
	v6 =	vmul.f32 v2, v9;
	v2 =	vadd.f32 v5, v3;
	v3 =	vnsel vm0, $0x0, v5  }
0x19d: {  	v3 =	vadd.f32 v3, v4;
	v4 =	vld [tilespmem:s25+$0x0]  }
0x19e: {  	s24 =	simm.s32 $0x30;
	v5 =	vmul.f32 $1.442695020e+00, v8;
	s25 =	simm.s32 $0x180  }
.LBB2_25:
0x19f: {  	s26 =	sand.u32 $0x7C00, s25  }
0x1a0: {  	p4 =	sne.s32 s24, $0xEF0;
	(erf) = vpow2.f32 v5;
	s28 =	smov.u32 s24;
	s24 =	sadd.s32 $0x10, s24  }
.Ltmp12:
0x1a1: {  	s28 =	sand.u32 $0x70, s28;
	s26 =	sadd.s32 s26, s23;
	(pc) =	sbr.rel @p4 .LBB2_25-.Ltmp12, $4  }
0x1a2: {  	s26 =	sadd.s32 s28, s26;
	v5 =	vsub.f32 v4, v1  }
0x1a3: {  	v4 =	vld [tilespmem:s26+$0x0];
	v7 =	vpop (erf)  }
0x1a4: {  	v5 =	vmul.f32 $1.442695020e+00, v5;
	v6 =	vadd.f32 v7, v6  }
0x1a5: {  	s25 =	sadd.s32 $0x80, s25  }
0x1a6: {  	_ =	sdelay $0x1  }
0x1a7: {  	v4 =	vsub.f32 v4, v1;
	_ =	sdelay $0x1  }
0x1a8: {  	(erf) = vpow2.f32 v5;
	v4 =	vmul.f32 $1.442695020e+00, v4;
	_ =	sdelay $0x1  }
0x1a9: {  	(erf) = vpow2.f32 v4;
	_ =	sdelay $0x4  }
0x1aa: {  	v4 =	vpop (erf)  }
0x1ab: {  	v4 =	vadd.f32 v4, v6  }
0x1ac: {  	v5 =	vpop (erf)  }
0x1ad: {  	v4 =	vadd.f32 v5, v4  }
0x1ae: {  	[tilespmem:$0x280] =	vst v1;
	v5 =	vpop (erf)  }
0x1af: {  	[tilespmem:$0xA80] =	vst v2;
	v4 =	vadd.f32 v5, v4  }
0x1b0: {  	[tilespmem:$0xE80] =	vst v3  }
0x1b1: {  	[tilespmem:$0x680] =	vst v4  }
0x1b2: {  	[tilespmem:s21+$0x10E80] =	vst v1  }
0x1b3: {  	[tilespmem:s21+$0x10E90] =	vst v4  }
0x1b4: {  	[tilespmem:s21+$0x10EA0] =	vst v2  }
0x1b5: {  	[tilespmem:s21+$0x10EB0] =	vst v3  }
0x1b6: {  	v1 =	vld [tilespmem:$0x1280];
	_ =	sdelay $0x4  }
0x1b7: {  	[tilespmem:s21+$0x10EC0] =	vst v1;
	v1 =	vimm.f32 @!p3 $-Inf  }
0x1b8: {  	v2 =	vld [tilespmem:s19+$0x10700];
	[tilespmem:$0x300] =	vst @!p3 v1;
	v1 =	vimm.f32 @!p3 $0.0e+00  }
0x1b9: {  	[tilespmem:$0x700] =	vst @!p3 v1  }
0x1ba: {  	[tilespmem:$0xB00] =	vst @!p3 v1  }
0x1bb: {  	[tilespmem:$0xF00] =	vst @!p3 v1  }
0x1bc: {  	v1 =	vld @!p3 [tilespmem:s20+$0x1700];
	_ =	sdelay $0x1  }
0x1bd: {  	s24 =	simm.s32 $0x0  }
0x1be: {  	s23 =	sadd.s32 $0x1700, s20;
	s25 =	sand.u32 $0x7C00, s24  }
0x1bf: {  	s24 =	sand.u32 $0x70, s24;
	s25 =	sadd.s32 s25, s23  }
0x1c0: {  	s25 =	sadd.s32 s24, s25;
	v3 =	vld [tilespmem:$0xB00];
	[tilespmem:$0x1300] =	vst @!p3 v1  }
0x1c1: {  	s26 =	sadd.s32 $0x0, s18;
	v5 =	vld [tilespmem:s25+$0x0]  }
0x1c2: {  	s24 =	simm.s32 $0x10;
	v6 =	vmov s26;
	v4 =	vld [tilespmem:$0xF00];
	v1 =	vimm.f32 $-Inf;
	s25 =	simm.s32 $0x80  }
.LBB2_27:
0x1c3: {  	s26 =	sand.u32 $0x7C00, s25  }
0x1c4: {  	p4 =	sne.s32 s24, $0xEF0;
	v6 =	vsub.s32 v2, v6;
	s28 =	smov.u32 s24;
	s24 =	sadd.s32 $0x10, s24  }
.Ltmp13:
0x1c5: {  	s29 =	sand.u32 $0x70, s28;
	s26 =	sadd.s32 s26, s23;
	vm0 =	veq.s32 v6, v0;
	(pc) =	sbr.rel @p4 .LBB2_27-.Ltmp13, $4  }
0x1c6: {  	s26 =	sadd.s32 s29, s26;
	v1 =	vmax.f32 v1, v5;
	v3 =	vadd.f32 v5, v3;
	v6 =	vnsel vm0, $0x0, v5  }
0x1c7: {  	v5 =	vld [tilespmem:s26+$0x0];
	v4 =	vadd.f32 v6, v4  }
0x1c8: {  	s26 =	sadd.s32 s28, s18  }
0x1c9: {  	s25 =	sadd.s32 $0x80, s25;
	v6 =	vmov s26  }
0x1ca: {  	v7 =	vld [tilespmem:$0x300];
	_ =	sdelay $0x3  }
0x1cb: {  	v1 =	vmax.f32 v1, v5  }
0x1cc: {  	v1 =	vmax.f32 v7, v1  }
0x1cd: {  	s24 =	simm.s32 $0x0;
	v7 =	vsub.f32 v7, v1  }
0x1ce: {  	s25 =	sand.u32 $0x7C00, s24  }
0x1cf: {  	s24 =	sand.u32 $0x70, s24;
	s25 =	sadd.s32 s25, s23;
	v7 =	vmul.f32 $1.442695020e+00, v7  }
0x1d0: {  	s24 =	sadd.s32 s24, s25  }
0x1d1: {  	(erf) = vpow2.f32 v7;
	v7 =	vld [tilespmem:s24+$0x0]  }
0x1d2: {  	s26 =	simm.s32 $0x80  }
0x1d3: {  	s31 =	simm.s32 $0x10;
	s26 =	sand.u32 $0x7C00, s26  }
0x1d4: {  	s28 =	sand.u32 $0x70, s31;
	s29 =	sadd.s32 s26, s23  }
0x1d5: {  	s24 =	sadd.s32 s28, s29  }
0x1d6: {  	v8 =	vld [tilespmem:s24+$0x0];
	v7 =	vsub.f32 v7, v1  }
0x1d7: {  	v9 =	vld [tilespmem:$0x700];
	v2 =	vsub.s32 v2, v6  }
0x1d8: {  	v7 =	vmul.f32 $1.442695020e+00, v7  }
0x1d9: {  	s30 =	simm.s32 $0x100  }
0x1da: {  	s31 =	simm.s32 $0x20;
	vm0 =	veq.s32 v2, v0;
	s24 =	sand.u32 $0x7C00, s30;
	v2 =	vpop (erf);
	(erf) = vpow2.f32 v7  }
0x1db: {  	s25 =	sand.u32 $0x70, s31;
	s24 =	sadd.s32 s24, s23;
	v8 =	vsub.f32 v8, v1  }
0x1dc: {  	s25 =	sadd.s32 s25, s24;
	v6 =	vmul.f32 v2, v9;
	v2 =	vadd.f32 v5, v3;
	v3 =	vnsel vm0, $0x0, v5  }
0x1dd: {  	v3 =	vadd.f32 v3, v4;
	v4 =	vld [tilespmem:s25+$0x0]  }
0x1de: {  	s24 =	simm.s32 $0x30;
	v5 =	vmul.f32 $1.442695020e+00, v8;
	s25 =	simm.s32 $0x180  }
.LBB2_29:
0x1df: {  	s26 =	sand.u32 $0x7C00, s25  }
0x1e0: {  	p4 =	sne.s32 s24, $0xEF0;
	(erf) = vpow2.f32 v5;
	s28 =	smov.u32 s24;
	s24 =	sadd.s32 $0x10, s24  }
.Ltmp14:
0x1e1: {  	s28 =	sand.u32 $0x70, s28;
	s26 =	sadd.s32 s26, s23;
	(pc) =	sbr.rel @p4 .LBB2_29-.Ltmp14, $4  }
0x1e2: {  	s26 =	sadd.s32 s28, s26;
	v5 =	vsub.f32 v4, v1  }
0x1e3: {  	v4 =	vld [tilespmem:s26+$0x0];
	v7 =	vpop (erf)  }
0x1e4: {  	v5 =	vmul.f32 $1.442695020e+00, v5;
	v6 =	vadd.f32 v7, v6  }
0x1e5: {  	s25 =	sadd.s32 $0x80, s25  }
0x1e6: {  	_ =	sdelay $0x1  }
0x1e7: {  	v4 =	vsub.f32 v4, v1;
	_ =	sdelay $0x1  }
0x1e8: {  	(erf) = vpow2.f32 v5;
	v4 =	vmul.f32 $1.442695020e+00, v4;
	_ =	sdelay $0x1  }
0x1e9: {  	(erf) = vpow2.f32 v4;
	_ =	sdelay $0x4  }
0x1ea: {  	v4 =	vpop (erf)  }
0x1eb: {  	v4 =	vadd.f32 v4, v6  }
0x1ec: {  	v5 =	vpop (erf)  }
0x1ed: {  	v4 =	vadd.f32 v5, v4  }
0x1ee: {  	[tilespmem:$0x300] =	vst v1;
	v5 =	vpop (erf)  }
0x1ef: {  	[tilespmem:$0xB00] =	vst v2;
	v4 =	vadd.f32 v5, v4  }
0x1f0: {  	[tilespmem:$0xF00] =	vst v3  }
0x1f1: {  	[tilespmem:$0x700] =	vst v4  }
0x1f2: {  	[tilespmem:s21+$0x10F00] =	vst v1  }
0x1f3: {  	[tilespmem:s21+$0x10F10] =	vst v4  }
0x1f4: {  	[tilespmem:s21+$0x10F20] =	vst v2  }
0x1f5: {  	[tilespmem:s21+$0x10F30] =	vst v3  }
0x1f6: {  	v1 =	vld [tilespmem:$0x1300];
	_ =	sdelay $0x4  }
0x1f7: {  	[tilespmem:s21+$0x10F40] =	vst v1;
	v1 =	vimm.f32 @!p3 $-Inf  }
0x1f8: {  	v2 =	vld [tilespmem:s19+$0x10780];
	[tilespmem:$0x380] =	vst @!p3 v1;
	v1 =	vimm.f32 @!p3 $0.0e+00  }
0x1f9: {  	[tilespmem:$0x780] =	vst @!p3 v1  }
0x1fa: {  	[tilespmem:$0xB80] =	vst @!p3 v1  }
0x1fb: {  	[tilespmem:$0xF80] =	vst @!p3 v1  }
0x1fc: {  	v1 =	vld @!p3 [tilespmem:s20+$0x1780];
	_ =	sdelay $0x1  }
0x1fd: {  	s23 =	simm.s32 $0x0  }
0x1fe: {  	s31 =	sand.u32 $0x7C00, s23;
	s19 =	sadd.s32 $0x1780, s20  }
0x1ff: {  	s23 =	sand.u32 $0x70, s23;
	s20 =	sadd.s32 s31, s19  }
0x200: {  	v3 =	vld [tilespmem:$0xB80];
	s23 =	sadd.s32 s23, s20;
	[tilespmem:$0x1380] =	vst @!p3 v1  }
0x201: {  	s24 =	sadd.s32 $0x0, s18;
	v5 =	vld [tilespmem:s23+$0x0]  }
0x202: {  	v6 =	vmov s24;
	v4 =	vld [tilespmem:$0xF80];
	s20 =	simm.s32 $0x10;
	v1 =	vimm.f32 $-Inf;
	s23 =	simm.s32 $0x80  }
.LBB2_31:
0x203: {  	s24 =	sand.u32 $0x7C00, s23  }
0x204: {  	p3 =	sne.s32 s20, $0xEF0;
	v6 =	vsub.s32 v2, v6;
	s25 =	smov.u32 s20;
	s20 =	sadd.s32 $0x10, s20  }
.Ltmp15:
0x205: {  	s26 =	sand.u32 $0x70, s25;
	s24 =	sadd.s32 s24, s19;
	vm0 =	veq.s32 v6, v0;
	(pc) =	sbr.rel @p3 .LBB2_31-.Ltmp15, $4  }
0x206: {  	s24 =	sadd.s32 s26, s24;
	v1 =	vmax.f32 v1, v5;
	v3 =	vadd.f32 v5, v3;
	v6 =	vnsel vm0, $0x0, v5  }
0x207: {  	v5 =	vld [tilespmem:s24+$0x0];
	v4 =	vadd.f32 v6, v4  }
0x208: {  	s24 =	sadd.s32 s25, s18  }
0x209: {  	s23 =	sadd.s32 $0x80, s23;
	v6 =	vmov s24  }
0x20a: {  	v7 =	vld [tilespmem:$0x380];
	_ =	sdelay $0x3  }
0x20b: {  	v1 =	vmax.f32 v1, v5  }
0x20c: {  	v1 =	vmax.f32 v7, v1  }
0x20d: {  	s18 =	simm.s32 $0x0;
	v7 =	vsub.f32 v7, v1  }
0x20e: {  	s20 =	sand.u32 $0x7C00, s18  }
0x20f: {  	s18 =	sand.u32 $0x70, s18;
	s20 =	sadd.s32 s20, s19;
	v7 =	vmul.f32 $1.442695020e+00, v7  }
0x210: {  	s18 =	sadd.s32 s18, s20  }
0x211: {  	(erf) = vpow2.f32 v7;
	v7 =	vld [tilespmem:s18+$0x0]  }
0x212: {  	s23 =	simm.s32 $0x80  }
0x213: {  	s26 =	simm.s32 $0x10;
	s23 =	sand.u32 $0x7C00, s23  }
0x214: {  	s28 =	sand.u32 $0x70, s26;
	s29 =	sadd.s32 s23, s19  }
0x215: {  	s18 =	sadd.s32 s28, s29  }
0x216: {  	v8 =	vld [tilespmem:s18+$0x0];
	v7 =	vsub.f32 v7, v1  }
0x217: {  	v9 =	vld [tilespmem:$0x780];
	v2 =	vsub.s32 v2, v6  }
0x218: {  	v7 =	vmul.f32 $1.442695020e+00, v7  }
0x219: {  	s30 =	simm.s32 $0x100  }
0x21a: {  	s31 =	simm.s32 $0x20;
	vm0 =	veq.s32 v2, v0;
	s18 =	sand.u32 $0x7C00, s30;
	v2 =	vpop (erf);
	(erf) = vpow2.f32 v7  }
0x21b: {  	s20 =	sand.u32 $0x70, s31;
	s18 =	sadd.s32 s18, s19;
	v8 =	vsub.f32 v8, v1  }
0x21c: {  	s20 =	sadd.s32 s20, s18;
	v6 =	vmul.f32 v2, v9;
	v2 =	vadd.f32 v5, v3;
	v3 =	vnsel vm0, $0x0, v5  }
0x21d: {  	v3 =	vadd.f32 v3, v4;
	v4 =	vld [tilespmem:s20+$0x0]  }
0x21e: {  	s18 =	simm.s32 $0x30;
	v5 =	vmul.f32 $1.442695020e+00, v8;
	s20 =	simm.s32 $0x180  }
.LBB2_33:
0x21f: {  	s23 =	sand.u32 $0x7C00, s20  }
0x220: {  	p3 =	sne.s32 s18, $0xEF0;
	(erf) = vpow2.f32 v5;
	s24 =	smov.u32 s18;
	s18 =	sadd.s32 $0x10, s18  }
.Ltmp16:
0x221: {  	s24 =	sand.u32 $0x70, s24;
	s23 =	sadd.s32 s23, s19;
	(pc) =	sbr.rel @p3 .LBB2_33-.Ltmp16, $4  }
0x222: {  	s23 =	sadd.s32 s24, s23;
	v5 =	vsub.f32 v4, v1  }
0x223: {  	v4 =	vld [tilespmem:s23+$0x0];
	v7 =	vpop (erf)  }
0x224: {  	v5 =	vmul.f32 $1.442695020e+00, v5;
	v6 =	vadd.f32 v7, v6  }
0x225: {  	s20 =	sadd.s32 $0x80, s20  }
0x226: {  	_ =	sdelay $0x1  }
0x227: {  	v4 =	vsub.f32 v4, v1;
	_ =	sdelay $0x1  }
0x228: {  	(erf) = vpow2.f32 v5;
	v4 =	vmul.f32 $1.442695020e+00, v4;
	_ =	sdelay $0x1  }
0x229: {  	(erf) = vpow2.f32 v4;
	_ =	sdelay $0x4  }
0x22a: {  	v62 =	vpop (erf)  }
0x22b: {  	v4 =	vadd.f32 v62, v6  }
0x22c: {  	v5 =	vpop (erf)  }
0x22d: {  	v4 =	vadd.f32 v5, v4  }
0x22e: {  	[tilespmem:$0x380] =	vst v1;
	v63 =	vpop (erf)  }
0x22f: {  	[tilespmem:$0xB80] =	vst v2;
	v4 =	vadd.f32 v63, v4  }
0x230: {  	[tilespmem:$0xF80] =	vst v3  }
0x231: {  	[tilespmem:$0x780] =	vst v4  }
0x232: {  	[tilespmem:s21+$0x10F80] =	vst v1  }
0x233: {  	[tilespmem:s21+$0x10F90] =	vst v4  }
0x234: {  	[tilespmem:s21+$0x10FA0] =	vst v2  }
0x235: {  	[tilespmem:s21+$0x10FB0] =	vst v3  }
0x236: {  	v1 =	vld [tilespmem:$0x1380];
	_ =	sdelay $0x2  }
0x237: {  	p3 =	seq.s32 s13, s6  }
0x238: {  	p4 =	sne.s32 s13, $0x0;
	p1 =	por p3, p1  }
0x239: {  	p2 =	por !p4, !p2;
	s16 =	sshll.u32 @p1 s16, $0x7;
	s17 =	sadd.s32 @p1 $0x5, s17;
	[tilespmem:s21+$0x10FC0] =	vst v1  }
0x23a: {  	s18 =	simm.s32 @p1 $0x0;
	s16 =	sand.u32 @p1 $0x1FFFFF80, s16;
	_ =	strace $0x9000004D  }
0x23b: {  	p2 =	por !p2, !p2;
	s16 =	sadd.s32 @p1 s5, s16;
	_ =	strace @p1 $0x8000004E  }
0x23c: {  	[hbm4b:s16+s18] =	stream.linear.scatter @p1 [tilespmem:s22], [sflag:s17], $0x400, $0x200038;
	[tilespmem:$0x11400] =	vst v63  }
0x23d: {  	s13 =	sadd.s32 $0x1, s13;
	p0 =	por p3, p0;
	s16 =	sand.u32 @p2 $0x1, s8  }
0x23e: {  	s18 =	simm.s32 $0x1;
	_ =	strace @p1 $0x9000004E;
	s16 =	sadd.s32 @p2 $0x5, s16  }
0x23f: {  	s18 =	simm.s32 @!p0 $0x0;
	p0 =	sne.s32 s13, $0x1A;
	_ =	strace @p2 $0x8000004F  }
.Ltmp17:
0x240: {  	s17 =	simm.s32 $0x1;
	_ =	swait.ge @p2 [sflag:s16], $0x400;
	(pc) =	sbr.rel @p0 .LBB2_2-.Ltmp17, $4  }
0x241: {  	s22 =	smov.u32 s14;
	s17 =	simm.s32 @!p1 $0x0;
	[sflag:s16] =	ssyncset.done @p2 $0x0  }
0x242: {  	s9 =	sadd.s32 s17, s9;
	[sflag:s16] =	ssyncadd.s32 @p2 $0xFFFFFC00;
	s16 =	simm.s32 $0x1  }
0x243: {  	s11 =	sadd.s32 s18, s11;
	s10 =	sadd.s32 s17, s10;
	s16 =	simm.s32 @!p2 $0x0  }
0x244: {  	_ =	strace @p2 $0x9000004F;
	s8 =	sadd.s32 s16, s8;
	s16 =	smov.u32 s15  }
0x245: {  	s2 =	sand.u32 $0x1, s8  }
0x246: {  	_ =	strace $0x80000050;
	s2 =	sadd.s32 $0x5, s2  }
0x247: {  	_ =	swait.ge [sflag:s2], $0x400  }
0x248: {  	[sflag:s2] =	ssyncset.done $0x0  }
0x249: {  	[sflag:s2] =	ssyncadd.s32 $0xFFFFFC00  }
0x24a: {  	_ =	strace $0x90000050  }
.LBB2_36:
0x24b: {  	_ =	sfence.sel $0x180000  }
0x24c: {  	[bflag:$0x0] =	sbarrier.arrive $0xFFFF  }
0x24d: {  	p0 =	sne.s32 s1, $0x0;
	_ =	strace $0x90000047  }
0x24e: {  	s0 =	sadd.s32 @!p0 $0x100000, s0;
	[bflag:$0x2] =	sbarrier.arrive $0xFFFF  }
0x24f: {  	[sflag:s0] =	ssyncadd.tile.s32 @!p0 $0x1;
	_ =	shalt  }
.Lfunc_end2:
_tile_overlayer_lowered:
.L_overlay_start_2:
0x250: {  	(tag) =	ssettag $0x2  }
0x251: {  	s0 =	rddreg [dreg:$0x0];
	s2 =	stileid.u32  }
0x252: {  	s1 =	rddreg [dreg:$0x1];
	p0 =	sne.s32 s2, $0x0  }
0x253: {  	s3 =	rddreg [dreg:$0x2];
	[bflag:$0x3] =	sbarrier.arrive $0xFFFF;
	s2 =	simm.s32 @!p0 $0x1C01  }
0x254: {  	[timem:s3], [sflag:s2] =	dma.local @!p0 [hbm:s0], s1  }
0x255: {  	s0 =	simm.s32 @!p0 $0x1  }
0x256: {  	_ =	swait.ge @!p0 [sflag:s0], s1  }
0x257: {  	s1 =	ssub.s32 @!p0 $0x0, s1;
	[sflag:s0] =	ssyncset.done @!p0 $0x0  }
0x258: {  	[sflag:s0] =	ssyncadd.s32 @!p0 s1  }
0x259: {  	[bflag:$0x3] =	sbarrier.arrive $0xFFFF  }
0x25a: {  	_ =	shalt  }

</sc_bundles>
